<compile_context>
chip_gen: v7x
topology: tpu7x:2x2x1
jax: 0.10.2.dev20260603
libtpu: 0.0.44.dev20260713+nightly
codegen_flags: <defaults>
</compile_context>

<pallas_src>
import functools

import jax
import jax.numpy as jnp
from jax import lax
from jax.experimental import pallas as pl
from jax.experimental.pallas import tpu as pltpu
from jax.experimental.pallas import tpu_sc as plsc

N = 10000
C = 128
K = 16
KC = 32
NP = 10240
RK = 80
RC = 200
INF = float("inf")


def _knn_body(pos8_ref, posT8_ref, out_ref, dist_ref, dm_ref):
    pid = pl.program_id(0)
    prow = pos8_ref[...]
    pcol = posT8_ref[...]
    d2r = jnp.sum(prow * prow, axis=1, keepdims=True)
    d2c = jnp.sum(pcol * pcol, axis=0, keepdims=True)
    cross = jnp.dot(prow, pcol, preferred_element_type=jnp.float32)
    dist = d2r + d2c - 2.0 * cross
    colio = lax.broadcasted_iota(jnp.int32, (RK, NP), 1)
    rowio = lax.broadcasted_iota(jnp.int32, (RK, NP), 0) + pid * RK
    dist_ref[...] = jnp.where((colio == rowio) | (colio >= N), INF, dist)

    nsub = NP // 128
    lane128 = lax.broadcasted_iota(jnp.int32, (RK, 128), 1)
    subio = lax.broadcasted_iota(jnp.int32, (RK, nsub, 128), 1)
    NR = KC - 1
    BIGCOL = 1 << 30

    def round_body(carry):
        T, cT, cnt, acc = carry
        d = dist_ref[...]
        dm2 = jnp.where((d < T) | ((d == T) & (colio <= cT)), INF, d)
        dm_ref[...] = dm2
        dm = dm_ref[...].reshape(RK, nsub, 128)

        def lane_top(excl):
            m = jnp.min(jnp.where(excl, INF, dm), axis=1)
            a = jnp.min(
                jnp.where((dm == m[:, None, :]) & ~excl, subio, nsub),
                axis=1)
            return m, a, excl | (subio == a[:, None, :])

        NRANK = 6
        vs, cs = [], []
        excl = jnp.zeros((RK, nsub, 128), jnp.bool_)
        for _ in range(NRANK):
            m, a, excl = lane_top(excl)
            vs.append(m)
            cs.append(a * 128 + lane128)
        V0 = jnp.concatenate(vs, axis=1)
        Cc = jnp.concatenate(cs, axis=1)
        r6 = lax.broadcasted_iota(
            jnp.int32, (RK, NRANK * 128), 1) // 128
        enc = Cc * 8 + r6

        def mstep(t, st):
            V, T, cT, cnt, acc, active = st
            gm = jnp.min(V, axis=1, keepdims=True)
            genc = jnp.min(jnp.where(V == gm, enc, BIGCOL),
                           axis=1, keepdims=True)
            gi = genc // 8
            valid = (active > 0) & (cnt < NR) & (gm < INF)
            acc = jnp.where(valid & (cnt < K) & (lane128 == cnt), gi, acc)
            acc = jnp.where(
                valid & (cnt % 2 == 0) & (lane128 == K + cnt // 2), gi, acc)
            T = jnp.where(valid, gm, T)
            cT = jnp.where(valid, gi, cT)
            active = jnp.where(valid & (genc % 8 == NRANK - 1), 0, active)
            V = jnp.where(enc == genc, INF, V)
            cnt = cnt + jnp.where(valid, 1, 0)
            return V, T, cT, cnt, acc, active

        st = (V0, T, cT, cnt, acc, jnp.ones((RK, 1), jnp.int32))
        for t in range(NR):
            st = mstep(t, st)
        return st[1], st[2], st[3], st[4]

    T0 = jnp.full((RK, 1), -INF, jnp.float32)
    c0 = jnp.full((RK, 1), -1, jnp.int32)
    carry = (T0, c0, jnp.zeros((RK, 1), jnp.int32),
             jnp.zeros((RK, 128), jnp.int32))
    carry = lax.while_loop(lambda c: jnp.min(c[2]) < NR, round_body, carry)
    out_ref[...] = carry[3][:, :KC]


def _knn(pos8, posT8):
    return pl.pallas_call(
        _knn_body,
        grid=(N // RK,),
        in_specs=[
            pl.BlockSpec((RK, 8), lambda i: (i, 0)),
            pl.BlockSpec((8, NP), lambda i: (0, 0)),
        ],
        out_specs=pl.BlockSpec((RK, KC), lambda i: (i, 0)),
        out_shape=jax.ShapeDtypeStruct((N, KC), jnp.int32),
        scratch_shapes=[pltpu.VMEM((RK, NP), jnp.float32),
                        pltpu.VMEM((RK, NP), jnp.float32)],
    )(pos8, posT8)


def _gather_sc(x, pos16, idx_flat):
    info = plsc.get_sparse_core_info()
    nc, ns = info.num_cores, info.num_subcores
    nw = nc * ns
    b_per_w = (N * KC) // nw
    ch = 128
    nfull = b_per_w // ch
    tail = b_per_w - nfull * ch

    mesh = plsc.VectorSubcoreMesh(core_axis_name="c", subcore_axis_name="s")

    @functools.partial(
        pl.kernel, mesh=mesh,
        compiler_params=pltpu.CompilerParams(use_tc_tiling_on_sc=False),
        out_type=(
            jax.ShapeDtypeStruct((N * KC, C), jnp.float32),
            jax.ShapeDtypeStruct((N * KC, 16), jnp.float32),
        ),
        scratch_types=[
            pltpu.VMEM((ch,), jnp.int32),
            pltpu.VMEM((ch, C), jnp.float32),
            pltpu.VMEM((ch, 16), jnp.float32),
            pltpu.SemaphoreType.DMA,
            pltpu.SemaphoreType.DMA,
        ],
    )
    def gk(x_hbm, p_hbm, idx_hbm, xg_hbm, pg_hbm, idx_v, xrow_v, prow_v,
           sem1, sem2):
        wid = lax.axis_index("s") * nc + lax.axis_index("c")
        base_w = wid * b_per_w

        def run_chunk(base, cnt):
            pltpu.sync_copy(idx_hbm.at[pl.ds(base, cnt)],
                            idx_v.at[pl.ds(0, cnt)])
            cp1 = pltpu.async_copy(x_hbm.at[idx_v.at[pl.ds(0, cnt)]],
                                   xrow_v.at[pl.ds(0, cnt)], sem1)
            cp2 = pltpu.async_copy(p_hbm.at[idx_v.at[pl.ds(0, cnt)]],
                                   prow_v.at[pl.ds(0, cnt)], sem2)
            cp1.wait()
            cp2.wait()
            pltpu.sync_copy(xrow_v.at[pl.ds(0, cnt)],
                            xg_hbm.at[pl.ds(base, cnt)])
            pltpu.sync_copy(prow_v.at[pl.ds(0, cnt)],
                            pg_hbm.at[pl.ds(base, cnt)])

        def body(c, carry):
            run_chunk(base_w + c * ch, ch)
            return carry

        lax.fori_loop(0, nfull, body, 0)
        run_chunk(base_w + nfull * ch, tail)

    return gk(x, pos16, idx_flat)


def _leaky(x):
    return jnp.where(x >= 0, x, 0.2 * x)


def _conv_body(x_ref, pos_ref, xg_ref, pg_ref,
               wl0_ref, bl0_ref, ws0_ref, bs0_ref, wd0_ref, bd0_ref,
               wp0_ref, bp0_ref,
               wl1_ref, bl1_ref, ws1_ref, bs1_ref, wd1_ref, bd1_ref,
               wp1_ref, bp1_ref,
               wgx_ref, wgp_ref, bg_ref, wo1_ref, bo1_ref, wo2_ref, bo2_ref,
               out_ref):
    xb = x_ref[...]
    posb = pos_ref[...]
    xg3 = xg_ref[...].reshape(RC, KC, C)
    pg3 = pg_ref[...].reshape(RC, KC, 16)

    h = _leaky(jnp.dot(xb, wgx_ref[...], preferred_element_type=jnp.float32)
               + jnp.dot(posb, wgp_ref[...],
                         preferred_element_type=jnp.float32)
               + bg_ref[...])

    layer = [
        (wl0_ref, bl0_ref, ws0_ref, bs0_ref, wd0_ref, bd0_ref, wp0_ref,
         bp0_ref),
        (wl1_ref, bl1_ref, ws1_ref, bs1_ref, wd1_ref, bd1_ref, wp1_ref,
         bp1_ref),
    ]
    for li, (wl, bl, ws, bs, wd, bd, wp, bp) in enumerate(layer):
        xgl = xg3[:, li * K:(li + 1) * K, :].reshape(RC * K, C)
        pgl = pg3[:, li * K:(li + 1) * K, :]
        v = jnp.dot(xgl, wl[...], preferred_element_type=jnp.float32) + bl[...]
        asrc = (jnp.dot(xgl, ws[...], preferred_element_type=jnp.float32)
                + bs[...])
        adst = (jnp.dot(xb, wd[...], preferred_element_type=jnp.float32)
                + bd[...])
        rel = (posb[:, None, :] - pgl).reshape(RC * K, 16)
        delta = (jnp.dot(rel, wp[...], preferred_element_type=jnp.float32)
                 + bp[...])
        delta3 = delta.reshape(RC, K, C)
        alpha = adst[:, None, :] - asrc.reshape(RC, K, C) + delta3
        mx = jnp.max(alpha, axis=1, keepdims=True)
        e = jnp.exp(alpha - mx)
        p = e / jnp.sum(e, axis=1, keepdims=True)
        msg = p * (v.reshape(RC, K, C) + delta3)
        h = h + jnp.sum(msg, axis=1)

    res = (jnp.dot(_leaky(jnp.dot(h, wo1_ref[...],
                                  preferred_element_type=jnp.float32)
                          + bo1_ref[...]),
                   wo2_ref[...], preferred_element_type=jnp.float32)
           + bo2_ref[...])
    out_ref[...] = res + posb


def _conv(x, pos16, xg, pg, weights):
    full = lambda a: pl.BlockSpec(a.shape, lambda i: tuple(0 for _ in a.shape))
    in_specs = [
        pl.BlockSpec((RC, C), lambda i: (i, 0)),
        pl.BlockSpec((RC, 16), lambda i: (i, 0)),
        pl.BlockSpec((RC * KC, C), lambda i: (i, 0)),
        pl.BlockSpec((RC * KC, 16), lambda i: (i, 0)),
    ] + [full(w) for w in weights]
    return pl.pallas_call(
        _conv_body,
        grid=(N // RC,),
        in_specs=in_specs,
        out_specs=pl.BlockSpec((RC, 16), lambda i: (i, 0)),
        out_shape=jax.ShapeDtypeStruct((N, 16), jnp.float32),
    )(x, pos16, xg, pg, *weights)


def kernel(x, pos,
           W_lin0, b_lin0, W_src0, b_src0, W_dst0, b_dst0, W_pos0, b_pos0,
           W_lin1, b_lin1, W_src1, b_src1, W_dst1, b_dst1, W_pos1, b_pos1,
           W_g, b_g, W_o1, b_o1, W_o2, b_o2):
    pos16 = jnp.zeros((N, 16), jnp.float32).at[:, :3].set(pos)
    pos8 = pos16[:, :8]
    posT8 = jnp.zeros((8, NP), jnp.float32).at[:3, :N].set(pos.T)

    def pad_wp(w):
        return jnp.zeros((16, C), jnp.float32).at[:3].set(w)

    wgx = W_g[:C]
    wgp = jnp.zeros((16, C), jnp.float32).at[:3].set(W_g[C:C + 3])
    wo2 = jnp.zeros((C, 16), jnp.float32).at[:, :3].set(W_o2)
    bo2 = jnp.zeros((1, 16), jnp.float32).at[0, :3].set(b_o2)
    r1 = lambda b: b.reshape(1, C)

    weights = (
        W_lin0, r1(b_lin0), W_src0, r1(b_src0), W_dst0, r1(b_dst0),
        pad_wp(W_pos0), r1(b_pos0),
        W_lin1, r1(b_lin1), W_src1, r1(b_src1), W_dst1, r1(b_dst1),
        pad_wp(W_pos1), r1(b_pos1),
        wgx, wgp, r1(b_g), W_o1, r1(b_o1), wo2, bo2,
    )

    idxcat = _knn(pos8, posT8)
    idx_flat = idxcat.reshape(N * KC)

    xg, pg = _gather_sc(x, pos16, idx_flat)

    out16 = _conv(x, pos16, xg, pg, weights)
    return out16[:, :3]

# --- scband reference (transcript-rebuilt; emitter-appended) ---
"""Pipeline reference for scband-refiner-88948772700682 (READ-ONLY COPY).

The authoritative reference and input builder live on the scoring server;
editing this copy changes nothing except your own understanding.
"""

import jax, jax.numpy as jnp
import numpy as np

N = 10000
C = 128
K = 16
DILATIONS = (1, 2)
KC = K * max(DILATIONS)


def leaky(x):
    return jnp.where(x >= 0, x, 0.2 * x)


def knn_graph(pos, kc):
    # knn_graph (loop=False): exclude self, k nearest by euclidean distance
    d2 = jnp.sum(pos * pos, axis=1)
    dist = d2[:, None] + d2[None, :] - 2.0 * (pos @ pos.T)
    n = pos.shape[0]
    dist = dist.at[jnp.arange(n), jnp.arange(n)].set(jnp.inf)
    _, idx = jax.lax.top_k(-dist, kc)
    return idx  # [N, kc], sorted nearest-first


def pt_conv(x, pos, neigh, W_lin, b_lin, W_src, b_src, W_dst, b_dst, W_pos, b_pos):
    # PyG PointTransformerConv:
    #   delta = pos_nn(pos_i - pos_j)
    #   alpha = softmax(lin_dst(x_i) - lin_src(x_j) + delta) over neighbors of i
    #   out_i = sum_j alpha * (lin(x_j) + delta)
    v = x @ W_lin + b_lin
    a_src = x @ W_src + b_src
    a_dst = x @ W_dst + b_dst
    rel = pos[:, None, :] - pos[neigh]          # [N, K, 3]
    delta = rel @ W_pos + b_pos                 # [N, K, C]
    alpha = a_dst[:, None, :] - a_src[neigh] + delta
    alpha = jax.nn.softmax(alpha, axis=1)       # softmax over neighbors per dst node
    msg = alpha * (v[neigh] + delta)
    return jnp.sum(msg, axis=1)


def _forward(x, pos, params):
    neigh_all = knn_graph(pos, KC)
    h = None
    for li, d in enumerate(DILATIONS):
        neigh = neigh_all[:, ::d][:, :K]        # dilated neighbor selection
        h_ = pt_conv(x, pos, neigh, *params[li])
        h = h_ if h is None else h + h_
    W_g, b_g, W_o1, b_o1, W_o2, b_o2 = params[len(DILATIONS)]
    h2 = leaky(jnp.concatenate([x, pos], axis=-1) @ W_g + b_g)
    h = h + h2
    res = leaky(h @ W_o1 + b_o1) @ W_o2 + b_o2
    return res + pos  # add_points=True


def setup_inputs(seed: int = 0):
    key = jax.random.key(seed)
    keys = jax.random.split(key, 32)
    it = iter(keys)
    inp = {}
    inp["x"] = jax.random.normal(next(it), (N, C), dtype=jnp.float32)
    inp["pos"] = jax.random.normal(next(it), (N, 3), dtype=jnp.float32)

    def lin(fan_in, fan_out):
        s = 1.0 / np.sqrt(fan_in)
        W = jax.random.uniform(next(it), (fan_in, fan_out), jnp.float32, -s, s)
        b = jax.random.uniform(next(it), (fan_out,), jnp.float32, -s, s)
        return W, b

    for li in range(len(DILATIONS)):
        inp[f"W_lin{li}"], inp[f"b_lin{li}"] = lin(C, C)
        inp[f"W_src{li}"], inp[f"b_src{li}"] = lin(C, C)
        inp[f"W_dst{li}"], inp[f"b_dst{li}"] = lin(C, C)
        inp[f"W_pos{li}"], inp[f"b_pos{li}"] = lin(3, C)
    inp["W_g"], inp["b_g"] = lin(C + 3, C)
    inp["W_o1"], inp["b_o1"] = lin(C, C)
    inp["W_o2"], inp["b_o2"] = lin(C, 3)
    return inp


def reference(x, pos,
              W_lin0, b_lin0, W_src0, b_src0, W_dst0, b_dst0, W_pos0, b_pos0,
              W_lin1, b_lin1, W_src1, b_src1, W_dst1, b_dst1, W_pos1, b_pos1,
              W_g, b_g, W_o1, b_o1, W_o2, b_o2):
    params = [
        (W_lin0, b_lin0, W_src0, b_src0, W_dst0, b_dst0, W_pos0, b_pos0),
        (W_lin1, b_lin1, W_src1, b_src1, W_dst1, b_dst1, W_pos1, b_pos1),
        (W_g, b_g, W_o1, b_o1, W_o2, b_o2),
    ]
    return _forward(x, pos, params)

if __name__ == "__main__":
    import jax
    _d = setup_inputs()
    print(jax.jit(kernel)(*tuple(_d.values())))

</pallas_src>

<mosaic_0001>
#map = affine_map<(d0, d1) -> (0, 0)>
#map1 = affine_map<(d0, d1) -> (0)>
module attributes {stable_mosaic.version = 14 : i64} {
  func.func @gk(%arg0: i32, %arg1: i32, %arg2: memref<10000x128xf32, #tpu.memory_space<hbm>>, %arg3: memref<10000x16xf32, #tpu.memory_space<hbm>>, %arg4: memref<320000xi32, #tpu.memory_space<hbm>>, %arg5: memref<320000x128xf32, #tpu.memory_space<hbm>>, %arg6: memref<320000x16xf32, #tpu.memory_space<hbm>>, %arg7: memref<128xi32, #tpu.memory_space<vmem>>, %arg8: memref<128x128xf32, #tpu.memory_space<vmem>>, %arg9: memref<128x16xf32, #tpu.memory_space<vmem>>, %arg10: memref<!tpu.dma_semaphore, #tpu.memory_space<semaphore_mem>>, %arg11: memref<!tpu.dma_semaphore, #tpu.memory_space<semaphore_mem>>) attributes {dimension_semantics = [#tpu.dimension_semantics<core_parallel>, #tpu.dimension_semantics<subcore_parallel>], iteration_bounds = array<i64: 2, 16>, scalar_prefetch = 0 : i64, scratch_operands = 5 : i64, tpu.core_type = #tpu.core_type<sc_vector_subcore>, window_params = [{transform_indices = #map}, {transform_indices = #map}, {transform_indices = #map1}, {transform_indices = #map}, {transform_indices = #map}]} {
    %mul3A = arith.constant 2 : i32
    %mul3A_0 = arith.muli %arg1, %mul3A : i32
    %add3A = arith.addi %mul3A_0, %arg0 : i32
    %mul3A_1 = arith.constant 10000 : i32
    %mul3A_2 = arith.muli %add3A, %mul3A_1 : i32
    %scan3A = arith.constant 0 : i32
    %scan3A_3 = arith.constant 0 : i32
    %scan3A_4 = arith.constant 78 : i32
    %scan3A_5 = arith.addi %scan3A_3, %scan3A_4 : i32
    %scan3A_6 = arith.constant 1 : i32
    scf.for %scan3A_40 = %scan3A_3 to %scan3A_5 step %scan3A_6  : i32 {
      %mul3A_41 = arith.constant 128 : i32
      %mul3A_42 = arith.muli %scan3A_40, %mul3A_41 : i32
      %add3A_43 = arith.addi %mul3A_2, %mul3A_42 : i32
      "tpu.region"() ({
        %run_scoped3A = tpu.sem_alloc : memref<!tpu.dma_semaphore, #tpu.memory_space<semaphore_mem>>
        %dma_start3A_76 = arith.constant 0 : i32
        %dma_start3A_77 = tpu.memref_slice %arg7[%dma_start3A_76] : memref<128xi32, #tpu.memory_space<vmem>> -> memref<128xi32, #tpu.memory_space<vmem>>
        %dma_start3A_78 = tpu.memref_slice %arg4[%add3A_43] : memref<320000xi32, #tpu.memory_space<hbm>> -> memref<128xi32, #tpu.memory_space<hbm>>
        %dma_start3A_79 = arith.constant 0 : i32
        %dma_start3A_80 = tpu.memref_slice %arg7[%dma_start3A_79] : memref<128xi32, #tpu.memory_space<vmem>> -> memref<128xi32, #tpu.memory_space<vmem>>
        %dma_start3A_81 = tpu.memref_slice %arg4[%add3A_43] : memref<320000xi32, #tpu.memory_space<hbm>> -> memref<128xi32, #tpu.memory_space<hbm>>
        tpu.enqueue_dma source(%dma_start3A_81 : memref<128xi32, #tpu.memory_space<hbm>>) target(%dma_start3A_80 : memref<128xi32, #tpu.memory_space<vmem>>) target_semaphore(%run_scoped3A : memref<!tpu.dma_semaphore, #tpu.memory_space<semaphore_mem>>)
        %dma_wait3A_82 = arith.constant 0 : i32
        %dma_wait3A_83 = tpu.memref_slice %arg7[%dma_wait3A_82] : memref<128xi32, #tpu.memory_space<vmem>> -> memref<128xi32, #tpu.memory_space<vmem>>
        %dma_wait3A_84 = tpu.memref_slice %arg4[%add3A_43] : memref<320000xi32, #tpu.memory_space<hbm>> -> memref<128xi32, #tpu.memory_space<hbm>>
        %dma_wait3A_85 = arith.constant 0 : i32
        %dma_wait3A_86 = tpu.memref_slice %arg7[%dma_wait3A_85] : memref<128xi32, #tpu.memory_space<vmem>> -> memref<128xi32, #tpu.memory_space<vmem>>
        %dma_wait3A_87 = tpu.memref_slice %arg4[%add3A_43] : memref<320000xi32, #tpu.memory_space<hbm>> -> memref<128xi32, #tpu.memory_space<hbm>>
        tpu.wait_dma2 semaphore(%run_scoped3A : memref<!tpu.dma_semaphore, #tpu.memory_space<semaphore_mem>>) src(%dma_wait3A_87 : memref<128xi32, #tpu.memory_space<hbm>>) dst(%dma_wait3A_86 : memref<128xi32, #tpu.memory_space<vmem>>)
        tpu.yield
      }) : () -> ()
      %dma_start3A_44 = arith.constant 0 : i32
      %dma_start3A_45 = arith.constant 0 : i32
      %dma_start3A_46 = tpu.memref_slice %arg8[%dma_start3A_44, %dma_start3A_45] : memref<128x128xf32, #tpu.memory_space<vmem>> -> memref<128x128xf32, #tpu.memory_space<vmem>>
      %dma_start3A_47 = arith.constant 0 : i32
      %dma_start3A_48 = tpu.memref_slice %arg7[%dma_start3A_47] : memref<128xi32, #tpu.memory_space<vmem>> -> memref<128xi32, #tpu.memory_space<vmem>>
      %dma_start3A_49 = arith.constant 0 : i32
      %dma_start3A_50 = arith.constant 0 : i32
      %dma_start3A_51 = tpu.memref_slice %arg2[%dma_start3A_49, %dma_start3A_50] : memref<10000x128xf32, #tpu.memory_space<hbm>> -> memref<10000x128xf32, #tpu.memory_space<hbm>>
      tpu.enqueue_indirect_dma source(%dma_start3A_51 : memref<10000x128xf32, #tpu.memory_space<hbm>>) target(%dma_start3A_46 : memref<128x128xf32, #tpu.memory_space<vmem>>) offsets(%dma_start3A_48 : memref<128xi32, #tpu.memory_space<vmem>>) semaphore(%arg10 : memref<!tpu.dma_semaphore, #tpu.memory_space<semaphore_mem>>)
      %dma_start3A_52 = arith.constant 0 : i32
      %dma_start3A_53 = arith.constant 0 : i32
      %dma_start3A_54 = tpu.memref_slice %arg9[%dma_start3A_52, %dma_start3A_53] : memref<128x16xf32, #tpu.memory_space<vmem>> -> memref<128x16xf32, #tpu.memory_space<vmem>>
      %dma_start3A_55 = arith.constant 0 : i32
      %dma_start3A_56 = tpu.memref_slice %arg7[%dma_start3A_55] : memref<128xi32, #tpu.memory_space<vmem>> -> memref<128xi32, #tpu.memory_space<vmem>>
      %dma_start3A_57 = arith.constant 0 : i32
      %dma_start3A_58 = arith.constant 0 : i32
      %dma_start3A_59 = tpu.memref_slice %arg3[%dma_start3A_57, %dma_start3A_58] : memref<10000x16xf32, #tpu.memory_space<hbm>> -> memref<10000x16xf32, #tpu.memory_space<hbm>>
      tpu.enqueue_indirect_dma source(%dma_start3A_59 : memref<10000x16xf32, #tpu.memory_space<hbm>>) target(%dma_start3A_54 : memref<128x16xf32, #tpu.memory_space<vmem>>) offsets(%dma_start3A_56 : memref<128xi32, #tpu.memory_space<vmem>>) semaphore(%arg11 : memref<!tpu.dma_semaphore, #tpu.memory_space<semaphore_mem>>)
      %dma_wait3A_60 = arith.constant 0 : i32
      %dma_wait3A_61 = arith.constant 0 : i32
      %dma_wait3A_62 = tpu.memref_slice %arg8[%dma_wait3A_60, %dma_wait3A_61] : memref<128x128xf32, #tpu.memory_space<vmem>> -> memref<128x128xf32, #tpu.memory_space<vmem>>
      %dma_wait3A_63 = arith.constant 0 : i32
      %dma_wait3A_64 = tpu.memref_slice %arg7[%dma_wait3A_63] : memref<128xi32, #tpu.memory_space<vmem>> -> memref<128xi32, #tpu.memory_space<vmem>>
      %dma_wait3A_65 = arith.constant 0 : i32
      %dma_wait3A_66 = arith.constant 0 : i32
      %dma_wait3A_67 = tpu.memref_slice %arg2[%dma_wait3A_65, %dma_wait3A_66] : memref<10000x128xf32, #tpu.memory_space<hbm>> -> memref<10000x128xf32, #tpu.memory_space<hbm>>
      tpu.wait_indirect_dma semaphore(%arg10 : memref<!tpu.dma_semaphore, #tpu.memory_space<semaphore_mem>>) src(%dma_wait3A_67 : memref<10000x128xf32, #tpu.memory_space<hbm>>) dst(%dma_wait3A_62 : memref<128x128xf32, #tpu.memory_space<vmem>>)
      %dma_wait3A_68 = arith.constant 0 : i32
      %dma_wait3A_69 = arith.constant 0 : i32
      %dma_wait3A_70 = tpu.memref_slice %arg9[%dma_wait3A_68, %dma_wait3A_69] : memref<128x16xf32, #tpu.memory_space<vmem>> -> memref<128x16xf32, #tpu.memory_space<vmem>>
      %dma_wait3A_71 = arith.constant 0 : i32
      %dma_wait3A_72 = tpu.memref_slice %arg7[%dma_wait3A_71] : memref<128xi32, #tpu.memory_space<vmem>> -> memref<128xi32, #tpu.memory_space<vmem>>
      %dma_wait3A_73 = arith.constant 0 : i32
      %dma_wait3A_74 = arith.constant 0 : i32
      %dma_wait3A_75 = tpu.memref_slice %arg3[%dma_wait3A_73, %dma_wait3A_74] : memref<10000x16xf32, #tpu.memory_space<hbm>> -> memref<10000x16xf32, #tpu.memory_space<hbm>>
      tpu.wait_indirect_dma semaphore(%arg11 : memref<!tpu.dma_semaphore, #tpu.memory_space<semaphore_mem>>) src(%dma_wait3A_75 : memref<10000x16xf32, #tpu.memory_space<hbm>>) dst(%dma_wait3A_70 : memref<128x16xf32, #tpu.memory_space<vmem>>)
      "tpu.region"() ({
        %run_scoped3A = tpu.sem_alloc : memref<!tpu.dma_semaphore, #tpu.memory_space<semaphore_mem>>
        %dma_start3A_76 = arith.constant 0 : i32
        %dma_start3A_77 = arith.constant 0 : i32
        %dma_start3A_78 = tpu.memref_slice %arg8[%dma_start3A_76, %dma_start3A_77] : memref<128x128xf32, #tpu.memory_space<vmem>> -> memref<128x128xf32, #tpu.memory_space<vmem>>
        %dma_start3A_79 = arith.constant 0 : i32
        %dma_start3A_80 = tpu.memref_slice %arg5[%add3A_43, %dma_start3A_79] : memref<320000x128xf32, #tpu.memory_space<hbm>> -> memref<128x128xf32, #tpu.memory_space<hbm>>
        %dma_start3A_81 = arith.constant 0 : i32
        %dma_start3A_82 = tpu.memref_slice %arg5[%add3A_43, %dma_start3A_81] : memref<320000x128xf32, #tpu.memory_space<hbm>> -> memref<128x128xf32, #tpu.memory_space<hbm>>
        %dma_start3A_83 = arith.constant 0 : i32
        %dma_start3A_84 = arith.constant 0 : i32
        %dma_start3A_85 = tpu.memref_slice %arg8[%dma_start3A_83, %dma_start3A_84] : memref<128x128xf32, #tpu.memory_space<vmem>> -> memref<128x128xf32, #tpu.memory_space<vmem>>
        tpu.enqueue_dma source(%dma_start3A_85 : memref<128x128xf32, #tpu.memory_space<vmem>>) target(%dma_start3A_82 : memref<128x128xf32, #tpu.memory_space<hbm>>) target_semaphore(%run_scoped3A : memref<!tpu.dma_semaphore, #tpu.memory_space<semaphore_mem>>)
        %dma_wait3A_86 = arith.constant 0 : i32
        %dma_wait3A_87 = arith.constant 0 : i32
        %dma_wait3A_88 = tpu.memref_slice %arg8[%dma_wait3A_86, %dma_wait3A_87] : memref<128x128xf32, #tpu.memory_space<vmem>> -> memref<128x128xf32, #tpu.memory_space<vmem>>
        %dma_wait3A_89 = arith.constant 0 : i32
        %dma_wait3A_90 = tpu.memref_slice %arg5[%add3A_43, %dma_wait3A_89] : memref<320000x128xf32, #tpu.memory_space<hbm>> -> memref<128x128xf32, #tpu.memory_space<hbm>>
        %dma_wait3A_91 = arith.constant 0 : i32
        %dma_wait3A_92 = tpu.memref_slice %arg5[%add3A_43, %dma_wait3A_91] : memref<320000x128xf32, #tpu.memory_space<hbm>> -> memref<128x128xf32, #tpu.memory_space<hbm>>
        %dma_wait3A_93 = arith.constant 0 : i32
        %dma_wait3A_94 = arith.constant 0 : i32
        %dma_wait3A_95 = tpu.memref_slice %arg8[%dma_wait3A_93, %dma_wait3A_94] : memref<128x128xf32, #tpu.memory_space<vmem>> -> memref<128x128xf32, #tpu.memory_space<vmem>>
        tpu.wait_dma2 semaphore(%run_scoped3A : memref<!tpu.dma_semaphore, #tpu.memory_space<semaphore_mem>>) src(%dma_wait3A_95 : memref<128x128xf32, #tpu.memory_space<vmem>>) dst(%dma_wait3A_92 : memref<128x128xf32, #tpu.memory_space<hbm>>)
        tpu.yield
      }) : () -> ()
      "tpu.region"() ({
        %run_scoped3A = tpu.sem_alloc : memref<!tpu.dma_semaphore, #tpu.memory_space<semaphore_mem>>
        %dma_start3A_76 = arith.constant 0 : i32
        %dma_start3A_77 = arith.constant 0 : i32
        %dma_start3A_78 = tpu.memref_slice %arg9[%dma_start3A_76, %dma_start3A_77] : memref<128x16xf32, #tpu.memory_space<vmem>> -> memref<128x16xf32, #tpu.memory_space<vmem>>
        %dma_start3A_79 = arith.constant 0 : i32
        %dma_start3A_80 = tpu.memref_slice %arg6[%add3A_43, %dma_start3A_79] : memref<320000x16xf32, #tpu.memory_space<hbm>> -> memref<128x16xf32, #tpu.memory_space<hbm>>
        %dma_start3A_81 = arith.constant 0 : i32
        %dma_start3A_82 = tpu.memref_slice %arg6[%add3A_43, %dma_start3A_81] : memref<320000x16xf32, #tpu.memory_space<hbm>> -> memref<128x16xf32, #tpu.memory_space<hbm>>
        %dma_start3A_83 = arith.constant 0 : i32
        %dma_start3A_84 = arith.constant 0 : i32
        %dma_start3A_85 = tpu.memref_slice %arg9[%dma_start3A_83, %dma_start3A_84] : memref<128x16xf32, #tpu.memory_space<vmem>> -> memref<128x16xf32, #tpu.memory_space<vmem>>
        tpu.enqueue_dma source(%dma_start3A_85 : memref<128x16xf32, #tpu.memory_space<vmem>>) target(%dma_start3A_82 : memref<128x16xf32, #tpu.memory_space<hbm>>) target_semaphore(%run_scoped3A : memref<!tpu.dma_semaphore, #tpu.memory_space<semaphore_mem>>)
        %dma_wait3A_86 = arith.constant 0 : i32
        %dma_wait3A_87 = arith.constant 0 : i32
        %dma_wait3A_88 = tpu.memref_slice %arg9[%dma_wait3A_86, %dma_wait3A_87] : memref<128x16xf32, #tpu.memory_space<vmem>> -> memref<128x16xf32, #tpu.memory_space<vmem>>
        %dma_wait3A_89 = arith.constant 0 : i32
        %dma_wait3A_90 = tpu.memref_slice %arg6[%add3A_43, %dma_wait3A_89] : memref<320000x16xf32, #tpu.memory_space<hbm>> -> memref<128x16xf32, #tpu.memory_space<hbm>>
        %dma_wait3A_91 = arith.constant 0 : i32
        %dma_wait3A_92 = tpu.memref_slice %arg6[%add3A_43, %dma_wait3A_91] : memref<320000x16xf32, #tpu.memory_space<hbm>> -> memref<128x16xf32, #tpu.memory_space<hbm>>
        %dma_wait3A_93 = arith.constant 0 : i32
        %dma_wait3A_94 = arith.constant 0 : i32
        %dma_wait3A_95 = tpu.memref_slice %arg9[%dma_wait3A_93, %dma_wait3A_94] : memref<128x16xf32, #tpu.memory_space<vmem>> -> memref<128x16xf32, #tpu.memory_space<vmem>>
        tpu.wait_dma2 semaphore(%run_scoped3A : memref<!tpu.dma_semaphore, #tpu.memory_space<semaphore_mem>>) src(%dma_wait3A_95 : memref<128x16xf32, #tpu.memory_space<vmem>>) dst(%dma_wait3A_92 : memref<128x16xf32, #tpu.memory_space<hbm>>)
        tpu.yield
      }) : () -> ()
    }
    %scan3A_7 = arith.constant 78 : i32
    %add3A_8 = arith.constant 9984 : i32
    %add3A_9 = arith.addi %mul3A_2, %add3A_8 : i32
    "tpu.region"() ({
      %run_scoped3A = tpu.sem_alloc : memref<!tpu.dma_semaphore, #tpu.memory_space<semaphore_mem>>
      %dma_start3A_40 = arith.constant 0 : i32
      %dma_start3A_41 = tpu.memref_slice %arg7[%dma_start3A_40] : memref<128xi32, #tpu.memory_space<vmem>> -> memref<16xi32, #tpu.memory_space<vmem>>
      %dma_start3A_42 = tpu.memref_slice %arg4[%add3A_9] : memref<320000xi32, #tpu.memory_space<hbm>> -> memref<16xi32, #tpu.memory_space<hbm>>
      %dma_start3A_43 = arith.constant 0 : i32
      %dma_start3A_44 = tpu.memref_slice %arg7[%dma_start3A_43] : memref<128xi32, #tpu.memory_space<vmem>> -> memref<16xi32, #tpu.memory_space<vmem>>
      %dma_start3A_45 = tpu.memref_slice %arg4[%add3A_9] : memref<320000xi32, #tpu.memory_space<hbm>> -> memref<16xi32, #tpu.memory_space<hbm>>
      tpu.enqueue_dma source(%dma_start3A_45 : memref<16xi32, #tpu.memory_space<hbm>>) target(%dma_start3A_44 : memref<16xi32, #tpu.memory_space<vmem>>) target_semaphore(%run_scoped3A : memref<!tpu.dma_semaphore, #tpu.memory_space<semaphore_mem>>)
      %dma_wait3A_46 = arith.constant 0 : i32
      %dma_wait3A_47 = tpu.memref_slice %arg7[%dma_wait3A_46] : memref<128xi32, #tpu.memory_space<vmem>> -> memref<16xi32, #tpu.memory_space<vmem>>
      %dma_wait3A_48 = tpu.memref_slice %arg4[%add3A_9] : memref<320000xi32, #tpu.memory_space<hbm>> -> memref<16xi32, #tpu.memory_space<hbm>>
      %dma_wait3A_49 = arith.constant 0 : i32
      %dma_wait3A_50 = tpu.memref_slice %arg7[%dma_wait3A_49] : memref<128xi32, #tpu.memory_space<vmem>> -> memref<16xi32, #tpu.memory_space<vmem>>
      %dma_wait3A_51 = tpu.memref_slice %arg4[%add3A_9] : memref<320000xi32, #tpu.memory_space<hbm>> -> memref<16xi32, #tpu.memory_space<hbm>>
      tpu.wait_dma2 semaphore(%run_scoped3A : memref<!tpu.dma_semaphore, #tpu.memory_space<semaphore_mem>>) src(%dma_wait3A_51 : memref<16xi32, #tpu.memory_space<hbm>>) dst(%dma_wait3A_50 : memref<16xi32, #tpu.memory_space<vmem>>)
      tpu.yield
    }) : () -> ()
    %dma_start3A = arith.constant 0 : i32
    %dma_start3A_10 = arith.constant 0 : i32
    %dma_start3A_11 = tpu.memref_slice %arg8[%dma_start3A, %dma_start3A_10] : memref<128x128xf32, #tpu.memory_space<vmem>> -> memref<16x128xf32, #tpu.memory_space<vmem>>
    %dma_start3A_12 = arith.constant 0 : i32
    %dma_start3A_13 = tpu.memref_slice %arg7[%dma_start3A_12] : memref<128xi32, #tpu.memory_space<vmem>> -> memref<16xi32, #tpu.memory_space<vmem>>
    %dma_start3A_14 = arith.constant 0 : i32
    %dma_start3A_15 = arith.constant 0 : i32
    %dma_start3A_16 = tpu.memref_slice %arg2[%dma_start3A_14, %dma_start3A_15] : memref<10000x128xf32, #tpu.memory_space<hbm>> -> memref<10000x128xf32, #tpu.memory_space<hbm>>
    tpu.enqueue_indirect_dma source(%dma_start3A_16 : memref<10000x128xf32, #tpu.memory_space<hbm>>) target(%dma_start3A_11 : memref<16x128xf32, #tpu.memory_space<vmem>>) offsets(%dma_start3A_13 : memref<16xi32, #tpu.memory_space<vmem>>) semaphore(%arg10 : memref<!tpu.dma_semaphore, #tpu.memory_space<semaphore_mem>>)
    %dma_start3A_17 = arith.constant 0 : i32
    %dma_start3A_18 = arith.constant 0 : i32
    %dma_start3A_19 = tpu.memref_slice %arg9[%dma_start3A_17, %dma_start3A_18] : memref<128x16xf32, #tpu.memory_space<vmem>> -> memref<16x16xf32, #tpu.memory_space<vmem>>
    %dma_start3A_20 = arith.constant 0 : i32
    %dma_start3A_21 = tpu.memref_slice %arg7[%dma_start3A_20] : memref<128xi32, #tpu.memory_space<vmem>> -> memref<16xi32, #tpu.memory_space<vmem>>
    %dma_start3A_22 = arith.constant 0 : i32
    %dma_start3A_23 = arith.constant 0 : i32
    %dma_start3A_24 = tpu.memref_slice %arg3[%dma_start3A_22, %dma_start3A_23] : memref<10000x16xf32, #tpu.memory_space<hbm>> -> memref<10000x16xf32, #tpu.memory_space<hbm>>
    tpu.enqueue_indirect_dma source(%dma_start3A_24 : memref<10000x16xf32, #tpu.memory_space<hbm>>) target(%dma_start3A_19 : memref<16x16xf32, #tpu.memory_space<vmem>>) offsets(%dma_start3A_21 : memref<16xi32, #tpu.memory_space<vmem>>) semaphore(%arg11 : memref<!tpu.dma_semaphore, #tpu.memory_space<semaphore_mem>>)
    %dma_wait3A = arith.constant 0 : i32
    %dma_wait3A_25 = arith.constant 0 : i32
    %dma_wait3A_26 = tpu.memref_slice %arg8[%dma_wait3A, %dma_wait3A_25] : memref<128x128xf32, #tpu.memory_space<vmem>> -> memref<16x128xf32, #tpu.memory_space<vmem>>
    %dma_wait3A_27 = arith.constant 0 : i32
    %dma_wait3A_28 = tpu.memref_slice %arg7[%dma_wait3A_27] : memref<128xi32, #tpu.memory_space<vmem>> -> memref<16xi32, #tpu.memory_space<vmem>>
    %dma_wait3A_29 = arith.constant 0 : i32
    %dma_wait3A_30 = arith.constant 0 : i32
    %dma_wait3A_31 = tpu.memref_slice %arg2[%dma_wait3A_29, %dma_wait3A_30] : memref<10000x128xf32, #tpu.memory_space<hbm>> -> memref<10000x128xf32, #tpu.memory_space<hbm>>
    tpu.wait_indirect_dma semaphore(%arg10 : memref<!tpu.dma_semaphore, #tpu.memory_space<semaphore_mem>>) src(%dma_wait3A_31 : memref<10000x128xf32, #tpu.memory_space<hbm>>) dst(%dma_wait3A_26 : memref<16x128xf32, #tpu.memory_space<vmem>>)
    %dma_wait3A_32 = arith.constant 0 : i32
    %dma_wait3A_33 = arith.constant 0 : i32
    %dma_wait3A_34 = tpu.memref_slice %arg9[%dma_wait3A_32, %dma_wait3A_33] : memref<128x16xf32, #tpu.memory_space<vmem>> -> memref<16x16xf32, #tpu.memory_space<vmem>>
    %dma_wait3A_35 = arith.constant 0 : i32
    %dma_wait3A_36 = tpu.memref_slice %arg7[%dma_wait3A_35] : memref<128xi32, #tpu.memory_space<vmem>> -> memref<16xi32, #tpu.memory_space<vmem>>
    %dma_wait3A_37 = arith.constant 0 : i32
    %dma_wait3A_38 = arith.constant 0 : i32
    %dma_wait3A_39 = tpu.memref_slice %arg3[%dma_wait3A_37, %dma_wait3A_38] : memref<10000x16xf32, #tpu.memory_space<hbm>> -> memref<10000x16xf32, #tpu.memory_space<hbm>>
    tpu.wait_indirect_dma semaphore(%arg11 : memref<!tpu.dma_semaphore, #tpu.memory_space<semaphore_mem>>) src(%dma_wait3A_39 : memref<10000x16xf32, #tpu.memory_space<hbm>>) dst(%dma_wait3A_34 : memref<16x16xf32, #tpu.memory_space<vmem>>)
    "tpu.region"() ({
      %run_scoped3A = tpu.sem_alloc : memref<!tpu.dma_semaphore, #tpu.memory_space<semaphore_mem>>
      %dma_start3A_40 = arith.constant 0 : i32
      %dma_start3A_41 = arith.constant 0 : i32
      %dma_start3A_42 = tpu.memref_slice %arg8[%dma_start3A_40, %dma_start3A_41] : memref<128x128xf32, #tpu.memory_space<vmem>> -> memref<16x128xf32, #tpu.memory_space<vmem>>
      %dma_start3A_43 = arith.constant 0 : i32
      %dma_start3A_44 = tpu.memref_slice %arg5[%add3A_9, %dma_start3A_43] : memref<320000x128xf32, #tpu.memory_space<hbm>> -> memref<16x128xf32, #tpu.memory_space<hbm>>
      %dma_start3A_45 = arith.constant 0 : i32
      %dma_start3A_46 = tpu.memref_slice %arg5[%add3A_9, %dma_start3A_45] : memref<320000x128xf32, #tpu.memory_space<hbm>> -> memref<16x128xf32, #tpu.memory_space<hbm>>
      %dma_start3A_47 = arith.constant 0 : i32
      %dma_start3A_48 = arith.constant 0 : i32
      %dma_start3A_49 = tpu.memref_slice %arg8[%dma_start3A_47, %dma_start3A_48] : memref<128x128xf32, #tpu.memory_space<vmem>> -> memref<16x128xf32, #tpu.memory_space<vmem>>
      tpu.enqueue_dma source(%dma_start3A_49 : memref<16x128xf32, #tpu.memory_space<vmem>>) target(%dma_start3A_46 : memref<16x128xf32, #tpu.memory_space<hbm>>) target_semaphore(%run_scoped3A : memref<!tpu.dma_semaphore, #tpu.memory_space<semaphore_mem>>)
      %dma_wait3A_50 = arith.constant 0 : i32
      %dma_wait3A_51 = arith.constant 0 : i32
      %dma_wait3A_52 = tpu.memref_slice %arg8[%dma_wait3A_50, %dma_wait3A_51] : memref<128x128xf32, #tpu.memory_space<vmem>> -> memref<16x128xf32, #tpu.memory_space<vmem>>
      %dma_wait3A_53 = arith.constant 0 : i32
      %dma_wait3A_54 = tpu.memref_slice %arg5[%add3A_9, %dma_wait3A_53] : memref<320000x128xf32, #tpu.memory_space<hbm>> -> memref<16x128xf32, #tpu.memory_space<hbm>>
      %dma_wait3A_55 = arith.constant 0 : i32
      %dma_wait3A_56 = tpu.memref_slice %arg5[%add3A_9, %dma_wait3A_55] : memref<320000x128xf32, #tpu.memory_space<hbm>> -> memref<16x128xf32, #tpu.memory_space<hbm>>
      %dma_wait3A_57 = arith.constant 0 : i32
      %dma_wait3A_58 = arith.constant 0 : i32
      %dma_wait3A_59 = tpu.memref_slice %arg8[%dma_wait3A_57, %dma_wait3A_58] : memref<128x128xf32, #tpu.memory_space<vmem>> -> memref<16x128xf32, #tpu.memory_space<vmem>>
      tpu.wait_dma2 semaphore(%run_scoped3A : memref<!tpu.dma_semaphore, #tpu.memory_space<semaphore_mem>>) src(%dma_wait3A_59 : memref<16x128xf32, #tpu.memory_space<vmem>>) dst(%dma_wait3A_56 : memref<16x128xf32, #tpu.memory_space<hbm>>)
      tpu.yield
    }) : () -> ()
    "tpu.region"() ({
      %run_scoped3A = tpu.sem_alloc : memref<!tpu.dma_semaphore, #tpu.memory_space<semaphore_mem>>
      %dma_start3A_40 = arith.constant 0 : i32
      %dma_start3A_41 = arith.constant 0 : i32
      %dma_start3A_42 = tpu.memref_slice %arg9[%dma_start3A_40, %dma_start3A_41] : memref<128x16xf32, #tpu.memory_space<vmem>> -> memref<16x16xf32, #tpu.memory_space<vmem>>
      %dma_start3A_43 = arith.constant 0 : i32
      %dma_start3A_44 = tpu.memref_slice %arg6[%add3A_9, %dma_start3A_43] : memref<320000x16xf32, #tpu.memory_space<hbm>> -> memref<16x16xf32, #tpu.memory_space<hbm>>
      %dma_start3A_45 = arith.constant 0 : i32
      %dma_start3A_46 = tpu.memref_slice %arg6[%add3A_9, %dma_start3A_45] : memref<320000x16xf32, #tpu.memory_space<hbm>> -> memref<16x16xf32, #tpu.memory_space<hbm>>
      %dma_start3A_47 = arith.constant 0 : i32
      %dma_start3A_48 = arith.constant 0 : i32
      %dma_start3A_49 = tpu.memref_slice %arg9[%dma_start3A_47, %dma_start3A_48] : memref<128x16xf32, #tpu.memory_space<vmem>> -> memref<16x16xf32, #tpu.memory_space<vmem>>
      tpu.enqueue_dma source(%dma_start3A_49 : memref<16x16xf32, #tpu.memory_space<vmem>>) target(%dma_start3A_46 : memref<16x16xf32, #tpu.memory_space<hbm>>) target_semaphore(%run_scoped3A : memref<!tpu.dma_semaphore, #tpu.memory_space<semaphore_mem>>)
      %dma_wait3A_50 = arith.constant 0 : i32
      %dma_wait3A_51 = arith.constant 0 : i32
      %dma_wait3A_52 = tpu.memref_slice %arg9[%dma_wait3A_50, %dma_wait3A_51] : memref<128x16xf32, #tpu.memory_space<vmem>> -> memref<16x16xf32, #tpu.memory_space<vmem>>
      %dma_wait3A_53 = arith.constant 0 : i32
      %dma_wait3A_54 = tpu.memref_slice %arg6[%add3A_9, %dma_wait3A_53] : memref<320000x16xf32, #tpu.memory_space<hbm>> -> memref<16x16xf32, #tpu.memory_space<hbm>>
      %dma_wait3A_55 = arith.constant 0 : i32
      %dma_wait3A_56 = tpu.memref_slice %arg6[%add3A_9, %dma_wait3A_55] : memref<320000x16xf32, #tpu.memory_space<hbm>> -> memref<16x16xf32, #tpu.memory_space<hbm>>
      %dma_wait3A_57 = arith.constant 0 : i32
      %dma_wait3A_58 = arith.constant 0 : i32
      %dma_wait3A_59 = tpu.memref_slice %arg9[%dma_wait3A_57, %dma_wait3A_58] : memref<128x16xf32, #tpu.memory_space<vmem>> -> memref<16x16xf32, #tpu.memory_space<vmem>>
      tpu.wait_dma2 semaphore(%run_scoped3A : memref<!tpu.dma_semaphore, #tpu.memory_space<semaphore_mem>>) src(%dma_wait3A_59 : memref<16x16xf32, #tpu.memory_space<vmem>>) dst(%dma_wait3A_56 : memref<16x16xf32, #tpu.memory_space<hbm>>)
      tpu.yield
    }) : () -> ()
    return
  }
}

module attributes {stable_mosaic.version = 14 : i64} {
  func.func @_knn_body(%arg0: i32, %arg1: memref<80x8xf32, #tpu.memory_space<vmem>>, %arg2: memref<8x10240xf32, #tpu.memory_space<vmem>>, %arg3: memref<80x32xi32, #tpu.memory_space<vmem>>, %arg4: memref<80x10240xf32, #tpu.memory_space<vmem>>, %arg5: memref<80x10240xf32, #tpu.memory_space<vmem>>) attributes {dimension_semantics = [#tpu.dimension_semantics<arbitrary>], iteration_bounds = array<i64: 125>, scalar_prefetch = 0 : i64, scratch_operands = 2 : i64, tpu.core_type = #tpu.core_type<tc>, window_params = [{transform_indices = @transform_0, window_bounds = array<i64: 80, 8>}, {pipeline_mode = #tpu.pipeline_mode<synchronous>, transform_indices = @transform_1, window_bounds = array<i64: 8, 10240>}, {transform_indices = @transform_2, window_bounds = array<i64: 80, 32>}]} {
    %get3A = arith.constant 0 : index
    %get3A_0 = arith.constant 0 : index
    %get3A_1 = vector.load %arg1[%get3A, %get3A_0] : memref<80x8xf32, #tpu.memory_space<vmem>>, vector<80x8xf32>
    %get3A_2 = arith.constant 0 : index
    %get3A_3 = arith.constant 0 : index
    %get3A_4 = vector.load %arg2[%get3A_2, %get3A_3] : memref<8x10240xf32, #tpu.memory_space<vmem>>, vector<8x10240xf32>
    %mul3A = arith.mulf %get3A_1, %get3A_1 : vector<80x8xf32>
    %reduce_sum3A = arith.constant dense<0.000000e+00> : vector<80xf32>
    %reduce_sum3A_5 = vector.multi_reduction <add>, %mul3A, %reduce_sum3A [1] : vector<80x8xf32> to vector<80xf32>
    %broadcast_in_dim3A = vector.shape_cast %reduce_sum3A_5 : vector<80xf32> to vector<80x1xf32>
    %mul3A_6 = arith.mulf %get3A_4, %get3A_4 : vector<8x10240xf32>
    %reduce_sum3A_7 = arith.constant dense<0.000000e+00> : vector<10240xf32>
    %reduce_sum3A_8 = vector.multi_reduction <add>, %mul3A_6, %reduce_sum3A_7 [0] : vector<8x10240xf32> to vector<10240xf32>
    %broadcast_in_dim3A_9 = vector.shape_cast %reduce_sum3A_8 : vector<10240xf32> to vector<1x10240xf32>
    %dot_general3A = arith.constant dense<0.000000e+00> : vector<80x10240xf32>
    %dot_general3A_10 = tpu.matmul %get3A_1, %get3A_4, %dot_general3A {dimension_numbers = #tpu.dot_dimension_numbers<[1], [0], [0], [1], [0, 0, 1, 1], [], []>, transpose_lhs_hint = false} : vector<80x8xf32>, vector<8x10240xf32>, vector<80x10240xf32> -> vector<80x10240xf32>
    %add3A = vector.broadcast %broadcast_in_dim3A : vector<80x1xf32> to vector<80x10240xf32>
    %add3A_11 = vector.broadcast %broadcast_in_dim3A_9 : vector<1x10240xf32> to vector<80x10240xf32>
    %add3A_12 = arith.addf %add3A, %add3A_11 : vector<80x10240xf32>
    %mul3A_13 = arith.constant 2.000000e+00 : f32
    %mul3A_14 = vector.broadcast %mul3A_13 : f32 to vector<80x10240xf32>
    %mul3A_15 = arith.mulf %mul3A_14, %dot_general3A_10 : vector<80x10240xf32>
    %sub3A = arith.subf %add3A_12, %mul3A_15 : vector<80x10240xf32>
    %iota3A = tpu.iota {dimensions = array<i32: 1>} : vector<80x10240xi32>
    %iota3A_16 = tpu.iota {dimensions = array<i32: 0>} : vector<80x10240xi32>
    %mul3A_17 = arith.constant 80 : i32
    %mul3A_18 = arith.muli %arg0, %mul3A_17 : i32
    %add3A_19 = vector.broadcast %mul3A_18 : i32 to vector<80x10240xi32>
    %add3A_20 = arith.addi %iota3A_16, %add3A_19 : vector<80x10240xi32>
    %eq3A = arith.cmpi eq, %iota3A, %add3A_20 : vector<80x10240xi32>
    %ge3A = arith.constant 10000 : i32
    %ge3A_21 = vector.broadcast %ge3A : i32 to vector<80x10240xi32>
    %ge3A_22 = arith.cmpi sge, %iota3A, %ge3A_21 : vector<80x10240xi32>
    %or3A = arith.ori %eq3A, %ge3A_22 : vector<80x10240xi1>
    %jit3A = arith.constant 0x7F800000 : f32
    %broadcast_in_dim3A_23 = vector.broadcast %jit3A : f32 to vector<80x10240xf32>
    %select_n3A = arith.select %or3A, %broadcast_in_dim3A_23, %sub3A : vector<80x10240xi1>, vector<80x10240xf32>
    %swap3A = arith.constant 0 : index
    %swap3A_24 = arith.constant 0 : index
    %swap3A_25 = vector.load %arg4[%swap3A, %swap3A_24] : memref<80x10240xf32, #tpu.memory_space<vmem>>, vector<80x10240xf32>
    tpu.vector_store %arg4[%swap3A, %swap3A_24], %select_n3A {strides = array<i32>} : memref<80x10240xf32, #tpu.memory_space<vmem>>, vector<80x10240xf32>,
    %iota3A_26 = tpu.iota {dimensions = array<i32: 1>} : vector<80x128xi32>
    %iota3A_27 = tpu.iota {dimensions = array<i32: 1>} : vector<80x80x128xi32>
    %broadcast_in_dim3A_28 = arith.constant 0xFF800000 : f32
    %broadcast_in_dim3A_29 = vector.broadcast %broadcast_in_dim3A_28 : f32 to vector<80x1xf32>
    %broadcast_in_dim3A_30 = arith.constant -1 : i32
    %broadcast_in_dim3A_31 = vector.broadcast %broadcast_in_dim3A_30 : i32 to vector<80x1xi32>
    %broadcast_in_dim3A_32 = arith.constant 0 : i32
    %broadcast_in_dim3A_33 = vector.broadcast %broadcast_in_dim3A_32 : i32 to vector<80x1xi32>
    %broadcast_in_dim3A_34 = arith.constant 0 : i32
    %broadcast_in_dim3A_35 = vector.broadcast %broadcast_in_dim3A_34 : i32 to vector<80x128xi32>
    %while3A:4 = scf.while (%while3A_39 = %broadcast_in_dim3A_29, %while3A_40 = %broadcast_in_dim3A_31, %while3A_41 = %broadcast_in_dim3A_33, %while3A_42 = %broadcast_in_dim3A_35) : (vector<80x1xf32>, vector<80x1xi32>, vector<80x1xi32>, vector<80x128xi32>) -> (vector<80x1xf32>, vector<80x1xi32>, vector<80x1xi32>, vector<80x128xi32>) {
      %reduce_min3A = vector.shape_cast %while3A_41 : vector<80x1xi32> to vector<1x80x1xi32>
      %reduce_min3A_43 = arith.constant dense<2147483647> : vector<1xi32>
      %reduce_min3A_44 = vector.multi_reduction <minsi>, %reduce_min3A, %reduce_min3A_43 [1, 2] : vector<1x80x1xi32> to vector<1xi32>
      %reduce_min3A_45 = vector.shape_cast %reduce_min3A_44 : vector<1xi32> to vector<1x1x1xi32>
      %reduce_min3A_46 = vector.extract %reduce_min3A_45[0, 0, 0] : i32 from vector<1x1x1xi32>
      %lt3A = arith.constant 31 : i32
      %lt3A_47 = arith.cmpi slt, %reduce_min3A_46, %lt3A : i32
      scf.condition(%lt3A_47) %while3A_39, %while3A_40, %while3A_41, %while3A_42 : vector<80x1xf32>, vector<80x1xi32>, vector<80x1xi32>, vector<80x128xi32>
    } do {
    ^bb0(%while3A_39: vector<80x1xf32>, %while3A_40: vector<80x1xi32>, %while3A_41: vector<80x1xi32>, %while3A_42: vector<80x128xi32>):
      %get3A_43 = arith.constant 0 : index
      %get3A_44 = arith.constant 0 : index
      %get3A_45 = vector.load %arg4[%get3A_43, %get3A_44] : memref<80x10240xf32, #tpu.memory_space<vmem>>, vector<80x10240xf32>
      %lt3A = vector.broadcast %while3A_39 : vector<80x1xf32> to vector<80x10240xf32>
      %lt3A_46 = arith.cmpf olt, %get3A_45, %lt3A : vector<80x10240xf32>
      %eq3A_47 = vector.broadcast %while3A_39 : vector<80x1xf32> to vector<80x10240xf32>
      %eq3A_48 = arith.cmpf oeq, %get3A_45, %eq3A_47 : vector<80x10240xf32>
      %le3A = vector.broadcast %while3A_40 : vector<80x1xi32> to vector<80x10240xi32>
      %le3A_49 = arith.cmpi sle, %iota3A, %le3A : vector<80x10240xi32>
      %and3A = arith.andi %eq3A_48, %le3A_49 : vector<80x10240xi1>
      %or3A_50 = arith.ori %lt3A_46, %and3A : vector<80x10240xi1>
      %jit3A_51 = arith.constant 0x7F800000 : f32
      %broadcast_in_dim3A_52 = vector.broadcast %jit3A_51 : f32 to vector<80x10240xf32>
      %select_n3A_53 = arith.select %or3A_50, %broadcast_in_dim3A_52, %get3A_45 : vector<80x10240xi1>, vector<80x10240xf32>
      %swap3A_54 = arith.constant 0 : index
      %swap3A_55 = arith.constant 0 : index
      %swap3A_56 = vector.load %arg5[%swap3A_54, %swap3A_55] : memref<80x10240xf32, #tpu.memory_space<vmem>>, vector<80x10240xf32>
      tpu.vector_store %arg5[%swap3A_54, %swap3A_55], %select_n3A_53 {strides = array<i32>} : memref<80x10240xf32, #tpu.memory_space<vmem>>, vector<80x10240xf32>,
      %get3A_57 = arith.constant 0 : index
      %get3A_58 = arith.constant 0 : index
      %get3A_59 = vector.load %arg5[%get3A_57, %get3A_58] : memref<80x10240xf32, #tpu.memory_space<vmem>>, vector<80x10240xf32>
      %reshape3A = vector.shape_cast %get3A_59 : vector<80x10240xf32> to vector<80x80x128xf32>
      %broadcast_in_dim3A_60 = arith.constant false
      %broadcast_in_dim3A_61 = vector.broadcast %broadcast_in_dim3A_60 : i1 to vector<80x80x128xi1>
      %jit3A_62 = arith.constant 0x7F800000 : f32
      %broadcast_in_dim3A_63 = vector.broadcast %jit3A_62 : f32 to vector<80x80x128xf32>
      %select_n3A_64 = arith.select %broadcast_in_dim3A_61, %broadcast_in_dim3A_63, %reshape3A : vector<80x80x128xi1>, vector<80x80x128xf32>
      %reduce_min3A = arith.constant dense<0x7F800000> : vector<80x128xf32>
      %reduce_min3A_65 = vector.multi_reduction <minimumf>, %select_n3A_64, %reduce_min3A [1] : vector<80x80x128xf32> to vector<80x128xf32>
      %broadcast_in_dim3A_66 = vector.shape_cast %reduce_min3A_65 : vector<80x128xf32> to vector<80x1x128xf32>
      %eq3A_67 = vector.broadcast %broadcast_in_dim3A_66 : vector<80x1x128xf32> to vector<80x80x128xf32>
      %eq3A_68 = arith.cmpf oeq, %reshape3A, %eq3A_67 : vector<80x80x128xf32>
      %not3A = arith.constant dense<true> : vector<80x80x128xi1>
      %not3A_69 = arith.xori %broadcast_in_dim3A_61, %not3A : vector<80x80x128xi1>
      %and3A_70 = arith.andi %eq3A_68, %not3A_69 : vector<80x80x128xi1>
      %jit3A_71 = arith.constant 80 : i32
      %broadcast_in_dim3A_72 = vector.broadcast %jit3A_71 : i32 to vector<80x80x128xi32>
      %select_n3A_73 = arith.select %and3A_70, %iota3A_27, %broadcast_in_dim3A_72 : vector<80x80x128xi1>, vector<80x80x128xi32>
      %reduce_min3A_74 = arith.constant dense<2147483647> : vector<80x128xi32>
      %reduce_min3A_75 = vector.multi_reduction <minsi>, %select_n3A_73, %reduce_min3A_74 [1] : vector<80x80x128xi32> to vector<80x128xi32>
      %broadcast_in_dim3A_76 = vector.shape_cast %reduce_min3A_75 : vector<80x128xi32> to vector<80x1x128xi32>
      %eq3A_77 = vector.broadcast %broadcast_in_dim3A_76 : vector<80x1x128xi32> to vector<80x80x128xi32>
      %eq3A_78 = arith.cmpi eq, %iota3A_27, %eq3A_77 : vector<80x80x128xi32>
      %or3A_79 = arith.ori %broadcast_in_dim3A_61, %eq3A_78 : vector<80x80x128xi1>
      %mul3A_80 = arith.constant 128 : i32
      %mul3A_81 = vector.broadcast %mul3A_80 : i32 to vector<80x128xi32>
      %mul3A_82 = arith.muli %reduce_min3A_75, %mul3A_81 : vector<80x128xi32>
      %add3A_83 = arith.addi %mul3A_82, %iota3A_26 : vector<80x128xi32>
      %jit3A_84 = arith.constant 0x7F800000 : f32
      %broadcast_in_dim3A_85 = vector.broadcast %jit3A_84 : f32 to vector<80x80x128xf32>
      %select_n3A_86 = arith.select %or3A_79, %broadcast_in_dim3A_85, %reshape3A : vector<80x80x128xi1>, vector<80x80x128xf32>
      %reduce_min3A_87 = arith.constant dense<0x7F800000> : vector<80x128xf32>
      %reduce_min3A_88 = vector.multi_reduction <minimumf>, %select_n3A_86, %reduce_min3A_87 [1] : vector<80x80x128xf32> to vector<80x128xf32>
      %broadcast_in_dim3A_89 = vector.shape_cast %reduce_min3A_88 : vector<80x128xf32> to vector<80x1x128xf32>
      %eq3A_90 = vector.broadcast %broadcast_in_dim3A_89 : vector<80x1x128xf32> to vector<80x80x128xf32>
      %eq3A_91 = arith.cmpf oeq, %reshape3A, %eq3A_90 : vector<80x80x128xf32>
      %not3A_92 = arith.constant dense<true> : vector<80x80x128xi1>
      %not3A_93 = arith.xori %or3A_79, %not3A_92 : vector<80x80x128xi1>
      %and3A_94 = arith.andi %eq3A_91, %not3A_93 : vector<80x80x128xi1>
      %jit3A_95 = arith.constant 80 : i32
      %broadcast_in_dim3A_96 = vector.broadcast %jit3A_95 : i32 to vector<80x80x128xi32>
      %select_n3A_97 = arith.select %and3A_94, %iota3A_27, %broadcast_in_dim3A_96 : vector<80x80x128xi1>, vector<80x80x128xi32>
      %reduce_min3A_98 = arith.constant dense<2147483647> : vector<80x128xi32>
      %reduce_min3A_99 = vector.multi_reduction <minsi>, %select_n3A_97, %reduce_min3A_98 [1] : vector<80x80x128xi32> to vector<80x128xi32>
      %broadcast_in_dim3A_100 = vector.shape_cast %reduce_min3A_99 : vector<80x128xi32> to vector<80x1x128xi32>
      %eq3A_101 = vector.broadcast %broadcast_in_dim3A_100 : vector<80x1x128xi32> to vector<80x80x128xi32>
      %eq3A_102 = arith.cmpi eq, %iota3A_27, %eq3A_101 : vector<80x80x128xi32>
      %or3A_103 = arith.ori %or3A_79, %eq3A_102 : vector<80x80x128xi1>
      %mul3A_104 = arith.constant 128 : i32
      %mul3A_105 = vector.broadcast %mul3A_104 : i32 to vector<80x128xi32>
      %mul3A_106 = arith.muli %reduce_min3A_99, %mul3A_105 : vector<80x128xi32>
      %add3A_107 = arith.addi %mul3A_106, %iota3A_26 : vector<80x128xi32>
      %jit3A_108 = arith.constant 0x7F800000 : f32
      %broadcast_in_dim3A_109 = vector.broadcast %jit3A_108 : f32 to vector<80x80x128xf32>
      %select_n3A_110 = arith.select %or3A_103, %broadcast_in_dim3A_109, %reshape3A : vector<80x80x128xi1>, vector<80x80x128xf32>
      %reduce_min3A_111 = arith.constant dense<0x7F800000> : vector<80x128xf32>
      %reduce_min3A_112 = vector.multi_reduction <minimumf>, %select_n3A_110, %reduce_min3A_111 [1] : vector<80x80x128xf32> to vector<80x128xf32>
      %broadcast_in_dim3A_113 = vector.shape_cast %reduce_min3A_112 : vector<80x128xf32> to vector<80x1x128xf32>
      %eq3A_114 = vector.broadcast %broadcast_in_dim3A_113 : vector<80x1x128xf32> to vector<80x80x128xf32>
      %eq3A_115 = arith.cmpf oeq, %reshape3A, %eq3A_114 : vector<80x80x128xf32>
      %not3A_116 = arith.constant dense<true> : vector<80x80x128xi1>
      %not3A_117 = arith.xori %or3A_103, %not3A_116 : vector<80x80x128xi1>
      %and3A_118 = arith.andi %eq3A_115, %not3A_117 : vector<80x80x128xi1>
      %jit3A_119 = arith.constant 80 : i32
      %broadcast_in_dim3A_120 = vector.broadcast %jit3A_119 : i32 to vector<80x80x128xi32>
      %select_n3A_121 = arith.select %and3A_118, %iota3A_27, %broadcast_in_dim3A_120 : vector<80x80x128xi1>, vector<80x80x128xi32>
      %reduce_min3A_122 = arith.constant dense<2147483647> : vector<80x128xi32>
      %reduce_min3A_123 = vector.multi_reduction <minsi>, %select_n3A_121, %reduce_min3A_122 [1] : vector<80x80x128xi32> to vector<80x128xi32>
      %broadcast_in_dim3A_124 = vector.shape_cast %reduce_min3A_123 : vector<80x128xi32> to vector<80x1x128xi32>
      %eq3A_125 = vector.broadcast %broadcast_in_dim3A_124 : vector<80x1x128xi32> to vector<80x80x128xi32>
      %eq3A_126 = arith.cmpi eq, %iota3A_27, %eq3A_125 : vector<80x80x128xi32>
      %or3A_127 = arith.ori %or3A_103, %eq3A_126 : vector<80x80x128xi1>
      %mul3A_128 = arith.constant 128 : i32
      %mul3A_129 = vector.broadcast %mul3A_128 : i32 to vector<80x128xi32>
      %mul3A_130 = arith.muli %reduce_min3A_123, %mul3A_129 : vector<80x128xi32>
      %add3A_131 = arith.addi %mul3A_130, %iota3A_26 : vector<80x128xi32>
      %jit3A_132 = arith.constant 0x7F800000 : f32
      %broadcast_in_dim3A_133 = vector.broadcast %jit3A_132 : f32 to vector<80x80x128xf32>
      %select_n3A_134 = arith.select %or3A_127, %broadcast_in_dim3A_133, %reshape3A : vector<80x80x128xi1>, vector<80x80x128xf32>
      %reduce_min3A_135 = arith.constant dense<0x7F800000> : vector<80x128xf32>
      %reduce_min3A_136 = vector.multi_reduction <minimumf>, %select_n3A_134, %reduce_min3A_135 [1] : vector<80x80x128xf32> to vector<80x128xf32>
      %broadcast_in_dim3A_137 = vector.shape_cast %reduce_min3A_136 : vector<80x128xf32> to vector<80x1x128xf32>
      %eq3A_138 = vector.broadcast %broadcast_in_dim3A_137 : vector<80x1x128xf32> to vector<80x80x128xf32>
      %eq3A_139 = arith.cmpf oeq, %reshape3A, %eq3A_138 : vector<80x80x128xf32>
      %not3A_140 = arith.constant dense<true> : vector<80x80x128xi1>
      %not3A_141 = arith.xori %or3A_127, %not3A_140 : vector<80x80x128xi1>
      %and3A_142 = arith.andi %eq3A_139, %not3A_141 : vector<80x80x128xi1>
      %jit3A_143 = arith.constant 80 : i32
      %broadcast_in_dim3A_144 = vector.broadcast %jit3A_143 : i32 to vector<80x80x128xi32>
      %select_n3A_145 = arith.select %and3A_142, %iota3A_27, %broadcast_in_dim3A_144 : vector<80x80x128xi1>, vector<80x80x128xi32>
      %reduce_min3A_146 = arith.constant dense<2147483647> : vector<80x128xi32>
      %reduce_min3A_147 = vector.multi_reduction <minsi>, %select_n3A_145, %reduce_min3A_146 [1] : vector<80x80x128xi32> to vector<80x128xi32>
      %broadcast_in_dim3A_148 = vector.shape_cast %reduce_min3A_147 : vector<80x128xi32> to vector<80x1x128xi32>
      %eq3A_149 = vector.broadcast %broadcast_in_dim3A_148 : vector<80x1x128xi32> to vector<80x80x128xi32>
      %eq3A_150 = arith.cmpi eq, %iota3A_27, %eq3A_149 : vector<80x80x128xi32>
      %or3A_151 = arith.ori %or3A_127, %eq3A_150 : vector<80x80x128xi1>
      %mul3A_152 = arith.constant 128 : i32
      %mul3A_153 = vector.broadcast %mul3A_152 : i32 to vector<80x128xi32>
      %mul3A_154 = arith.muli %reduce_min3A_147, %mul3A_153 : vector<80x128xi32>
      %add3A_155 = arith.addi %mul3A_154, %iota3A_26 : vector<80x128xi32>
      %jit3A_156 = arith.constant 0x7F800000 : f32
      %broadcast_in_dim3A_157 = vector.broadcast %jit3A_156 : f32 to vector<80x80x128xf32>
      %select_n3A_158 = arith.select %or3A_151, %broadcast_in_dim3A_157, %reshape3A : vector<80x80x128xi1>, vector<80x80x128xf32>
      %reduce_min3A_159 = arith.constant dense<0x7F800000> : vector<80x128xf32>
      %reduce_min3A_160 = vector.multi_reduction <minimumf>, %select_n3A_158, %reduce_min3A_159 [1] : vector<80x80x128xf32> to vector<80x128xf32>
      %broadcast_in_dim3A_161 = vector.shape_cast %reduce_min3A_160 : vector<80x128xf32> to vector<80x1x128xf32>
      %eq3A_162 = vector.broadcast %broadcast_in_dim3A_161 : vector<80x1x128xf32> to vector<80x80x128xf32>
      %eq3A_163 = arith.cmpf oeq, %reshape3A, %eq3A_162 : vector<80x80x128xf32>
      %not3A_164 = arith.constant dense<true> : vector<80x80x128xi1>
      %not3A_165 = arith.xori %or3A_151, %not3A_164 : vector<80x80x128xi1>
      %and3A_166 = arith.andi %eq3A_163, %not3A_165 : vector<80x80x128xi1>
      %jit3A_167 = arith.constant 80 : i32
      %broadcast_in_dim3A_168 = vector.broadcast %jit3A_167 : i32 to vector<80x80x128xi32>
      %select_n3A_169 = arith.select %and3A_166, %iota3A_27, %broadcast_in_dim3A_168 : vector<80x80x128xi1>, vector<80x80x128xi32>
      %reduce_min3A_170 = arith.constant dense<2147483647> : vector<80x128xi32>
      %reduce_min3A_171 = vector.multi_reduction <minsi>, %select_n3A_169, %reduce_min3A_170 [1] : vector<80x80x128xi32> to vector<80x128xi32>
      %broadcast_in_dim3A_172 = vector.shape_cast %reduce_min3A_171 : vector<80x128xi32> to vector<80x1x128xi32>
      %eq3A_173 = vector.broadcast %broadcast_in_dim3A_172 : vector<80x1x128xi32> to vector<80x80x128xi32>
      %eq3A_174 = arith.cmpi eq, %iota3A_27, %eq3A_173 : vector<80x80x128xi32>
      %or3A_175 = arith.ori %or3A_151, %eq3A_174 : vector<80x80x128xi1>
      %mul3A_176 = arith.constant 128 : i32
      %mul3A_177 = vector.broadcast %mul3A_176 : i32 to vector<80x128xi32>
      %mul3A_178 = arith.muli %reduce_min3A_171, %mul3A_177 : vector<80x128xi32>
      %add3A_179 = arith.addi %mul3A_178, %iota3A_26 : vector<80x128xi32>
      %jit3A_180 = arith.constant 0x7F800000 : f32
      %broadcast_in_dim3A_181 = vector.broadcast %jit3A_180 : f32 to vector<80x80x128xf32>
      %select_n3A_182 = arith.select %or3A_175, %broadcast_in_dim3A_181, %reshape3A : vector<80x80x128xi1>, vector<80x80x128xf32>
      %reduce_min3A_183 = arith.constant dense<0x7F800000> : vector<80x128xf32>
      %reduce_min3A_184 = vector.multi_reduction <minimumf>, %select_n3A_182, %reduce_min3A_183 [1] : vector<80x80x128xf32> to vector<80x128xf32>
      %broadcast_in_dim3A_185 = vector.shape_cast %reduce_min3A_184 : vector<80x128xf32> to vector<80x1x128xf32>
      %eq3A_186 = vector.broadcast %broadcast_in_dim3A_185 : vector<80x1x128xf32> to vector<80x80x128xf32>
      %eq3A_187 = arith.cmpf oeq, %reshape3A, %eq3A_186 : vector<80x80x128xf32>
      %not3A_188 = arith.constant dense<true> : vector<80x80x128xi1>
      %not3A_189 = arith.xori %or3A_175, %not3A_188 : vector<80x80x128xi1>
      %and3A_190 = arith.andi %eq3A_187, %not3A_189 : vector<80x80x128xi1>
      %jit3A_191 = arith.constant 80 : i32
      %broadcast_in_dim3A_192 = vector.broadcast %jit3A_191 : i32 to vector<80x80x128xi32>
      %select_n3A_193 = arith.select %and3A_190, %iota3A_27, %broadcast_in_dim3A_192 : vector<80x80x128xi1>, vector<80x80x128xi32>
      %reduce_min3A_194 = arith.constant dense<2147483647> : vector<80x128xi32>
      %reduce_min3A_195 = vector.multi_reduction <minsi>, %select_n3A_193, %reduce_min3A_194 [1] : vector<80x80x128xi32> to vector<80x128xi32>
      %broadcast_in_dim3A_196 = vector.shape_cast %reduce_min3A_195 : vector<80x128xi32> to vector<80x1x128xi32>
      %eq3A_197 = vector.broadcast %broadcast_in_dim3A_196 : vector<80x1x128xi32> to vector<80x80x128xi32>
      %eq3A_198 = arith.cmpi eq, %iota3A_27, %eq3A_197 : vector<80x80x128xi32>
      %or3A_199 = arith.ori %or3A_175, %eq3A_198 : vector<80x80x128xi1>
      %mul3A_200 = arith.constant 128 : i32
      %mul3A_201 = vector.broadcast %mul3A_200 : i32 to vector<80x128xi32>
      %mul3A_202 = arith.muli %reduce_min3A_195, %mul3A_201 : vector<80x128xi32>
      %add3A_203 = arith.addi %mul3A_202, %iota3A_26 : vector<80x128xi32>
      %concatenate3A = tpu.concatenate %reduce_min3A_65, %reduce_min3A_88, %reduce_min3A_112, %reduce_min3A_136, %reduce_min3A_160, %reduce_min3A_184 in 1 : vector<80x128xf32>, vector<80x128xf32>, vector<80x128xf32>, vector<80x128xf32>, vector<80x128xf32>, vector<80x128xf32> -> vector<80x768xf32>
      %concatenate3A_204 = tpu.concatenate %add3A_83, %add3A_107, %add3A_131, %add3A_155, %add3A_179, %add3A_203 in 1 : vector<80x128xi32>, vector<80x128xi32>, vector<80x128xi32>, vector<80x128xi32>, vector<80x128xi32>, vector<80x128xi32> -> vector<80x768xi32>
      %iota3A_205 = tpu.iota {dimensions = array<i32: 1>} : vector<80x768xi32>
      %jit3A_206 = arith.constant 128 : i32
      %div3A = vector.broadcast %jit3A_206 : i32 to vector<80x768xi32>
      %div3A_207 = arith.divsi %iota3A_205, %div3A : vector<80x768xi32>
      %sign3A = arith.constant 0 : i32
      %sign3A_208 = vector.broadcast %sign3A : i32 to vector<80x768xi32>
      %sign3A_209 = arith.cmpi sgt, %iota3A_205, %sign3A_208 : vector<80x768xi32>
      %sign3A_210 = arith.extui %sign3A_209 : vector<80x768xi1> to vector<80x768xi32>
      %sign3A_211 = arith.constant 0 : i32
      %sign3A_212 = vector.broadcast %sign3A_211 : i32 to vector<80x768xi32>
      %sign3A_213 = arith.cmpi slt, %iota3A_205, %sign3A_212 : vector<80x768xi32>
      %sign3A_214 = arith.extui %sign3A_213 : vector<80x768xi1> to vector<80x768xi32>
      %sign3A_215 = arith.subi %sign3A_210, %sign3A_214 : vector<80x768xi32>
      %sign3A_216 = arith.constant 0 : i32
      %sign3A_217 = arith.cmpi sgt, %jit3A_206, %sign3A_216 : i32
      %sign3A_218 = arith.extui %sign3A_217 : i1 to i32
      %sign3A_219 = arith.constant 0 : i32
      %sign3A_220 = arith.cmpi slt, %jit3A_206, %sign3A_219 : i32
      %sign3A_221 = arith.extui %sign3A_220 : i1 to i32
      %sign3A_222 = arith.subi %sign3A_218, %sign3A_221 : i32
      %ne3A = vector.broadcast %sign3A_222 : i32 to vector<80x768xi32>
      %ne3A_223 = arith.cmpi ne, %sign3A_215, %ne3A : vector<80x768xi32>
      %rem3A = vector.broadcast %jit3A_206 : i32 to vector<80x768xi32>
      %rem3A_224 = arith.remsi %iota3A_205, %rem3A : vector<80x768xi32>
      %ne3A_225 = arith.constant 0 : i32
      %ne3A_226 = vector.broadcast %ne3A_225 : i32 to vector<80x768xi32>
      %ne3A_227 = arith.cmpi ne, %rem3A_224, %ne3A_226 : vector<80x768xi32>
      %and3A_228 = arith.andi %ne3A_223, %ne3A_227 : vector<80x768xi1>
      %sub3A_229 = arith.constant 1 : i32
      %sub3A_230 = vector.broadcast %sub3A_229 : i32 to vector<80x768xi32>
      %sub3A_231 = arith.subi %div3A_207, %sub3A_230 : vector<80x768xi32>
      %select_n3A_232 = arith.select %and3A_228, %sub3A_231, %div3A_207 : vector<80x768xi1>, vector<80x768xi32>
      %mul3A_233 = arith.constant 8 : i32
      %mul3A_234 = vector.broadcast %mul3A_233 : i32 to vector<80x768xi32>
      %mul3A_235 = arith.muli %concatenate3A_204, %mul3A_234 : vector<80x768xi32>
      %add3A_236 = arith.addi %mul3A_235, %select_n3A_232 : vector<80x768xi32>
      %broadcast_in_dim3A_237 = arith.constant 1 : i32
      %broadcast_in_dim3A_238 = vector.broadcast %broadcast_in_dim3A_237 : i32 to vector<80x1xi32>
      %reduce_min3A_239 = arith.constant dense<0x7F800000> : vector<80xf32>
      %reduce_min3A_240 = vector.multi_reduction <minimumf>, %concatenate3A, %reduce_min3A_239 [1] : vector<80x768xf32> to vector<80xf32>
      %broadcast_in_dim3A_241 = vector.shape_cast %reduce_min3A_240 : vector<80xf32> to vector<80x1xf32>
      %eq3A_242 = vector.broadcast %broadcast_in_dim3A_241 : vector<80x1xf32> to vector<80x768xf32>
      %eq3A_243 = arith.cmpf oeq, %concatenate3A, %eq3A_242 : vector<80x768xf32>
      %jit3A_244 = arith.constant 1073741824 : i32
      %broadcast_in_dim3A_245 = vector.broadcast %jit3A_244 : i32 to vector<80x768xi32>
      %select_n3A_246 = arith.select %eq3A_243, %add3A_236, %broadcast_in_dim3A_245 : vector<80x768xi1>, vector<80x768xi32>
      %reduce_min3A_247 = arith.constant dense<2147483647> : vector<80xi32>
      %reduce_min3A_248 = vector.multi_reduction <minsi>, %select_n3A_246, %reduce_min3A_247 [1] : vector<80x768xi32> to vector<80xi32>
      %broadcast_in_dim3A_249 = vector.shape_cast %reduce_min3A_248 : vector<80xi32> to vector<80x1xi32>
      %jit3A_250 = arith.constant 8 : i32
      %div3A_251 = vector.broadcast %jit3A_250 : i32 to vector<80x1xi32>
      %div3A_252 = arith.divsi %broadcast_in_dim3A_249, %div3A_251 : vector<80x1xi32>
      %sign3A_253 = arith.constant 0 : i32
      %sign3A_254 = vector.broadcast %sign3A_253 : i32 to vector<80x1xi32>
      %sign3A_255 = arith.cmpi sgt, %broadcast_in_dim3A_249, %sign3A_254 : vector<80x1xi32>
      %sign3A_256 = arith.extui %sign3A_255 : vector<80x1xi1> to vector<80x1xi32>
      %sign3A_257 = arith.constant 0 : i32
      %sign3A_258 = vector.broadcast %sign3A_257 : i32 to vector<80x1xi32>
      %sign3A_259 = arith.cmpi slt, %broadcast_in_dim3A_249, %sign3A_258 : vector<80x1xi32>
      %sign3A_260 = arith.extui %sign3A_259 : vector<80x1xi1> to vector<80x1xi32>
      %sign3A_261 = arith.subi %sign3A_256, %sign3A_260 : vector<80x1xi32>
      %sign3A_262 = arith.constant 0 : i32
      %sign3A_263 = arith.cmpi sgt, %jit3A_250, %sign3A_262 : i32
      %sign3A_264 = arith.extui %sign3A_263 : i1 to i32
      %sign3A_265 = arith.constant 0 : i32
      %sign3A_266 = arith.cmpi slt, %jit3A_250, %sign3A_265 : i32
      %sign3A_267 = arith.extui %sign3A_266 : i1 to i32
      %sign3A_268 = arith.subi %sign3A_264, %sign3A_267 : i32
      %ne3A_269 = vector.broadcast %sign3A_268 : i32 to vector<80x1xi32>
      %ne3A_270 = arith.cmpi ne, %sign3A_261, %ne3A_269 : vector<80x1xi32>
      %rem3A_271 = vector.broadcast %jit3A_250 : i32 to vector<80x1xi32>
      %rem3A_272 = arith.remsi %broadcast_in_dim3A_249, %rem3A_271 : vector<80x1xi32>
      %ne3A_273 = arith.constant 0 : i32
      %ne3A_274 = vector.broadcast %ne3A_273 : i32 to vector<80x1xi32>
      %ne3A_275 = arith.cmpi ne, %rem3A_272, %ne3A_274 : vector<80x1xi32>
      %and3A_276 = arith.andi %ne3A_270, %ne3A_275 : vector<80x1xi1>
      %sub3A_277 = arith.constant 1 : i32
      %sub3A_278 = vector.broadcast %sub3A_277 : i32 to vector<80x1xi32>
      %sub3A_279 = arith.subi %div3A_252, %sub3A_278 : vector<80x1xi32>
      %select_n3A_280 = arith.select %and3A_276, %sub3A_279, %div3A_252 : vector<80x1xi1>, vector<80x1xi32>
      %gt3A = arith.constant 0 : i32
      %gt3A_281 = vector.broadcast %gt3A : i32 to vector<80x1xi32>
      %gt3A_282 = arith.cmpi sgt, %broadcast_in_dim3A_238, %gt3A_281 : vector<80x1xi32>
      %lt3A_283 = arith.constant 31 : i32
      %lt3A_284 = vector.broadcast %lt3A_283 : i32 to vector<80x1xi32>
      %lt3A_285 = arith.cmpi slt, %while3A_41, %lt3A_284 : vector<80x1xi32>
      %and3A_286 = arith.andi %gt3A_282, %lt3A_285 : vector<80x1xi1>
      %lt3A_287 = arith.constant 0x7F800000 : f32
      %lt3A_288 = vector.broadcast %lt3A_287 : f32 to vector<80x1xf32>
      %lt3A_289 = arith.cmpf olt, %broadcast_in_dim3A_241, %lt3A_288 : vector<80x1xf32>
      %and3A_290 = arith.andi %and3A_286, %lt3A_289 : vector<80x1xi1>
      %lt3A_291 = arith.constant 16 : i32
      %lt3A_292 = vector.broadcast %lt3A_291 : i32 to vector<80x1xi32>
      %lt3A_293 = arith.cmpi slt, %while3A_41, %lt3A_292 : vector<80x1xi32>
      %and3A_294 = arith.andi %and3A_290, %lt3A_293 : vector<80x1xi1>
      %eq3A_295 = vector.broadcast %while3A_41 : vector<80x1xi32> to vector<80x128xi32>
      %eq3A_296 = arith.cmpi eq, %iota3A_26, %eq3A_295 : vector<80x128xi32>
      %and3A_297 = vector.broadcast %and3A_294 : vector<80x1xi1> to vector<80x128xi1>
      %and3A_298 = arith.andi %and3A_297, %eq3A_296 : vector<80x128xi1>
      %broadcast_in_dim3A_299 = vector.shape_cast %select_n3A_280 : vector<80x1xi32> to vector<80x1xi32>
      %broadcast_in_dim3A_300 = vector.broadcast %broadcast_in_dim3A_299 : vector<80x1xi32> to vector<80x128xi32>
      %select_n3A_301 = arith.select %and3A_298, %broadcast_in_dim3A_300, %while3A_42 : vector<80x128xi1>, vector<80x128xi32>
      %jit3A_302 = arith.constant 2 : i32
      %eq3A_303 = arith.constant 0 : i32
      %eq3A_304 = arith.cmpi eq, %jit3A_302, %eq3A_303 : i32
      %jit3A_305 = arith.constant 1 : i32
      %select_n3A_306 = arith.select %eq3A_304, %jit3A_305, %jit3A_302 : i32
      %rem3A_307 = vector.broadcast %select_n3A_306 : i32 to vector<80x1xi32>
      %rem3A_308 = arith.remsi %while3A_41, %rem3A_307 : vector<80x1xi32>
      %ne3A_309 = arith.constant 0 : i32
      %ne3A_310 = vector.broadcast %ne3A_309 : i32 to vector<80x1xi32>
      %ne3A_311 = arith.cmpi ne, %rem3A_308, %ne3A_310 : vector<80x1xi32>
      %lt3A_312 = arith.constant 0 : i32
      %lt3A_313 = vector.broadcast %lt3A_312 : i32 to vector<80x1xi32>
      %lt3A_314 = arith.cmpi slt, %rem3A_308, %lt3A_313 : vector<80x1xi32>
      %lt3A_315 = arith.constant 0 : i32
      %lt3A_316 = arith.cmpi slt, %select_n3A_306, %lt3A_315 : i32
      %ne3A_317 = vector.broadcast %lt3A_316 : i1 to vector<80x1xi1>
      %ne3A_318 = vector.broadcast %ne3A_317 : vector<80x1xi1> to vector<80x1xi1>
      %ne3A_319 = arith.xori %lt3A_314, %ne3A_318 : vector<80x1xi1>
      %and3A_320 = arith.andi %ne3A_319, %ne3A_311 : vector<80x1xi1>
      %add3A_321 = vector.broadcast %select_n3A_306 : i32 to vector<80x1xi32>
      %add3A_322 = arith.addi %rem3A_308, %add3A_321 : vector<80x1xi32>
      %select_n3A_323 = arith.select %and3A_320, %add3A_322, %rem3A_308 : vector<80x1xi1>, vector<80x1xi32>
      %eq3A_324 = arith.constant 0 : i32
      %eq3A_325 = vector.broadcast %eq3A_324 : i32 to vector<80x1xi32>
      %eq3A_326 = arith.cmpi eq, %select_n3A_323, %eq3A_325 : vector<80x1xi32>
      %and3A_327 = arith.andi %and3A_290, %eq3A_326 : vector<80x1xi1>
      %jit3A_328 = arith.constant 2 : i32
      %div3A_329 = vector.broadcast %jit3A_328 : i32 to vector<80x1xi32>
      %div3A_330 = arith.divsi %while3A_41, %div3A_329 : vector<80x1xi32>
      %sign3A_331 = arith.constant 0 : i32
      %sign3A_332 = vector.broadcast %sign3A_331 : i32 to vector<80x1xi32>
      %sign3A_333 = arith.cmpi sgt, %while3A_41, %sign3A_332 : vector<80x1xi32>
      %sign3A_334 = arith.extui %sign3A_333 : vector<80x1xi1> to vector<80x1xi32>
      %sign3A_335 = arith.constant 0 : i32
      %sign3A_336 = vector.broadcast %sign3A_335 : i32 to vector<80x1xi32>
      %sign3A_337 = arith.cmpi slt, %while3A_41, %sign3A_336 : vector<80x1xi32>
      %sign3A_338 = arith.extui %sign3A_337 : vector<80x1xi1> to vector<80x1xi32>
      %sign3A_339 = arith.subi %sign3A_334, %sign3A_338 : vector<80x1xi32>
      %sign3A_340 = arith.constant 0 : i32
      %sign3A_341 = arith.cmpi sgt, %jit3A_328, %sign3A_340 : i32
      %sign3A_342 = arith.extui %sign3A_341 : i1 to i32
      %sign3A_343 = arith.constant 0 : i32
      %sign3A_344 = arith.cmpi slt, %jit3A_328, %sign3A_343 : i32
      %sign3A_345 = arith.extui %sign3A_344 : i1 to i32
      %sign3A_346 = arith.subi %sign3A_342, %sign3A_345 : i32
      %ne3A_347 = vector.broadcast %sign3A_346 : i32 to vector<80x1xi32>
      %ne3A_348 = arith.cmpi ne, %sign3A_339, %ne3A_347 : vector<80x1xi32>
      %rem3A_349 = vector.broadcast %jit3A_328 : i32 to vector<80x1xi32>
      %rem3A_350 = arith.remsi %while3A_41, %rem3A_349 : vector<80x1xi32>
      %ne3A_351 = arith.constant 0 : i32
      %ne3A_352 = vector.broadcast %ne3A_351 : i32 to vector<80x1xi32>
      %ne3A_353 = arith.cmpi ne, %rem3A_350, %ne3A_352 : vector<80x1xi32>
      %and3A_354 = arith.andi %ne3A_348, %ne3A_353 : vector<80x1xi1>
      %sub3A_355 = arith.constant 1 : i32
      %sub3A_356 = vector.broadcast %sub3A_355 : i32 to vector<80x1xi32>
      %sub3A_357 = arith.subi %div3A_330, %sub3A_356 : vector<80x1xi32>
      %select_n3A_358 = arith.select %and3A_354, %sub3A_357, %div3A_330 : vector<80x1xi1>, vector<80x1xi32>
      %add3A_359 = arith.constant 16 : i32
      %add3A_360 = vector.broadcast %add3A_359 : i32 to vector<80x1xi32>
      %add3A_361 = arith.addi %add3A_360, %select_n3A_358 : vector<80x1xi32>
      %eq3A_362 = vector.broadcast %add3A_361 : vector<80x1xi32> to vector<80x128xi32>
      %eq3A_363 = arith.cmpi eq, %iota3A_26, %eq3A_362 : vector<80x128xi32>
      %and3A_364 = vector.broadcast %and3A_327 : vector<80x1xi1> to vector<80x128xi1>
      %and3A_365 = arith.andi %and3A_364, %eq3A_363 : vector<80x128xi1>
      %broadcast_in_dim3A_366 = vector.shape_cast %select_n3A_280 : vector<80x1xi32> to vector<80x1xi32>
      %broadcast_in_dim3A_367 = vector.broadcast %broadcast_in_dim3A_366 : vector<80x1xi32> to vector<80x128xi32>
      %select_n3A_368 = arith.select %and3A_365, %broadcast_in_dim3A_367, %select_n3A_301 : vector<80x128xi1>, vector<80x128xi32>
      %select_n3A_369 = arith.select %and3A_290, %broadcast_in_dim3A_241, %while3A_39 : vector<80x1xi1>, vector<80x1xf32>
      %select_n3A_370 = arith.select %and3A_290, %select_n3A_280, %while3A_40 : vector<80x1xi1>, vector<80x1xi32>
      %jit3A_371 = arith.constant 8 : i32
      %eq3A_372 = arith.constant 0 : i32
      %eq3A_373 = arith.cmpi eq, %jit3A_371, %eq3A_372 : i32
      %jit3A_374 = arith.constant 1 : i32
      %select_n3A_375 = arith.select %eq3A_373, %jit3A_374, %jit3A_371 : i32
      %rem3A_376 = vector.broadcast %select_n3A_375 : i32 to vector<80x1xi32>
      %rem3A_377 = arith.remsi %broadcast_in_dim3A_249, %rem3A_376 : vector<80x1xi32>
      %ne3A_378 = arith.constant 0 : i32
      %ne3A_379 = vector.broadcast %ne3A_378 : i32 to vector<80x1xi32>
      %ne3A_380 = arith.cmpi ne, %rem3A_377, %ne3A_379 : vector<80x1xi32>
      %lt3A_381 = arith.constant 0 : i32
      %lt3A_382 = vector.broadcast %lt3A_381 : i32 to vector<80x1xi32>
      %lt3A_383 = arith.cmpi slt, %rem3A_377, %lt3A_382 : vector<80x1xi32>
      %lt3A_384 = arith.constant 0 : i32
      %lt3A_385 = arith.cmpi slt, %select_n3A_375, %lt3A_384 : i32
      %ne3A_386 = vector.broadcast %lt3A_385 : i1 to vector<80x1xi1>
      %ne3A_387 = vector.broadcast %ne3A_386 : vector<80x1xi1> to vector<80x1xi1>
      %ne3A_388 = arith.xori %lt3A_383, %ne3A_387 : vector<80x1xi1>
      %and3A_389 = arith.andi %ne3A_388, %ne3A_380 : vector<80x1xi1>
      %add3A_390 = vector.broadcast %select_n3A_375 : i32 to vector<80x1xi32>
      %add3A_391 = arith.addi %rem3A_377, %add3A_390 : vector<80x1xi32>
      %select_n3A_392 = arith.select %and3A_389, %add3A_391, %rem3A_377 : vector<80x1xi1>, vector<80x1xi32>
      %eq3A_393 = arith.constant 5 : i32
      %eq3A_394 = vector.broadcast %eq3A_393 : i32 to vector<80x1xi32>
      %eq3A_395 = arith.cmpi eq, %select_n3A_392, %eq3A_394 : vector<80x1xi32>
      %and3A_396 = arith.andi %and3A_290, %eq3A_395 : vector<80x1xi1>
      %jit3A_397 = arith.constant 0 : i32
      %broadcast_in_dim3A_398 = vector.broadcast %jit3A_397 : i32 to vector<80x1xi32>
      %select_n3A_399 = arith.select %and3A_396, %broadcast_in_dim3A_398, %broadcast_in_dim3A_238 : vector<80x1xi1>, vector<80x1xi32>
      %eq3A_400 = vector.broadcast %broadcast_in_dim3A_249 : vector<80x1xi32> to vector<80x768xi32>
      %eq3A_401 = arith.cmpi eq, %add3A_236, %eq3A_400 : vector<80x768xi32>
      %jit3A_402 = arith.constant 0x7F800000 : f32
      %broadcast_in_dim3A_403 = vector.broadcast %jit3A_402 : f32 to vector<80x768xf32>
      %select_n3A_404 = arith.select %eq3A_401, %broadcast_in_dim3A_403, %concatenate3A : vector<80x768xi1>, vector<80x768xf32>
      %jit3A_405 = arith.constant 1 : i32
      %jit3A_406 = arith.constant 0 : i32
      %broadcast_in_dim3A_407 = vector.broadcast %jit3A_405 : i32 to vector<80x1xi32>
      %broadcast_in_dim3A_408 = vector.broadcast %jit3A_406 : i32 to vector<80x1xi32>
      %select_n3A_409 = arith.select %and3A_290, %broadcast_in_dim3A_407, %broadcast_in_dim3A_408 : vector<80x1xi1>, vector<80x1xi32>
      %add3A_410 = arith.addi %while3A_41, %select_n3A_409 : vector<80x1xi32>
      %reduce_min3A_411 = arith.constant dense<0x7F800000> : vector<80xf32>
      %reduce_min3A_412 = vector.multi_reduction <minimumf>, %select_n3A_404, %reduce_min3A_411 [1] : vector<80x768xf32> to vector<80xf32>
      %broadcast_in_dim3A_413 = vector.shape_cast %reduce_min3A_412 : vector<80xf32> to vector<80x1xf32>
      %eq3A_414 = vector.broadcast %broadcast_in_dim3A_413 : vector<80x1xf32> to vector<80x768xf32>
      %eq3A_415 = arith.cmpf oeq, %select_n3A_404, %eq3A_414 : vector<80x768xf32>
      %jit3A_416 = arith.constant 1073741824 : i32
      %broadcast_in_dim3A_417 = vector.broadcast %jit3A_416 : i32 to vector<80x768xi32>
      %select_n3A_418 = arith.select %eq3A_415, %add3A_236, %broadcast_in_dim3A_417 : vector<80x768xi1>, vector<80x768xi32>
      %reduce_min3A_419 = arith.constant dense<2147483647> : vector<80xi32>
      %reduce_min3A_420 = vector.multi_reduction <minsi>, %select_n3A_418, %reduce_min3A_419 [1] : vector<80x768xi32> to vector<80xi32>
      %broadcast_in_dim3A_421 = vector.shape_cast %reduce_min3A_420 : vector<80xi32> to vector<80x1xi32>
      %jit3A_422 = arith.constant 8 : i32
      %div3A_423 = vector.broadcast %jit3A_422 : i32 to vector<80x1xi32>
      %div3A_424 = arith.divsi %broadcast_in_dim3A_421, %div3A_423 : vector<80x1xi32>
      %sign3A_425 = arith.constant 0 : i32
      %sign3A_426 = vector.broadcast %sign3A_425 : i32 to vector<80x1xi32>
      %sign3A_427 = arith.cmpi sgt, %broadcast_in_dim3A_421, %sign3A_426 : vector<80x1xi32>
      %sign3A_428 = arith.extui %sign3A_427 : vector<80x1xi1> to vector<80x1xi32>
      %sign3A_429 = arith.constant 0 : i32
      %sign3A_430 = vector.broadcast %sign3A_429 : i32 to vector<80x1xi32>
      %sign3A_431 = arith.cmpi slt, %broadcast_in_dim3A_421, %sign3A_430 : vector<80x1xi32>
      %sign3A_432 = arith.extui %sign3A_431 : vector<80x1xi1> to vector<80x1xi32>
      %sign3A_433 = arith.subi %sign3A_428, %sign3A_432 : vector<80x1xi32>
      %sign3A_434 = arith.constant 0 : i32
      %sign3A_435 = arith.cmpi sgt, %jit3A_422, %sign3A_434 : i32
      %sign3A_436 = arith.extui %sign3A_435 : i1 to i32
      %sign3A_437 = arith.constant 0 : i32
      %sign3A_438 = arith.cmpi slt, %jit3A_422, %sign3A_437 : i32
      %sign3A_439 = arith.extui %sign3A_438 : i1 to i32
      %sign3A_440 = arith.subi %sign3A_436, %sign3A_439 : i32
      %ne3A_441 = vector.broadcast %sign3A_440 : i32 to vector<80x1xi32>
      %ne3A_442 = arith.cmpi ne, %sign3A_433, %ne3A_441 : vector<80x1xi32>
      %rem3A_443 = vector.broadcast %jit3A_422 : i32 to vector<80x1xi32>
      %rem3A_444 = arith.remsi %broadcast_in_dim3A_421, %rem3A_443 : vector<80x1xi32>
      %ne3A_445 = arith.constant 0 : i32
      %ne3A_446 = vector.broadcast %ne3A_445 : i32 to vector<80x1xi32>
      %ne3A_447 = arith.cmpi ne, %rem3A_444, %ne3A_446 : vector<80x1xi32>
      %and3A_448 = arith.andi %ne3A_442, %ne3A_447 : vector<80x1xi1>
      %sub3A_449 = arith.constant 1 : i32
      %sub3A_450 = vector.broadcast %sub3A_449 : i32 to vector<80x1xi32>
      %sub3A_451 = arith.subi %div3A_424, %sub3A_450 : vector<80x1xi32>
      %select_n3A_452 = arith.select %and3A_448, %sub3A_451, %div3A_424 : vector<80x1xi1>, vector<80x1xi32>
      %gt3A_453 = arith.constant 0 : i32
      %gt3A_454 = vector.broadcast %gt3A_453 : i32 to vector<80x1xi32>
      %gt3A_455 = arith.cmpi sgt, %select_n3A_399, %gt3A_454 : vector<80x1xi32>
      %lt3A_456 = arith.constant 31 : i32
      %lt3A_457 = vector.broadcast %lt3A_456 : i32 to vector<80x1xi32>
      %lt3A_458 = arith.cmpi slt, %add3A_410, %lt3A_457 : vector<80x1xi32>
      %and3A_459 = arith.andi %gt3A_455, %lt3A_458 : vector<80x1xi1>
      %lt3A_460 = arith.constant 0x7F800000 : f32
      %lt3A_461 = vector.broadcast %lt3A_460 : f32 to vector<80x1xf32>
      %lt3A_462 = arith.cmpf olt, %broadcast_in_dim3A_413, %lt3A_461 : vector<80x1xf32>
      %and3A_463 = arith.andi %and3A_459, %lt3A_462 : vector<80x1xi1>
      %lt3A_464 = arith.constant 16 : i32
      %lt3A_465 = vector.broadcast %lt3A_464 : i32 to vector<80x1xi32>
      %lt3A_466 = arith.cmpi slt, %add3A_410, %lt3A_465 : vector<80x1xi32>
      %and3A_467 = arith.andi %and3A_463, %lt3A_466 : vector<80x1xi1>
      %eq3A_468 = vector.broadcast %add3A_410 : vector<80x1xi32> to vector<80x128xi32>
      %eq3A_469 = arith.cmpi eq, %iota3A_26, %eq3A_468 : vector<80x128xi32>
      %and3A_470 = vector.broadcast %and3A_467 : vector<80x1xi1> to vector<80x128xi1>
      %and3A_471 = arith.andi %and3A_470, %eq3A_469 : vector<80x128xi1>
      %broadcast_in_dim3A_472 = vector.shape_cast %select_n3A_452 : vector<80x1xi32> to vector<80x1xi32>
      %broadcast_in_dim3A_473 = vector.broadcast %broadcast_in_dim3A_472 : vector<80x1xi32> to vector<80x128xi32>
      %select_n3A_474 = arith.select %and3A_471, %broadcast_in_dim3A_473, %select_n3A_368 : vector<80x128xi1>, vector<80x128xi32>
      %jit3A_475 = arith.constant 2 : i32
      %eq3A_476 = arith.constant 0 : i32
      %eq3A_477 = arith.cmpi eq, %jit3A_475, %eq3A_476 : i32
      %jit3A_478 = arith.constant 1 : i32
      %select_n3A_479 = arith.select %eq3A_477, %jit3A_478, %jit3A_475 : i32
      %rem3A_480 = vector.broadcast %select_n3A_479 : i32 to vector<80x1xi32>
      %rem3A_481 = arith.remsi %add3A_410, %rem3A_480 : vector<80x1xi32>
      %ne3A_482 = arith.constant 0 : i32
      %ne3A_483 = vector.broadcast %ne3A_482 : i32 to vector<80x1xi32>
      %ne3A_484 = arith.cmpi ne, %rem3A_481, %ne3A_483 : vector<80x1xi32>
      %lt3A_485 = arith.constant 0 : i32
      %lt3A_486 = vector.broadcast %lt3A_485 : i32 to vector<80x1xi32>
      %lt3A_487 = arith.cmpi slt, %rem3A_481, %lt3A_486 : vector<80x1xi32>
      %lt3A_488 = arith.constant 0 : i32
      %lt3A_489 = arith.cmpi slt, %select_n3A_479, %lt3A_488 : i32
      %ne3A_490 = vector.broadcast %lt3A_489 : i1 to vector<80x1xi1>
      %ne3A_491 = vector.broadcast %ne3A_490 : vector<80x1xi1> to vector<80x1xi1>
      %ne3A_492 = arith.xori %lt3A_487, %ne3A_491 : vector<80x1xi1>
      %and3A_493 = arith.andi %ne3A_492, %ne3A_484 : vector<80x1xi1>
      %add3A_494 = vector.broadcast %select_n3A_479 : i32 to vector<80x1xi32>
      %add3A_495 = arith.addi %rem3A_481, %add3A_494 : vector<80x1xi32>
      %select_n3A_496 = arith.select %and3A_493, %add3A_495, %rem3A_481 : vector<80x1xi1>, vector<80x1xi32>
      %eq3A_497 = arith.constant 0 : i32
      %eq3A_498 = vector.broadcast %eq3A_497 : i32 to vector<80x1xi32>
      %eq3A_499 = arith.cmpi eq, %select_n3A_496, %eq3A_498 : vector<80x1xi32>
      %and3A_500 = arith.andi %and3A_463, %eq3A_499 : vector<80x1xi1>
      %jit3A_501 = arith.constant 2 : i32
      %div3A_502 = vector.broadcast %jit3A_501 : i32 to vector<80x1xi32>
      %div3A_503 = arith.divsi %add3A_410, %div3A_502 : vector<80x1xi32>
      %sign3A_504 = arith.constant 0 : i32
      %sign3A_505 = vector.broadcast %sign3A_504 : i32 to vector<80x1xi32>
      %sign3A_506 = arith.cmpi sgt, %add3A_410, %sign3A_505 : vector<80x1xi32>
      %sign3A_507 = arith.extui %sign3A_506 : vector<80x1xi1> to vector<80x1xi32>
      %sign3A_508 = arith.constant 0 : i32
      %sign3A_509 = vector.broadcast %sign3A_508 : i32 to vector<80x1xi32>
      %sign3A_510 = arith.cmpi slt, %add3A_410, %sign3A_509 : vector<80x1xi32>
      %sign3A_511 = arith.extui %sign3A_510 : vector<80x1xi1> to vector<80x1xi32>
      %sign3A_512 = arith.subi %sign3A_507, %sign3A_511 : vector<80x1xi32>
      %sign3A_513 = arith.constant 0 : i32
      %sign3A_514 = arith.cmpi sgt, %jit3A_501, %sign3A_513 : i32
      %sign3A_515 = arith.extui %sign3A_514 : i1 to i32
      %sign3A_516 = arith.constant 0 : i32
      %sign3A_517 = arith.cmpi slt, %jit3A_501, %sign3A_516 : i32
      %sign3A_518 = arith.extui %sign3A_517 : i1 to i32
      %sign3A_519 = arith.subi %sign3A_515, %sign3A_518 : i32
      %ne3A_520 = vector.broadcast %sign3A_519 : i32 to vector<80x1xi32>
      %ne3A_521 = arith.cmpi ne, %sign3A_512, %ne3A_520 : vector<80x1xi32>
      %rem3A_522 = vector.broadcast %jit3A_501 : i32 to vector<80x1xi32>
      %rem3A_523 = arith.remsi %add3A_410, %rem3A_522 : vector<80x1xi32>
      %ne3A_524 = arith.constant 0 : i32
      %ne3A_525 = vector.broadcast %ne3A_524 : i32 to vector<80x1xi32>
      %ne3A_526 = arith.cmpi ne, %rem3A_523, %ne3A_525 : vector<80x1xi32>
      %and3A_527 = arith.andi %ne3A_521, %ne3A_526 : vector<80x1xi1>
      %sub3A_528 = arith.constant 1 : i32
      %sub3A_529 = vector.broadcast %sub3A_528 : i32 to vector<80x1xi32>
      %sub3A_530 = arith.subi %div3A_503, %sub3A_529 : vector<80x1xi32>
      %select_n3A_531 = arith.select %and3A_527, %sub3A_530, %div3A_503 : vector<80x1xi1>, vector<80x1xi32>
      %add3A_532 = arith.constant 16 : i32
      %add3A_533 = vector.broadcast %add3A_532 : i32 to vector<80x1xi32>
      %add3A_534 = arith.addi %add3A_533, %select_n3A_531 : vector<80x1xi32>
      %eq3A_535 = vector.broadcast %add3A_534 : vector<80x1xi32> to vector<80x128xi32>
      %eq3A_536 = arith.cmpi eq, %iota3A_26, %eq3A_535 : vector<80x128xi32>
      %and3A_537 = vector.broadcast %and3A_500 : vector<80x1xi1> to vector<80x128xi1>
      %and3A_538 = arith.andi %and3A_537, %eq3A_536 : vector<80x128xi1>
      %broadcast_in_dim3A_539 = vector.shape_cast %select_n3A_452 : vector<80x1xi32> to vector<80x1xi32>
      %broadcast_in_dim3A_540 = vector.broadcast %broadcast_in_dim3A_539 : vector<80x1xi32> to vector<80x128xi32>
      %select_n3A_541 = arith.select %and3A_538, %broadcast_in_dim3A_540, %select_n3A_474 : vector<80x128xi1>, vector<80x128xi32>
      %select_n3A_542 = arith.select %and3A_463, %broadcast_in_dim3A_413, %select_n3A_369 : vector<80x1xi1>, vector<80x1xf32>
      %select_n3A_543 = arith.select %and3A_463, %select_n3A_452, %select_n3A_370 : vector<80x1xi1>, vector<80x1xi32>
      %jit3A_544 = arith.constant 8 : i32
      %eq3A_545 = arith.constant 0 : i32
      %eq3A_546 = arith.cmpi eq, %jit3A_544, %eq3A_545 : i32
      %jit3A_547 = arith.constant 1 : i32
      %select_n3A_548 = arith.select %eq3A_546, %jit3A_547, %jit3A_544 : i32
      %rem3A_549 = vector.broadcast %select_n3A_548 : i32 to vector<80x1xi32>
      %rem3A_550 = arith.remsi %broadcast_in_dim3A_421, %rem3A_549 : vector<80x1xi32>
      %ne3A_551 = arith.constant 0 : i32
      %ne3A_552 = vector.broadcast %ne3A_551 : i32 to vector<80x1xi32>
      %ne3A_553 = arith.cmpi ne, %rem3A_550, %ne3A_552 : vector<80x1xi32>
      %lt3A_554 = arith.constant 0 : i32
      %lt3A_555 = vector.broadcast %lt3A_554 : i32 to vector<80x1xi32>
      %lt3A_556 = arith.cmpi slt, %rem3A_550, %lt3A_555 : vector<80x1xi32>
      %lt3A_557 = arith.constant 0 : i32
      %lt3A_558 = arith.cmpi slt, %select_n3A_548, %lt3A_557 : i32
      %ne3A_559 = vector.broadcast %lt3A_558 : i1 to vector<80x1xi1>
      %ne3A_560 = vector.broadcast %ne3A_559 : vector<80x1xi1> to vector<80x1xi1>
      %ne3A_561 = arith.xori %lt3A_556, %ne3A_560 : vector<80x1xi1>
      %and3A_562 = arith.andi %ne3A_561, %ne3A_553 : vector<80x1xi1>
      %add3A_563 = vector.broadcast %select_n3A_548 : i32 to vector<80x1xi32>
      %add3A_564 = arith.addi %rem3A_550, %add3A_563 : vector<80x1xi32>
      %select_n3A_565 = arith.select %and3A_562, %add3A_564, %rem3A_550 : vector<80x1xi1>, vector<80x1xi32>
      %eq3A_566 = arith.constant 5 : i32
      %eq3A_567 = vector.broadcast %eq3A_566 : i32 to vector<80x1xi32>
      %eq3A_568 = arith.cmpi eq, %select_n3A_565, %eq3A_567 : vector<80x1xi32>
      %and3A_569 = arith.andi %and3A_463, %eq3A_568 : vector<80x1xi1>
      %jit3A_570 = arith.constant 0 : i32
      %broadcast_in_dim3A_571 = vector.broadcast %jit3A_570 : i32 to vector<80x1xi32>
      %select_n3A_572 = arith.select %and3A_569, %broadcast_in_dim3A_571, %select_n3A_399 : vector<80x1xi1>, vector<80x1xi32>
      %eq3A_573 = vector.broadcast %broadcast_in_dim3A_421 : vector<80x1xi32> to vector<80x768xi32>
      %eq3A_574 = arith.cmpi eq, %add3A_236, %eq3A_573 : vector<80x768xi32>
      %jit3A_575 = arith.constant 0x7F800000 : f32
      %broadcast_in_dim3A_576 = vector.broadcast %jit3A_575 : f32 to vector<80x768xf32>
      %select_n3A_577 = arith.select %eq3A_574, %broadcast_in_dim3A_576, %select_n3A_404 : vector<80x768xi1>, vector<80x768xf32>
      %jit3A_578 = arith.constant 1 : i32
      %jit3A_579 = arith.constant 0 : i32
      %broadcast_in_dim3A_580 = vector.broadcast %jit3A_578 : i32 to vector<80x1xi32>
      %broadcast_in_dim3A_581 = vector.broadcast %jit3A_579 : i32 to vector<80x1xi32>
      %select_n3A_582 = arith.select %and3A_463, %broadcast_in_dim3A_580, %broadcast_in_dim3A_581 : vector<80x1xi1>, vector<80x1xi32>
      %add3A_583 = arith.addi %add3A_410, %select_n3A_582 : vector<80x1xi32>
      %reduce_min3A_584 = arith.constant dense<0x7F800000> : vector<80xf32>
      %reduce_min3A_585 = vector.multi_reduction <minimumf>, %select_n3A_577, %reduce_min3A_584 [1] : vector<80x768xf32> to vector<80xf32>
      %broadcast_in_dim3A_586 = vector.shape_cast %reduce_min3A_585 : vector<80xf32> to vector<80x1xf32>
      %eq3A_587 = vector.broadcast %broadcast_in_dim3A_586 : vector<80x1xf32> to vector<80x768xf32>
      %eq3A_588 = arith.cmpf oeq, %select_n3A_577, %eq3A_587 : vector<80x768xf32>
      %jit3A_589 = arith.constant 1073741824 : i32
      %broadcast_in_dim3A_590 = vector.broadcast %jit3A_589 : i32 to vector<80x768xi32>
      %select_n3A_591 = arith.select %eq3A_588, %add3A_236, %broadcast_in_dim3A_590 : vector<80x768xi1>, vector<80x768xi32>
      %reduce_min3A_592 = arith.constant dense<2147483647> : vector<80xi32>
      %reduce_min3A_593 = vector.multi_reduction <minsi>, %select_n3A_591, %reduce_min3A_592 [1] : vector<80x768xi32> to vector<80xi32>
      %broadcast_in_dim3A_594 = vector.shape_cast %reduce_min3A_593 : vector<80xi32> to vector<80x1xi32>
      %jit3A_595 = arith.constant 8 : i32
      %div3A_596 = vector.broadcast %jit3A_595 : i32 to vector<80x1xi32>
      %div3A_597 = arith.divsi %broadcast_in_dim3A_594, %div3A_596 : vector<80x1xi32>
      %sign3A_598 = arith.constant 0 : i32
      %sign3A_599 = vector.broadcast %sign3A_598 : i32 to vector<80x1xi32>
      %sign3A_600 = arith.cmpi sgt, %broadcast_in_dim3A_594, %sign3A_599 : vector<80x1xi32>
      %sign3A_601 = arith.extui %sign3A_600 : vector<80x1xi1> to vector<80x1xi32>
      %sign3A_602 = arith.constant 0 : i32
      %sign3A_603 = vector.broadcast %sign3A_602 : i32 to vector<80x1xi32>
      %sign3A_604 = arith.cmpi slt, %broadcast_in_dim3A_594, %sign3A_603 : vector<80x1xi32>
      %sign3A_605 = arith.extui %sign3A_604 : vector<80x1xi1> to vector<80x1xi32>
      %sign3A_606 = arith.subi %sign3A_601, %sign3A_605 : vector<80x1xi32>
      %sign3A_607 = arith.constant 0 : i32
      %sign3A_608 = arith.cmpi sgt, %jit3A_595, %sign3A_607 : i32
      %sign3A_609 = arith.extui %sign3A_608 : i1 to i32
      %sign3A_610 = arith.constant 0 : i32
      %sign3A_611 = arith.cmpi slt, %jit3A_595, %sign3A_610 : i32
      %sign3A_612 = arith.extui %sign3A_611 : i1 to i32
      %sign3A_613 = arith.subi %sign3A_609, %sign3A_612 : i32
      %ne3A_614 = vector.broadcast %sign3A_613 : i32 to vector<80x1xi32>
      %ne3A_615 = arith.cmpi ne, %sign3A_606, %ne3A_614 : vector<80x1xi32>
      %rem3A_616 = vector.broadcast %jit3A_595 : i32 to vector<80x1xi32>
      %rem3A_617 = arith.remsi %broadcast_in_dim3A_594, %rem3A_616 : vector<80x1xi32>
      %ne3A_618 = arith.constant 0 : i32
      %ne3A_619 = vector.broadcast %ne3A_618 : i32 to vector<80x1xi32>
      %ne3A_620 = arith.cmpi ne, %rem3A_617, %ne3A_619 : vector<80x1xi32>
      %and3A_621 = arith.andi %ne3A_615, %ne3A_620 : vector<80x1xi1>
      %sub3A_622 = arith.constant 1 : i32
      %sub3A_623 = vector.broadcast %sub3A_622 : i32 to vector<80x1xi32>
      %sub3A_624 = arith.subi %div3A_597, %sub3A_623 : vector<80x1xi32>
      %select_n3A_625 = arith.select %and3A_621, %sub3A_624, %div3A_597 : vector<80x1xi1>, vector<80x1xi32>
      %gt3A_626 = arith.constant 0 : i32
      %gt3A_627 = vector.broadcast %gt3A_626 : i32 to vector<80x1xi32>
      %gt3A_628 = arith.cmpi sgt, %select_n3A_572, %gt3A_627 : vector<80x1xi32>
      %lt3A_629 = arith.constant 31 : i32
      %lt3A_630 = vector.broadcast %lt3A_629 : i32 to vector<80x1xi32>
      %lt3A_631 = arith.cmpi slt, %add3A_583, %lt3A_630 : vector<80x1xi32>
      %and3A_632 = arith.andi %gt3A_628, %lt3A_631 : vector<80x1xi1>
      %lt3A_633 = arith.constant 0x7F800000 : f32
      %lt3A_634 = vector.broadcast %lt3A_633 : f32 to vector<80x1xf32>
      %lt3A_635 = arith.cmpf olt, %broadcast_in_dim3A_586, %lt3A_634 : vector<80x1xf32>
      %and3A_636 = arith.andi %and3A_632, %lt3A_635 : vector<80x1xi1>
      %lt3A_637 = arith.constant 16 : i32
      %lt3A_638 = vector.broadcast %lt3A_637 : i32 to vector<80x1xi32>
      %lt3A_639 = arith.cmpi slt, %add3A_583, %lt3A_638 : vector<80x1xi32>
      %and3A_640 = arith.andi %and3A_636, %lt3A_639 : vector<80x1xi1>
      %eq3A_641 = vector.broadcast %add3A_583 : vector<80x1xi32> to vector<80x128xi32>
      %eq3A_642 = arith.cmpi eq, %iota3A_26, %eq3A_641 : vector<80x128xi32>
      %and3A_643 = vector.broadcast %and3A_640 : vector<80x1xi1> to vector<80x128xi1>
      %and3A_644 = arith.andi %and3A_643, %eq3A_642 : vector<80x128xi1>
      %broadcast_in_dim3A_645 = vector.shape_cast %select_n3A_625 : vector<80x1xi32> to vector<80x1xi32>
      %broadcast_in_dim3A_646 = vector.broadcast %broadcast_in_dim3A_645 : vector<80x1xi32> to vector<80x128xi32>
      %select_n3A_647 = arith.select %and3A_644, %broadcast_in_dim3A_646, %select_n3A_541 : vector<80x128xi1>, vector<80x128xi32>
      %jit3A_648 = arith.constant 2 : i32
      %eq3A_649 = arith.constant 0 : i32
      %eq3A_650 = arith.cmpi eq, %jit3A_648, %eq3A_649 : i32
      %jit3A_651 = arith.constant 1 : i32
      %select_n3A_652 = arith.select %eq3A_650, %jit3A_651, %jit3A_648 : i32
      %rem3A_653 = vector.broadcast %select_n3A_652 : i32 to vector<80x1xi32>
      %rem3A_654 = arith.remsi %add3A_583, %rem3A_653 : vector<80x1xi32>
      %ne3A_655 = arith.constant 0 : i32
      %ne3A_656 = vector.broadcast %ne3A_655 : i32 to vector<80x1xi32>
      %ne3A_657 = arith.cmpi ne, %rem3A_654, %ne3A_656 : vector<80x1xi32>
      %lt3A_658 = arith.constant 0 : i32
      %lt3A_659 = vector.broadcast %lt3A_658 : i32 to vector<80x1xi32>
      %lt3A_660 = arith.cmpi slt, %rem3A_654, %lt3A_659 : vector<80x1xi32>
      %lt3A_661 = arith.constant 0 : i32
      %lt3A_662 = arith.cmpi slt, %select_n3A_652, %lt3A_661 : i32
      %ne3A_663 = vector.broadcast %lt3A_662 : i1 to vector<80x1xi1>
      %ne3A_664 = vector.broadcast %ne3A_663 : vector<80x1xi1> to vector<80x1xi1>
      %ne3A_665 = arith.xori %lt3A_660, %ne3A_664 : vector<80x1xi1>
      %and3A_666 = arith.andi %ne3A_665, %ne3A_657 : vector<80x1xi1>
      %add3A_667 = vector.broadcast %select_n3A_652 : i32 to vector<80x1xi32>
      %add3A_668 = arith.addi %rem3A_654, %add3A_667 : vector<80x1xi32>
      %select_n3A_669 = arith.select %and3A_666, %add3A_668, %rem3A_654 : vector<80x1xi1>, vector<80x1xi32>
      %eq3A_670 = arith.constant 0 : i32
      %eq3A_671 = vector.broadcast %eq3A_670 : i32 to vector<80x1xi32>
      %eq3A_672 = arith.cmpi eq, %select_n3A_669, %eq3A_671 : vector<80x1xi32>
      %and3A_673 = arith.andi %and3A_636, %eq3A_672 : vector<80x1xi1>
      %jit3A_674 = arith.constant 2 : i32
      %div3A_675 = vector.broadcast %jit3A_674 : i32 to vector<80x1xi32>
      %div3A_676 = arith.divsi %add3A_583, %div3A_675 : vector<80x1xi32>
      %sign3A_677 = arith.constant 0 : i32
      %sign3A_678 = vector.broadcast %sign3A_677 : i32 to vector<80x1xi32>
      %sign3A_679 = arith.cmpi sgt, %add3A_583, %sign3A_678 : vector<80x1xi32>
      %sign3A_680 = arith.extui %sign3A_679 : vector<80x1xi1> to vector<80x1xi32>
      %sign3A_681 = arith.constant 0 : i32
      %sign3A_682 = vector.broadcast %sign3A_681 : i32 to vector<80x1xi32>
      %sign3A_683 = arith.cmpi slt, %add3A_583, %sign3A_682 : vector<80x1xi32>
      %sign3A_684 = arith.extui %sign3A_683 : vector<80x1xi1> to vector<80x1xi32>
      %sign3A_685 = arith.subi %sign3A_680, %sign3A_684 : vector<80x1xi32>
      %sign3A_686 = arith.constant 0 : i32
      %sign3A_687 = arith.cmpi sgt, %jit3A_674, %sign3A_686 : i32
      %sign3A_688 = arith.extui %sign3A_687 : i1 to i32
      %sign3A_689 = arith.constant 0 : i32
      %sign3A_690 = arith.cmpi slt, %jit3A_674, %sign3A_689 : i32
      %sign3A_691 = arith.extui %sign3A_690 : i1 to i32
      %sign3A_692 = arith.subi %sign3A_688, %sign3A_691 : i32
      %ne3A_693 = vector.broadcast %sign3A_692 : i32 to vector<80x1xi32>
      %ne3A_694 = arith.cmpi ne, %sign3A_685, %ne3A_693 : vector<80x1xi32>
      %rem3A_695 = vector.broadcast %jit3A_674 : i32 to vector<80x1xi32>
      %rem3A_696 = arith.remsi %add3A_583, %rem3A_695 : vector<80x1xi32>
      %ne3A_697 = arith.constant 0 : i32
      %ne3A_698 = vector.broadcast %ne3A_697 : i32 to vector<80x1xi32>
      %ne3A_699 = arith.cmpi ne, %rem3A_696, %ne3A_698 : vector<80x1xi32>
      %and3A_700 = arith.andi %ne3A_694, %ne3A_699 : vector<80x1xi1>
      %sub3A_701 = arith.constant 1 : i32
      %sub3A_702 = vector.broadcast %sub3A_701 : i32 to vector<80x1xi32>
      %sub3A_703 = arith.subi %div3A_676, %sub3A_702 : vector<80x1xi32>
      %select_n3A_704 = arith.select %and3A_700, %sub3A_703, %div3A_676 : vector<80x1xi1>, vector<80x1xi32>
      %add3A_705 = arith.constant 16 : i32
      %add3A_706 = vector.broadcast %add3A_705 : i32 to vector<80x1xi32>
      %add3A_707 = arith.addi %add3A_706, %select_n3A_704 : vector<80x1xi32>
      %eq3A_708 = vector.broadcast %add3A_707 : vector<80x1xi32> to vector<80x128xi32>
      %eq3A_709 = arith.cmpi eq, %iota3A_26, %eq3A_708 : vector<80x128xi32>
      %and3A_710 = vector.broadcast %and3A_673 : vector<80x1xi1> to vector<80x128xi1>
      %and3A_711 = arith.andi %and3A_710, %eq3A_709 : vector<80x128xi1>
      %broadcast_in_dim3A_712 = vector.shape_cast %select_n3A_625 : vector<80x1xi32> to vector<80x1xi32>
      %broadcast_in_dim3A_713 = vector.broadcast %broadcast_in_dim3A_712 : vector<80x1xi32> to vector<80x128xi32>
      %select_n3A_714 = arith.select %and3A_711, %broadcast_in_dim3A_713, %select_n3A_647 : vector<80x128xi1>, vector<80x128xi32>
      %select_n3A_715 = arith.select %and3A_636, %broadcast_in_dim3A_586, %select_n3A_542 : vector<80x1xi1>, vector<80x1xf32>
      %select_n3A_716 = arith.select %and3A_636, %select_n3A_625, %select_n3A_543 : vector<80x1xi1>, vector<80x1xi32>
      %jit3A_717 = arith.constant 8 : i32
      %eq3A_718 = arith.constant 0 : i32
      %eq3A_719 = arith.cmpi eq, %jit3A_717, %eq3A_718 : i32
      %jit3A_720 = arith.constant 1 : i32
      %select_n3A_721 = arith.select %eq3A_719, %jit3A_720, %jit3A_717 : i32
      %rem3A_722 = vector.broadcast %select_n3A_721 : i32 to vector<80x1xi32>
      %rem3A_723 = arith.remsi %broadcast_in_dim3A_594, %rem3A_722 : vector<80x1xi32>
      %ne3A_724 = arith.constant 0 : i32
      %ne3A_725 = vector.broadcast %ne3A_724 : i32 to vector<80x1xi32>
      %ne3A_726 = arith.cmpi ne, %rem3A_723, %ne3A_725 : vector<80x1xi32>
      %lt3A_727 = arith.constant 0 : i32
      %lt3A_728 = vector.broadcast %lt3A_727 : i32 to vector<80x1xi32>
      %lt3A_729 = arith.cmpi slt, %rem3A_723, %lt3A_728 : vector<80x1xi32>
      %lt3A_730 = arith.constant 0 : i32
      %lt3A_731 = arith.cmpi slt, %select_n3A_721, %lt3A_730 : i32
      %ne3A_732 = vector.broadcast %lt3A_731 : i1 to vector<80x1xi1>
      %ne3A_733 = vector.broadcast %ne3A_732 : vector<80x1xi1> to vector<80x1xi1>
      %ne3A_734 = arith.xori %lt3A_729, %ne3A_733 : vector<80x1xi1>
      %and3A_735 = arith.andi %ne3A_734, %ne3A_726 : vector<80x1xi1>
      %add3A_736 = vector.broadcast %select_n3A_721 : i32 to vector<80x1xi32>
      %add3A_737 = arith.addi %rem3A_723, %add3A_736 : vector<80x1xi32>
      %select_n3A_738 = arith.select %and3A_735, %add3A_737, %rem3A_723 : vector<80x1xi1>, vector<80x1xi32>
      %eq3A_739 = arith.constant 5 : i32
      %eq3A_740 = vector.broadcast %eq3A_739 : i32 to vector<80x1xi32>
      %eq3A_741 = arith.cmpi eq, %select_n3A_738, %eq3A_740 : vector<80x1xi32>
      %and3A_742 = arith.andi %and3A_636, %eq3A_741 : vector<80x1xi1>
      %jit3A_743 = arith.constant 0 : i32
      %broadcast_in_dim3A_744 = vector.broadcast %jit3A_743 : i32 to vector<80x1xi32>
      %select_n3A_745 = arith.select %and3A_742, %broadcast_in_dim3A_744, %select_n3A_572 : vector<80x1xi1>, vector<80x1xi32>
      %eq3A_746 = vector.broadcast %broadcast_in_dim3A_594 : vector<80x1xi32> to vector<80x768xi32>
      %eq3A_747 = arith.cmpi eq, %add3A_236, %eq3A_746 : vector<80x768xi32>
      %jit3A_748 = arith.constant 0x7F800000 : f32
      %broadcast_in_dim3A_749 = vector.broadcast %jit3A_748 : f32 to vector<80x768xf32>
      %select_n3A_750 = arith.select %eq3A_747, %broadcast_in_dim3A_749, %select_n3A_577 : vector<80x768xi1>, vector<80x768xf32>
      %jit3A_751 = arith.constant 1 : i32
      %jit3A_752 = arith.constant 0 : i32
      %broadcast_in_dim3A_753 = vector.broadcast %jit3A_751 : i32 to vector<80x1xi32>
      %broadcast_in_dim3A_754 = vector.broadcast %jit3A_752 : i32 to vector<80x1xi32>
      %select_n3A_755 = arith.select %and3A_636, %broadcast_in_dim3A_753, %broadcast_in_dim3A_754 : vector<80x1xi1>, vector<80x1xi32>
      %add3A_756 = arith.addi %add3A_583, %select_n3A_755 : vector<80x1xi32>
      %reduce_min3A_757 = arith.constant dense<0x7F800000> : vector<80xf32>
      %reduce_min3A_758 = vector.multi_reduction <minimumf>, %select_n3A_750, %reduce_min3A_757 [1] : vector<80x768xf32> to vector<80xf32>
      %broadcast_in_dim3A_759 = vector.shape_cast %reduce_min3A_758 : vector<80xf32> to vector<80x1xf32>
      %eq3A_760 = vector.broadcast %broadcast_in_dim3A_759 : vector<80x1xf32> to vector<80x768xf32>
      %eq3A_761 = arith.cmpf oeq, %select_n3A_750, %eq3A_760 : vector<80x768xf32>
      %jit3A_762 = arith.constant 1073741824 : i32
      %broadcast_in_dim3A_763 = vector.broadcast %jit3A_762 : i32 to vector<80x768xi32>
      %select_n3A_764 = arith.select %eq3A_761, %add3A_236, %broadcast_in_dim3A_763 : vector<80x768xi1>, vector<80x768xi32>
      %reduce_min3A_765 = arith.constant dense<2147483647> : vector<80xi32>
      %reduce_min3A_766 = vector.multi_reduction <minsi>, %select_n3A_764, %reduce_min3A_765 [1] : vector<80x768xi32> to vector<80xi32>
      %broadcast_in_dim3A_767 = vector.shape_cast %reduce_min3A_766 : vector<80xi32> to vector<80x1xi32>
      %jit3A_768 = arith.constant 8 : i32
      %div3A_769 = vector.broadcast %jit3A_768 : i32 to vector<80x1xi32>
      %div3A_770 = arith.divsi %broadcast_in_dim3A_767, %div3A_769 : vector<80x1xi32>
      %sign3A_771 = arith.constant 0 : i32
      %sign3A_772 = vector.broadcast %sign3A_771 : i32 to vector<80x1xi32>
      %sign3A_773 = arith.cmpi sgt, %broadcast_in_dim3A_767, %sign3A_772 : vector<80x1xi32>
      %sign3A_774 = arith.extui %sign3A_773 : vector<80x1xi1> to vector<80x1xi32>
      %sign3A_775 = arith.constant 0 : i32
      %sign3A_776 = vector.broadcast %sign3A_775 : i32 to vector<80x1xi32>
      %sign3A_777 = arith.cmpi slt, %broadcast_in_dim3A_767, %sign3A_776 : vector<80x1xi32>
      %sign3A_778 = arith.extui %sign3A_777 : vector<80x1xi1> to vector<80x1xi32>
      %sign3A_779 = arith.subi %sign3A_774, %sign3A_778 : vector<80x1xi32>
      %sign3A_780 = arith.constant 0 : i32
      %sign3A_781 = arith.cmpi sgt, %jit3A_768, %sign3A_780 : i32
      %sign3A_782 = arith.extui %sign3A_781 : i1 to i32
      %sign3A_783 = arith.constant 0 : i32
      %sign3A_784 = arith.cmpi slt, %jit3A_768, %sign3A_783 : i32
      %sign3A_785 = arith.extui %sign3A_784 : i1 to i32
      %sign3A_786 = arith.subi %sign3A_782, %sign3A_785 : i32
      %ne3A_787 = vector.broadcast %sign3A_786 : i32 to vector<80x1xi32>
      %ne3A_788 = arith.cmpi ne, %sign3A_779, %ne3A_787 : vector<80x1xi32>
      %rem3A_789 = vector.broadcast %jit3A_768 : i32 to vector<80x1xi32>
      %rem3A_790 = arith.remsi %broadcast_in_dim3A_767, %rem3A_789 : vector<80x1xi32>
      %ne3A_791 = arith.constant 0 : i32
      %ne3A_792 = vector.broadcast %ne3A_791 : i32 to vector<80x1xi32>
      %ne3A_793 = arith.cmpi ne, %rem3A_790, %ne3A_792 : vector<80x1xi32>
      %and3A_794 = arith.andi %ne3A_788, %ne3A_793 : vector<80x1xi1>
      %sub3A_795 = arith.constant 1 : i32
      %sub3A_796 = vector.broadcast %sub3A_795 : i32 to vector<80x1xi32>
      %sub3A_797 = arith.subi %div3A_770, %sub3A_796 : vector<80x1xi32>
      %select_n3A_798 = arith.select %and3A_794, %sub3A_797, %div3A_770 : vector<80x1xi1>, vector<80x1xi32>
      %gt3A_799 = arith.constant 0 : i32
      %gt3A_800 = vector.broadcast %gt3A_799 : i32 to vector<80x1xi32>
      %gt3A_801 = arith.cmpi sgt, %select_n3A_745, %gt3A_800 : vector<80x1xi32>
      %lt3A_802 = arith.constant 31 : i32
      %lt3A_803 = vector.broadcast %lt3A_802 : i32 to vector<80x1xi32>
      %lt3A_804 = arith.cmpi slt, %add3A_756, %lt3A_803 : vector<80x1xi32>
      %and3A_805 = arith.andi %gt3A_801, %lt3A_804 : vector<80x1xi1>
      %lt3A_806 = arith.constant 0x7F800000 : f32
      %lt3A_807 = vector.broadcast %lt3A_806 : f32 to vector<80x1xf32>
      %lt3A_808 = arith.cmpf olt, %broadcast_in_dim3A_759, %lt3A_807 : vector<80x1xf32>
      %and3A_809 = arith.andi %and3A_805, %lt3A_808 : vector<80x1xi1>
      %lt3A_810 = arith.constant 16 : i32
      %lt3A_811 = vector.broadcast %lt3A_810 : i32 to vector<80x1xi32>
      %lt3A_812 = arith.cmpi slt, %add3A_756, %lt3A_811 : vector<80x1xi32>
      %and3A_813 = arith.andi %and3A_809, %lt3A_812 : vector<80x1xi1>
      %eq3A_814 = vector.broadcast %add3A_756 : vector<80x1xi32> to vector<80x128xi32>
      %eq3A_815 = arith.cmpi eq, %iota3A_26, %eq3A_814 : vector<80x128xi32>
      %and3A_816 = vector.broadcast %and3A_813 : vector<80x1xi1> to vector<80x128xi1>
      %and3A_817 = arith.andi %and3A_816, %eq3A_815 : vector<80x128xi1>
      %broadcast_in_dim3A_818 = vector.shape_cast %select_n3A_798 : vector<80x1xi32> to vector<80x1xi32>
      %broadcast_in_dim3A_819 = vector.broadcast %broadcast_in_dim3A_818 : vector<80x1xi32> to vector<80x128xi32>
      %select_n3A_820 = arith.select %and3A_817, %broadcast_in_dim3A_819, %select_n3A_714 : vector<80x128xi1>, vector<80x128xi32>
      %jit3A_821 = arith.constant 2 : i32
      %eq3A_822 = arith.constant 0 : i32
      %eq3A_823 = arith.cmpi eq, %jit3A_821, %eq3A_822 : i32
      %jit3A_824 = arith.constant 1 : i32
      %select_n3A_825 = arith.select %eq3A_823, %jit3A_824, %jit3A_821 : i32
      %rem3A_826 = vector.broadcast %select_n3A_825 : i32 to vector<80x1xi32>
      %rem3A_827 = arith.remsi %add3A_756, %rem3A_826 : vector<80x1xi32>
      %ne3A_828 = arith.constant 0 : i32
      %ne3A_829 = vector.broadcast %ne3A_828 : i32 to vector<80x1xi32>
      %ne3A_830 = arith.cmpi ne, %rem3A_827, %ne3A_829 : vector<80x1xi32>
      %lt3A_831 = arith.constant 0 : i32
      %lt3A_832 = vector.broadcast %lt3A_831 : i32 to vector<80x1xi32>
      %lt3A_833 = arith.cmpi slt, %rem3A_827, %lt3A_832 : vector<80x1xi32>
      %lt3A_834 = arith.constant 0 : i32
      %lt3A_835 = arith.cmpi slt, %select_n3A_825, %lt3A_834 : i32
      %ne3A_836 = vector.broadcast %lt3A_835 : i1 to vector<80x1xi1>
      %ne3A_837 = vector.broadcast %ne3A_836 : vector<80x1xi1> to vector<80x1xi1>
      %ne3A_838 = arith.xori %lt3A_833, %ne3A_837 : vector<80x1xi1>
      %and3A_839 = arith.andi %ne3A_838, %ne3A_830 : vector<80x1xi1>
      %add3A_840 = vector.broadcast %select_n3A_825 : i32 to vector<80x1xi32>
      %add3A_841 = arith.addi %rem3A_827, %add3A_840 : vector<80x1xi32>
      %select_n3A_842 = arith.select %and3A_839, %add3A_841, %rem3A_827 : vector<80x1xi1>, vector<80x1xi32>
      %eq3A_843 = arith.constant 0 : i32
      %eq3A_844 = vector.broadcast %eq3A_843 : i32 to vector<80x1xi32>
      %eq3A_845 = arith.cmpi eq, %select_n3A_842, %eq3A_844 : vector<80x1xi32>
      %and3A_846 = arith.andi %and3A_809, %eq3A_845 : vector<80x1xi1>
      %jit3A_847 = arith.constant 2 : i32
      %div3A_848 = vector.broadcast %jit3A_847 : i32 to vector<80x1xi32>
      %div3A_849 = arith.divsi %add3A_756, %div3A_848 : vector<80x1xi32>
      %sign3A_850 = arith.constant 0 : i32
      %sign3A_851 = vector.broadcast %sign3A_850 : i32 to vector<80x1xi32>
      %sign3A_852 = arith.cmpi sgt, %add3A_756, %sign3A_851 : vector<80x1xi32>
      %sign3A_853 = arith.extui %sign3A_852 : vector<80x1xi1> to vector<80x1xi32>
      %sign3A_854 = arith.constant 0 : i32
      %sign3A_855 = vector.broadcast %sign3A_854 : i32 to vector<80x1xi32>
      %sign3A_856 = arith.cmpi slt, %add3A_756, %sign3A_855 : vector<80x1xi32>
      %sign3A_857 = arith.extui %sign3A_856 : vector<80x1xi1> to vector<80x1xi32>
      %sign3A_858 = arith.subi %sign3A_853, %sign3A_857 : vector<80x1xi32>
      %sign3A_859 = arith.constant 0 : i32
      %sign3A_860 = arith.cmpi sgt, %jit3A_847, %sign3A_859 : i32
      %sign3A_861 = arith.extui %sign3A_860 : i1 to i32
      %sign3A_862 = arith.constant 0 : i32
      %sign3A_863 = arith.cmpi slt, %jit3A_847, %sign3A_862 : i32
      %sign3A_864 = arith.extui %sign3A_863 : i1 to i32
      %sign3A_865 = arith.subi %sign3A_861, %sign3A_864 : i32
      %ne3A_866 = vector.broadcast %sign3A_865 : i32 to vector<80x1xi32>
      %ne3A_867 = arith.cmpi ne, %sign3A_858, %ne3A_866 : vector<80x1xi32>
      %rem3A_868 = vector.broadcast %jit3A_847 : i32 to vector<80x1xi32>
      %rem3A_869 = arith.remsi %add3A_756, %rem3A_868 : vector<80x1xi32>
      %ne3A_870 = arith.constant 0 : i32
      %ne3A_871 = vector.broadcast %ne3A_870 : i32 to vector<80x1xi32>
      %ne3A_872 = arith.cmpi ne, %rem3A_869, %ne3A_871 : vector<80x1xi32>
      %and3A_873 = arith.andi %ne3A_867, %ne3A_872 : vector<80x1xi1>
      %sub3A_874 = arith.constant 1 : i32
      %sub3A_875 = vector.broadcast %sub3A_874 : i32 to vector<80x1xi32>
      %sub3A_876 = arith.subi %div3A_849, %sub3A_875 : vector<80x1xi32>
      %select_n3A_877 = arith.select %and3A_873, %sub3A_876, %div3A_849 : vector<80x1xi1>, vector<80x1xi32>
      %add3A_878 = arith.constant 16 : i32
      %add3A_879 = vector.broadcast %add3A_878 : i32 to vector<80x1xi32>
      %add3A_880 = arith.addi %add3A_879, %select_n3A_877 : vector<80x1xi32>
      %eq3A_881 = vector.broadcast %add3A_880 : vector<80x1xi32> to vector<80x128xi32>
      %eq3A_882 = arith.cmpi eq, %iota3A_26, %eq3A_881 : vector<80x128xi32>
      %and3A_883 = vector.broadcast %and3A_846 : vector<80x1xi1> to vector<80x128xi1>
      %and3A_884 = arith.andi %and3A_883, %eq3A_882 : vector<80x128xi1>
      %broadcast_in_dim3A_885 = vector.shape_cast %select_n3A_798 : vector<80x1xi32> to vector<80x1xi32>
      %broadcast_in_dim3A_886 = vector.broadcast %broadcast_in_dim3A_885 : vector<80x1xi32> to vector<80x128xi32>
      %select_n3A_887 = arith.select %and3A_884, %broadcast_in_dim3A_886, %select_n3A_820 : vector<80x128xi1>, vector<80x128xi32>
      %select_n3A_888 = arith.select %and3A_809, %broadcast_in_dim3A_759, %select_n3A_715 : vector<80x1xi1>, vector<80x1xf32>
      %select_n3A_889 = arith.select %and3A_809, %select_n3A_798, %select_n3A_716 : vector<80x1xi1>, vector<80x1xi32>
      %jit3A_890 = arith.constant 8 : i32
      %eq3A_891 = arith.constant 0 : i32
      %eq3A_892 = arith.cmpi eq, %jit3A_890, %eq3A_891 : i32
      %jit3A_893 = arith.constant 1 : i32
      %select_n3A_894 = arith.select %eq3A_892, %jit3A_893, %jit3A_890 : i32
      %rem3A_895 = vector.broadcast %select_n3A_894 : i32 to vector<80x1xi32>
      %rem3A_896 = arith.remsi %broadcast_in_dim3A_767, %rem3A_895 : vector<80x1xi32>
      %ne3A_897 = arith.constant 0 : i32
      %ne3A_898 = vector.broadcast %ne3A_897 : i32 to vector<80x1xi32>
      %ne3A_899 = arith.cmpi ne, %rem3A_896, %ne3A_898 : vector<80x1xi32>
      %lt3A_900 = arith.constant 0 : i32
      %lt3A_901 = vector.broadcast %lt3A_900 : i32 to vector<80x1xi32>
      %lt3A_902 = arith.cmpi slt, %rem3A_896, %lt3A_901 : vector<80x1xi32>
      %lt3A_903 = arith.constant 0 : i32
      %lt3A_904 = arith.cmpi slt, %select_n3A_894, %lt3A_903 : i32
      %ne3A_905 = vector.broadcast %lt3A_904 : i1 to vector<80x1xi1>
      %ne3A_906 = vector.broadcast %ne3A_905 : vector<80x1xi1> to vector<80x1xi1>
      %ne3A_907 = arith.xori %lt3A_902, %ne3A_906 : vector<80x1xi1>
      %and3A_908 = arith.andi %ne3A_907, %ne3A_899 : vector<80x1xi1>
      %add3A_909 = vector.broadcast %select_n3A_894 : i32 to vector<80x1xi32>
      %add3A_910 = arith.addi %rem3A_896, %add3A_909 : vector<80x1xi32>
      %select_n3A_911 = arith.select %and3A_908, %add3A_910, %rem3A_896 : vector<80x1xi1>, vector<80x1xi32>
      %eq3A_912 = arith.constant 5 : i32
      %eq3A_913 = vector.broadcast %eq3A_912 : i32 to vector<80x1xi32>
      %eq3A_914 = arith.cmpi eq, %select_n3A_911, %eq3A_913 : vector<80x1xi32>
      %and3A_915 = arith.andi %and3A_809, %eq3A_914 : vector<80x1xi1>
      %jit3A_916 = arith.constant 0 : i32
      %broadcast_in_dim3A_917 = vector.broadcast %jit3A_916 : i32 to vector<80x1xi32>
      %select_n3A_918 = arith.select %and3A_915, %broadcast_in_dim3A_917, %select_n3A_745 : vector<80x1xi1>, vector<80x1xi32>
      %eq3A_919 = vector.broadcast %broadcast_in_dim3A_767 : vector<80x1xi32> to vector<80x768xi32>
      %eq3A_920 = arith.cmpi eq, %add3A_236, %eq3A_919 : vector<80x768xi32>
      %jit3A_921 = arith.constant 0x7F800000 : f32
      %broadcast_in_dim3A_922 = vector.broadcast %jit3A_921 : f32 to vector<80x768xf32>
      %select_n3A_923 = arith.select %eq3A_920, %broadcast_in_dim3A_922, %select_n3A_750 : vector<80x768xi1>, vector<80x768xf32>
      %jit3A_924 = arith.constant 1 : i32
      %jit3A_925 = arith.constant 0 : i32
      %broadcast_in_dim3A_926 = vector.broadcast %jit3A_924 : i32 to vector<80x1xi32>
      %broadcast_in_dim3A_927 = vector.broadcast %jit3A_925 : i32 to vector<80x1xi32>
      %select_n3A_928 = arith.select %and3A_809, %broadcast_in_dim3A_926, %broadcast_in_dim3A_927 : vector<80x1xi1>, vector<80x1xi32>
      %add3A_929 = arith.addi %add3A_756, %select_n3A_928 : vector<80x1xi32>
      %reduce_min3A_930 = arith.constant dense<0x7F800000> : vector<80xf32>
      %reduce_min3A_931 = vector.multi_reduction <minimumf>, %select_n3A_923, %reduce_min3A_930 [1] : vector<80x768xf32> to vector<80xf32>
      %broadcast_in_dim3A_932 = vector.shape_cast %reduce_min3A_931 : vector<80xf32> to vector<80x1xf32>
      %eq3A_933 = vector.broadcast %broadcast_in_dim3A_932 : vector<80x1xf32> to vector<80x768xf32>
      %eq3A_934 = arith.cmpf oeq, %select_n3A_923, %eq3A_933 : vector<80x768xf32>
      %jit3A_935 = arith.constant 1073741824 : i32
      %broadcast_in_dim3A_936 = vector.broadcast %jit3A_935 : i32 to vector<80x768xi32>
      %select_n3A_937 = arith.select %eq3A_934, %add3A_236, %broadcast_in_dim3A_936 : vector<80x768xi1>, vector<80x768xi32>
      %reduce_min3A_938 = arith.constant dense<2147483647> : vector<80xi32>
      %reduce_min3A_939 = vector.multi_reduction <minsi>, %select_n3A_937, %reduce_min3A_938 [1] : vector<80x768xi32> to vector<80xi32>
      %broadcast_in_dim3A_940 = vector.shape_cast %reduce_min3A_939 : vector<80xi32> to vector<80x1xi32>
      %jit3A_941 = arith.constant 8 : i32
      %div3A_942 = vector.broadcast %jit3A_941 : i32 to vector<80x1xi32>
      %div3A_943 = arith.divsi %broadcast_in_dim3A_940, %div3A_942 : vector<80x1xi32>
      %sign3A_944 = arith.constant 0 : i32
      %sign3A_945 = vector.broadcast %sign3A_944 : i32 to vector<80x1xi32>
      %sign3A_946 = arith.cmpi sgt, %broadcast_in_dim3A_940, %sign3A_945 : vector<80x1xi32>
      %sign3A_947 = arith.extui %sign3A_946 : vector<80x1xi1> to vector<80x1xi32>
      %sign3A_948 = arith.constant 0 : i32
      %sign3A_949 = vector.broadcast %sign3A_948 : i32 to vector<80x1xi32>
      %sign3A_950 = arith.cmpi slt, %broadcast_in_dim3A_940, %sign3A_949 : vector<80x1xi32>
      %sign3A_951 = arith.extui %sign3A_950 : vector<80x1xi1> to vector<80x1xi32>
      %sign3A_952 = arith.subi %sign3A_947, %sign3A_951 : vector<80x1xi32>
      %sign3A_953 = arith.constant 0 : i32
      %sign3A_954 = arith.cmpi sgt, %jit3A_941, %sign3A_953 : i32
      %sign3A_955 = arith.extui %sign3A_954 : i1 to i32
      %sign3A_956 = arith.constant 0 : i32
      %sign3A_957 = arith.cmpi slt, %jit3A_941, %sign3A_956 : i32
      %sign3A_958 = arith.extui %sign3A_957 : i1 to i32
      %sign3A_959 = arith.subi %sign3A_955, %sign3A_958 : i32
      %ne3A_960 = vector.broadcast %sign3A_959 : i32 to vector<80x1xi32>
      %ne3A_961 = arith.cmpi ne, %sign3A_952, %ne3A_960 : vector<80x1xi32>
      %rem3A_962 = vector.broadcast %jit3A_941 : i32 to vector<80x1xi32>
      %rem3A_963 = arith.remsi %broadcast_in_dim3A_940, %rem3A_962 : vector<80x1xi32>
      %ne3A_964 = arith.constant 0 : i32
      %ne3A_965 = vector.broadcast %ne3A_964 : i32 to vector<80x1xi32>
      %ne3A_966 = arith.cmpi ne, %rem3A_963, %ne3A_965 : vector<80x1xi32>
      %and3A_967 = arith.andi %ne3A_961, %ne3A_966 : vector<80x1xi1>
      %sub3A_968 = arith.constant 1 : i32
      %sub3A_969 = vector.broadcast %sub3A_968 : i32 to vector<80x1xi32>
      %sub3A_970 = arith.subi %div3A_943, %sub3A_969 : vector<80x1xi32>
      %select_n3A_971 = arith.select %and3A_967, %sub3A_970, %div3A_943 : vector<80x1xi1>, vector<80x1xi32>
      %gt3A_972 = arith.constant 0 : i32
      %gt3A_973 = vector.broadcast %gt3A_972 : i32 to vector<80x1xi32>
      %gt3A_974 = arith.cmpi sgt, %select_n3A_918, %gt3A_973 : vector<80x1xi32>
      %lt3A_975 = arith.constant 31 : i32
      %lt3A_976 = vector.broadcast %lt3A_975 : i32 to vector<80x1xi32>
      %lt3A_977 = arith.cmpi slt, %add3A_929, %lt3A_976 : vector<80x1xi32>
      %and3A_978 = arith.andi %gt3A_974, %lt3A_977 : vector<80x1xi1>
      %lt3A_979 = arith.constant 0x7F800000 : f32
      %lt3A_980 = vector.broadcast %lt3A_979 : f32 to vector<80x1xf32>
      %lt3A_981 = arith.cmpf olt, %broadcast_in_dim3A_932, %lt3A_980 : vector<80x1xf32>
      %and3A_982 = arith.andi %and3A_978, %lt3A_981 : vector<80x1xi1>
      %lt3A_983 = arith.constant 16 : i32
      %lt3A_984 = vector.broadcast %lt3A_983 : i32 to vector<80x1xi32>
      %lt3A_985 = arith.cmpi slt, %add3A_929, %lt3A_984 : vector<80x1xi32>
      %and3A_986 = arith.andi %and3A_982, %lt3A_985 : vector<80x1xi1>
      %eq3A_987 = vector.broadcast %add3A_929 : vector<80x1xi32> to vector<80x128xi32>
      %eq3A_988 = arith.cmpi eq, %iota3A_26, %eq3A_987 : vector<80x128xi32>
      %and3A_989 = vector.broadcast %and3A_986 : vector<80x1xi1> to vector<80x128xi1>
      %and3A_990 = arith.andi %and3A_989, %eq3A_988 : vector<80x128xi1>
      %broadcast_in_dim3A_991 = vector.shape_cast %select_n3A_971 : vector<80x1xi32> to vector<80x1xi32>
      %broadcast_in_dim3A_992 = vector.broadcast %broadcast_in_dim3A_991 : vector<80x1xi32> to vector<80x128xi32>
      %select_n3A_993 = arith.select %and3A_990, %broadcast_in_dim3A_992, %select_n3A_887 : vector<80x128xi1>, vector<80x128xi32>
      %jit3A_994 = arith.constant 2 : i32
      %eq3A_995 = arith.constant 0 : i32
      %eq3A_996 = arith.cmpi eq, %jit3A_994, %eq3A_995 : i32
      %jit3A_997 = arith.constant 1 : i32
      %select_n3A_998 = arith.select %eq3A_996, %jit3A_997, %jit3A_994 : i32
      %rem3A_999 = vector.broadcast %select_n3A_998 : i32 to vector<80x1xi32>
      %rem3A_1000 = arith.remsi %add3A_929, %rem3A_999 : vector<80x1xi32>
      %ne3A_1001 = arith.constant 0 : i32
      %ne3A_1002 = vector.broadcast %ne3A_1001 : i32 to vector<80x1xi32>
      %ne3A_1003 = arith.cmpi ne, %rem3A_1000, %ne3A_1002 : vector<80x1xi32>
      %lt3A_1004 = arith.constant 0 : i32
      %lt3A_1005 = vector.broadcast %lt3A_1004 : i32 to vector<80x1xi32>
      %lt3A_1006 = arith.cmpi slt, %rem3A_1000, %lt3A_1005 : vector<80x1xi32>
      %lt3A_1007 = arith.constant 0 : i32
      %lt3A_1008 = arith.cmpi slt, %select_n3A_998, %lt3A_1007 : i32
      %ne3A_1009 = vector.broadcast %lt3A_1008 : i1 to vector<80x1xi1>
      %ne3A_1010 = vector.broadcast %ne3A_1009 : vector<80x1xi1> to vector<80x1xi1>
      %ne3A_1011 = arith.xori %lt3A_1006, %ne3A_1010 : vector<80x1xi1>
      %and3A_1012 = arith.andi %ne3A_1011, %ne3A_1003 : vector<80x1xi1>
      %add3A_1013 = vector.broadcast %select_n3A_998 : i32 to vector<80x1xi32>
      %add3A_1014 = arith.addi %rem3A_1000, %add3A_1013 : vector<80x1xi32>
      %select_n3A_1015 = arith.select %and3A_1012, %add3A_1014, %rem3A_1000 : vector<80x1xi1>, vector<80x1xi32>
      %eq3A_1016 = arith.constant 0 : i32
      %eq3A_1017 = vector.broadcast %eq3A_1016 : i32 to vector<80x1xi32>
      %eq3A_1018 = arith.cmpi eq, %select_n3A_1015, %eq3A_1017 : vector<80x1xi32>
      %and3A_1019 = arith.andi %and3A_982, %eq3A_1018 : vector<80x1xi1>
      %jit3A_1020 = arith.constant 2 : i32
      %div3A_1021 = vector.broadcast %jit3A_1020 : i32 to vector<80x1xi32>
      %div3A_1022 = arith.divsi %add3A_929, %div3A_1021 : vector<80x1xi32>
      %sign3A_1023 = arith.constant 0 : i32
      %sign3A_1024 = vector.broadcast %sign3A_1023 : i32 to vector<80x1xi32>
      %sign3A_1025 = arith.cmpi sgt, %add3A_929, %sign3A_1024 : vector<80x1xi32>
      %sign3A_1026 = arith.extui %sign3A_1025 : vector<80x1xi1> to vector<80x1xi32>
      %sign3A_1027 = arith.constant 0 : i32
      %sign3A_1028 = vector.broadcast %sign3A_1027 : i32 to vector<80x1xi32>
      %sign3A_1029 = arith.cmpi slt, %add3A_929, %sign3A_1028 : vector<80x1xi32>
      %sign3A_1030 = arith.extui %sign3A_1029 : vector<80x1xi1> to vector<80x1xi32>
      %sign3A_1031 = arith.subi %sign3A_1026, %sign3A_1030 : vector<80x1xi32>
      %sign3A_1032 = arith.constant 0 : i32
      %sign3A_1033 = arith.cmpi sgt, %jit3A_1020, %sign3A_1032 : i32
      %sign3A_1034 = arith.extui %sign3A_1033 : i1 to i32
      %sign3A_1035 = arith.constant 0 : i32
      %sign3A_1036 = arith.cmpi slt, %jit3A_1020, %sign3A_1035 : i32
      %sign3A_1037 = arith.extui %sign3A_1036 : i1 to i32
      %sign3A_1038 = arith.subi %sign3A_1034, %sign3A_1037 : i32
      %ne3A_1039 = vector.broadcast %sign3A_1038 : i32 to vector<80x1xi32>
      %ne3A_1040 = arith.cmpi ne, %sign3A_1031, %ne3A_1039 : vector<80x1xi32>
      %rem3A_1041 = vector.broadcast %jit3A_1020 : i32 to vector<80x1xi32>
      %rem3A_1042 = arith.remsi %add3A_929, %rem3A_1041 : vector<80x1xi32>
      %ne3A_1043 = arith.constant 0 : i32
      %ne3A_1044 = vector.broadcast %ne3A_1043 : i32 to vector<80x1xi32>
      %ne3A_1045 = arith.cmpi ne, %rem3A_1042, %ne3A_1044 : vector<80x1xi32>
      %and3A_1046 = arith.andi %ne3A_1040, %ne3A_1045 : vector<80x1xi1>
      %sub3A_1047 = arith.constant 1 : i32
      %sub3A_1048 = vector.broadcast %sub3A_1047 : i32 to vector<80x1xi32>
      %sub3A_1049 = arith.subi %div3A_1022, %sub3A_1048 : vector<80x1xi32>
      %select_n3A_1050 = arith.select %and3A_1046, %sub3A_1049, %div3A_1022 : vector<80x1xi1>, vector<80x1xi32>
      %add3A_1051 = arith.constant 16 : i32
      %add3A_1052 = vector.broadcast %add3A_1051 : i32 to vector<80x1xi32>
      %add3A_1053 = arith.addi %add3A_1052, %select_n3A_1050 : vector<80x1xi32>
      %eq3A_1054 = vector.broadcast %add3A_1053 : vector<80x1xi32> to vector<80x128xi32>
      %eq3A_1055 = arith.cmpi eq, %iota3A_26, %eq3A_1054 : vector<80x128xi32>
      %and3A_1056 = vector.broadcast %and3A_1019 : vector<80x1xi1> to vector<80x128xi1>
      %and3A_1057 = arith.andi %and3A_1056, %eq3A_1055 : vector<80x128xi1>
      %broadcast_in_dim3A_1058 = vector.shape_cast %select_n3A_971 : vector<80x1xi32> to vector<80x1xi32>
      %broadcast_in_dim3A_1059 = vector.broadcast %broadcast_in_dim3A_1058 : vector<80x1xi32> to vector<80x128xi32>
      %select_n3A_1060 = arith.select %and3A_1057, %broadcast_in_dim3A_1059, %select_n3A_993 : vector<80x128xi1>, vector<80x128xi32>
      %select_n3A_1061 = arith.select %and3A_982, %broadcast_in_dim3A_932, %select_n3A_888 : vector<80x1xi1>, vector<80x1xf32>
      %select_n3A_1062 = arith.select %and3A_982, %select_n3A_971, %select_n3A_889 : vector<80x1xi1>, vector<80x1xi32>
      %jit3A_1063 = arith.constant 8 : i32
      %eq3A_1064 = arith.constant 0 : i32
      %eq3A_1065 = arith.cmpi eq, %jit3A_1063, %eq3A_1064 : i32
      %jit3A_1066 = arith.constant 1 : i32
      %select_n3A_1067 = arith.select %eq3A_1065, %jit3A_1066, %jit3A_1063 : i32
      %rem3A_1068 = vector.broadcast %select_n3A_1067 : i32 to vector<80x1xi32>
      %rem3A_1069 = arith.remsi %broadcast_in_dim3A_940, %rem3A_1068 : vector<80x1xi32>
      %ne3A_1070 = arith.constant 0 : i32
      %ne3A_1071 = vector.broadcast %ne3A_1070 : i32 to vector<80x1xi32>
      %ne3A_1072 = arith.cmpi ne, %rem3A_1069, %ne3A_1071 : vector<80x1xi32>
      %lt3A_1073 = arith.constant 0 : i32
      %lt3A_1074 = vector.broadcast %lt3A_1073 : i32 to vector<80x1xi32>
      %lt3A_1075 = arith.cmpi slt, %rem3A_1069, %lt3A_1074 : vector<80x1xi32>
      %lt3A_1076 = arith.constant 0 : i32
      %lt3A_1077 = arith.cmpi slt, %select_n3A_1067, %lt3A_1076 : i32
      %ne3A_1078 = vector.broadcast %lt3A_1077 : i1 to vector<80x1xi1>
      %ne3A_1079 = vector.broadcast %ne3A_1078 : vector<80x1xi1> to vector<80x1xi1>
      %ne3A_1080 = arith.xori %lt3A_1075, %ne3A_1079 : vector<80x1xi1>
      %and3A_1081 = arith.andi %ne3A_1080, %ne3A_1072 : vector<80x1xi1>
      %add3A_1082 = vector.broadcast %select_n3A_1067 : i32 to vector<80x1xi32>
      %add3A_1083 = arith.addi %rem3A_1069, %add3A_1082 : vector<80x1xi32>
      %select_n3A_1084 = arith.select %and3A_1081, %add3A_1083, %rem3A_1069 : vector<80x1xi1>, vector<80x1xi32>
      %eq3A_1085 = arith.constant 5 : i32
      %eq3A_1086 = vector.broadcast %eq3A_1085 : i32 to vector<80x1xi32>
      %eq3A_1087 = arith.cmpi eq, %select_n3A_1084, %eq3A_1086 : vector<80x1xi32>
      %and3A_1088 = arith.andi %and3A_982, %eq3A_1087 : vector<80x1xi1>
      %jit3A_1089 = arith.constant 0 : i32
      %broadcast_in_dim3A_1090 = vector.broadcast %jit3A_1089 : i32 to vector<80x1xi32>
      %select_n3A_1091 = arith.select %and3A_1088, %broadcast_in_dim3A_1090, %select_n3A_918 : vector<80x1xi1>, vector<80x1xi32>
      %eq3A_1092 = vector.broadcast %broadcast_in_dim3A_940 : vector<80x1xi32> to vector<80x768xi32>
      %eq3A_1093 = arith.cmpi eq, %add3A_236, %eq3A_1092 : vector<80x768xi32>
      %jit3A_1094 = arith.constant 0x7F800000 : f32
      %broadcast_in_dim3A_1095 = vector.broadcast %jit3A_1094 : f32 to vector<80x768xf32>
      %select_n3A_1096 = arith.select %eq3A_1093, %broadcast_in_dim3A_1095, %select_n3A_923 : vector<80x768xi1>, vector<80x768xf32>
      %jit3A_1097 = arith.constant 1 : i32
      %jit3A_1098 = arith.constant 0 : i32
      %broadcast_in_dim3A_1099 = vector.broadcast %jit3A_1097 : i32 to vector<80x1xi32>
      %broadcast_in_dim3A_1100 = vector.broadcast %jit3A_1098 : i32 to vector<80x1xi32>
      %select_n3A_1101 = arith.select %and3A_982, %broadcast_in_dim3A_1099, %broadcast_in_dim3A_1100 : vector<80x1xi1>, vector<80x1xi32>
      %add3A_1102 = arith.addi %add3A_929, %select_n3A_1101 : vector<80x1xi32>
      %reduce_min3A_1103 = arith.constant dense<0x7F800000> : vector<80xf32>
      %reduce_min3A_1104 = vector.multi_reduction <minimumf>, %select_n3A_1096, %reduce_min3A_1103 [1] : vector<80x768xf32> to vector<80xf32>
      %broadcast_in_dim3A_1105 = vector.shape_cast %reduce_min3A_1104 : vector<80xf32> to vector<80x1xf32>
      %eq3A_1106 = vector.broadcast %broadcast_in_dim3A_1105 : vector<80x1xf32> to vector<80x768xf32>
      %eq3A_1107 = arith.cmpf oeq, %select_n3A_1096, %eq3A_1106 : vector<80x768xf32>
      %jit3A_1108 = arith.constant 1073741824 : i32
      %broadcast_in_dim3A_1109 = vector.broadcast %jit3A_1108 : i32 to vector<80x768xi32>
      %select_n3A_1110 = arith.select %eq3A_1107, %add3A_236, %broadcast_in_dim3A_1109 : vector<80x768xi1>, vector<80x768xi32>
      %reduce_min3A_1111 = arith.constant dense<2147483647> : vector<80xi32>
      %reduce_min3A_1112 = vector.multi_reduction <minsi>, %select_n3A_1110, %reduce_min3A_1111 [1] : vector<80x768xi32> to vector<80xi32>
      %broadcast_in_dim3A_1113 = vector.shape_cast %reduce_min3A_1112 : vector<80xi32> to vector<80x1xi32>
      %jit3A_1114 = arith.constant 8 : i32
      %div3A_1115 = vector.broadcast %jit3A_1114 : i32 to vector<80x1xi32>
      %div3A_1116 = arith.divsi %broadcast_in_dim3A_1113, %div3A_1115 : vector<80x1xi32>
      %sign3A_1117 = arith.constant 0 : i32
      %sign3A_1118 = vector.broadcast %sign3A_1117 : i32 to vector<80x1xi32>
      %sign3A_1119 = arith.cmpi sgt, %broadcast_in_dim3A_1113, %sign3A_1118 : vector<80x1xi32>
      %sign3A_1120 = arith.extui %sign3A_1119 : vector<80x1xi1> to vector<80x1xi32>
      %sign3A_1121 = arith.constant 0 : i32
      %sign3A_1122 = vector.broadcast %sign3A_1121 : i32 to vector<80x1xi32>
      %sign3A_1123 = arith.cmpi slt, %broadcast_in_dim3A_1113, %sign3A_1122 : vector<80x1xi32>
      %sign3A_1124 = arith.extui %sign3A_1123 : vector<80x1xi1> to vector<80x1xi32>
      %sign3A_1125 = arith.subi %sign3A_1120, %sign3A_1124 : vector<80x1xi32>
      %sign3A_1126 = arith.constant 0 : i32
      %sign3A_1127 = arith.cmpi sgt, %jit3A_1114, %sign3A_1126 : i32
      %sign3A_1128 = arith.extui %sign3A_1127 : i1 to i32
      %sign3A_1129 = arith.constant 0 : i32
      %sign3A_1130 = arith.cmpi slt, %jit3A_1114, %sign3A_1129 : i32
      %sign3A_1131 = arith.extui %sign3A_1130 : i1 to i32
      %sign3A_1132 = arith.subi %sign3A_1128, %sign3A_1131 : i32
      %ne3A_1133 = vector.broadcast %sign3A_1132 : i32 to vector<80x1xi32>
      %ne3A_1134 = arith.cmpi ne, %sign3A_1125, %ne3A_1133 : vector<80x1xi32>
      %rem3A_1135 = vector.broadcast %jit3A_1114 : i32 to vector<80x1xi32>
      %rem3A_1136 = arith.remsi %broadcast_in_dim3A_1113, %rem3A_1135 : vector<80x1xi32>
      %ne3A_1137 = arith.constant 0 : i32
      %ne3A_1138 = vector.broadcast %ne3A_1137 : i32 to vector<80x1xi32>
      %ne3A_1139 = arith.cmpi ne, %rem3A_1136, %ne3A_1138 : vector<80x1xi32>
      %and3A_1140 = arith.andi %ne3A_1134, %ne3A_1139 : vector<80x1xi1>
      %sub3A_1141 = arith.constant 1 : i32
      %sub3A_1142 = vector.broadcast %sub3A_1141 : i32 to vector<80x1xi32>
      %sub3A_1143 = arith.subi %div3A_1116, %sub3A_1142 : vector<80x1xi32>
      %select_n3A_1144 = arith.select %and3A_1140, %sub3A_1143, %div3A_1116 : vector<80x1xi1>, vector<80x1xi32>
      %gt3A_1145 = arith.constant 0 : i32
      %gt3A_1146 = vector.broadcast %gt3A_1145 : i32 to vector<80x1xi32>
      %gt3A_1147 = arith.cmpi sgt, %select_n3A_1091, %gt3A_1146 : vector<80x1xi32>
      %lt3A_1148 = arith.constant 31 : i32
      %lt3A_1149 = vector.broadcast %lt3A_1148 : i32 to vector<80x1xi32>
      %lt3A_1150 = arith.cmpi slt, %add3A_1102, %lt3A_1149 : vector<80x1xi32>
      %and3A_1151 = arith.andi %gt3A_1147, %lt3A_1150 : vector<80x1xi1>
      %lt3A_1152 = arith.constant 0x7F800000 : f32
      %lt3A_1153 = vector.broadcast %lt3A_1152 : f32 to vector<80x1xf32>
      %lt3A_1154 = arith.cmpf olt, %broadcast_in_dim3A_1105, %lt3A_1153 : vector<80x1xf32>
      %and3A_1155 = arith.andi %and3A_1151, %lt3A_1154 : vector<80x1xi1>
      %lt3A_1156 = arith.constant 16 : i32
      %lt3A_1157 = vector.broadcast %lt3A_1156 : i32 to vector<80x1xi32>
      %lt3A_1158 = arith.cmpi slt, %add3A_1102, %lt3A_1157 : vector<80x1xi32>
      %and3A_1159 = arith.andi %and3A_1155, %lt3A_1158 : vector<80x1xi1>
      %eq3A_1160 = vector.broadcast %add3A_1102 : vector<80x1xi32> to vector<80x128xi32>
      %eq3A_1161 = arith.cmpi eq, %iota3A_26, %eq3A_1160 : vector<80x128xi32>
      %and3A_1162 = vector.broadcast %and3A_1159 : vector<80x1xi1> to vector<80x128xi1>
      %and3A_1163 = arith.andi %and3A_1162, %eq3A_1161 : vector<80x128xi1>
      %broadcast_in_dim3A_1164 = vector.shape_cast %select_n3A_1144 : vector<80x1xi32> to vector<80x1xi32>
      %broadcast_in_dim3A_1165 = vector.broadcast %broadcast_in_dim3A_1164 : vector<80x1xi32> to vector<80x128xi32>
      %select_n3A_1166 = arith.select %and3A_1163, %broadcast_in_dim3A_1165, %select_n3A_1060 : vector<80x128xi1>, vector<80x128xi32>
      %jit3A_1167 = arith.constant 2 : i32
      %eq3A_1168 = arith.constant 0 : i32
      %eq3A_1169 = arith.cmpi eq, %jit3A_1167, %eq3A_1168 : i32
      %jit3A_1170 = arith.constant 1 : i32
      %select_n3A_1171 = arith.select %eq3A_1169, %jit3A_1170, %jit3A_1167 : i32
      %rem3A_1172 = vector.broadcast %select_n3A_1171 : i32 to vector<80x1xi32>
      %rem3A_1173 = arith.remsi %add3A_1102, %rem3A_1172 : vector<80x1xi32>
      %ne3A_1174 = arith.constant 0 : i32
      %ne3A_1175 = vector.broadcast %ne3A_1174 : i32 to vector<80x1xi32>
      %ne3A_1176 = arith.cmpi ne, %rem3A_1173, %ne3A_1175 : vector<80x1xi32>
      %lt3A_1177 = arith.constant 0 : i32
      %lt3A_1178 = vector.broadcast %lt3A_1177 : i32 to vector<80x1xi32>
      %lt3A_1179 = arith.cmpi slt, %rem3A_1173, %lt3A_1178 : vector<80x1xi32>
      %lt3A_1180 = arith.constant 0 : i32
      %lt3A_1181 = arith.cmpi slt, %select_n3A_1171, %lt3A_1180 : i32
      %ne3A_1182 = vector.broadcast %lt3A_1181 : i1 to vector<80x1xi1>
      %ne3A_1183 = vector.broadcast %ne3A_1182 : vector<80x1xi1> to vector<80x1xi1>
      %ne3A_1184 = arith.xori %lt3A_1179, %ne3A_1183 : vector<80x1xi1>
      %and3A_1185 = arith.andi %ne3A_1184, %ne3A_1176 : vector<80x1xi1>
      %add3A_1186 = vector.broadcast %select_n3A_1171 : i32 to vector<80x1xi32>
      %add3A_1187 = arith.addi %rem3A_1173, %add3A_1186 : vector<80x1xi32>
      %select_n3A_1188 = arith.select %and3A_1185, %add3A_1187, %rem3A_1173 : vector<80x1xi1>, vector<80x1xi32>
      %eq3A_1189 = arith.constant 0 : i32
      %eq3A_1190 = vector.broadcast %eq3A_1189 : i32 to vector<80x1xi32>
      %eq3A_1191 = arith.cmpi eq, %select_n3A_1188, %eq3A_1190 : vector<80x1xi32>
      %and3A_1192 = arith.andi %and3A_1155, %eq3A_1191 : vector<80x1xi1>
      %jit3A_1193 = arith.constant 2 : i32
      %div3A_1194 = vector.broadcast %jit3A_1193 : i32 to vector<80x1xi32>
      %div3A_1195 = arith.divsi %add3A_1102, %div3A_1194 : vector<80x1xi32>
      %sign3A_1196 = arith.constant 0 : i32
      %sign3A_1197 = vector.broadcast %sign3A_1196 : i32 to vector<80x1xi32>
      %sign3A_1198 = arith.cmpi sgt, %add3A_1102, %sign3A_1197 : vector<80x1xi32>
      %sign3A_1199 = arith.extui %sign3A_1198 : vector<80x1xi1> to vector<80x1xi32>
      %sign3A_1200 = arith.constant 0 : i32
      %sign3A_1201 = vector.broadcast %sign3A_1200 : i32 to vector<80x1xi32>
      %sign3A_1202 = arith.cmpi slt, %add3A_1102, %sign3A_1201 : vector<80x1xi32>
      %sign3A_1203 = arith.extui %sign3A_1202 : vector<80x1xi1> to vector<80x1xi32>
      %sign3A_1204 = arith.subi %sign3A_1199, %sign3A_1203 : vector<80x1xi32>
      %sign3A_1205 = arith.constant 0 : i32
      %sign3A_1206 = arith.cmpi sgt, %jit3A_1193, %sign3A_1205 : i32
      %sign3A_1207 = arith.extui %sign3A_1206 : i1 to i32
      %sign3A_1208 = arith.constant 0 : i32
      %sign3A_1209 = arith.cmpi slt, %jit3A_1193, %sign3A_1208 : i32
      %sign3A_1210 = arith.extui %sign3A_1209 : i1 to i32
      %sign3A_1211 = arith.subi %sign3A_1207, %sign3A_1210 : i32
      %ne3A_1212 = vector.broadcast %sign3A_1211 : i32 to vector<80x1xi32>
      %ne3A_1213 = arith.cmpi ne, %sign3A_1204, %ne3A_1212 : vector<80x1xi32>
      %rem3A_1214 = vector.broadcast %jit3A_1193 : i32 to vector<80x1xi32>
      %rem3A_1215 = arith.remsi %add3A_1102, %rem3A_1214 : vector<80x1xi32>
      %ne3A_1216 = arith.constant 0 : i32
      %ne3A_1217 = vector.broadcast %ne3A_1216 : i32 to vector<80x1xi32>
      %ne3A_1218 = arith.cmpi ne, %rem3A_1215, %ne3A_1217 : vector<80x1xi32>
      %and3A_1219 = arith.andi %ne3A_1213, %ne3A_1218 : vector<80x1xi1>
      %sub3A_1220 = arith.constant 1 : i32
      %sub3A_1221 = vector.broadcast %sub3A_1220 : i32 to vector<80x1xi32>
      %sub3A_1222 = arith.subi %div3A_1195, %sub3A_1221 : vector<80x1xi32>
      %select_n3A_1223 = arith.select %and3A_1219, %sub3A_1222, %div3A_1195 : vector<80x1xi1>, vector<80x1xi32>
      %add3A_1224 = arith.constant 16 : i32
      %add3A_1225 = vector.broadcast %add3A_1224 : i32 to vector<80x1xi32>
      %add3A_1226 = arith.addi %add3A_1225, %select_n3A_1223 : vector<80x1xi32>
      %eq3A_1227 = vector.broadcast %add3A_1226 : vector<80x1xi32> to vector<80x128xi32>
      %eq3A_1228 = arith.cmpi eq, %iota3A_26, %eq3A_1227 : vector<80x128xi32>
      %and3A_1229 = vector.broadcast %and3A_1192 : vector<80x1xi1> to vector<80x128xi1>
      %and3A_1230 = arith.andi %and3A_1229, %eq3A_1228 : vector<80x128xi1>
      %broadcast_in_dim3A_1231 = vector.shape_cast %select_n3A_1144 : vector<80x1xi32> to vector<80x1xi32>
      %broadcast_in_dim3A_1232 = vector.broadcast %broadcast_in_dim3A_1231 : vector<80x1xi32> to vector<80x128xi32>
      %select_n3A_1233 = arith.select %and3A_1230, %broadcast_in_dim3A_1232, %select_n3A_1166 : vector<80x128xi1>, vector<80x128xi32>
      %select_n3A_1234 = arith.select %and3A_1155, %broadcast_in_dim3A_1105, %select_n3A_1061 : vector<80x1xi1>, vector<80x1xf32>
      %select_n3A_1235 = arith.select %and3A_1155, %select_n3A_1144, %select_n3A_1062 : vector<80x1xi1>, vector<80x1xi32>
      %jit3A_1236 = arith.constant 8 : i32
      %eq3A_1237 = arith.constant 0 : i32
      %eq3A_1238 = arith.cmpi eq, %jit3A_1236, %eq3A_1237 : i32
      %jit3A_1239 = arith.constant 1 : i32
      %select_n3A_1240 = arith.select %eq3A_1238, %jit3A_1239, %jit3A_1236 : i32
      %rem3A_1241 = vector.broadcast %select_n3A_1240 : i32 to vector<80x1xi32>
      %rem3A_1242 = arith.remsi %broadcast_in_dim3A_1113, %rem3A_1241 : vector<80x1xi32>
      %ne3A_1243 = arith.constant 0 : i32
      %ne3A_1244 = vector.broadcast %ne3A_1243 : i32 to vector<80x1xi32>
      %ne3A_1245 = arith.cmpi ne, %rem3A_1242, %ne3A_1244 : vector<80x1xi32>
      %lt3A_1246 = arith.constant 0 : i32
      %lt3A_1247 = vector.broadcast %lt3A_1246 : i32 to vector<80x1xi32>
      %lt3A_1248 = arith.cmpi slt, %rem3A_1242, %lt3A_1247 : vector<80x1xi32>
      %lt3A_1249 = arith.constant 0 : i32
      %lt3A_1250 = arith.cmpi slt, %select_n3A_1240, %lt3A_1249 : i32
      %ne3A_1251 = vector.broadcast %lt3A_1250 : i1 to vector<80x1xi1>
      %ne3A_1252 = vector.broadcast %ne3A_1251 : vector<80x1xi1> to vector<80x1xi1>
      %ne3A_1253 = arith.xori %lt3A_1248, %ne3A_1252 : vector<80x1xi1>
      %and3A_1254 = arith.andi %ne3A_1253, %ne3A_1245 : vector<80x1xi1>
      %add3A_1255 = vector.broadcast %select_n3A_1240 : i32 to vector<80x1xi32>
      %add3A_1256 = arith.addi %rem3A_1242, %add3A_1255 : vector<80x1xi32>
      %select_n3A_1257 = arith.select %and3A_1254, %add3A_1256, %rem3A_1242 : vector<80x1xi1>, vector<80x1xi32>
      %eq3A_1258 = arith.constant 5 : i32
      %eq3A_1259 = vector.broadcast %eq3A_1258 : i32 to vector<80x1xi32>
      %eq3A_1260 = arith.cmpi eq, %select_n3A_1257, %eq3A_1259 : vector<80x1xi32>
      %and3A_1261 = arith.andi %and3A_1155, %eq3A_1260 : vector<80x1xi1>
      %jit3A_1262 = arith.constant 0 : i32
      %broadcast_in_dim3A_1263 = vector.broadcast %jit3A_1262 : i32 to vector<80x1xi32>
      %select_n3A_1264 = arith.select %and3A_1261, %broadcast_in_dim3A_1263, %select_n3A_1091 : vector<80x1xi1>, vector<80x1xi32>
      %eq3A_1265 = vector.broadcast %broadcast_in_dim3A_1113 : vector<80x1xi32> to vector<80x768xi32>
      %eq3A_1266 = arith.cmpi eq, %add3A_236, %eq3A_1265 : vector<80x768xi32>
      %jit3A_1267 = arith.constant 0x7F800000 : f32
      %broadcast_in_dim3A_1268 = vector.broadcast %jit3A_1267 : f32 to vector<80x768xf32>
      %select_n3A_1269 = arith.select %eq3A_1266, %broadcast_in_dim3A_1268, %select_n3A_1096 : vector<80x768xi1>, vector<80x768xf32>
      %jit3A_1270 = arith.constant 1 : i32
      %jit3A_1271 = arith.constant 0 : i32
      %broadcast_in_dim3A_1272 = vector.broadcast %jit3A_1270 : i32 to vector<80x1xi32>
      %broadcast_in_dim3A_1273 = vector.broadcast %jit3A_1271 : i32 to vector<80x1xi32>
      %select_n3A_1274 = arith.select %and3A_1155, %broadcast_in_dim3A_1272, %broadcast_in_dim3A_1273 : vector<80x1xi1>, vector<80x1xi32>
      %add3A_1275 = arith.addi %add3A_1102, %select_n3A_1274 : vector<80x1xi32>
      %reduce_min3A_1276 = arith.constant dense<0x7F800000> : vector<80xf32>
      %reduce_min3A_1277 = vector.multi_reduction <minimumf>, %select_n3A_1269, %reduce_min3A_1276 [1] : vector<80x768xf32> to vector<80xf32>
      %broadcast_in_dim3A_1278 = vector.shape_cast %reduce_min3A_1277 : vector<80xf32> to vector<80x1xf32>
      %eq3A_1279 = vector.broadcast %broadcast_in_dim3A_1278 : vector<80x1xf32> to vector<80x768xf32>
      %eq3A_1280 = arith.cmpf oeq, %select_n3A_1269, %eq3A_1279 : vector<80x768xf32>
      %jit3A_1281 = arith.constant 1073741824 : i32
      %broadcast_in_dim3A_1282 = vector.broadcast %jit3A_1281 : i32 to vector<80x768xi32>
      %select_n3A_1283 = arith.select %eq3A_1280, %add3A_236, %broadcast_in_dim3A_1282 : vector<80x768xi1>, vector<80x768xi32>
      %reduce_min3A_1284 = arith.constant dense<2147483647> : vector<80xi32>
      %reduce_min3A_1285 = vector.multi_reduction <minsi>, %select_n3A_1283, %reduce_min3A_1284 [1] : vector<80x768xi32> to vector<80xi32>
      %broadcast_in_dim3A_1286 = vector.shape_cast %reduce_min3A_1285 : vector<80xi32> to vector<80x1xi32>
      %jit3A_1287 = arith.constant 8 : i32
      %div3A_1288 = vector.broadcast %jit3A_1287 : i32 to vector<80x1xi32>
      %div3A_1289 = arith.divsi %broadcast_in_dim3A_1286, %div3A_1288 : vector<80x1xi32>
      %sign3A_1290 = arith.constant 0 : i32
      %sign3A_1291 = vector.broadcast %sign3A_1290 : i32 to vector<80x1xi32>
      %sign3A_1292 = arith.cmpi sgt, %broadcast_in_dim3A_1286, %sign3A_1291 : vector<80x1xi32>
      %sign3A_1293 = arith.extui %sign3A_1292 : vector<80x1xi1> to vector<80x1xi32>
      %sign3A_1294 = arith.constant 0 : i32
      %sign3A_1295 = vector.broadcast %sign3A_1294 : i32 to vector<80x1xi32>
      %sign3A_1296 = arith.cmpi slt, %broadcast_in_dim3A_1286, %sign3A_1295 : vector<80x1xi32>
      %sign3A_1297 = arith.extui %sign3A_1296 : vector<80x1xi1> to vector<80x1xi32>
      %sign3A_1298 = arith.subi %sign3A_1293, %sign3A_1297 : vector<80x1xi32>
      %sign3A_1299 = arith.constant 0 : i32
      %sign3A_1300 = arith.cmpi sgt, %jit3A_1287, %sign3A_1299 : i32
      %sign3A_1301 = arith.extui %sign3A_1300 : i1 to i32
      %sign3A_1302 = arith.constant 0 : i32
      %sign3A_1303 = arith.cmpi slt, %jit3A_1287, %sign3A_1302 : i32
      %sign3A_1304 = arith.extui %sign3A_1303 : i1 to i32
      %sign3A_1305 = arith.subi %sign3A_1301, %sign3A_1304 : i32
      %ne3A_1306 = vector.broadcast %sign3A_1305 : i32 to vector<80x1xi32>
      %ne3A_1307 = arith.cmpi ne, %sign3A_1298, %ne3A_1306 : vector<80x1xi32>
      %rem3A_1308 = vector.broadcast %jit3A_1287 : i32 to vector<80x1xi32>
      %rem3A_1309 = arith.remsi %broadcast_in_dim3A_1286, %rem3A_1308 : vector<80x1xi32>
      %ne3A_1310 = arith.constant 0 : i32
      %ne3A_1311 = vector.broadcast %ne3A_1310 : i32 to vector<80x1xi32>
      %ne3A_1312 = arith.cmpi ne, %rem3A_1309, %ne3A_1311 : vector<80x1xi32>
      %and3A_1313 = arith.andi %ne3A_1307, %ne3A_1312 : vector<80x1xi1>
      %sub3A_1314 = arith.constant 1 : i32
      %sub3A_1315 = vector.broadcast %sub3A_1314 : i32 to vector<80x1xi32>
      %sub3A_1316 = arith.subi %div3A_1289, %sub3A_1315 : vector<80x1xi32>
      %select_n3A_1317 = arith.select %and3A_1313, %sub3A_1316, %div3A_1289 : vector<80x1xi1>, vector<80x1xi32>
      %gt3A_1318 = arith.constant 0 : i32
      %gt3A_1319 = vector.broadcast %gt3A_1318 : i32 to vector<80x1xi32>
      %gt3A_1320 = arith.cmpi sgt, %select_n3A_1264, %gt3A_1319 : vector<80x1xi32>
      %lt3A_1321 = arith.constant 31 : i32
      %lt3A_1322 = vector.broadcast %lt3A_1321 : i32 to vector<80x1xi32>
      %lt3A_1323 = arith.cmpi slt, %add3A_1275, %lt3A_1322 : vector<80x1xi32>
      %and3A_1324 = arith.andi %gt3A_1320, %lt3A_1323 : vector<80x1xi1>
      %lt3A_1325 = arith.constant 0x7F800000 : f32
      %lt3A_1326 = vector.broadcast %lt3A_1325 : f32 to vector<80x1xf32>
      %lt3A_1327 = arith.cmpf olt, %broadcast_in_dim3A_1278, %lt3A_1326 : vector<80x1xf32>
      %and3A_1328 = arith.andi %and3A_1324, %lt3A_1327 : vector<80x1xi1>
      %lt3A_1329 = arith.constant 16 : i32
      %lt3A_1330 = vector.broadcast %lt3A_1329 : i32 to vector<80x1xi32>
      %lt3A_1331 = arith.cmpi slt, %add3A_1275, %lt3A_1330 : vector<80x1xi32>
      %and3A_1332 = arith.andi %and3A_1328, %lt3A_1331 : vector<80x1xi1>
      %eq3A_1333 = vector.broadcast %add3A_1275 : vector<80x1xi32> to vector<80x128xi32>
      %eq3A_1334 = arith.cmpi eq, %iota3A_26, %eq3A_1333 : vector<80x128xi32>
      %and3A_1335 = vector.broadcast %and3A_1332 : vector<80x1xi1> to vector<80x128xi1>
      %and3A_1336 = arith.andi %and3A_1335, %eq3A_1334 : vector<80x128xi1>
      %broadcast_in_dim3A_1337 = vector.shape_cast %select_n3A_1317 : vector<80x1xi32> to vector<80x1xi32>
      %broadcast_in_dim3A_1338 = vector.broadcast %broadcast_in_dim3A_1337 : vector<80x1xi32> to vector<80x128xi32>
      %select_n3A_1339 = arith.select %and3A_1336, %broadcast_in_dim3A_1338, %select_n3A_1233 : vector<80x128xi1>, vector<80x128xi32>
      %jit3A_1340 = arith.constant 2 : i32
      %eq3A_1341 = arith.constant 0 : i32
      %eq3A_1342 = arith.cmpi eq, %jit3A_1340, %eq3A_1341 : i32
      %jit3A_1343 = arith.constant 1 : i32
      %select_n3A_1344 = arith.select %eq3A_1342, %jit3A_1343, %jit3A_1340 : i32
      %rem3A_1345 = vector.broadcast %select_n3A_1344 : i32 to vector<80x1xi32>
      %rem3A_1346 = arith.remsi %add3A_1275, %rem3A_1345 : vector<80x1xi32>
      %ne3A_1347 = arith.constant 0 : i32
      %ne3A_1348 = vector.broadcast %ne3A_1347 : i32 to vector<80x1xi32>
      %ne3A_1349 = arith.cmpi ne, %rem3A_1346, %ne3A_1348 : vector<80x1xi32>
      %lt3A_1350 = arith.constant 0 : i32
      %lt3A_1351 = vector.broadcast %lt3A_1350 : i32 to vector<80x1xi32>
      %lt3A_1352 = arith.cmpi slt, %rem3A_1346, %lt3A_1351 : vector<80x1xi32>
      %lt3A_1353 = arith.constant 0 : i32
      %lt3A_1354 = arith.cmpi slt, %select_n3A_1344, %lt3A_1353 : i32
      %ne3A_1355 = vector.broadcast %lt3A_1354 : i1 to vector<80x1xi1>
      %ne3A_1356 = vector.broadcast %ne3A_1355 : vector<80x1xi1> to vector<80x1xi1>
      %ne3A_1357 = arith.xori %lt3A_1352, %ne3A_1356 : vector<80x1xi1>
      %and3A_1358 = arith.andi %ne3A_1357, %ne3A_1349 : vector<80x1xi1>
      %add3A_1359 = vector.broadcast %select_n3A_1344 : i32 to vector<80x1xi32>
      %add3A_1360 = arith.addi %rem3A_1346, %add3A_1359 : vector<80x1xi32>
      %select_n3A_1361 = arith.select %and3A_1358, %add3A_1360, %rem3A_1346 : vector<80x1xi1>, vector<80x1xi32>
      %eq3A_1362 = arith.constant 0 : i32
      %eq3A_1363 = vector.broadcast %eq3A_1362 : i32 to vector<80x1xi32>
      %eq3A_1364 = arith.cmpi eq, %select_n3A_1361, %eq3A_1363 : vector<80x1xi32>
      %and3A_1365 = arith.andi %and3A_1328, %eq3A_1364 : vector<80x1xi1>
      %jit3A_1366 = arith.constant 2 : i32
      %div3A_1367 = vector.broadcast %jit3A_1366 : i32 to vector<80x1xi32>
      %div3A_1368 = arith.divsi %add3A_1275, %div3A_1367 : vector<80x1xi32>
      %sign3A_1369 = arith.constant 0 : i32
      %sign3A_1370 = vector.broadcast %sign3A_1369 : i32 to vector<80x1xi32>
      %sign3A_1371 = arith.cmpi sgt, %add3A_1275, %sign3A_1370 : vector<80x1xi32>
      %sign3A_1372 = arith.extui %sign3A_1371 : vector<80x1xi1> to vector<80x1xi32>
      %sign3A_1373 = arith.constant 0 : i32
      %sign3A_1374 = vector.broadcast %sign3A_1373 : i32 to vector<80x1xi32>
      %sign3A_1375 = arith.cmpi slt, %add3A_1275, %sign3A_1374 : vector<80x1xi32>
      %sign3A_1376 = arith.extui %sign3A_1375 : vector<80x1xi1> to vector<80x1xi32>
      %sign3A_1377 = arith.subi %sign3A_1372, %sign3A_1376 : vector<80x1xi32>
      %sign3A_1378 = arith.constant 0 : i32
      %sign3A_1379 = arith.cmpi sgt, %jit3A_1366, %sign3A_1378 : i32
      %sign3A_1380 = arith.extui %sign3A_1379 : i1 to i32
      %sign3A_1381 = arith.constant 0 : i32
      %sign3A_1382 = arith.cmpi slt, %jit3A_1366, %sign3A_1381 : i32
      %sign3A_1383 = arith.extui %sign3A_1382 : i1 to i32
      %sign3A_1384 = arith.subi %sign3A_1380, %sign3A_1383 : i32
      %ne3A_1385 = vector.broadcast %sign3A_1384 : i32 to vector<80x1xi32>
      %ne3A_1386 = arith.cmpi ne, %sign3A_1377, %ne3A_1385 : vector<80x1xi32>
      %rem3A_1387 = vector.broadcast %jit3A_1366 : i32 to vector<80x1xi32>
      %rem3A_1388 = arith.remsi %add3A_1275, %rem3A_1387 : vector<80x1xi32>
      %ne3A_1389 = arith.constant 0 : i32
      %ne3A_1390 = vector.broadcast %ne3A_1389 : i32 to vector<80x1xi32>
      %ne3A_1391 = arith.cmpi ne, %rem3A_1388, %ne3A_1390 : vector<80x1xi32>
      %and3A_1392 = arith.andi %ne3A_1386, %ne3A_1391 : vector<80x1xi1>
      %sub3A_1393 = arith.constant 1 : i32
      %sub3A_1394 = vector.broadcast %sub3A_1393 : i32 to vector<80x1xi32>
      %sub3A_1395 = arith.subi %div3A_1368, %sub3A_1394 : vector<80x1xi32>
      %select_n3A_1396 = arith.select %and3A_1392, %sub3A_1395, %div3A_1368 : vector<80x1xi1>, vector<80x1xi32>
      %add3A_1397 = arith.constant 16 : i32
      %add3A_1398 = vector.broadcast %add3A_1397 : i32 to vector<80x1xi32>
      %add3A_1399 = arith.addi %add3A_1398, %select_n3A_1396 : vector<80x1xi32>
      %eq3A_1400 = vector.broadcast %add3A_1399 : vector<80x1xi32> to vector<80x128xi32>
      %eq3A_1401 = arith.cmpi eq, %iota3A_26, %eq3A_1400 : vector<80x128xi32>
      %and3A_1402 = vector.broadcast %and3A_1365 : vector<80x1xi1> to vector<80x128xi1>
      %and3A_1403 = arith.andi %and3A_1402, %eq3A_1401 : vector<80x128xi1>
      %broadcast_in_dim3A_1404 = vector.shape_cast %select_n3A_1317 : vector<80x1xi32> to vector<80x1xi32>
      %broadcast_in_dim3A_1405 = vector.broadcast %broadcast_in_dim3A_1404 : vector<80x1xi32> to vector<80x128xi32>
      %select_n3A_1406 = arith.select %and3A_1403, %broadcast_in_dim3A_1405, %select_n3A_1339 : vector<80x128xi1>, vector<80x128xi32>
      %select_n3A_1407 = arith.select %and3A_1328, %broadcast_in_dim3A_1278, %select_n3A_1234 : vector<80x1xi1>, vector<80x1xf32>
      %select_n3A_1408 = arith.select %and3A_1328, %select_n3A_1317, %select_n3A_1235 : vector<80x1xi1>, vector<80x1xi32>
      %jit3A_1409 = arith.constant 8 : i32
      %eq3A_1410 = arith.constant 0 : i32
      %eq3A_1411 = arith.cmpi eq, %jit3A_1409, %eq3A_1410 : i32
      %jit3A_1412 = arith.constant 1 : i32
      %select_n3A_1413 = arith.select %eq3A_1411, %jit3A_1412, %jit3A_1409 : i32
      %rem3A_1414 = vector.broadcast %select_n3A_1413 : i32 to vector<80x1xi32>
      %rem3A_1415 = arith.remsi %broadcast_in_dim3A_1286, %rem3A_1414 : vector<80x1xi32>
      %ne3A_1416 = arith.constant 0 : i32
      %ne3A_1417 = vector.broadcast %ne3A_1416 : i32 to vector<80x1xi32>
      %ne3A_1418 = arith.cmpi ne, %rem3A_1415, %ne3A_1417 : vector<80x1xi32>
      %lt3A_1419 = arith.constant 0 : i32
      %lt3A_1420 = vector.broadcast %lt3A_1419 : i32 to vector<80x1xi32>
      %lt3A_1421 = arith.cmpi slt, %rem3A_1415, %lt3A_1420 : vector<80x1xi32>
      %lt3A_1422 = arith.constant 0 : i32
      %lt3A_1423 = arith.cmpi slt, %select_n3A_1413, %lt3A_1422 : i32
      %ne3A_1424 = vector.broadcast %lt3A_1423 : i1 to vector<80x1xi1>
      %ne3A_1425 = vector.broadcast %ne3A_1424 : vector<80x1xi1> to vector<80x1xi1>
      %ne3A_1426 = arith.xori %lt3A_1421, %ne3A_1425 : vector<80x1xi1>
      %and3A_1427 = arith.andi %ne3A_1426, %ne3A_1418 : vector<80x1xi1>
      %add3A_1428 = vector.broadcast %select_n3A_1413 : i32 to vector<80x1xi32>
      %add3A_1429 = arith.addi %rem3A_1415, %add3A_1428 : vector<80x1xi32>
      %select_n3A_1430 = arith.select %and3A_1427, %add3A_1429, %rem3A_1415 : vector<80x1xi1>, vector<80x1xi32>
      %eq3A_1431 = arith.constant 5 : i32
      %eq3A_1432 = vector.broadcast %eq3A_1431 : i32 to vector<80x1xi32>
      %eq3A_1433 = arith.cmpi eq, %select_n3A_1430, %eq3A_1432 : vector<80x1xi32>
      %and3A_1434 = arith.andi %and3A_1328, %eq3A_1433 : vector<80x1xi1>
      %jit3A_1435 = arith.constant 0 : i32
      %broadcast_in_dim3A_1436 = vector.broadcast %jit3A_1435 : i32 to vector<80x1xi32>
      %select_n3A_1437 = arith.select %and3A_1434, %broadcast_in_dim3A_1436, %select_n3A_1264 : vector<80x1xi1>, vector<80x1xi32>
      %eq3A_1438 = vector.broadcast %broadcast_in_dim3A_1286 : vector<80x1xi32> to vector<80x768xi32>
      %eq3A_1439 = arith.cmpi eq, %add3A_236, %eq3A_1438 : vector<80x768xi32>
      %jit3A_1440 = arith.constant 0x7F800000 : f32
      %broadcast_in_dim3A_1441 = vector.broadcast %jit3A_1440 : f32 to vector<80x768xf32>
      %select_n3A_1442 = arith.select %eq3A_1439, %broadcast_in_dim3A_1441, %select_n3A_1269 : vector<80x768xi1>, vector<80x768xf32>
      %jit3A_1443 = arith.constant 1 : i32
      %jit3A_1444 = arith.constant 0 : i32
      %broadcast_in_dim3A_1445 = vector.broadcast %jit3A_1443 : i32 to vector<80x1xi32>
      %broadcast_in_dim3A_1446 = vector.broadcast %jit3A_1444 : i32 to vector<80x1xi32>
      %select_n3A_1447 = arith.select %and3A_1328, %broadcast_in_dim3A_1445, %broadcast_in_dim3A_1446 : vector<80x1xi1>, vector<80x1xi32>
      %add3A_1448 = arith.addi %add3A_1275, %select_n3A_1447 : vector<80x1xi32>
      %reduce_min3A_1449 = arith.constant dense<0x7F800000> : vector<80xf32>
      %reduce_min3A_1450 = vector.multi_reduction <minimumf>, %select_n3A_1442, %reduce_min3A_1449 [1] : vector<80x768xf32> to vector<80xf32>
      %broadcast_in_dim3A_1451 = vector.shape_cast %reduce_min3A_1450 : vector<80xf32> to vector<80x1xf32>
      %eq3A_1452 = vector.broadcast %broadcast_in_dim3A_1451 : vector<80x1xf32> to vector<80x768xf32>
      %eq3A_1453 = arith.cmpf oeq, %select_n3A_1442, %eq3A_1452 : vector<80x768xf32>
      %jit3A_1454 = arith.constant 1073741824 : i32
      %broadcast_in_dim3A_1455 = vector.broadcast %jit3A_1454 : i32 to vector<80x768xi32>
      %select_n3A_1456 = arith.select %eq3A_1453, %add3A_236, %broadcast_in_dim3A_1455 : vector<80x768xi1>, vector<80x768xi32>
      %reduce_min3A_1457 = arith.constant dense<2147483647> : vector<80xi32>
      %reduce_min3A_1458 = vector.multi_reduction <minsi>, %select_n3A_1456, %reduce_min3A_1457 [1] : vector<80x768xi32> to vector<80xi32>
      %broadcast_in_dim3A_1459 = vector.shape_cast %reduce_min3A_1458 : vector<80xi32> to vector<80x1xi32>
      %jit3A_1460 = arith.constant 8 : i32
      %div3A_1461 = vector.broadcast %jit3A_1460 : i32 to vector<80x1xi32>
      %div3A_1462 = arith.divsi %broadcast_in_dim3A_1459, %div3A_1461 : vector<80x1xi32>
      %sign3A_1463 = arith.constant 0 : i32
      %sign3A_1464 = vector.broadcast %sign3A_1463 : i32 to vector<80x1xi32>
      %sign3A_1465 = arith.cmpi sgt, %broadcast_in_dim3A_1459, %sign3A_1464 : vector<80x1xi32>
      %sign3A_1466 = arith.extui %sign3A_1465 : vector<80x1xi1> to vector<80x1xi32>
      %sign3A_1467 = arith.constant 0 : i32
      %sign3A_1468 = vector.broadcast %sign3A_1467 : i32 to vector<80x1xi32>
      %sign3A_1469 = arith.cmpi slt, %broadcast_in_dim3A_1459, %sign3A_1468 : vector<80x1xi32>
      %sign3A_1470 = arith.extui %sign3A_1469 : vector<80x1xi1> to vector<80x1xi32>
      %sign3A_1471 = arith.subi %sign3A_1466, %sign3A_1470 : vector<80x1xi32>
      %sign3A_1472 = arith.constant 0 : i32
      %sign3A_1473 = arith.cmpi sgt, %jit3A_1460, %sign3A_1472 : i32
      %sign3A_1474 = arith.extui %sign3A_1473 : i1 to i32
      %sign3A_1475 = arith.constant 0 : i32
      %sign3A_1476 = arith.cmpi slt, %jit3A_1460, %sign3A_1475 : i32
      %sign3A_1477 = arith.extui %sign3A_1476 : i1 to i32
      %sign3A_1478 = arith.subi %sign3A_1474, %sign3A_1477 : i32
      %ne3A_1479 = vector.broadcast %sign3A_1478 : i32 to vector<80x1xi32>
      %ne3A_1480 = arith.cmpi ne, %sign3A_1471, %ne3A_1479 : vector<80x1xi32>
      %rem3A_1481 = vector.broadcast %jit3A_1460 : i32 to vector<80x1xi32>
      %rem3A_1482 = arith.remsi %broadcast_in_dim3A_1459, %rem3A_1481 : vector<80x1xi32>
      %ne3A_1483 = arith.constant 0 : i32
      %ne3A_1484 = vector.broadcast %ne3A_1483 : i32 to vector<80x1xi32>
      %ne3A_1485 = arith.cmpi ne, %rem3A_1482, %ne3A_1484 : vector<80x1xi32>
      %and3A_1486 = arith.andi %ne3A_1480, %ne3A_1485 : vector<80x1xi1>
      %sub3A_1487 = arith.constant 1 : i32
      %sub3A_1488 = vector.broadcast %sub3A_1487 : i32 to vector<80x1xi32>
      %sub3A_1489 = arith.subi %div3A_1462, %sub3A_1488 : vector<80x1xi32>
      %select_n3A_1490 = arith.select %and3A_1486, %sub3A_1489, %div3A_1462 : vector<80x1xi1>, vector<80x1xi32>
      %gt3A_1491 = arith.constant 0 : i32
      %gt3A_1492 = vector.broadcast %gt3A_1491 : i32 to vector<80x1xi32>
      %gt3A_1493 = arith.cmpi sgt, %select_n3A_1437, %gt3A_1492 : vector<80x1xi32>
      %lt3A_1494 = arith.constant 31 : i32
      %lt3A_1495 = vector.broadcast %lt3A_1494 : i32 to vector<80x1xi32>
      %lt3A_1496 = arith.cmpi slt, %add3A_1448, %lt3A_1495 : vector<80x1xi32>
      %and3A_1497 = arith.andi %gt3A_1493, %lt3A_1496 : vector<80x1xi1>
      %lt3A_1498 = arith.constant 0x7F800000 : f32
      %lt3A_1499 = vector.broadcast %lt3A_1498 : f32 to vector<80x1xf32>
      %lt3A_1500 = arith.cmpf olt, %broadcast_in_dim3A_1451, %lt3A_1499 : vector<80x1xf32>
      %and3A_1501 = arith.andi %and3A_1497, %lt3A_1500 : vector<80x1xi1>
      %lt3A_1502 = arith.constant 16 : i32
      %lt3A_1503 = vector.broadcast %lt3A_1502 : i32 to vector<80x1xi32>
      %lt3A_1504 = arith.cmpi slt, %add3A_1448, %lt3A_1503 : vector<80x1xi32>
      %and3A_1505 = arith.andi %and3A_1501, %lt3A_1504 : vector<80x1xi1>
      %eq3A_1506 = vector.broadcast %add3A_1448 : vector<80x1xi32> to vector<80x128xi32>
      %eq3A_1507 = arith.cmpi eq, %iota3A_26, %eq3A_1506 : vector<80x128xi32>
      %and3A_1508 = vector.broadcast %and3A_1505 : vector<80x1xi1> to vector<80x128xi1>
      %and3A_1509 = arith.andi %and3A_1508, %eq3A_1507 : vector<80x128xi1>
      %broadcast_in_dim3A_1510 = vector.shape_cast %select_n3A_1490 : vector<80x1xi32> to vector<80x1xi32>
      %broadcast_in_dim3A_1511 = vector.broadcast %broadcast_in_dim3A_1510 : vector<80x1xi32> to vector<80x128xi32>
      %select_n3A_1512 = arith.select %and3A_1509, %broadcast_in_dim3A_1511, %select_n3A_1406 : vector<80x128xi1>, vector<80x128xi32>
      %jit3A_1513 = arith.constant 2 : i32
      %eq3A_1514 = arith.constant 0 : i32
      %eq3A_1515 = arith.cmpi eq, %jit3A_1513, %eq3A_1514 : i32
      %jit3A_1516 = arith.constant 1 : i32
      %select_n3A_1517 = arith.select %eq3A_1515, %jit3A_1516, %jit3A_1513 : i32
      %rem3A_1518 = vector.broadcast %select_n3A_1517 : i32 to vector<80x1xi32>
      %rem3A_1519 = arith.remsi %add3A_1448, %rem3A_1518 : vector<80x1xi32>
      %ne3A_1520 = arith.constant 0 : i32
      %ne3A_1521 = vector.broadcast %ne3A_1520 : i32 to vector<80x1xi32>
      %ne3A_1522 = arith.cmpi ne, %rem3A_1519, %ne3A_1521 : vector<80x1xi32>
      %lt3A_1523 = arith.constant 0 : i32
      %lt3A_1524 = vector.broadcast %lt3A_1523 : i32 to vector<80x1xi32>
      %lt3A_1525 = arith.cmpi slt, %rem3A_1519, %lt3A_1524 : vector<80x1xi32>
      %lt3A_1526 = arith.constant 0 : i32
      %lt3A_1527 = arith.cmpi slt, %select_n3A_1517, %lt3A_1526 : i32
      %ne3A_1528 = vector.broadcast %lt3A_1527 : i1 to vector<80x1xi1>
      %ne3A_1529 = vector.broadcast %ne3A_1528 : vector<80x1xi1> to vector<80x1xi1>
      %ne3A_1530 = arith.xori %lt3A_1525, %ne3A_1529 : vector<80x1xi1>
      %and3A_1531 = arith.andi %ne3A_1530, %ne3A_1522 : vector<80x1xi1>
      %add3A_1532 = vector.broadcast %select_n3A_1517 : i32 to vector<80x1xi32>
      %add3A_1533 = arith.addi %rem3A_1519, %add3A_1532 : vector<80x1xi32>
      %select_n3A_1534 = arith.select %and3A_1531, %add3A_1533, %rem3A_1519 : vector<80x1xi1>, vector<80x1xi32>
      %eq3A_1535 = arith.constant 0 : i32
      %eq3A_1536 = vector.broadcast %eq3A_1535 : i32 to vector<80x1xi32>
      %eq3A_1537 = arith.cmpi eq, %select_n3A_1534, %eq3A_1536 : vector<80x1xi32>
      %and3A_1538 = arith.andi %and3A_1501, %eq3A_1537 : vector<80x1xi1>
      %jit3A_1539 = arith.constant 2 : i32
      %div3A_1540 = vector.broadcast %jit3A_1539 : i32 to vector<80x1xi32>
      %div3A_1541 = arith.divsi %add3A_1448, %div3A_1540 : vector<80x1xi32>
      %sign3A_1542 = arith.constant 0 : i32
      %sign3A_1543 = vector.broadcast %sign3A_1542 : i32 to vector<80x1xi32>
      %sign3A_1544 = arith.cmpi sgt, %add3A_1448, %sign3A_1543 : vector<80x1xi32>
      %sign3A_1545 = arith.extui %sign3A_1544 : vector<80x1xi1> to vector<80x1xi32>
      %sign3A_1546 = arith.constant 0 : i32
      %sign3A_1547 = vector.broadcast %sign3A_1546 : i32 to vector<80x1xi32>
      %sign3A_1548 = arith.cmpi slt, %add3A_1448, %sign3A_1547 : vector<80x1xi32>
      %sign3A_1549 = arith.extui %sign3A_1548 : vector<80x1xi1> to vector<80x1xi32>
      %sign3A_1550 = arith.subi %sign3A_1545, %sign3A_1549 : vector<80x1xi32>
      %sign3A_1551 = arith.constant 0 : i32
      %sign3A_1552 = arith.cmpi sgt, %jit3A_1539, %sign3A_1551 : i32
      %sign3A_1553 = arith.extui %sign3A_1552 : i1 to i32
      %sign3A_1554 = arith.constant 0 : i32
      %sign3A_1555 = arith.cmpi slt, %jit3A_1539, %sign3A_1554 : i32
      %sign3A_1556 = arith.extui %sign3A_1555 : i1 to i32
      %sign3A_1557 = arith.subi %sign3A_1553, %sign3A_1556 : i32
      %ne3A_1558 = vector.broadcast %sign3A_1557 : i32 to vector<80x1xi32>
      %ne3A_1559 = arith.cmpi ne, %sign3A_1550, %ne3A_1558 : vector<80x1xi32>
      %rem3A_1560 = vector.broadcast %jit3A_1539 : i32 to vector<80x1xi32>
      %rem3A_1561 = arith.remsi %add3A_1448, %rem3A_1560 : vector<80x1xi32>
      %ne3A_1562 = arith.constant 0 : i32
      %ne3A_1563 = vector.broadcast %ne3A_1562 : i32 to vector<80x1xi32>
      %ne3A_1564 = arith.cmpi ne, %rem3A_1561, %ne3A_1563 : vector<80x1xi32>
      %and3A_1565 = arith.andi %ne3A_1559, %ne3A_1564 : vector<80x1xi1>
      %sub3A_1566 = arith.constant 1 : i32
      %sub3A_1567 = vector.broadcast %sub3A_1566 : i32 to vector<80x1xi32>
      %sub3A_1568 = arith.subi %div3A_1541, %sub3A_1567 : vector<80x1xi32>
      %select_n3A_1569 = arith.select %and3A_1565, %sub3A_1568, %div3A_1541 : vector<80x1xi1>, vector<80x1xi32>
      %add3A_1570 = arith.constant 16 : i32
      %add3A_1571 = vector.broadcast %add3A_1570 : i32 to vector<80x1xi32>
      %add3A_1572 = arith.addi %add3A_1571, %select_n3A_1569 : vector<80x1xi32>
      %eq3A_1573 = vector.broadcast %add3A_1572 : vector<80x1xi32> to vector<80x128xi32>
      %eq3A_1574 = arith.cmpi eq, %iota3A_26, %eq3A_1573 : vector<80x128xi32>
      %and3A_1575 = vector.broadcast %and3A_1538 : vector<80x1xi1> to vector<80x128xi1>
      %and3A_1576 = arith.andi %and3A_1575, %eq3A_1574 : vector<80x128xi1>
      %broadcast_in_dim3A_1577 = vector.shape_cast %select_n3A_1490 : vector<80x1xi32> to vector<80x1xi32>
      %broadcast_in_dim3A_1578 = vector.broadcast %broadcast_in_dim3A_1577 : vector<80x1xi32> to vector<80x128xi32>
      %select_n3A_1579 = arith.select %and3A_1576, %broadcast_in_dim3A_1578, %select_n3A_1512 : vector<80x128xi1>, vector<80x128xi32>
      %select_n3A_1580 = arith.select %and3A_1501, %broadcast_in_dim3A_1451, %select_n3A_1407 : vector<80x1xi1>, vector<80x1xf32>
      %select_n3A_1581 = arith.select %and3A_1501, %select_n3A_1490, %select_n3A_1408 : vector<80x1xi1>, vector<80x1xi32>
      %jit3A_1582 = arith.constant 8 : i32
      %eq3A_1583 = arith.constant 0 : i32
      %eq3A_1584 = arith.cmpi eq, %jit3A_1582, %eq3A_1583 : i32
      %jit3A_1585 = arith.constant 1 : i32
      %select_n3A_1586 = arith.select %eq3A_1584, %jit3A_1585, %jit3A_1582 : i32
      %rem3A_1587 = vector.broadcast %select_n3A_1586 : i32 to vector<80x1xi32>
      %rem3A_1588 = arith.remsi %broadcast_in_dim3A_1459, %rem3A_1587 : vector<80x1xi32>
      %ne3A_1589 = arith.constant 0 : i32
      %ne3A_1590 = vector.broadcast %ne3A_1589 : i32 to vector<80x1xi32>
      %ne3A_1591 = arith.cmpi ne, %rem3A_1588, %ne3A_1590 : vector<80x1xi32>
      %lt3A_1592 = arith.constant 0 : i32
      %lt3A_1593 = vector.broadcast %lt3A_1592 : i32 to vector<80x1xi32>
      %lt3A_1594 = arith.cmpi slt, %rem3A_1588, %lt3A_1593 : vector<80x1xi32>
      %lt3A_1595 = arith.constant 0 : i32
      %lt3A_1596 = arith.cmpi slt, %select_n3A_1586, %lt3A_1595 : i32
      %ne3A_1597 = vector.broadcast %lt3A_1596 : i1 to vector<80x1xi1>
      %ne3A_1598 = vector.broadcast %ne3A_1597 : vector<80x1xi1> to vector<80x1xi1>
      %ne3A_1599 = arith.xori %lt3A_1594, %ne3A_1598 : vector<80x1xi1>
      %and3A_1600 = arith.andi %ne3A_1599, %ne3A_1591 : vector<80x1xi1>
      %add3A_1601 = vector.broadcast %select_n3A_1586 : i32 to vector<80x1xi32>
      %add3A_1602 = arith.addi %rem3A_1588, %add3A_1601 : vector<80x1xi32>
      %select_n3A_1603 = arith.select %and3A_1600, %add3A_1602, %rem3A_1588 : vector<80x1xi1>, vector<80x1xi32>
      %eq3A_1604 = arith.constant 5 : i32
      %eq3A_1605 = vector.broadcast %eq3A_1604 : i32 to vector<80x1xi32>
      %eq3A_1606 = arith.cmpi eq, %select_n3A_1603, %eq3A_1605 : vector<80x1xi32>
      %and3A_1607 = arith.andi %and3A_1501, %eq3A_1606 : vector<80x1xi1>
      %jit3A_1608 = arith.constant 0 : i32
      %broadcast_in_dim3A_1609 = vector.broadcast %jit3A_1608 : i32 to vector<80x1xi32>
      %select_n3A_1610 = arith.select %and3A_1607, %broadcast_in_dim3A_1609, %select_n3A_1437 : vector<80x1xi1>, vector<80x1xi32>
      %eq3A_1611 = vector.broadcast %broadcast_in_dim3A_1459 : vector<80x1xi32> to vector<80x768xi32>
      %eq3A_1612 = arith.cmpi eq, %add3A_236, %eq3A_1611 : vector<80x768xi32>
      %jit3A_1613 = arith.constant 0x7F800000 : f32
      %broadcast_in_dim3A_1614 = vector.broadcast %jit3A_1613 : f32 to vector<80x768xf32>
      %select_n3A_1615 = arith.select %eq3A_1612, %broadcast_in_dim3A_1614, %select_n3A_1442 : vector<80x768xi1>, vector<80x768xf32>
      %jit3A_1616 = arith.constant 1 : i32
      %jit3A_1617 = arith.constant 0 : i32
      %broadcast_in_dim3A_1618 = vector.broadcast %jit3A_1616 : i32 to vector<80x1xi32>
      %broadcast_in_dim3A_1619 = vector.broadcast %jit3A_1617 : i32 to vector<80x1xi32>
      %select_n3A_1620 = arith.select %and3A_1501, %broadcast_in_dim3A_1618, %broadcast_in_dim3A_1619 : vector<80x1xi1>, vector<80x1xi32>
      %add3A_1621 = arith.addi %add3A_1448, %select_n3A_1620 : vector<80x1xi32>
      %reduce_min3A_1622 = arith.constant dense<0x7F800000> : vector<80xf32>
      %reduce_min3A_1623 = vector.multi_reduction <minimumf>, %select_n3A_1615, %reduce_min3A_1622 [1] : vector<80x768xf32> to vector<80xf32>
      %broadcast_in_dim3A_1624 = vector.shape_cast %reduce_min3A_1623 : vector<80xf32> to vector<80x1xf32>
      %eq3A_1625 = vector.broadcast %broadcast_in_dim3A_1624 : vector<80x1xf32> to vector<80x768xf32>
      %eq3A_1626 = arith.cmpf oeq, %select_n3A_1615, %eq3A_1625 : vector<80x768xf32>
      %jit3A_1627 = arith.constant 1073741824 : i32
      %broadcast_in_dim3A_1628 = vector.broadcast %jit3A_1627 : i32 to vector<80x768xi32>
      %select_n3A_1629 = arith.select %eq3A_1626, %add3A_236, %broadcast_in_dim3A_1628 : vector<80x768xi1>, vector<80x768xi32>
      %reduce_min3A_1630 = arith.constant dense<2147483647> : vector<80xi32>
      %reduce_min3A_1631 = vector.multi_reduction <minsi>, %select_n3A_1629, %reduce_min3A_1630 [1] : vector<80x768xi32> to vector<80xi32>
      %broadcast_in_dim3A_1632 = vector.shape_cast %reduce_min3A_1631 : vector<80xi32> to vector<80x1xi32>
      %jit3A_1633 = arith.constant 8 : i32
      %div3A_1634 = vector.broadcast %jit3A_1633 : i32 to vector<80x1xi32>
      %div3A_1635 = arith.divsi %broadcast_in_dim3A_1632, %div3A_1634 : vector<80x1xi32>
      %sign3A_1636 = arith.constant 0 : i32
      %sign3A_1637 = vector.broadcast %sign3A_1636 : i32 to vector<80x1xi32>
      %sign3A_1638 = arith.cmpi sgt, %broadcast_in_dim3A_1632, %sign3A_1637 : vector<80x1xi32>
      %sign3A_1639 = arith.extui %sign3A_1638 : vector<80x1xi1> to vector<80x1xi32>
      %sign3A_1640 = arith.constant 0 : i32
      %sign3A_1641 = vector.broadcast %sign3A_1640 : i32 to vector<80x1xi32>
      %sign3A_1642 = arith.cmpi slt, %broadcast_in_dim3A_1632, %sign3A_1641 : vector<80x1xi32>
      %sign3A_1643 = arith.extui %sign3A_1642 : vector<80x1xi1> to vector<80x1xi32>
      %sign3A_1644 = arith.subi %sign3A_1639, %sign3A_1643 : vector<80x1xi32>
      %sign3A_1645 = arith.constant 0 : i32
      %sign3A_1646 = arith.cmpi sgt, %jit3A_1633, %sign3A_1645 : i32
      %sign3A_1647 = arith.extui %sign3A_1646 : i1 to i32
      %sign3A_1648 = arith.constant 0 : i32
      %sign3A_1649 = arith.cmpi slt, %jit3A_1633, %sign3A_1648 : i32
      %sign3A_1650 = arith.extui %sign3A_1649 : i1 to i32
      %sign3A_1651 = arith.subi %sign3A_1647, %sign3A_1650 : i32
      %ne3A_1652 = vector.broadcast %sign3A_1651 : i32 to vector<80x1xi32>
      %ne3A_1653 = arith.cmpi ne, %sign3A_1644, %ne3A_1652 : vector<80x1xi32>
      %rem3A_1654 = vector.broadcast %jit3A_1633 : i32 to vector<80x1xi32>
      %rem3A_1655 = arith.remsi %broadcast_in_dim3A_1632, %rem3A_1654 : vector<80x1xi32>
      %ne3A_1656 = arith.constant 0 : i32
      %ne3A_1657 = vector.broadcast %ne3A_1656 : i32 to vector<80x1xi32>
      %ne3A_1658 = arith.cmpi ne, %rem3A_1655, %ne3A_1657 : vector<80x1xi32>
      %and3A_1659 = arith.andi %ne3A_1653, %ne3A_1658 : vector<80x1xi1>
      %sub3A_1660 = arith.constant 1 : i32
      %sub3A_1661 = vector.broadcast %sub3A_1660 : i32 to vector<80x1xi32>
      %sub3A_1662 = arith.subi %div3A_1635, %sub3A_1661 : vector<80x1xi32>
      %select_n3A_1663 = arith.select %and3A_1659, %sub3A_1662, %div3A_1635 : vector<80x1xi1>, vector<80x1xi32>
      %gt3A_1664 = arith.constant 0 : i32
      %gt3A_1665 = vector.broadcast %gt3A_1664 : i32 to vector<80x1xi32>
      %gt3A_1666 = arith.cmpi sgt, %select_n3A_1610, %gt3A_1665 : vector<80x1xi32>
      %lt3A_1667 = arith.constant 31 : i32
      %lt3A_1668 = vector.broadcast %lt3A_1667 : i32 to vector<80x1xi32>
      %lt3A_1669 = arith.cmpi slt, %add3A_1621, %lt3A_1668 : vector<80x1xi32>
      %and3A_1670 = arith.andi %gt3A_1666, %lt3A_1669 : vector<80x1xi1>
      %lt3A_1671 = arith.constant 0x7F800000 : f32
      %lt3A_1672 = vector.broadcast %lt3A_1671 : f32 to vector<80x1xf32>
      %lt3A_1673 = arith.cmpf olt, %broadcast_in_dim3A_1624, %lt3A_1672 : vector<80x1xf32>
      %and3A_1674 = arith.andi %and3A_1670, %lt3A_1673 : vector<80x1xi1>
      %lt3A_1675 = arith.constant 16 : i32
      %lt3A_1676 = vector.broadcast %lt3A_1675 : i32 to vector<80x1xi32>
      %lt3A_1677 = arith.cmpi slt, %add3A_1621, %lt3A_1676 : vector<80x1xi32>
      %and3A_1678 = arith.andi %and3A_1674, %lt3A_1677 : vector<80x1xi1>
      %eq3A_1679 = vector.broadcast %add3A_1621 : vector<80x1xi32> to vector<80x128xi32>
      %eq3A_1680 = arith.cmpi eq, %iota3A_26, %eq3A_1679 : vector<80x128xi32>
      %and3A_1681 = vector.broadcast %and3A_1678 : vector<80x1xi1> to vector<80x128xi1>
      %and3A_1682 = arith.andi %and3A_1681, %eq3A_1680 : vector<80x128xi1>
      %broadcast_in_dim3A_1683 = vector.shape_cast %select_n3A_1663 : vector<80x1xi32> to vector<80x1xi32>
      %broadcast_in_dim3A_1684 = vector.broadcast %broadcast_in_dim3A_1683 : vector<80x1xi32> to vector<80x128xi32>
      %select_n3A_1685 = arith.select %and3A_1682, %broadcast_in_dim3A_1684, %select_n3A_1579 : vector<80x128xi1>, vector<80x128xi32>
      %jit3A_1686 = arith.constant 2 : i32
      %eq3A_1687 = arith.constant 0 : i32
      %eq3A_1688 = arith.cmpi eq, %jit3A_1686, %eq3A_1687 : i32
      %jit3A_1689 = arith.constant 1 : i32
      %select_n3A_1690 = arith.select %eq3A_1688, %jit3A_1689, %jit3A_1686 : i32
      %rem3A_1691 = vector.broadcast %select_n3A_1690 : i32 to vector<80x1xi32>
      %rem3A_1692 = arith.remsi %add3A_1621, %rem3A_1691 : vector<80x1xi32>
      %ne3A_1693 = arith.constant 0 : i32
      %ne3A_1694 = vector.broadcast %ne3A_1693 : i32 to vector<80x1xi32>
      %ne3A_1695 = arith.cmpi ne, %rem3A_1692, %ne3A_1694 : vector<80x1xi32>
      %lt3A_1696 = arith.constant 0 : i32
      %lt3A_1697 = vector.broadcast %lt3A_1696 : i32 to vector<80x1xi32>
      %lt3A_1698 = arith.cmpi slt, %rem3A_1692, %lt3A_1697 : vector<80x1xi32>
      %lt3A_1699 = arith.constant 0 : i32
      %lt3A_1700 = arith.cmpi slt, %select_n3A_1690, %lt3A_1699 : i32
      %ne3A_1701 = vector.broadcast %lt3A_1700 : i1 to vector<80x1xi1>
      %ne3A_1702 = vector.broadcast %ne3A_1701 : vector<80x1xi1> to vector<80x1xi1>
      %ne3A_1703 = arith.xori %lt3A_1698, %ne3A_1702 : vector<80x1xi1>
      %and3A_1704 = arith.andi %ne3A_1703, %ne3A_1695 : vector<80x1xi1>
      %add3A_1705 = vector.broadcast %select_n3A_1690 : i32 to vector<80x1xi32>
      %add3A_1706 = arith.addi %rem3A_1692, %add3A_1705 : vector<80x1xi32>
      %select_n3A_1707 = arith.select %and3A_1704, %add3A_1706, %rem3A_1692 : vector<80x1xi1>, vector<80x1xi32>
      %eq3A_1708 = arith.constant 0 : i32
      %eq3A_1709 = vector.broadcast %eq3A_1708 : i32 to vector<80x1xi32>
      %eq3A_1710 = arith.cmpi eq, %select_n3A_1707, %eq3A_1709 : vector<80x1xi32>
      %and3A_1711 = arith.andi %and3A_1674, %eq3A_1710 : vector<80x1xi1>
      %jit3A_1712 = arith.constant 2 : i32
      %div3A_1713 = vector.broadcast %jit3A_1712 : i32 to vector<80x1xi32>
      %div3A_1714 = arith.divsi %add3A_1621, %div3A_1713 : vector<80x1xi32>
      %sign3A_1715 = arith.constant 0 : i32
      %sign3A_1716 = vector.broadcast %sign3A_1715 : i32 to vector<80x1xi32>
      %sign3A_1717 = arith.cmpi sgt, %add3A_1621, %sign3A_1716 : vector<80x1xi32>
      %sign3A_1718 = arith.extui %sign3A_1717 : vector<80x1xi1> to vector<80x1xi32>
      %sign3A_1719 = arith.constant 0 : i32
      %sign3A_1720 = vector.broadcast %sign3A_1719 : i32 to vector<80x1xi32>
      %sign3A_1721 = arith.cmpi slt, %add3A_1621, %sign3A_1720 : vector<80x1xi32>
      %sign3A_1722 = arith.extui %sign3A_1721 : vector<80x1xi1> to vector<80x1xi32>
      %sign3A_1723 = arith.subi %sign3A_1718, %sign3A_1722 : vector<80x1xi32>
      %sign3A_1724 = arith.constant 0 : i32
      %sign3A_1725 = arith.cmpi sgt, %jit3A_1712, %sign3A_1724 : i32
      %sign3A_1726 = arith.extui %sign3A_1725 : i1 to i32
      %sign3A_1727 = arith.constant 0 : i32
      %sign3A_1728 = arith.cmpi slt, %jit3A_1712, %sign3A_1727 : i32
      %sign3A_1729 = arith.extui %sign3A_1728 : i1 to i32
      %sign3A_1730 = arith.subi %sign3A_1726, %sign3A_1729 : i32
      %ne3A_1731 = vector.broadcast %sign3A_1730 : i32 to vector<80x1xi32>
      %ne3A_1732 = arith.cmpi ne, %sign3A_1723, %ne3A_1731 : vector<80x1xi32>
      %rem3A_1733 = vector.broadcast %jit3A_1712 : i32 to vector<80x1xi32>
      %rem3A_1734 = arith.remsi %add3A_1621, %rem3A_1733 : vector<80x1xi32>
      %ne3A_1735 = arith.constant 0 : i32
      %ne3A_1736 = vector.broadcast %ne3A_1735 : i32 to vector<80x1xi32>
      %ne3A_1737 = arith.cmpi ne, %rem3A_1734, %ne3A_1736 : vector<80x1xi32>
      %and3A_1738 = arith.andi %ne3A_1732, %ne3A_1737 : vector<80x1xi1>
      %sub3A_1739 = arith.constant 1 : i32
      %sub3A_1740 = vector.broadcast %sub3A_1739 : i32 to vector<80x1xi32>
      %sub3A_1741 = arith.subi %div3A_1714, %sub3A_1740 : vector<80x1xi32>
      %select_n3A_1742 = arith.select %and3A_1738, %sub3A_1741, %div3A_1714 : vector<80x1xi1>, vector<80x1xi32>
      %add3A_1743 = arith.constant 16 : i32
      %add3A_1744 = vector.broadcast %add3A_1743 : i32 to vector<80x1xi32>
      %add3A_1745 = arith.addi %add3A_1744, %select_n3A_1742 : vector<80x1xi32>
      %eq3A_1746 = vector.broadcast %add3A_1745 : vector<80x1xi32> to vector<80x128xi32>
      %eq3A_1747 = arith.cmpi eq, %iota3A_26, %eq3A_1746 : vector<80x128xi32>
      %and3A_1748 = vector.broadcast %and3A_1711 : vector<80x1xi1> to vector<80x128xi1>
      %and3A_1749 = arith.andi %and3A_1748, %eq3A_1747 : vector<80x128xi1>
      %broadcast_in_dim3A_1750 = vector.shape_cast %select_n3A_1663 : vector<80x1xi32> to vector<80x1xi32>
      %broadcast_in_dim3A_1751 = vector.broadcast %broadcast_in_dim3A_1750 : vector<80x1xi32> to vector<80x128xi32>
      %select_n3A_1752 = arith.select %and3A_1749, %broadcast_in_dim3A_1751, %select_n3A_1685 : vector<80x128xi1>, vector<80x128xi32>
      %select_n3A_1753 = arith.select %and3A_1674, %broadcast_in_dim3A_1624, %select_n3A_1580 : vector<80x1xi1>, vector<80x1xf32>
      %select_n3A_1754 = arith.select %and3A_1674, %select_n3A_1663, %select_n3A_1581 : vector<80x1xi1>, vector<80x1xi32>
      %jit3A_1755 = arith.constant 8 : i32
      %eq3A_1756 = arith.constant 0 : i32
      %eq3A_1757 = arith.cmpi eq, %jit3A_1755, %eq3A_1756 : i32
      %jit3A_1758 = arith.constant 1 : i32
      %select_n3A_1759 = arith.select %eq3A_1757, %jit3A_1758, %jit3A_1755 : i32
      %rem3A_1760 = vector.broadcast %select_n3A_1759 : i32 to vector<80x1xi32>
      %rem3A_1761 = arith.remsi %broadcast_in_dim3A_1632, %rem3A_1760 : vector<80x1xi32>
      %ne3A_1762 = arith.constant 0 : i32
      %ne3A_1763 = vector.broadcast %ne3A_1762 : i32 to vector<80x1xi32>
      %ne3A_1764 = arith.cmpi ne, %rem3A_1761, %ne3A_1763 : vector<80x1xi32>
      %lt3A_1765 = arith.constant 0 : i32
      %lt3A_1766 = vector.broadcast %lt3A_1765 : i32 to vector<80x1xi32>
      %lt3A_1767 = arith.cmpi slt, %rem3A_1761, %lt3A_1766 : vector<80x1xi32>
      %lt3A_1768 = arith.constant 0 : i32
      %lt3A_1769 = arith.cmpi slt, %select_n3A_1759, %lt3A_1768 : i32
      %ne3A_1770 = vector.broadcast %lt3A_1769 : i1 to vector<80x1xi1>
      %ne3A_1771 = vector.broadcast %ne3A_1770 : vector<80x1xi1> to vector<80x1xi1>
      %ne3A_1772 = arith.xori %lt3A_1767, %ne3A_1771 : vector<80x1xi1>
      %and3A_1773 = arith.andi %ne3A_1772, %ne3A_1764 : vector<80x1xi1>
      %add3A_1774 = vector.broadcast %select_n3A_1759 : i32 to vector<80x1xi32>
      %add3A_1775 = arith.addi %rem3A_1761, %add3A_1774 : vector<80x1xi32>
      %select_n3A_1776 = arith.select %and3A_1773, %add3A_1775, %rem3A_1761 : vector<80x1xi1>, vector<80x1xi32>
      %eq3A_1777 = arith.constant 5 : i32
      %eq3A_1778 = vector.broadcast %eq3A_1777 : i32 to vector<80x1xi32>
      %eq3A_1779 = arith.cmpi eq, %select_n3A_1776, %eq3A_1778 : vector<80x1xi32>
      %and3A_1780 = arith.andi %and3A_1674, %eq3A_1779 : vector<80x1xi1>
      %jit3A_1781 = arith.constant 0 : i32
      %broadcast_in_dim3A_1782 = vector.broadcast %jit3A_1781 : i32 to vector<80x1xi32>
      %select_n3A_1783 = arith.select %and3A_1780, %broadcast_in_dim3A_1782, %select_n3A_1610 : vector<80x1xi1>, vector<80x1xi32>
      %eq3A_1784 = vector.broadcast %broadcast_in_dim3A_1632 : vector<80x1xi32> to vector<80x768xi32>
      %eq3A_1785 = arith.cmpi eq, %add3A_236, %eq3A_1784 : vector<80x768xi32>
      %jit3A_1786 = arith.constant 0x7F800000 : f32
      %broadcast_in_dim3A_1787 = vector.broadcast %jit3A_1786 : f32 to vector<80x768xf32>
      %select_n3A_1788 = arith.select %eq3A_1785, %broadcast_in_dim3A_1787, %select_n3A_1615 : vector<80x768xi1>, vector<80x768xf32>
      %jit3A_1789 = arith.constant 1 : i32
      %jit3A_1790 = arith.constant 0 : i32
      %broadcast_in_dim3A_1791 = vector.broadcast %jit3A_1789 : i32 to vector<80x1xi32>
      %broadcast_in_dim3A_1792 = vector.broadcast %jit3A_1790 : i32 to vector<80x1xi32>
      %select_n3A_1793 = arith.select %and3A_1674, %broadcast_in_dim3A_1791, %broadcast_in_dim3A_1792 : vector<80x1xi1>, vector<80x1xi32>
      %add3A_1794 = arith.addi %add3A_1621, %select_n3A_1793 : vector<80x1xi32>
      %reduce_min3A_1795 = arith.constant dense<0x7F800000> : vector<80xf32>
      %reduce_min3A_1796 = vector.multi_reduction <minimumf>, %select_n3A_1788, %reduce_min3A_1795 [1] : vector<80x768xf32> to vector<80xf32>
      %broadcast_in_dim3A_1797 = vector.shape_cast %reduce_min3A_1796 : vector<80xf32> to vector<80x1xf32>
      %eq3A_1798 = vector.broadcast %broadcast_in_dim3A_1797 : vector<80x1xf32> to vector<80x768xf32>
      %eq3A_1799 = arith.cmpf oeq, %select_n3A_1788, %eq3A_1798 : vector<80x768xf32>
      %jit3A_1800 = arith.constant 1073741824 : i32
      %broadcast_in_dim3A_1801 = vector.broadcast %jit3A_1800 : i32 to vector<80x768xi32>
      %select_n3A_1802 = arith.select %eq3A_1799, %add3A_236, %broadcast_in_dim3A_1801 : vector<80x768xi1>, vector<80x768xi32>
      %reduce_min3A_1803 = arith.constant dense<2147483647> : vector<80xi32>
      %reduce_min3A_1804 = vector.multi_reduction <minsi>, %select_n3A_1802, %reduce_min3A_1803 [1] : vector<80x768xi32> to vector<80xi32>
      %broadcast_in_dim3A_1805 = vector.shape_cast %reduce_min3A_1804 : vector<80xi32> to vector<80x1xi32>
      %jit3A_1806 = arith.constant 8 : i32
      %div3A_1807 = vector.broadcast %jit3A_1806 : i32 to vector<80x1xi32>
      %div3A_1808 = arith.divsi %broadcast_in_dim3A_1805, %div3A_1807 : vector<80x1xi32>
      %sign3A_1809 = arith.constant 0 : i32
      %sign3A_1810 = vector.broadcast %sign3A_1809 : i32 to vector<80x1xi32>
      %sign3A_1811 = arith.cmpi sgt, %broadcast_in_dim3A_1805, %sign3A_1810 : vector<80x1xi32>
      %sign3A_1812 = arith.extui %sign3A_1811 : vector<80x1xi1> to vector<80x1xi32>
      %sign3A_1813 = arith.constant 0 : i32
      %sign3A_1814 = vector.broadcast %sign3A_1813 : i32 to vector<80x1xi32>
      %sign3A_1815 = arith.cmpi slt, %broadcast_in_dim3A_1805, %sign3A_1814 : vector<80x1xi32>
      %sign3A_1816 = arith.extui %sign3A_1815 : vector<80x1xi1> to vector<80x1xi32>
      %sign3A_1817 = arith.subi %sign3A_1812, %sign3A_1816 : vector<80x1xi32>
      %sign3A_1818 = arith.constant 0 : i32
      %sign3A_1819 = arith.cmpi sgt, %jit3A_1806, %sign3A_1818 : i32
      %sign3A_1820 = arith.extui %sign3A_1819 : i1 to i32
      %sign3A_1821 = arith.constant 0 : i32
      %sign3A_1822 = arith.cmpi slt, %jit3A_1806, %sign3A_1821 : i32
      %sign3A_1823 = arith.extui %sign3A_1822 : i1 to i32
      %sign3A_1824 = arith.subi %sign3A_1820, %sign3A_1823 : i32
      %ne3A_1825 = vector.broadcast %sign3A_1824 : i32 to vector<80x1xi32>
      %ne3A_1826 = arith.cmpi ne, %sign3A_1817, %ne3A_1825 : vector<80x1xi32>
      %rem3A_1827 = vector.broadcast %jit3A_1806 : i32 to vector<80x1xi32>
      %rem3A_1828 = arith.remsi %broadcast_in_dim3A_1805, %rem3A_1827 : vector<80x1xi32>
      %ne3A_1829 = arith.constant 0 : i32
      %ne3A_1830 = vector.broadcast %ne3A_1829 : i32 to vector<80x1xi32>
      %ne3A_1831 = arith.cmpi ne, %rem3A_1828, %ne3A_1830 : vector<80x1xi32>
      %and3A_1832 = arith.andi %ne3A_1826, %ne3A_1831 : vector<80x1xi1>
      %sub3A_1833 = arith.constant 1 : i32
      %sub3A_1834 = vector.broadcast %sub3A_1833 : i32 to vector<80x1xi32>
      %sub3A_1835 = arith.subi %div3A_1808, %sub3A_1834 : vector<80x1xi32>
      %select_n3A_1836 = arith.select %and3A_1832, %sub3A_1835, %div3A_1808 : vector<80x1xi1>, vector<80x1xi32>
      %gt3A_1837 = arith.constant 0 : i32
      %gt3A_1838 = vector.broadcast %gt3A_1837 : i32 to vector<80x1xi32>
      %gt3A_1839 = arith.cmpi sgt, %select_n3A_1783, %gt3A_1838 : vector<80x1xi32>
      %lt3A_1840 = arith.constant 31 : i32
      %lt3A_1841 = vector.broadcast %lt3A_1840 : i32 to vector<80x1xi32>
      %lt3A_1842 = arith.cmpi slt, %add3A_1794, %lt3A_1841 : vector<80x1xi32>
      %and3A_1843 = arith.andi %gt3A_1839, %lt3A_1842 : vector<80x1xi1>
      %lt3A_1844 = arith.constant 0x7F800000 : f32
      %lt3A_1845 = vector.broadcast %lt3A_1844 : f32 to vector<80x1xf32>
      %lt3A_1846 = arith.cmpf olt, %broadcast_in_dim3A_1797, %lt3A_1845 : vector<80x1xf32>
      %and3A_1847 = arith.andi %and3A_1843, %lt3A_1846 : vector<80x1xi1>
      %lt3A_1848 = arith.constant 16 : i32
      %lt3A_1849 = vector.broadcast %lt3A_1848 : i32 to vector<80x1xi32>
      %lt3A_1850 = arith.cmpi slt, %add3A_1794, %lt3A_1849 : vector<80x1xi32>
      %and3A_1851 = arith.andi %and3A_1847, %lt3A_1850 : vector<80x1xi1>
      %eq3A_1852 = vector.broadcast %add3A_1794 : vector<80x1xi32> to vector<80x128xi32>
      %eq3A_1853 = arith.cmpi eq, %iota3A_26, %eq3A_1852 : vector<80x128xi32>
      %and3A_1854 = vector.broadcast %and3A_1851 : vector<80x1xi1> to vector<80x128xi1>
      %and3A_1855 = arith.andi %and3A_1854, %eq3A_1853 : vector<80x128xi1>
      %broadcast_in_dim3A_1856 = vector.shape_cast %select_n3A_1836 : vector<80x1xi32> to vector<80x1xi32>
      %broadcast_in_dim3A_1857 = vector.broadcast %broadcast_in_dim3A_1856 : vector<80x1xi32> to vector<80x128xi32>
      %select_n3A_1858 = arith.select %and3A_1855, %broadcast_in_dim3A_1857, %select_n3A_1752 : vector<80x128xi1>, vector<80x128xi32>
      %jit3A_1859 = arith.constant 2 : i32
      %eq3A_1860 = arith.constant 0 : i32
      %eq3A_1861 = arith.cmpi eq, %jit3A_1859, %eq3A_1860 : i32
      %jit3A_1862 = arith.constant 1 : i32
      %select_n3A_1863 = arith.select %eq3A_1861, %jit3A_1862, %jit3A_1859 : i32
      %rem3A_1864 = vector.broadcast %select_n3A_1863 : i32 to vector<80x1xi32>
      %rem3A_1865 = arith.remsi %add3A_1794, %rem3A_1864 : vector<80x1xi32>
      %ne3A_1866 = arith.constant 0 : i32
      %ne3A_1867 = vector.broadcast %ne3A_1866 : i32 to vector<80x1xi32>
      %ne3A_1868 = arith.cmpi ne, %rem3A_1865, %ne3A_1867 : vector<80x1xi32>
      %lt3A_1869 = arith.constant 0 : i32
      %lt3A_1870 = vector.broadcast %lt3A_1869 : i32 to vector<80x1xi32>
      %lt3A_1871 = arith.cmpi slt, %rem3A_1865, %lt3A_1870 : vector<80x1xi32>
      %lt3A_1872 = arith.constant 0 : i32
      %lt3A_1873 = arith.cmpi slt, %select_n3A_1863, %lt3A_1872 : i32
      %ne3A_1874 = vector.broadcast %lt3A_1873 : i1 to vector<80x1xi1>
      %ne3A_1875 = vector.broadcast %ne3A_1874 : vector<80x1xi1> to vector<80x1xi1>
      %ne3A_1876 = arith.xori %lt3A_1871, %ne3A_1875 : vector<80x1xi1>
      %and3A_1877 = arith.andi %ne3A_1876, %ne3A_1868 : vector<80x1xi1>
      %add3A_1878 = vector.broadcast %select_n3A_1863 : i32 to vector<80x1xi32>
      %add3A_1879 = arith.addi %rem3A_1865, %add3A_1878 : vector<80x1xi32>
      %select_n3A_1880 = arith.select %and3A_1877, %add3A_1879, %rem3A_1865 : vector<80x1xi1>, vector<80x1xi32>
      %eq3A_1881 = arith.constant 0 : i32
      %eq3A_1882 = vector.broadcast %eq3A_1881 : i32 to vector<80x1xi32>
      %eq3A_1883 = arith.cmpi eq, %select_n3A_1880, %eq3A_1882 : vector<80x1xi32>
      %and3A_1884 = arith.andi %and3A_1847, %eq3A_1883 : vector<80x1xi1>
      %jit3A_1885 = arith.constant 2 : i32
      %div3A_1886 = vector.broadcast %jit3A_1885 : i32 to vector<80x1xi32>
      %div3A_1887 = arith.divsi %add3A_1794, %div3A_1886 : vector<80x1xi32>
      %sign3A_1888 = arith.constant 0 : i32
      %sign3A_1889 = vector.broadcast %sign3A_1888 : i32 to vector<80x1xi32>
      %sign3A_1890 = arith.cmpi sgt, %add3A_1794, %sign3A_1889 : vector<80x1xi32>
      %sign3A_1891 = arith.extui %sign3A_1890 : vector<80x1xi1> to vector<80x1xi32>
      %sign3A_1892 = arith.constant 0 : i32
      %sign3A_1893 = vector.broadcast %sign3A_1892 : i32 to vector<80x1xi32>
      %sign3A_1894 = arith.cmpi slt, %add3A_1794, %sign3A_1893 : vector<80x1xi32>
      %sign3A_1895 = arith.extui %sign3A_1894 : vector<80x1xi1> to vector<80x1xi32>
      %sign3A_1896 = arith.subi %sign3A_1891, %sign3A_1895 : vector<80x1xi32>
      %sign3A_1897 = arith.constant 0 : i32
      %sign3A_1898 = arith.cmpi sgt, %jit3A_1885, %sign3A_1897 : i32
      %sign3A_1899 = arith.extui %sign3A_1898 : i1 to i32
      %sign3A_1900 = arith.constant 0 : i32
      %sign3A_1901 = arith.cmpi slt, %jit3A_1885, %sign3A_1900 : i32
      %sign3A_1902 = arith.extui %sign3A_1901 : i1 to i32
      %sign3A_1903 = arith.subi %sign3A_1899, %sign3A_1902 : i32
      %ne3A_1904 = vector.broadcast %sign3A_1903 : i32 to vector<80x1xi32>
      %ne3A_1905 = arith.cmpi ne, %sign3A_1896, %ne3A_1904 : vector<80x1xi32>
      %rem3A_1906 = vector.broadcast %jit3A_1885 : i32 to vector<80x1xi32>
      %rem3A_1907 = arith.remsi %add3A_1794, %rem3A_1906 : vector<80x1xi32>
      %ne3A_1908 = arith.constant 0 : i32
      %ne3A_1909 = vector.broadcast %ne3A_1908 : i32 to vector<80x1xi32>
      %ne3A_1910 = arith.cmpi ne, %rem3A_1907, %ne3A_1909 : vector<80x1xi32>
      %and3A_1911 = arith.andi %ne3A_1905, %ne3A_1910 : vector<80x1xi1>
      %sub3A_1912 = arith.constant 1 : i32
      %sub3A_1913 = vector.broadcast %sub3A_1912 : i32 to vector<80x1xi32>
      %sub3A_1914 = arith.subi %div3A_1887, %sub3A_1913 : vector<80x1xi32>
      %select_n3A_1915 = arith.select %and3A_1911, %sub3A_1914, %div3A_1887 : vector<80x1xi1>, vector<80x1xi32>
      %add3A_1916 = arith.constant 16 : i32
      %add3A_1917 = vector.broadcast %add3A_1916 : i32 to vector<80x1xi32>
      %add3A_1918 = arith.addi %add3A_1917, %select_n3A_1915 : vector<80x1xi32>
      %eq3A_1919 = vector.broadcast %add3A_1918 : vector<80x1xi32> to vector<80x128xi32>
      %eq3A_1920 = arith.cmpi eq, %iota3A_26, %eq3A_1919 : vector<80x128xi32>
      %and3A_1921 = vector.broadcast %and3A_1884 : vector<80x1xi1> to vector<80x128xi1>
      %and3A_1922 = arith.andi %and3A_1921, %eq3A_1920 : vector<80x128xi1>
      %broadcast_in_dim3A_1923 = vector.shape_cast %select_n3A_1836 : vector<80x1xi32> to vector<80x1xi32>
      %broadcast_in_dim3A_1924 = vector.broadcast %broadcast_in_dim3A_1923 : vector<80x1xi32> to vector<80x128xi32>
      %select_n3A_1925 = arith.select %and3A_1922, %broadcast_in_dim3A_1924, %select_n3A_1858 : vector<80x128xi1>, vector<80x128xi32>
      %select_n3A_1926 = arith.select %and3A_1847, %broadcast_in_dim3A_1797, %select_n3A_1753 : vector<80x1xi1>, vector<80x1xf32>
      %select_n3A_1927 = arith.select %and3A_1847, %select_n3A_1836, %select_n3A_1754 : vector<80x1xi1>, vector<80x1xi32>
      %jit3A_1928 = arith.constant 8 : i32
      %eq3A_1929 = arith.constant 0 : i32
      %eq3A_1930 = arith.cmpi eq, %jit3A_1928, %eq3A_1929 : i32
      %jit3A_1931 = arith.constant 1 : i32
      %select_n3A_1932 = arith.select %eq3A_1930, %jit3A_1931, %jit3A_1928 : i32
      %rem3A_1933 = vector.broadcast %select_n3A_1932 : i32 to vector<80x1xi32>
      %rem3A_1934 = arith.remsi %broadcast_in_dim3A_1805, %rem3A_1933 : vector<80x1xi32>
      %ne3A_1935 = arith.constant 0 : i32
      %ne3A_1936 = vector.broadcast %ne3A_1935 : i32 to vector<80x1xi32>
      %ne3A_1937 = arith.cmpi ne, %rem3A_1934, %ne3A_1936 : vector<80x1xi32>
      %lt3A_1938 = arith.constant 0 : i32
      %lt3A_1939 = vector.broadcast %lt3A_1938 : i32 to vector<80x1xi32>
      %lt3A_1940 = arith.cmpi slt, %rem3A_1934, %lt3A_1939 : vector<80x1xi32>
      %lt3A_1941 = arith.constant 0 : i32
      %lt3A_1942 = arith.cmpi slt, %select_n3A_1932, %lt3A_1941 : i32
      %ne3A_1943 = vector.broadcast %lt3A_1942 : i1 to vector<80x1xi1>
      %ne3A_1944 = vector.broadcast %ne3A_1943 : vector<80x1xi1> to vector<80x1xi1>
      %ne3A_1945 = arith.xori %lt3A_1940, %ne3A_1944 : vector<80x1xi1>
      %and3A_1946 = arith.andi %ne3A_1945, %ne3A_1937 : vector<80x1xi1>
      %add3A_1947 = vector.broadcast %select_n3A_1932 : i32 to vector<80x1xi32>
      %add3A_1948 = arith.addi %rem3A_1934, %add3A_1947 : vector<80x1xi32>
      %select_n3A_1949 = arith.select %and3A_1946, %add3A_1948, %rem3A_1934 : vector<80x1xi1>, vector<80x1xi32>
      %eq3A_1950 = arith.constant 5 : i32
      %eq3A_1951 = vector.broadcast %eq3A_1950 : i32 to vector<80x1xi32>
      %eq3A_1952 = arith.cmpi eq, %select_n3A_1949, %eq3A_1951 : vector<80x1xi32>
      %and3A_1953 = arith.andi %and3A_1847, %eq3A_1952 : vector<80x1xi1>
      %jit3A_1954 = arith.constant 0 : i32
      %broadcast_in_dim3A_1955 = vector.broadcast %jit3A_1954 : i32 to vector<80x1xi32>
      %select_n3A_1956 = arith.select %and3A_1953, %broadcast_in_dim3A_1955, %select_n3A_1783 : vector<80x1xi1>, vector<80x1xi32>
      %eq3A_1957 = vector.broadcast %broadcast_in_dim3A_1805 : vector<80x1xi32> to vector<80x768xi32>
      %eq3A_1958 = arith.cmpi eq, %add3A_236, %eq3A_1957 : vector<80x768xi32>
      %jit3A_1959 = arith.constant 0x7F800000 : f32
      %broadcast_in_dim3A_1960 = vector.broadcast %jit3A_1959 : f32 to vector<80x768xf32>
      %select_n3A_1961 = arith.select %eq3A_1958, %broadcast_in_dim3A_1960, %select_n3A_1788 : vector<80x768xi1>, vector<80x768xf32>
      %jit3A_1962 = arith.constant 1 : i32
      %jit3A_1963 = arith.constant 0 : i32
      %broadcast_in_dim3A_1964 = vector.broadcast %jit3A_1962 : i32 to vector<80x1xi32>
      %broadcast_in_dim3A_1965 = vector.broadcast %jit3A_1963 : i32 to vector<80x1xi32>
      %select_n3A_1966 = arith.select %and3A_1847, %broadcast_in_dim3A_1964, %broadcast_in_dim3A_1965 : vector<80x1xi1>, vector<80x1xi32>
      %add3A_1967 = arith.addi %add3A_1794, %select_n3A_1966 : vector<80x1xi32>
      %reduce_min3A_1968 = arith.constant dense<0x7F800000> : vector<80xf32>
      %reduce_min3A_1969 = vector.multi_reduction <minimumf>, %select_n3A_1961, %reduce_min3A_1968 [1] : vector<80x768xf32> to vector<80xf32>
      %broadcast_in_dim3A_1970 = vector.shape_cast %reduce_min3A_1969 : vector<80xf32> to vector<80x1xf32>
      %eq3A_1971 = vector.broadcast %broadcast_in_dim3A_1970 : vector<80x1xf32> to vector<80x768xf32>
      %eq3A_1972 = arith.cmpf oeq, %select_n3A_1961, %eq3A_1971 : vector<80x768xf32>
      %jit3A_1973 = arith.constant 1073741824 : i32
      %broadcast_in_dim3A_1974 = vector.broadcast %jit3A_1973 : i32 to vector<80x768xi32>
      %select_n3A_1975 = arith.select %eq3A_1972, %add3A_236, %broadcast_in_dim3A_1974 : vector<80x768xi1>, vector<80x768xi32>
      %reduce_min3A_1976 = arith.constant dense<2147483647> : vector<80xi32>
      %reduce_min3A_1977 = vector.multi_reduction <minsi>, %select_n3A_1975, %reduce_min3A_1976 [1] : vector<80x768xi32> to vector<80xi32>
      %broadcast_in_dim3A_1978 = vector.shape_cast %reduce_min3A_1977 : vector<80xi32> to vector<80x1xi32>
      %jit3A_1979 = arith.constant 8 : i32
      %div3A_1980 = vector.broadcast %jit3A_1979 : i32 to vector<80x1xi32>
      %div3A_1981 = arith.divsi %broadcast_in_dim3A_1978, %div3A_1980 : vector<80x1xi32>
      %sign3A_1982 = arith.constant 0 : i32
      %sign3A_1983 = vector.broadcast %sign3A_1982 : i32 to vector<80x1xi32>
      %sign3A_1984 = arith.cmpi sgt, %broadcast_in_dim3A_1978, %sign3A_1983 : vector<80x1xi32>
      %sign3A_1985 = arith.extui %sign3A_1984 : vector<80x1xi1> to vector<80x1xi32>
      %sign3A_1986 = arith.constant 0 : i32
      %sign3A_1987 = vector.broadcast %sign3A_1986 : i32 to vector<80x1xi32>
      %sign3A_1988 = arith.cmpi slt, %broadcast_in_dim3A_1978, %sign3A_1987 : vector<80x1xi32>
      %sign3A_1989 = arith.extui %sign3A_1988 : vector<80x1xi1> to vector<80x1xi32>
      %sign3A_1990 = arith.subi %sign3A_1985, %sign3A_1989 : vector<80x1xi32>
      %sign3A_1991 = arith.constant 0 : i32
      %sign3A_1992 = arith.cmpi sgt, %jit3A_1979, %sign3A_1991 : i32
      %sign3A_1993 = arith.extui %sign3A_1992 : i1 to i32
      %sign3A_1994 = arith.constant 0 : i32
      %sign3A_1995 = arith.cmpi slt, %jit3A_1979, %sign3A_1994 : i32
      %sign3A_1996 = arith.extui %sign3A_1995 : i1 to i32
      %sign3A_1997 = arith.subi %sign3A_1993, %sign3A_1996 : i32
      %ne3A_1998 = vector.broadcast %sign3A_1997 : i32 to vector<80x1xi32>
      %ne3A_1999 = arith.cmpi ne, %sign3A_1990, %ne3A_1998 : vector<80x1xi32>
      %rem3A_2000 = vector.broadcast %jit3A_1979 : i32 to vector<80x1xi32>
      %rem3A_2001 = arith.remsi %broadcast_in_dim3A_1978, %rem3A_2000 : vector<80x1xi32>
      %ne3A_2002 = arith.constant 0 : i32
      %ne3A_2003 = vector.broadcast %ne3A_2002 : i32 to vector<80x1xi32>
      %ne3A_2004 = arith.cmpi ne, %rem3A_2001, %ne3A_2003 : vector<80x1xi32>
      %and3A_2005 = arith.andi %ne3A_1999, %ne3A_2004 : vector<80x1xi1>
      %sub3A_2006 = arith.constant 1 : i32
      %sub3A_2007 = vector.broadcast %sub3A_2006 : i32 to vector<80x1xi32>
      %sub3A_2008 = arith.subi %div3A_1981, %sub3A_2007 : vector<80x1xi32>
      %select_n3A_2009 = arith.select %and3A_2005, %sub3A_2008, %div3A_1981 : vector<80x1xi1>, vector<80x1xi32>
      %gt3A_2010 = arith.constant 0 : i32
      %gt3A_2011 = vector.broadcast %gt3A_2010 : i32 to vector<80x1xi32>
      %gt3A_2012 = arith.cmpi sgt, %select_n3A_1956, %gt3A_2011 : vector<80x1xi32>
      %lt3A_2013 = arith.constant 31 : i32
      %lt3A_2014 = vector.broadcast %lt3A_2013 : i32 to vector<80x1xi32>
      %lt3A_2015 = arith.cmpi slt, %add3A_1967, %lt3A_2014 : vector<80x1xi32>
      %and3A_2016 = arith.andi %gt3A_2012, %lt3A_2015 : vector<80x1xi1>
      %lt3A_2017 = arith.constant 0x7F800000 : f32
      %lt3A_2018 = vector.broadcast %lt3A_2017 : f32 to vector<80x1xf32>
      %lt3A_2019 = arith.cmpf olt, %broadcast_in_dim3A_1970, %lt3A_2018 : vector<80x1xf32>
      %and3A_2020 = arith.andi %and3A_2016, %lt3A_2019 : vector<80x1xi1>
      %lt3A_2021 = arith.constant 16 : i32
      %lt3A_2022 = vector.broadcast %lt3A_2021 : i32 to vector<80x1xi32>
      %lt3A_2023 = arith.cmpi slt, %add3A_1967, %lt3A_2022 : vector<80x1xi32>
      %and3A_2024 = arith.andi %and3A_2020, %lt3A_2023 : vector<80x1xi1>
      %eq3A_2025 = vector.broadcast %add3A_1967 : vector<80x1xi32> to vector<80x128xi32>
      %eq3A_2026 = arith.cmpi eq, %iota3A_26, %eq3A_2025 : vector<80x128xi32>
      %and3A_2027 = vector.broadcast %and3A_2024 : vector<80x1xi1> to vector<80x128xi1>
      %and3A_2028 = arith.andi %and3A_2027, %eq3A_2026 : vector<80x128xi1>
      %broadcast_in_dim3A_2029 = vector.shape_cast %select_n3A_2009 : vector<80x1xi32> to vector<80x1xi32>
      %broadcast_in_dim3A_2030 = vector.broadcast %broadcast_in_dim3A_2029 : vector<80x1xi32> to vector<80x128xi32>
      %select_n3A_2031 = arith.select %and3A_2028, %broadcast_in_dim3A_2030, %select_n3A_1925 : vector<80x128xi1>, vector<80x128xi32>
      %jit3A_2032 = arith.constant 2 : i32
      %eq3A_2033 = arith.constant 0 : i32
      %eq3A_2034 = arith.cmpi eq, %jit3A_2032, %eq3A_2033 : i32
      %jit3A_2035 = arith.constant 1 : i32
      %select_n3A_2036 = arith.select %eq3A_2034, %jit3A_2035, %jit3A_2032 : i32
      %rem3A_2037 = vector.broadcast %select_n3A_2036 : i32 to vector<80x1xi32>
      %rem3A_2038 = arith.remsi %add3A_1967, %rem3A_2037 : vector<80x1xi32>
      %ne3A_2039 = arith.constant 0 : i32
      %ne3A_2040 = vector.broadcast %ne3A_2039 : i32 to vector<80x1xi32>
      %ne3A_2041 = arith.cmpi ne, %rem3A_2038, %ne3A_2040 : vector<80x1xi32>
      %lt3A_2042 = arith.constant 0 : i32
      %lt3A_2043 = vector.broadcast %lt3A_2042 : i32 to vector<80x1xi32>
      %lt3A_2044 = arith.cmpi slt, %rem3A_2038, %lt3A_2043 : vector<80x1xi32>
      %lt3A_2045 = arith.constant 0 : i32
      %lt3A_2046 = arith.cmpi slt, %select_n3A_2036, %lt3A_2045 : i32
      %ne3A_2047 = vector.broadcast %lt3A_2046 : i1 to vector<80x1xi1>
      %ne3A_2048 = vector.broadcast %ne3A_2047 : vector<80x1xi1> to vector<80x1xi1>
      %ne3A_2049 = arith.xori %lt3A_2044, %ne3A_2048 : vector<80x1xi1>
      %and3A_2050 = arith.andi %ne3A_2049, %ne3A_2041 : vector<80x1xi1>
      %add3A_2051 = vector.broadcast %select_n3A_2036 : i32 to vector<80x1xi32>
      %add3A_2052 = arith.addi %rem3A_2038, %add3A_2051 : vector<80x1xi32>
      %select_n3A_2053 = arith.select %and3A_2050, %add3A_2052, %rem3A_2038 : vector<80x1xi1>, vector<80x1xi32>
      %eq3A_2054 = arith.constant 0 : i32
      %eq3A_2055 = vector.broadcast %eq3A_2054 : i32 to vector<80x1xi32>
      %eq3A_2056 = arith.cmpi eq, %select_n3A_2053, %eq3A_2055 : vector<80x1xi32>
      %and3A_2057 = arith.andi %and3A_2020, %eq3A_2056 : vector<80x1xi1>
      %jit3A_2058 = arith.constant 2 : i32
      %div3A_2059 = vector.broadcast %jit3A_2058 : i32 to vector<80x1xi32>
      %div3A_2060 = arith.divsi %add3A_1967, %div3A_2059 : vector<80x1xi32>
      %sign3A_2061 = arith.constant 0 : i32
      %sign3A_2062 = vector.broadcast %sign3A_2061 : i32 to vector<80x1xi32>
      %sign3A_2063 = arith.cmpi sgt, %add3A_1967, %sign3A_2062 : vector<80x1xi32>
      %sign3A_2064 = arith.extui %sign3A_2063 : vector<80x1xi1> to vector<80x1xi32>
      %sign3A_2065 = arith.constant 0 : i32
      %sign3A_2066 = vector.broadcast %sign3A_2065 : i32 to vector<80x1xi32>
      %sign3A_2067 = arith.cmpi slt, %add3A_1967, %sign3A_2066 : vector<80x1xi32>
      %sign3A_2068 = arith.extui %sign3A_2067 : vector<80x1xi1> to vector<80x1xi32>
      %sign3A_2069 = arith.subi %sign3A_2064, %sign3A_2068 : vector<80x1xi32>
      %sign3A_2070 = arith.constant 0 : i32
      %sign3A_2071 = arith.cmpi sgt, %jit3A_2058, %sign3A_2070 : i32
      %sign3A_2072 = arith.extui %sign3A_2071 : i1 to i32
      %sign3A_2073 = arith.constant 0 : i32
      %sign3A_2074 = arith.cmpi slt, %jit3A_2058, %sign3A_2073 : i32
      %sign3A_2075 = arith.extui %sign3A_2074 : i1 to i32
      %sign3A_2076 = arith.subi %sign3A_2072, %sign3A_2075 : i32
      %ne3A_2077 = vector.broadcast %sign3A_2076 : i32 to vector<80x1xi32>
      %ne3A_2078 = arith.cmpi ne, %sign3A_2069, %ne3A_2077 : vector<80x1xi32>
      %rem3A_2079 = vector.broadcast %jit3A_2058 : i32 to vector<80x1xi32>
      %rem3A_2080 = arith.remsi %add3A_1967, %rem3A_2079 : vector<80x1xi32>
      %ne3A_2081 = arith.constant 0 : i32
      %ne3A_2082 = vector.broadcast %ne3A_2081 : i32 to vector<80x1xi32>
      %ne3A_2083 = arith.cmpi ne, %rem3A_2080, %ne3A_2082 : vector<80x1xi32>
      %and3A_2084 = arith.andi %ne3A_2078, %ne3A_2083 : vector<80x1xi1>
      %sub3A_2085 = arith.constant 1 : i32
      %sub3A_2086 = vector.broadcast %sub3A_2085 : i32 to vector<80x1xi32>
      %sub3A_2087 = arith.subi %div3A_2060, %sub3A_2086 : vector<80x1xi32>
      %select_n3A_2088 = arith.select %and3A_2084, %sub3A_2087, %div3A_2060 : vector<80x1xi1>, vector<80x1xi32>
      %add3A_2089 = arith.constant 16 : i32
      %add3A_2090 = vector.broadcast %add3A_2089 : i32 to vector<80x1xi32>
      %add3A_2091 = arith.addi %add3A_2090, %select_n3A_2088 : vector<80x1xi32>
      %eq3A_2092 = vector.broadcast %add3A_2091 : vector<80x1xi32> to vector<80x128xi32>
      %eq3A_2093 = arith.cmpi eq, %iota3A_26, %eq3A_2092 : vector<80x128xi32>
      %and3A_2094 = vector.broadcast %and3A_2057 : vector<80x1xi1> to vector<80x128xi1>
      %and3A_2095 = arith.andi %and3A_2094, %eq3A_2093 : vector<80x128xi1>
      %broadcast_in_dim3A_2096 = vector.shape_cast %select_n3A_2009 : vector<80x1xi32> to vector<80x1xi32>
      %broadcast_in_dim3A_2097 = vector.broadcast %broadcast_in_dim3A_2096 : vector<80x1xi32> to vector<80x128xi32>
      %select_n3A_2098 = arith.select %and3A_2095, %broadcast_in_dim3A_2097, %select_n3A_2031 : vector<80x128xi1>, vector<80x128xi32>
      %select_n3A_2099 = arith.select %and3A_2020, %broadcast_in_dim3A_1970, %select_n3A_1926 : vector<80x1xi1>, vector<80x1xf32>
      %select_n3A_2100 = arith.select %and3A_2020, %select_n3A_2009, %select_n3A_1927 : vector<80x1xi1>, vector<80x1xi32>
      %jit3A_2101 = arith.constant 8 : i32
      %eq3A_2102 = arith.constant 0 : i32
      %eq3A_2103 = arith.cmpi eq, %jit3A_2101, %eq3A_2102 : i32
      %jit3A_2104 = arith.constant 1 : i32
      %select_n3A_2105 = arith.select %eq3A_2103, %jit3A_2104, %jit3A_2101 : i32
      %rem3A_2106 = vector.broadcast %select_n3A_2105 : i32 to vector<80x1xi32>
      %rem3A_2107 = arith.remsi %broadcast_in_dim3A_1978, %rem3A_2106 : vector<80x1xi32>
      %ne3A_2108 = arith.constant 0 : i32
      %ne3A_2109 = vector.broadcast %ne3A_2108 : i32 to vector<80x1xi32>
      %ne3A_2110 = arith.cmpi ne, %rem3A_2107, %ne3A_2109 : vector<80x1xi32>
      %lt3A_2111 = arith.constant 0 : i32
      %lt3A_2112 = vector.broadcast %lt3A_2111 : i32 to vector<80x1xi32>
      %lt3A_2113 = arith.cmpi slt, %rem3A_2107, %lt3A_2112 : vector<80x1xi32>
      %lt3A_2114 = arith.constant 0 : i32
      %lt3A_2115 = arith.cmpi slt, %select_n3A_2105, %lt3A_2114 : i32
      %ne3A_2116 = vector.broadcast %lt3A_2115 : i1 to vector<80x1xi1>
      %ne3A_2117 = vector.broadcast %ne3A_2116 : vector<80x1xi1> to vector<80x1xi1>
      %ne3A_2118 = arith.xori %lt3A_2113, %ne3A_2117 : vector<80x1xi1>
      %and3A_2119 = arith.andi %ne3A_2118, %ne3A_2110 : vector<80x1xi1>
      %add3A_2120 = vector.broadcast %select_n3A_2105 : i32 to vector<80x1xi32>
      %add3A_2121 = arith.addi %rem3A_2107, %add3A_2120 : vector<80x1xi32>
      %select_n3A_2122 = arith.select %and3A_2119, %add3A_2121, %rem3A_2107 : vector<80x1xi1>, vector<80x1xi32>
      %eq3A_2123 = arith.constant 5 : i32
      %eq3A_2124 = vector.broadcast %eq3A_2123 : i32 to vector<80x1xi32>
      %eq3A_2125 = arith.cmpi eq, %select_n3A_2122, %eq3A_2124 : vector<80x1xi32>
      %and3A_2126 = arith.andi %and3A_2020, %eq3A_2125 : vector<80x1xi1>
      %jit3A_2127 = arith.constant 0 : i32
      %broadcast_in_dim3A_2128 = vector.broadcast %jit3A_2127 : i32 to vector<80x1xi32>
      %select_n3A_2129 = arith.select %and3A_2126, %broadcast_in_dim3A_2128, %select_n3A_1956 : vector<80x1xi1>, vector<80x1xi32>
      %eq3A_2130 = vector.broadcast %broadcast_in_dim3A_1978 : vector<80x1xi32> to vector<80x768xi32>
      %eq3A_2131 = arith.cmpi eq, %add3A_236, %eq3A_2130 : vector<80x768xi32>
      %jit3A_2132 = arith.constant 0x7F800000 : f32
      %broadcast_in_dim3A_2133 = vector.broadcast %jit3A_2132 : f32 to vector<80x768xf32>
      %select_n3A_2134 = arith.select %eq3A_2131, %broadcast_in_dim3A_2133, %select_n3A_1961 : vector<80x768xi1>, vector<80x768xf32>
      %jit3A_2135 = arith.constant 1 : i32
      %jit3A_2136 = arith.constant 0 : i32
      %broadcast_in_dim3A_2137 = vector.broadcast %jit3A_2135 : i32 to vector<80x1xi32>
      %broadcast_in_dim3A_2138 = vector.broadcast %jit3A_2136 : i32 to vector<80x1xi32>
      %select_n3A_2139 = arith.select %and3A_2020, %broadcast_in_dim3A_2137, %broadcast_in_dim3A_2138 : vector<80x1xi1>, vector<80x1xi32>
      %add3A_2140 = arith.addi %add3A_1967, %select_n3A_2139 : vector<80x1xi32>
      %reduce_min3A_2141 = arith.constant dense<0x7F800000> : vector<80xf32>
      %reduce_min3A_2142 = vector.multi_reduction <minimumf>, %select_n3A_2134, %reduce_min3A_2141 [1] : vector<80x768xf32> to vector<80xf32>
      %broadcast_in_dim3A_2143 = vector.shape_cast %reduce_min3A_2142 : vector<80xf32> to vector<80x1xf32>
      %eq3A_2144 = vector.broadcast %broadcast_in_dim3A_2143 : vector<80x1xf32> to vector<80x768xf32>
      %eq3A_2145 = arith.cmpf oeq, %select_n3A_2134, %eq3A_2144 : vector<80x768xf32>
      %jit3A_2146 = arith.constant 1073741824 : i32
      %broadcast_in_dim3A_2147 = vector.broadcast %jit3A_2146 : i32 to vector<80x768xi32>
      %select_n3A_2148 = arith.select %eq3A_2145, %add3A_236, %broadcast_in_dim3A_2147 : vector<80x768xi1>, vector<80x768xi32>
      %reduce_min3A_2149 = arith.constant dense<2147483647> : vector<80xi32>
      %reduce_min3A_2150 = vector.multi_reduction <minsi>, %select_n3A_2148, %reduce_min3A_2149 [1] : vector<80x768xi32> to vector<80xi32>
      %broadcast_in_dim3A_2151 = vector.shape_cast %reduce_min3A_2150 : vector<80xi32> to vector<80x1xi32>
      %jit3A_2152 = arith.constant 8 : i32
      %div3A_2153 = vector.broadcast %jit3A_2152 : i32 to vector<80x1xi32>
      %div3A_2154 = arith.divsi %broadcast_in_dim3A_2151, %div3A_2153 : vector<80x1xi32>
      %sign3A_2155 = arith.constant 0 : i32
      %sign3A_2156 = vector.broadcast %sign3A_2155 : i32 to vector<80x1xi32>
      %sign3A_2157 = arith.cmpi sgt, %broadcast_in_dim3A_2151, %sign3A_2156 : vector<80x1xi32>
      %sign3A_2158 = arith.extui %sign3A_2157 : vector<80x1xi1> to vector<80x1xi32>
      %sign3A_2159 = arith.constant 0 : i32
      %sign3A_2160 = vector.broadcast %sign3A_2159 : i32 to vector<80x1xi32>
      %sign3A_2161 = arith.cmpi slt, %broadcast_in_dim3A_2151, %sign3A_2160 : vector<80x1xi32>
      %sign3A_2162 = arith.extui %sign3A_2161 : vector<80x1xi1> to vector<80x1xi32>
      %sign3A_2163 = arith.subi %sign3A_2158, %sign3A_2162 : vector<80x1xi32>
      %sign3A_2164 = arith.constant 0 : i32
      %sign3A_2165 = arith.cmpi sgt, %jit3A_2152, %sign3A_2164 : i32
      %sign3A_2166 = arith.extui %sign3A_2165 : i1 to i32
      %sign3A_2167 = arith.constant 0 : i32
      %sign3A_2168 = arith.cmpi slt, %jit3A_2152, %sign3A_2167 : i32
      %sign3A_2169 = arith.extui %sign3A_2168 : i1 to i32
      %sign3A_2170 = arith.subi %sign3A_2166, %sign3A_2169 : i32
      %ne3A_2171 = vector.broadcast %sign3A_2170 : i32 to vector<80x1xi32>
      %ne3A_2172 = arith.cmpi ne, %sign3A_2163, %ne3A_2171 : vector<80x1xi32>
      %rem3A_2173 = vector.broadcast %jit3A_2152 : i32 to vector<80x1xi32>
      %rem3A_2174 = arith.remsi %broadcast_in_dim3A_2151, %rem3A_2173 : vector<80x1xi32>
      %ne3A_2175 = arith.constant 0 : i32
      %ne3A_2176 = vector.broadcast %ne3A_2175 : i32 to vector<80x1xi32>
      %ne3A_2177 = arith.cmpi ne, %rem3A_2174, %ne3A_2176 : vector<80x1xi32>
      %and3A_2178 = arith.andi %ne3A_2172, %ne3A_2177 : vector<80x1xi1>
      %sub3A_2179 = arith.constant 1 : i32
      %sub3A_2180 = vector.broadcast %sub3A_2179 : i32 to vector<80x1xi32>
      %sub3A_2181 = arith.subi %div3A_2154, %sub3A_2180 : vector<80x1xi32>
      %select_n3A_2182 = arith.select %and3A_2178, %sub3A_2181, %div3A_2154 : vector<80x1xi1>, vector<80x1xi32>
      %gt3A_2183 = arith.constant 0 : i32
      %gt3A_2184 = vector.broadcast %gt3A_2183 : i32 to vector<80x1xi32>
      %gt3A_2185 = arith.cmpi sgt, %select_n3A_2129, %gt3A_2184 : vector<80x1xi32>
      %lt3A_2186 = arith.constant 31 : i32
      %lt3A_2187 = vector.broadcast %lt3A_2186 : i32 to vector<80x1xi32>
      %lt3A_2188 = arith.cmpi slt, %add3A_2140, %lt3A_2187 : vector<80x1xi32>
      %and3A_2189 = arith.andi %gt3A_2185, %lt3A_2188 : vector<80x1xi1>
      %lt3A_2190 = arith.constant 0x7F800000 : f32
      %lt3A_2191 = vector.broadcast %lt3A_2190 : f32 to vector<80x1xf32>
      %lt3A_2192 = arith.cmpf olt, %broadcast_in_dim3A_2143, %lt3A_2191 : vector<80x1xf32>
      %and3A_2193 = arith.andi %and3A_2189, %lt3A_2192 : vector<80x1xi1>
      %lt3A_2194 = arith.constant 16 : i32
      %lt3A_2195 = vector.broadcast %lt3A_2194 : i32 to vector<80x1xi32>
      %lt3A_2196 = arith.cmpi slt, %add3A_2140, %lt3A_2195 : vector<80x1xi32>
      %and3A_2197 = arith.andi %and3A_2193, %lt3A_2196 : vector<80x1xi1>
      %eq3A_2198 = vector.broadcast %add3A_2140 : vector<80x1xi32> to vector<80x128xi32>
      %eq3A_2199 = arith.cmpi eq, %iota3A_26, %eq3A_2198 : vector<80x128xi32>
      %and3A_2200 = vector.broadcast %and3A_2197 : vector<80x1xi1> to vector<80x128xi1>
      %and3A_2201 = arith.andi %and3A_2200, %eq3A_2199 : vector<80x128xi1>
      %broadcast_in_dim3A_2202 = vector.shape_cast %select_n3A_2182 : vector<80x1xi32> to vector<80x1xi32>
      %broadcast_in_dim3A_2203 = vector.broadcast %broadcast_in_dim3A_2202 : vector<80x1xi32> to vector<80x128xi32>
      %select_n3A_2204 = arith.select %and3A_2201, %broadcast_in_dim3A_2203, %select_n3A_2098 : vector<80x128xi1>, vector<80x128xi32>
      %jit3A_2205 = arith.constant 2 : i32
      %eq3A_2206 = arith.constant 0 : i32
      %eq3A_2207 = arith.cmpi eq, %jit3A_2205, %eq3A_2206 : i32
      %jit3A_2208 = arith.constant 1 : i32
      %select_n3A_2209 = arith.select %eq3A_2207, %jit3A_2208, %jit3A_2205 : i32
      %rem3A_2210 = vector.broadcast %select_n3A_2209 : i32 to vector<80x1xi32>
      %rem3A_2211 = arith.remsi %add3A_2140, %rem3A_2210 : vector<80x1xi32>
      %ne3A_2212 = arith.constant 0 : i32
      %ne3A_2213 = vector.broadcast %ne3A_2212 : i32 to vector<80x1xi32>
      %ne3A_2214 = arith.cmpi ne, %rem3A_2211, %ne3A_2213 : vector<80x1xi32>
      %lt3A_2215 = arith.constant 0 : i32
      %lt3A_2216 = vector.broadcast %lt3A_2215 : i32 to vector<80x1xi32>
      %lt3A_2217 = arith.cmpi slt, %rem3A_2211, %lt3A_2216 : vector<80x1xi32>
      %lt3A_2218 = arith.constant 0 : i32
      %lt3A_2219 = arith.cmpi slt, %select_n3A_2209, %lt3A_2218 : i32
      %ne3A_2220 = vector.broadcast %lt3A_2219 : i1 to vector<80x1xi1>
      %ne3A_2221 = vector.broadcast %ne3A_2220 : vector<80x1xi1> to vector<80x1xi1>
      %ne3A_2222 = arith.xori %lt3A_2217, %ne3A_2221 : vector<80x1xi1>
      %and3A_2223 = arith.andi %ne3A_2222, %ne3A_2214 : vector<80x1xi1>
      %add3A_2224 = vector.broadcast %select_n3A_2209 : i32 to vector<80x1xi32>
      %add3A_2225 = arith.addi %rem3A_2211, %add3A_2224 : vector<80x1xi32>
      %select_n3A_2226 = arith.select %and3A_2223, %add3A_2225, %rem3A_2211 : vector<80x1xi1>, vector<80x1xi32>
      %eq3A_2227 = arith.constant 0 : i32
      %eq3A_2228 = vector.broadcast %eq3A_2227 : i32 to vector<80x1xi32>
      %eq3A_2229 = arith.cmpi eq, %select_n3A_2226, %eq3A_2228 : vector<80x1xi32>
      %and3A_2230 = arith.andi %and3A_2193, %eq3A_2229 : vector<80x1xi1>
      %jit3A_2231 = arith.constant 2 : i32
      %div3A_2232 = vector.broadcast %jit3A_2231 : i32 to vector<80x1xi32>
      %div3A_2233 = arith.divsi %add3A_2140, %div3A_2232 : vector<80x1xi32>
      %sign3A_2234 = arith.constant 0 : i32
      %sign3A_2235 = vector.broadcast %sign3A_2234 : i32 to vector<80x1xi32>
      %sign3A_2236 = arith.cmpi sgt, %add3A_2140, %sign3A_2235 : vector<80x1xi32>
      %sign3A_2237 = arith.extui %sign3A_2236 : vector<80x1xi1> to vector<80x1xi32>
      %sign3A_2238 = arith.constant 0 : i32
      %sign3A_2239 = vector.broadcast %sign3A_2238 : i32 to vector<80x1xi32>
      %sign3A_2240 = arith.cmpi slt, %add3A_2140, %sign3A_2239 : vector<80x1xi32>
      %sign3A_2241 = arith.extui %sign3A_2240 : vector<80x1xi1> to vector<80x1xi32>
      %sign3A_2242 = arith.subi %sign3A_2237, %sign3A_2241 : vector<80x1xi32>
      %sign3A_2243 = arith.constant 0 : i32
      %sign3A_2244 = arith.cmpi sgt, %jit3A_2231, %sign3A_2243 : i32
      %sign3A_2245 = arith.extui %sign3A_2244 : i1 to i32
      %sign3A_2246 = arith.constant 0 : i32
      %sign3A_2247 = arith.cmpi slt, %jit3A_2231, %sign3A_2246 : i32
      %sign3A_2248 = arith.extui %sign3A_2247 : i1 to i32
      %sign3A_2249 = arith.subi %sign3A_2245, %sign3A_2248 : i32
      %ne3A_2250 = vector.broadcast %sign3A_2249 : i32 to vector<80x1xi32>
      %ne3A_2251 = arith.cmpi ne, %sign3A_2242, %ne3A_2250 : vector<80x1xi32>
      %rem3A_2252 = vector.broadcast %jit3A_2231 : i32 to vector<80x1xi32>
      %rem3A_2253 = arith.remsi %add3A_2140, %rem3A_2252 : vector<80x1xi32>
      %ne3A_2254 = arith.constant 0 : i32
      %ne3A_2255 = vector.broadcast %ne3A_2254 : i32 to vector<80x1xi32>
      %ne3A_2256 = arith.cmpi ne, %rem3A_2253, %ne3A_2255 : vector<80x1xi32>
      %and3A_2257 = arith.andi %ne3A_2251, %ne3A_2256 : vector<80x1xi1>
      %sub3A_2258 = arith.constant 1 : i32
      %sub3A_2259 = vector.broadcast %sub3A_2258 : i32 to vector<80x1xi32>
      %sub3A_2260 = arith.subi %div3A_2233, %sub3A_2259 : vector<80x1xi32>
      %select_n3A_2261 = arith.select %and3A_2257, %sub3A_2260, %div3A_2233 : vector<80x1xi1>, vector<80x1xi32>
      %add3A_2262 = arith.constant 16 : i32
      %add3A_2263 = vector.broadcast %add3A_2262 : i32 to vector<80x1xi32>
      %add3A_2264 = arith.addi %add3A_2263, %select_n3A_2261 : vector<80x1xi32>
      %eq3A_2265 = vector.broadcast %add3A_2264 : vector<80x1xi32> to vector<80x128xi32>
      %eq3A_2266 = arith.cmpi eq, %iota3A_26, %eq3A_2265 : vector<80x128xi32>
      %and3A_2267 = vector.broadcast %and3A_2230 : vector<80x1xi1> to vector<80x128xi1>
      %and3A_2268 = arith.andi %and3A_2267, %eq3A_2266 : vector<80x128xi1>
      %broadcast_in_dim3A_2269 = vector.shape_cast %select_n3A_2182 : vector<80x1xi32> to vector<80x1xi32>
      %broadcast_in_dim3A_2270 = vector.broadcast %broadcast_in_dim3A_2269 : vector<80x1xi32> to vector<80x128xi32>
      %select_n3A_2271 = arith.select %and3A_2268, %broadcast_in_dim3A_2270, %select_n3A_2204 : vector<80x128xi1>, vector<80x128xi32>
      %select_n3A_2272 = arith.select %and3A_2193, %broadcast_in_dim3A_2143, %select_n3A_2099 : vector<80x1xi1>, vector<80x1xf32>
      %select_n3A_2273 = arith.select %and3A_2193, %select_n3A_2182, %select_n3A_2100 : vector<80x1xi1>, vector<80x1xi32>
      %jit3A_2274 = arith.constant 8 : i32
      %eq3A_2275 = arith.constant 0 : i32
      %eq3A_2276 = arith.cmpi eq, %jit3A_2274, %eq3A_2275 : i32
      %jit3A_2277 = arith.constant 1 : i32
      %select_n3A_2278 = arith.select %eq3A_2276, %jit3A_2277, %jit3A_2274 : i32
      %rem3A_2279 = vector.broadcast %select_n3A_2278 : i32 to vector<80x1xi32>
      %rem3A_2280 = arith.remsi %broadcast_in_dim3A_2151, %rem3A_2279 : vector<80x1xi32>
      %ne3A_2281 = arith.constant 0 : i32
      %ne3A_2282 = vector.broadcast %ne3A_2281 : i32 to vector<80x1xi32>
      %ne3A_2283 = arith.cmpi ne, %rem3A_2280, %ne3A_2282 : vector<80x1xi32>
      %lt3A_2284 = arith.constant 0 : i32
      %lt3A_2285 = vector.broadcast %lt3A_2284 : i32 to vector<80x1xi32>
      %lt3A_2286 = arith.cmpi slt, %rem3A_2280, %lt3A_2285 : vector<80x1xi32>
      %lt3A_2287 = arith.constant 0 : i32
      %lt3A_2288 = arith.cmpi slt, %select_n3A_2278, %lt3A_2287 : i32
      %ne3A_2289 = vector.broadcast %lt3A_2288 : i1 to vector<80x1xi1>
      %ne3A_2290 = vector.broadcast %ne3A_2289 : vector<80x1xi1> to vector<80x1xi1>
      %ne3A_2291 = arith.xori %lt3A_2286, %ne3A_2290 : vector<80x1xi1>
      %and3A_2292 = arith.andi %ne3A_2291, %ne3A_2283 : vector<80x1xi1>
      %add3A_2293 = vector.broadcast %select_n3A_2278 : i32 to vector<80x1xi32>
      %add3A_2294 = arith.addi %rem3A_2280, %add3A_2293 : vector<80x1xi32>
      %select_n3A_2295 = arith.select %and3A_2292, %add3A_2294, %rem3A_2280 : vector<80x1xi1>, vector<80x1xi32>
      %eq3A_2296 = arith.constant 5 : i32
      %eq3A_2297 = vector.broadcast %eq3A_2296 : i32 to vector<80x1xi32>
      %eq3A_2298 = arith.cmpi eq, %select_n3A_2295, %eq3A_2297 : vector<80x1xi32>
      %and3A_2299 = arith.andi %and3A_2193, %eq3A_2298 : vector<80x1xi1>
      %jit3A_2300 = arith.constant 0 : i32
      %broadcast_in_dim3A_2301 = vector.broadcast %jit3A_2300 : i32 to vector<80x1xi32>
      %select_n3A_2302 = arith.select %and3A_2299, %broadcast_in_dim3A_2301, %select_n3A_2129 : vector<80x1xi1>, vector<80x1xi32>
      %eq3A_2303 = vector.broadcast %broadcast_in_dim3A_2151 : vector<80x1xi32> to vector<80x768xi32>
      %eq3A_2304 = arith.cmpi eq, %add3A_236, %eq3A_2303 : vector<80x768xi32>
      %jit3A_2305 = arith.constant 0x7F800000 : f32
      %broadcast_in_dim3A_2306 = vector.broadcast %jit3A_2305 : f32 to vector<80x768xf32>
      %select_n3A_2307 = arith.select %eq3A_2304, %broadcast_in_dim3A_2306, %select_n3A_2134 : vector<80x768xi1>, vector<80x768xf32>
      %jit3A_2308 = arith.constant 1 : i32
      %jit3A_2309 = arith.constant 0 : i32
      %broadcast_in_dim3A_2310 = vector.broadcast %jit3A_2308 : i32 to vector<80x1xi32>
      %broadcast_in_dim3A_2311 = vector.broadcast %jit3A_2309 : i32 to vector<80x1xi32>
      %select_n3A_2312 = arith.select %and3A_2193, %broadcast_in_dim3A_2310, %broadcast_in_dim3A_2311 : vector<80x1xi1>, vector<80x1xi32>
      %add3A_2313 = arith.addi %add3A_2140, %select_n3A_2312 : vector<80x1xi32>
      %reduce_min3A_2314 = arith.constant dense<0x7F800000> : vector<80xf32>
      %reduce_min3A_2315 = vector.multi_reduction <minimumf>, %select_n3A_2307, %reduce_min3A_2314 [1] : vector<80x768xf32> to vector<80xf32>
      %broadcast_in_dim3A_2316 = vector.shape_cast %reduce_min3A_2315 : vector<80xf32> to vector<80x1xf32>
      %eq3A_2317 = vector.broadcast %broadcast_in_dim3A_2316 : vector<80x1xf32> to vector<80x768xf32>
      %eq3A_2318 = arith.cmpf oeq, %select_n3A_2307, %eq3A_2317 : vector<80x768xf32>
      %jit3A_2319 = arith.constant 1073741824 : i32
      %broadcast_in_dim3A_2320 = vector.broadcast %jit3A_2319 : i32 to vector<80x768xi32>
      %select_n3A_2321 = arith.select %eq3A_2318, %add3A_236, %broadcast_in_dim3A_2320 : vector<80x768xi1>, vector<80x768xi32>
      %reduce_min3A_2322 = arith.constant dense<2147483647> : vector<80xi32>
      %reduce_min3A_2323 = vector.multi_reduction <minsi>, %select_n3A_2321, %reduce_min3A_2322 [1] : vector<80x768xi32> to vector<80xi32>
      %broadcast_in_dim3A_2324 = vector.shape_cast %reduce_min3A_2323 : vector<80xi32> to vector<80x1xi32>
      %jit3A_2325 = arith.constant 8 : i32
      %div3A_2326 = vector.broadcast %jit3A_2325 : i32 to vector<80x1xi32>
      %div3A_2327 = arith.divsi %broadcast_in_dim3A_2324, %div3A_2326 : vector<80x1xi32>
      %sign3A_2328 = arith.constant 0 : i32
      %sign3A_2329 = vector.broadcast %sign3A_2328 : i32 to vector<80x1xi32>
      %sign3A_2330 = arith.cmpi sgt, %broadcast_in_dim3A_2324, %sign3A_2329 : vector<80x1xi32>
      %sign3A_2331 = arith.extui %sign3A_2330 : vector<80x1xi1> to vector<80x1xi32>
      %sign3A_2332 = arith.constant 0 : i32
      %sign3A_2333 = vector.broadcast %sign3A_2332 : i32 to vector<80x1xi32>
      %sign3A_2334 = arith.cmpi slt, %broadcast_in_dim3A_2324, %sign3A_2333 : vector<80x1xi32>
      %sign3A_2335 = arith.extui %sign3A_2334 : vector<80x1xi1> to vector<80x1xi32>
      %sign3A_2336 = arith.subi %sign3A_2331, %sign3A_2335 : vector<80x1xi32>
      %sign3A_2337 = arith.constant 0 : i32
      %sign3A_2338 = arith.cmpi sgt, %jit3A_2325, %sign3A_2337 : i32
      %sign3A_2339 = arith.extui %sign3A_2338 : i1 to i32
      %sign3A_2340 = arith.constant 0 : i32
      %sign3A_2341 = arith.cmpi slt, %jit3A_2325, %sign3A_2340 : i32
      %sign3A_2342 = arith.extui %sign3A_2341 : i1 to i32
      %sign3A_2343 = arith.subi %sign3A_2339, %sign3A_2342 : i32
      %ne3A_2344 = vector.broadcast %sign3A_2343 : i32 to vector<80x1xi32>
      %ne3A_2345 = arith.cmpi ne, %sign3A_2336, %ne3A_2344 : vector<80x1xi32>
      %rem3A_2346 = vector.broadcast %jit3A_2325 : i32 to vector<80x1xi32>
      %rem3A_2347 = arith.remsi %broadcast_in_dim3A_2324, %rem3A_2346 : vector<80x1xi32>
      %ne3A_2348 = arith.constant 0 : i32
      %ne3A_2349 = vector.broadcast %ne3A_2348 : i32 to vector<80x1xi32>
      %ne3A_2350 = arith.cmpi ne, %rem3A_2347, %ne3A_2349 : vector<80x1xi32>
      %and3A_2351 = arith.andi %ne3A_2345, %ne3A_2350 : vector<80x1xi1>
      %sub3A_2352 = arith.constant 1 : i32
      %sub3A_2353 = vector.broadcast %sub3A_2352 : i32 to vector<80x1xi32>
      %sub3A_2354 = arith.subi %div3A_2327, %sub3A_2353 : vector<80x1xi32>
      %select_n3A_2355 = arith.select %and3A_2351, %sub3A_2354, %div3A_2327 : vector<80x1xi1>, vector<80x1xi32>
      %gt3A_2356 = arith.constant 0 : i32
      %gt3A_2357 = vector.broadcast %gt3A_2356 : i32 to vector<80x1xi32>
      %gt3A_2358 = arith.cmpi sgt, %select_n3A_2302, %gt3A_2357 : vector<80x1xi32>
      %lt3A_2359 = arith.constant 31 : i32
      %lt3A_2360 = vector.broadcast %lt3A_2359 : i32 to vector<80x1xi32>
      %lt3A_2361 = arith.cmpi slt, %add3A_2313, %lt3A_2360 : vector<80x1xi32>
      %and3A_2362 = arith.andi %gt3A_2358, %lt3A_2361 : vector<80x1xi1>
      %lt3A_2363 = arith.constant 0x7F800000 : f32
      %lt3A_2364 = vector.broadcast %lt3A_2363 : f32 to vector<80x1xf32>
      %lt3A_2365 = arith.cmpf olt, %broadcast_in_dim3A_2316, %lt3A_2364 : vector<80x1xf32>
      %and3A_2366 = arith.andi %and3A_2362, %lt3A_2365 : vector<80x1xi1>
      %lt3A_2367 = arith.constant 16 : i32
      %lt3A_2368 = vector.broadcast %lt3A_2367 : i32 to vector<80x1xi32>
      %lt3A_2369 = arith.cmpi slt, %add3A_2313, %lt3A_2368 : vector<80x1xi32>
      %and3A_2370 = arith.andi %and3A_2366, %lt3A_2369 : vector<80x1xi1>
      %eq3A_2371 = vector.broadcast %add3A_2313 : vector<80x1xi32> to vector<80x128xi32>
      %eq3A_2372 = arith.cmpi eq, %iota3A_26, %eq3A_2371 : vector<80x128xi32>
      %and3A_2373 = vector.broadcast %and3A_2370 : vector<80x1xi1> to vector<80x128xi1>
      %and3A_2374 = arith.andi %and3A_2373, %eq3A_2372 : vector<80x128xi1>
      %broadcast_in_dim3A_2375 = vector.shape_cast %select_n3A_2355 : vector<80x1xi32> to vector<80x1xi32>
      %broadcast_in_dim3A_2376 = vector.broadcast %broadcast_in_dim3A_2375 : vector<80x1xi32> to vector<80x128xi32>
      %select_n3A_2377 = arith.select %and3A_2374, %broadcast_in_dim3A_2376, %select_n3A_2271 : vector<80x128xi1>, vector<80x128xi32>
      %jit3A_2378 = arith.constant 2 : i32
      %eq3A_2379 = arith.constant 0 : i32
      %eq3A_2380 = arith.cmpi eq, %jit3A_2378, %eq3A_2379 : i32
      %jit3A_2381 = arith.constant 1 : i32
      %select_n3A_2382 = arith.select %eq3A_2380, %jit3A_2381, %jit3A_2378 : i32
      %rem3A_2383 = vector.broadcast %select_n3A_2382 : i32 to vector<80x1xi32>
      %rem3A_2384 = arith.remsi %add3A_2313, %rem3A_2383 : vector<80x1xi32>
      %ne3A_2385 = arith.constant 0 : i32
      %ne3A_2386 = vector.broadcast %ne3A_2385 : i32 to vector<80x1xi32>
      %ne3A_2387 = arith.cmpi ne, %rem3A_2384, %ne3A_2386 : vector<80x1xi32>
      %lt3A_2388 = arith.constant 0 : i32
      %lt3A_2389 = vector.broadcast %lt3A_2388 : i32 to vector<80x1xi32>
      %lt3A_2390 = arith.cmpi slt, %rem3A_2384, %lt3A_2389 : vector<80x1xi32>
      %lt3A_2391 = arith.constant 0 : i32
      %lt3A_2392 = arith.cmpi slt, %select_n3A_2382, %lt3A_2391 : i32
      %ne3A_2393 = vector.broadcast %lt3A_2392 : i1 to vector<80x1xi1>
      %ne3A_2394 = vector.broadcast %ne3A_2393 : vector<80x1xi1> to vector<80x1xi1>
      %ne3A_2395 = arith.xori %lt3A_2390, %ne3A_2394 : vector<80x1xi1>
      %and3A_2396 = arith.andi %ne3A_2395, %ne3A_2387 : vector<80x1xi1>
      %add3A_2397 = vector.broadcast %select_n3A_2382 : i32 to vector<80x1xi32>
      %add3A_2398 = arith.addi %rem3A_2384, %add3A_2397 : vector<80x1xi32>
      %select_n3A_2399 = arith.select %and3A_2396, %add3A_2398, %rem3A_2384 : vector<80x1xi1>, vector<80x1xi32>
      %eq3A_2400 = arith.constant 0 : i32
      %eq3A_2401 = vector.broadcast %eq3A_2400 : i32 to vector<80x1xi32>
      %eq3A_2402 = arith.cmpi eq, %select_n3A_2399, %eq3A_2401 : vector<80x1xi32>
      %and3A_2403 = arith.andi %and3A_2366, %eq3A_2402 : vector<80x1xi1>
      %jit3A_2404 = arith.constant 2 : i32
      %div3A_2405 = vector.broadcast %jit3A_2404 : i32 to vector<80x1xi32>
      %div3A_2406 = arith.divsi %add3A_2313, %div3A_2405 : vector<80x1xi32>
      %sign3A_2407 = arith.constant 0 : i32
      %sign3A_2408 = vector.broadcast %sign3A_2407 : i32 to vector<80x1xi32>
      %sign3A_2409 = arith.cmpi sgt, %add3A_2313, %sign3A_2408 : vector<80x1xi32>
      %sign3A_2410 = arith.extui %sign3A_2409 : vector<80x1xi1> to vector<80x1xi32>
      %sign3A_2411 = arith.constant 0 : i32
      %sign3A_2412 = vector.broadcast %sign3A_2411 : i32 to vector<80x1xi32>
      %sign3A_2413 = arith.cmpi slt, %add3A_2313, %sign3A_2412 : vector<80x1xi32>
      %sign3A_2414 = arith.extui %sign3A_2413 : vector<80x1xi1> to vector<80x1xi32>
      %sign3A_2415 = arith.subi %sign3A_2410, %sign3A_2414 : vector<80x1xi32>
      %sign3A_2416 = arith.constant 0 : i32
      %sign3A_2417 = arith.cmpi sgt, %jit3A_2404, %sign3A_2416 : i32
      %sign3A_2418 = arith.extui %sign3A_2417 : i1 to i32
      %sign3A_2419 = arith.constant 0 : i32
      %sign3A_2420 = arith.cmpi slt, %jit3A_2404, %sign3A_2419 : i32
      %sign3A_2421 = arith.extui %sign3A_2420 : i1 to i32
      %sign3A_2422 = arith.subi %sign3A_2418, %sign3A_2421 : i32
      %ne3A_2423 = vector.broadcast %sign3A_2422 : i32 to vector<80x1xi32>
      %ne3A_2424 = arith.cmpi ne, %sign3A_2415, %ne3A_2423 : vector<80x1xi32>
      %rem3A_2425 = vector.broadcast %jit3A_2404 : i32 to vector<80x1xi32>
      %rem3A_2426 = arith.remsi %add3A_2313, %rem3A_2425 : vector<80x1xi32>
      %ne3A_2427 = arith.constant 0 : i32
      %ne3A_2428 = vector.broadcast %ne3A_2427 : i32 to vector<80x1xi32>
      %ne3A_2429 = arith.cmpi ne, %rem3A_2426, %ne3A_2428 : vector<80x1xi32>
      %and3A_2430 = arith.andi %ne3A_2424, %ne3A_2429 : vector<80x1xi1>
      %sub3A_2431 = arith.constant 1 : i32
      %sub3A_2432 = vector.broadcast %sub3A_2431 : i32 to vector<80x1xi32>
      %sub3A_2433 = arith.subi %div3A_2406, %sub3A_2432 : vector<80x1xi32>
      %select_n3A_2434 = arith.select %and3A_2430, %sub3A_2433, %div3A_2406 : vector<80x1xi1>, vector<80x1xi32>
      %add3A_2435 = arith.constant 16 : i32
      %add3A_2436 = vector.broadcast %add3A_2435 : i32 to vector<80x1xi32>
      %add3A_2437 = arith.addi %add3A_2436, %select_n3A_2434 : vector<80x1xi32>
      %eq3A_2438 = vector.broadcast %add3A_2437 : vector<80x1xi32> to vector<80x128xi32>
      %eq3A_2439 = arith.cmpi eq, %iota3A_26, %eq3A_2438 : vector<80x128xi32>
      %and3A_2440 = vector.broadcast %and3A_2403 : vector<80x1xi1> to vector<80x128xi1>
      %and3A_2441 = arith.andi %and3A_2440, %eq3A_2439 : vector<80x128xi1>
      %broadcast_in_dim3A_2442 = vector.shape_cast %select_n3A_2355 : vector<80x1xi32> to vector<80x1xi32>
      %broadcast_in_dim3A_2443 = vector.broadcast %broadcast_in_dim3A_2442 : vector<80x1xi32> to vector<80x128xi32>
      %select_n3A_2444 = arith.select %and3A_2441, %broadcast_in_dim3A_2443, %select_n3A_2377 : vector<80x128xi1>, vector<80x128xi32>
      %select_n3A_2445 = arith.select %and3A_2366, %broadcast_in_dim3A_2316, %select_n3A_2272 : vector<80x1xi1>, vector<80x1xf32>
      %select_n3A_2446 = arith.select %and3A_2366, %select_n3A_2355, %select_n3A_2273 : vector<80x1xi1>, vector<80x1xi32>
      %jit3A_2447 = arith.constant 8 : i32
      %eq3A_2448 = arith.constant 0 : i32
      %eq3A_2449 = arith.cmpi eq, %jit3A_2447, %eq3A_2448 : i32
      %jit3A_2450 = arith.constant 1 : i32
      %select_n3A_2451 = arith.select %eq3A_2449, %jit3A_2450, %jit3A_2447 : i32
      %rem3A_2452 = vector.broadcast %select_n3A_2451 : i32 to vector<80x1xi32>
      %rem3A_2453 = arith.remsi %broadcast_in_dim3A_2324, %rem3A_2452 : vector<80x1xi32>
      %ne3A_2454 = arith.constant 0 : i32
      %ne3A_2455 = vector.broadcast %ne3A_2454 : i32 to vector<80x1xi32>
      %ne3A_2456 = arith.cmpi ne, %rem3A_2453, %ne3A_2455 : vector<80x1xi32>
      %lt3A_2457 = arith.constant 0 : i32
      %lt3A_2458 = vector.broadcast %lt3A_2457 : i32 to vector<80x1xi32>
      %lt3A_2459 = arith.cmpi slt, %rem3A_2453, %lt3A_2458 : vector<80x1xi32>
      %lt3A_2460 = arith.constant 0 : i32
      %lt3A_2461 = arith.cmpi slt, %select_n3A_2451, %lt3A_2460 : i32
      %ne3A_2462 = vector.broadcast %lt3A_2461 : i1 to vector<80x1xi1>
      %ne3A_2463 = vector.broadcast %ne3A_2462 : vector<80x1xi1> to vector<80x1xi1>
      %ne3A_2464 = arith.xori %lt3A_2459, %ne3A_2463 : vector<80x1xi1>
      %and3A_2465 = arith.andi %ne3A_2464, %ne3A_2456 : vector<80x1xi1>
      %add3A_2466 = vector.broadcast %select_n3A_2451 : i32 to vector<80x1xi32>
      %add3A_2467 = arith.addi %rem3A_2453, %add3A_2466 : vector<80x1xi32>
      %select_n3A_2468 = arith.select %and3A_2465, %add3A_2467, %rem3A_2453 : vector<80x1xi1>, vector<80x1xi32>
      %eq3A_2469 = arith.constant 5 : i32
      %eq3A_2470 = vector.broadcast %eq3A_2469 : i32 to vector<80x1xi32>
      %eq3A_2471 = arith.cmpi eq, %select_n3A_2468, %eq3A_2470 : vector<80x1xi32>
      %and3A_2472 = arith.andi %and3A_2366, %eq3A_2471 : vector<80x1xi1>
      %jit3A_2473 = arith.constant 0 : i32
      %broadcast_in_dim3A_2474 = vector.broadcast %jit3A_2473 : i32 to vector<80x1xi32>
      %select_n3A_2475 = arith.select %and3A_2472, %broadcast_in_dim3A_2474, %select_n3A_2302 : vector<80x1xi1>, vector<80x1xi32>
      %eq3A_2476 = vector.broadcast %broadcast_in_dim3A_2324 : vector<80x1xi32> to vector<80x768xi32>
      %eq3A_2477 = arith.cmpi eq, %add3A_236, %eq3A_2476 : vector<80x768xi32>
      %jit3A_2478 = arith.constant 0x7F800000 : f32
      %broadcast_in_dim3A_2479 = vector.broadcast %jit3A_2478 : f32 to vector<80x768xf32>
      %select_n3A_2480 = arith.select %eq3A_2477, %broadcast_in_dim3A_2479, %select_n3A_2307 : vector<80x768xi1>, vector<80x768xf32>
      %jit3A_2481 = arith.constant 1 : i32
      %jit3A_2482 = arith.constant 0 : i32
      %broadcast_in_dim3A_2483 = vector.broadcast %jit3A_2481 : i32 to vector<80x1xi32>
      %broadcast_in_dim3A_2484 = vector.broadcast %jit3A_2482 : i32 to vector<80x1xi32>
      %select_n3A_2485 = arith.select %and3A_2366, %broadcast_in_dim3A_2483, %broadcast_in_dim3A_2484 : vector<80x1xi1>, vector<80x1xi32>
      %add3A_2486 = arith.addi %add3A_2313, %select_n3A_2485 : vector<80x1xi32>
      %reduce_min3A_2487 = arith.constant dense<0x7F800000> : vector<80xf32>
      %reduce_min3A_2488 = vector.multi_reduction <minimumf>, %select_n3A_2480, %reduce_min3A_2487 [1] : vector<80x768xf32> to vector<80xf32>
      %broadcast_in_dim3A_2489 = vector.shape_cast %reduce_min3A_2488 : vector<80xf32> to vector<80x1xf32>
      %eq3A_2490 = vector.broadcast %broadcast_in_dim3A_2489 : vector<80x1xf32> to vector<80x768xf32>
      %eq3A_2491 = arith.cmpf oeq, %select_n3A_2480, %eq3A_2490 : vector<80x768xf32>
      %jit3A_2492 = arith.constant 1073741824 : i32
      %broadcast_in_dim3A_2493 = vector.broadcast %jit3A_2492 : i32 to vector<80x768xi32>
      %select_n3A_2494 = arith.select %eq3A_2491, %add3A_236, %broadcast_in_dim3A_2493 : vector<80x768xi1>, vector<80x768xi32>
      %reduce_min3A_2495 = arith.constant dense<2147483647> : vector<80xi32>
      %reduce_min3A_2496 = vector.multi_reduction <minsi>, %select_n3A_2494, %reduce_min3A_2495 [1] : vector<80x768xi32> to vector<80xi32>
      %broadcast_in_dim3A_2497 = vector.shape_cast %reduce_min3A_2496 : vector<80xi32> to vector<80x1xi32>
      %jit3A_2498 = arith.constant 8 : i32
      %div3A_2499 = vector.broadcast %jit3A_2498 : i32 to vector<80x1xi32>
      %div3A_2500 = arith.divsi %broadcast_in_dim3A_2497, %div3A_2499 : vector<80x1xi32>
      %sign3A_2501 = arith.constant 0 : i32
      %sign3A_2502 = vector.broadcast %sign3A_2501 : i32 to vector<80x1xi32>
      %sign3A_2503 = arith.cmpi sgt, %broadcast_in_dim3A_2497, %sign3A_2502 : vector<80x1xi32>
      %sign3A_2504 = arith.extui %sign3A_2503 : vector<80x1xi1> to vector<80x1xi32>
      %sign3A_2505 = arith.constant 0 : i32
      %sign3A_2506 = vector.broadcast %sign3A_2505 : i32 to vector<80x1xi32>
      %sign3A_2507 = arith.cmpi slt, %broadcast_in_dim3A_2497, %sign3A_2506 : vector<80x1xi32>
      %sign3A_2508 = arith.extui %sign3A_2507 : vector<80x1xi1> to vector<80x1xi32>
      %sign3A_2509 = arith.subi %sign3A_2504, %sign3A_2508 : vector<80x1xi32>
      %sign3A_2510 = arith.constant 0 : i32
      %sign3A_2511 = arith.cmpi sgt, %jit3A_2498, %sign3A_2510 : i32
      %sign3A_2512 = arith.extui %sign3A_2511 : i1 to i32
      %sign3A_2513 = arith.constant 0 : i32
      %sign3A_2514 = arith.cmpi slt, %jit3A_2498, %sign3A_2513 : i32
      %sign3A_2515 = arith.extui %sign3A_2514 : i1 to i32
      %sign3A_2516 = arith.subi %sign3A_2512, %sign3A_2515 : i32
      %ne3A_2517 = vector.broadcast %sign3A_2516 : i32 to vector<80x1xi32>
      %ne3A_2518 = arith.cmpi ne, %sign3A_2509, %ne3A_2517 : vector<80x1xi32>
      %rem3A_2519 = vector.broadcast %jit3A_2498 : i32 to vector<80x1xi32>
      %rem3A_2520 = arith.remsi %broadcast_in_dim3A_2497, %rem3A_2519 : vector<80x1xi32>
      %ne3A_2521 = arith.constant 0 : i32
      %ne3A_2522 = vector.broadcast %ne3A_2521 : i32 to vector<80x1xi32>
      %ne3A_2523 = arith.cmpi ne, %rem3A_2520, %ne3A_2522 : vector<80x1xi32>
      %and3A_2524 = arith.andi %ne3A_2518, %ne3A_2523 : vector<80x1xi1>
      %sub3A_2525 = arith.constant 1 : i32
      %sub3A_2526 = vector.broadcast %sub3A_2525 : i32 to vector<80x1xi32>
      %sub3A_2527 = arith.subi %div3A_2500, %sub3A_2526 : vector<80x1xi32>
      %select_n3A_2528 = arith.select %and3A_2524, %sub3A_2527, %div3A_2500 : vector<80x1xi1>, vector<80x1xi32>
      %gt3A_2529 = arith.constant 0 : i32
      %gt3A_2530 = vector.broadcast %gt3A_2529 : i32 to vector<80x1xi32>
      %gt3A_2531 = arith.cmpi sgt, %select_n3A_2475, %gt3A_2530 : vector<80x1xi32>
      %lt3A_2532 = arith.constant 31 : i32
      %lt3A_2533 = vector.broadcast %lt3A_2532 : i32 to vector<80x1xi32>
      %lt3A_2534 = arith.cmpi slt, %add3A_2486, %lt3A_2533 : vector<80x1xi32>
      %and3A_2535 = arith.andi %gt3A_2531, %lt3A_2534 : vector<80x1xi1>
      %lt3A_2536 = arith.constant 0x7F800000 : f32
      %lt3A_2537 = vector.broadcast %lt3A_2536 : f32 to vector<80x1xf32>
      %lt3A_2538 = arith.cmpf olt, %broadcast_in_dim3A_2489, %lt3A_2537 : vector<80x1xf32>
      %and3A_2539 = arith.andi %and3A_2535, %lt3A_2538 : vector<80x1xi1>
      %lt3A_2540 = arith.constant 16 : i32
      %lt3A_2541 = vector.broadcast %lt3A_2540 : i32 to vector<80x1xi32>
      %lt3A_2542 = arith.cmpi slt, %add3A_2486, %lt3A_2541 : vector<80x1xi32>
      %and3A_2543 = arith.andi %and3A_2539, %lt3A_2542 : vector<80x1xi1>
      %eq3A_2544 = vector.broadcast %add3A_2486 : vector<80x1xi32> to vector<80x128xi32>
      %eq3A_2545 = arith.cmpi eq, %iota3A_26, %eq3A_2544 : vector<80x128xi32>
      %and3A_2546 = vector.broadcast %and3A_2543 : vector<80x1xi1> to vector<80x128xi1>
      %and3A_2547 = arith.andi %and3A_2546, %eq3A_2545 : vector<80x128xi1>
      %broadcast_in_dim3A_2548 = vector.shape_cast %select_n3A_2528 : vector<80x1xi32> to vector<80x1xi32>
      %broadcast_in_dim3A_2549 = vector.broadcast %broadcast_in_dim3A_2548 : vector<80x1xi32> to vector<80x128xi32>
      %select_n3A_2550 = arith.select %and3A_2547, %broadcast_in_dim3A_2549, %select_n3A_2444 : vector<80x128xi1>, vector<80x128xi32>
      %jit3A_2551 = arith.constant 2 : i32
      %eq3A_2552 = arith.constant 0 : i32
      %eq3A_2553 = arith.cmpi eq, %jit3A_2551, %eq3A_2552 : i32
      %jit3A_2554 = arith.constant 1 : i32
      %select_n3A_2555 = arith.select %eq3A_2553, %jit3A_2554, %jit3A_2551 : i32
      %rem3A_2556 = vector.broadcast %select_n3A_2555 : i32 to vector<80x1xi32>
      %rem3A_2557 = arith.remsi %add3A_2486, %rem3A_2556 : vector<80x1xi32>
      %ne3A_2558 = arith.constant 0 : i32
      %ne3A_2559 = vector.broadcast %ne3A_2558 : i32 to vector<80x1xi32>
      %ne3A_2560 = arith.cmpi ne, %rem3A_2557, %ne3A_2559 : vector<80x1xi32>
      %lt3A_2561 = arith.constant 0 : i32
      %lt3A_2562 = vector.broadcast %lt3A_2561 : i32 to vector<80x1xi32>
      %lt3A_2563 = arith.cmpi slt, %rem3A_2557, %lt3A_2562 : vector<80x1xi32>
      %lt3A_2564 = arith.constant 0 : i32
      %lt3A_2565 = arith.cmpi slt, %select_n3A_2555, %lt3A_2564 : i32
      %ne3A_2566 = vector.broadcast %lt3A_2565 : i1 to vector<80x1xi1>
      %ne3A_2567 = vector.broadcast %ne3A_2566 : vector<80x1xi1> to vector<80x1xi1>
      %ne3A_2568 = arith.xori %lt3A_2563, %ne3A_2567 : vector<80x1xi1>
      %and3A_2569 = arith.andi %ne3A_2568, %ne3A_2560 : vector<80x1xi1>
      %add3A_2570 = vector.broadcast %select_n3A_2555 : i32 to vector<80x1xi32>
      %add3A_2571 = arith.addi %rem3A_2557, %add3A_2570 : vector<80x1xi32>
      %select_n3A_2572 = arith.select %and3A_2569, %add3A_2571, %rem3A_2557 : vector<80x1xi1>, vector<80x1xi32>
      %eq3A_2573 = arith.constant 0 : i32
      %eq3A_2574 = vector.broadcast %eq3A_2573 : i32 to vector<80x1xi32>
      %eq3A_2575 = arith.cmpi eq, %select_n3A_2572, %eq3A_2574 : vector<80x1xi32>
      %and3A_2576 = arith.andi %and3A_2539, %eq3A_2575 : vector<80x1xi1>
      %jit3A_2577 = arith.constant 2 : i32
      %div3A_2578 = vector.broadcast %jit3A_2577 : i32 to vector<80x1xi32>
      %div3A_2579 = arith.divsi %add3A_2486, %div3A_2578 : vector<80x1xi32>
      %sign3A_2580 = arith.constant 0 : i32
      %sign3A_2581 = vector.broadcast %sign3A_2580 : i32 to vector<80x1xi32>
      %sign3A_2582 = arith.cmpi sgt, %add3A_2486, %sign3A_2581 : vector<80x1xi32>
      %sign3A_2583 = arith.extui %sign3A_2582 : vector<80x1xi1> to vector<80x1xi32>
      %sign3A_2584 = arith.constant 0 : i32
      %sign3A_2585 = vector.broadcast %sign3A_2584 : i32 to vector<80x1xi32>
      %sign3A_2586 = arith.cmpi slt, %add3A_2486, %sign3A_2585 : vector<80x1xi32>
      %sign3A_2587 = arith.extui %sign3A_2586 : vector<80x1xi1> to vector<80x1xi32>
      %sign3A_2588 = arith.subi %sign3A_2583, %sign3A_2587 : vector<80x1xi32>
      %sign3A_2589 = arith.constant 0 : i32
      %sign3A_2590 = arith.cmpi sgt, %jit3A_2577, %sign3A_2589 : i32
      %sign3A_2591 = arith.extui %sign3A_2590 : i1 to i32
      %sign3A_2592 = arith.constant 0 : i32
      %sign3A_2593 = arith.cmpi slt, %jit3A_2577, %sign3A_2592 : i32
      %sign3A_2594 = arith.extui %sign3A_2593 : i1 to i32
      %sign3A_2595 = arith.subi %sign3A_2591, %sign3A_2594 : i32
      %ne3A_2596 = vector.broadcast %sign3A_2595 : i32 to vector<80x1xi32>
      %ne3A_2597 = arith.cmpi ne, %sign3A_2588, %ne3A_2596 : vector<80x1xi32>
      %rem3A_2598 = vector.broadcast %jit3A_2577 : i32 to vector<80x1xi32>
      %rem3A_2599 = arith.remsi %add3A_2486, %rem3A_2598 : vector<80x1xi32>
      %ne3A_2600 = arith.constant 0 : i32
      %ne3A_2601 = vector.broadcast %ne3A_2600 : i32 to vector<80x1xi32>
      %ne3A_2602 = arith.cmpi ne, %rem3A_2599, %ne3A_2601 : vector<80x1xi32>
      %and3A_2603 = arith.andi %ne3A_2597, %ne3A_2602 : vector<80x1xi1>
      %sub3A_2604 = arith.constant 1 : i32
      %sub3A_2605 = vector.broadcast %sub3A_2604 : i32 to vector<80x1xi32>
      %sub3A_2606 = arith.subi %div3A_2579, %sub3A_2605 : vector<80x1xi32>
      %select_n3A_2607 = arith.select %and3A_2603, %sub3A_2606, %div3A_2579 : vector<80x1xi1>, vector<80x1xi32>
      %add3A_2608 = arith.constant 16 : i32
      %add3A_2609 = vector.broadcast %add3A_2608 : i32 to vector<80x1xi32>
      %add3A_2610 = arith.addi %add3A_2609, %select_n3A_2607 : vector<80x1xi32>
      %eq3A_2611 = vector.broadcast %add3A_2610 : vector<80x1xi32> to vector<80x128xi32>
      %eq3A_2612 = arith.cmpi eq, %iota3A_26, %eq3A_2611 : vector<80x128xi32>
      %and3A_2613 = vector.broadcast %and3A_2576 : vector<80x1xi1> to vector<80x128xi1>
      %and3A_2614 = arith.andi %and3A_2613, %eq3A_2612 : vector<80x128xi1>
      %broadcast_in_dim3A_2615 = vector.shape_cast %select_n3A_2528 : vector<80x1xi32> to vector<80x1xi32>
      %broadcast_in_dim3A_2616 = vector.broadcast %broadcast_in_dim3A_2615 : vector<80x1xi32> to vector<80x128xi32>
      %select_n3A_2617 = arith.select %and3A_2614, %broadcast_in_dim3A_2616, %select_n3A_2550 : vector<80x128xi1>, vector<80x128xi32>
      %select_n3A_2618 = arith.select %and3A_2539, %broadcast_in_dim3A_2489, %select_n3A_2445 : vector<80x1xi1>, vector<80x1xf32>
      %select_n3A_2619 = arith.select %and3A_2539, %select_n3A_2528, %select_n3A_2446 : vector<80x1xi1>, vector<80x1xi32>
      %jit3A_2620 = arith.constant 8 : i32
      %eq3A_2621 = arith.constant 0 : i32
      %eq3A_2622 = arith.cmpi eq, %jit3A_2620, %eq3A_2621 : i32
      %jit3A_2623 = arith.constant 1 : i32
      %select_n3A_2624 = arith.select %eq3A_2622, %jit3A_2623, %jit3A_2620 : i32
      %rem3A_2625 = vector.broadcast %select_n3A_2624 : i32 to vector<80x1xi32>
      %rem3A_2626 = arith.remsi %broadcast_in_dim3A_2497, %rem3A_2625 : vector<80x1xi32>
      %ne3A_2627 = arith.constant 0 : i32
      %ne3A_2628 = vector.broadcast %ne3A_2627 : i32 to vector<80x1xi32>
      %ne3A_2629 = arith.cmpi ne, %rem3A_2626, %ne3A_2628 : vector<80x1xi32>
      %lt3A_2630 = arith.constant 0 : i32
      %lt3A_2631 = vector.broadcast %lt3A_2630 : i32 to vector<80x1xi32>
      %lt3A_2632 = arith.cmpi slt, %rem3A_2626, %lt3A_2631 : vector<80x1xi32>
      %lt3A_2633 = arith.constant 0 : i32
      %lt3A_2634 = arith.cmpi slt, %select_n3A_2624, %lt3A_2633 : i32
      %ne3A_2635 = vector.broadcast %lt3A_2634 : i1 to vector<80x1xi1>
      %ne3A_2636 = vector.broadcast %ne3A_2635 : vector<80x1xi1> to vector<80x1xi1>
      %ne3A_2637 = arith.xori %lt3A_2632, %ne3A_2636 : vector<80x1xi1>
      %and3A_2638 = arith.andi %ne3A_2637, %ne3A_2629 : vector<80x1xi1>
      %add3A_2639 = vector.broadcast %select_n3A_2624 : i32 to vector<80x1xi32>
      %add3A_2640 = arith.addi %rem3A_2626, %add3A_2639 : vector<80x1xi32>
      %select_n3A_2641 = arith.select %and3A_2638, %add3A_2640, %rem3A_2626 : vector<80x1xi1>, vector<80x1xi32>
      %eq3A_2642 = arith.constant 5 : i32
      %eq3A_2643 = vector.broadcast %eq3A_2642 : i32 to vector<80x1xi32>
      %eq3A_2644 = arith.cmpi eq, %select_n3A_2641, %eq3A_2643 : vector<80x1xi32>
      %and3A_2645 = arith.andi %and3A_2539, %eq3A_2644 : vector<80x1xi1>
      %jit3A_2646 = arith.constant 0 : i32
      %broadcast_in_dim3A_2647 = vector.broadcast %jit3A_2646 : i32 to vector<80x1xi32>
      %select_n3A_2648 = arith.select %and3A_2645, %broadcast_in_dim3A_2647, %select_n3A_2475 : vector<80x1xi1>, vector<80x1xi32>
      %eq3A_2649 = vector.broadcast %broadcast_in_dim3A_2497 : vector<80x1xi32> to vector<80x768xi32>
      %eq3A_2650 = arith.cmpi eq, %add3A_236, %eq3A_2649 : vector<80x768xi32>
      %jit3A_2651 = arith.constant 0x7F800000 : f32
      %broadcast_in_dim3A_2652 = vector.broadcast %jit3A_2651 : f32 to vector<80x768xf32>
      %select_n3A_2653 = arith.select %eq3A_2650, %broadcast_in_dim3A_2652, %select_n3A_2480 : vector<80x768xi1>, vector<80x768xf32>
      %jit3A_2654 = arith.constant 1 : i32
      %jit3A_2655 = arith.constant 0 : i32
      %broadcast_in_dim3A_2656 = vector.broadcast %jit3A_2654 : i32 to vector<80x1xi32>
      %broadcast_in_dim3A_2657 = vector.broadcast %jit3A_2655 : i32 to vector<80x1xi32>
      %select_n3A_2658 = arith.select %and3A_2539, %broadcast_in_dim3A_2656, %broadcast_in_dim3A_2657 : vector<80x1xi1>, vector<80x1xi32>
      %add3A_2659 = arith.addi %add3A_2486, %select_n3A_2658 : vector<80x1xi32>
      %reduce_min3A_2660 = arith.constant dense<0x7F800000> : vector<80xf32>
      %reduce_min3A_2661 = vector.multi_reduction <minimumf>, %select_n3A_2653, %reduce_min3A_2660 [1] : vector<80x768xf32> to vector<80xf32>
      %broadcast_in_dim3A_2662 = vector.shape_cast %reduce_min3A_2661 : vector<80xf32> to vector<80x1xf32>
      %eq3A_2663 = vector.broadcast %broadcast_in_dim3A_2662 : vector<80x1xf32> to vector<80x768xf32>
      %eq3A_2664 = arith.cmpf oeq, %select_n3A_2653, %eq3A_2663 : vector<80x768xf32>
      %jit3A_2665 = arith.constant 1073741824 : i32
      %broadcast_in_dim3A_2666 = vector.broadcast %jit3A_2665 : i32 to vector<80x768xi32>
      %select_n3A_2667 = arith.select %eq3A_2664, %add3A_236, %broadcast_in_dim3A_2666 : vector<80x768xi1>, vector<80x768xi32>
      %reduce_min3A_2668 = arith.constant dense<2147483647> : vector<80xi32>
      %reduce_min3A_2669 = vector.multi_reduction <minsi>, %select_n3A_2667, %reduce_min3A_2668 [1] : vector<80x768xi32> to vector<80xi32>
      %broadcast_in_dim3A_2670 = vector.shape_cast %reduce_min3A_2669 : vector<80xi32> to vector<80x1xi32>
      %jit3A_2671 = arith.constant 8 : i32
      %div3A_2672 = vector.broadcast %jit3A_2671 : i32 to vector<80x1xi32>
      %div3A_2673 = arith.divsi %broadcast_in_dim3A_2670, %div3A_2672 : vector<80x1xi32>
      %sign3A_2674 = arith.constant 0 : i32
      %sign3A_2675 = vector.broadcast %sign3A_2674 : i32 to vector<80x1xi32>
      %sign3A_2676 = arith.cmpi sgt, %broadcast_in_dim3A_2670, %sign3A_2675 : vector<80x1xi32>
      %sign3A_2677 = arith.extui %sign3A_2676 : vector<80x1xi1> to vector<80x1xi32>
      %sign3A_2678 = arith.constant 0 : i32
      %sign3A_2679 = vector.broadcast %sign3A_2678 : i32 to vector<80x1xi32>
      %sign3A_2680 = arith.cmpi slt, %broadcast_in_dim3A_2670, %sign3A_2679 : vector<80x1xi32>
      %sign3A_2681 = arith.extui %sign3A_2680 : vector<80x1xi1> to vector<80x1xi32>
      %sign3A_2682 = arith.subi %sign3A_2677, %sign3A_2681 : vector<80x1xi32>
      %sign3A_2683 = arith.constant 0 : i32
      %sign3A_2684 = arith.cmpi sgt, %jit3A_2671, %sign3A_2683 : i32
      %sign3A_2685 = arith.extui %sign3A_2684 : i1 to i32
      %sign3A_2686 = arith.constant 0 : i32
      %sign3A_2687 = arith.cmpi slt, %jit3A_2671, %sign3A_2686 : i32
      %sign3A_2688 = arith.extui %sign3A_2687 : i1 to i32
      %sign3A_2689 = arith.subi %sign3A_2685, %sign3A_2688 : i32
      %ne3A_2690 = vector.broadcast %sign3A_2689 : i32 to vector<80x1xi32>
      %ne3A_2691 = arith.cmpi ne, %sign3A_2682, %ne3A_2690 : vector<80x1xi32>
      %rem3A_2692 = vector.broadcast %jit3A_2671 : i32 to vector<80x1xi32>
      %rem3A_2693 = arith.remsi %broadcast_in_dim3A_2670, %rem3A_2692 : vector<80x1xi32>
      %ne3A_2694 = arith.constant 0 : i32
      %ne3A_2695 = vector.broadcast %ne3A_2694 : i32 to vector<80x1xi32>
      %ne3A_2696 = arith.cmpi ne, %rem3A_2693, %ne3A_2695 : vector<80x1xi32>
      %and3A_2697 = arith.andi %ne3A_2691, %ne3A_2696 : vector<80x1xi1>
      %sub3A_2698 = arith.constant 1 : i32
      %sub3A_2699 = vector.broadcast %sub3A_2698 : i32 to vector<80x1xi32>
      %sub3A_2700 = arith.subi %div3A_2673, %sub3A_2699 : vector<80x1xi32>
      %select_n3A_2701 = arith.select %and3A_2697, %sub3A_2700, %div3A_2673 : vector<80x1xi1>, vector<80x1xi32>
      %gt3A_2702 = arith.constant 0 : i32
      %gt3A_2703 = vector.broadcast %gt3A_2702 : i32 to vector<80x1xi32>
      %gt3A_2704 = arith.cmpi sgt, %select_n3A_2648, %gt3A_2703 : vector<80x1xi32>
      %lt3A_2705 = arith.constant 31 : i32
      %lt3A_2706 = vector.broadcast %lt3A_2705 : i32 to vector<80x1xi32>
      %lt3A_2707 = arith.cmpi slt, %add3A_2659, %lt3A_2706 : vector<80x1xi32>
      %and3A_2708 = arith.andi %gt3A_2704, %lt3A_2707 : vector<80x1xi1>
      %lt3A_2709 = arith.constant 0x7F800000 : f32
      %lt3A_2710 = vector.broadcast %lt3A_2709 : f32 to vector<80x1xf32>
      %lt3A_2711 = arith.cmpf olt, %broadcast_in_dim3A_2662, %lt3A_2710 : vector<80x1xf32>
      %and3A_2712 = arith.andi %and3A_2708, %lt3A_2711 : vector<80x1xi1>
      %lt3A_2713 = arith.constant 16 : i32
      %lt3A_2714 = vector.broadcast %lt3A_2713 : i32 to vector<80x1xi32>
      %lt3A_2715 = arith.cmpi slt, %add3A_2659, %lt3A_2714 : vector<80x1xi32>
      %and3A_2716 = arith.andi %and3A_2712, %lt3A_2715 : vector<80x1xi1>
      %eq3A_2717 = vector.broadcast %add3A_2659 : vector<80x1xi32> to vector<80x128xi32>
      %eq3A_2718 = arith.cmpi eq, %iota3A_26, %eq3A_2717 : vector<80x128xi32>
      %and3A_2719 = vector.broadcast %and3A_2716 : vector<80x1xi1> to vector<80x128xi1>
      %and3A_2720 = arith.andi %and3A_2719, %eq3A_2718 : vector<80x128xi1>
      %broadcast_in_dim3A_2721 = vector.shape_cast %select_n3A_2701 : vector<80x1xi32> to vector<80x1xi32>
      %broadcast_in_dim3A_2722 = vector.broadcast %broadcast_in_dim3A_2721 : vector<80x1xi32> to vector<80x128xi32>
      %select_n3A_2723 = arith.select %and3A_2720, %broadcast_in_dim3A_2722, %select_n3A_2617 : vector<80x128xi1>, vector<80x128xi32>
      %jit3A_2724 = arith.constant 2 : i32
      %eq3A_2725 = arith.constant 0 : i32
      %eq3A_2726 = arith.cmpi eq, %jit3A_2724, %eq3A_2725 : i32
      %jit3A_2727 = arith.constant 1 : i32
      %select_n3A_2728 = arith.select %eq3A_2726, %jit3A_2727, %jit3A_2724 : i32
      %rem3A_2729 = vector.broadcast %select_n3A_2728 : i32 to vector<80x1xi32>
      %rem3A_2730 = arith.remsi %add3A_2659, %rem3A_2729 : vector<80x1xi32>
      %ne3A_2731 = arith.constant 0 : i32
      %ne3A_2732 = vector.broadcast %ne3A_2731 : i32 to vector<80x1xi32>
      %ne3A_2733 = arith.cmpi ne, %rem3A_2730, %ne3A_2732 : vector<80x1xi32>
      %lt3A_2734 = arith.constant 0 : i32
      %lt3A_2735 = vector.broadcast %lt3A_2734 : i32 to vector<80x1xi32>
      %lt3A_2736 = arith.cmpi slt, %rem3A_2730, %lt3A_2735 : vector<80x1xi32>
      %lt3A_2737 = arith.constant 0 : i32
      %lt3A_2738 = arith.cmpi slt, %select_n3A_2728, %lt3A_2737 : i32
      %ne3A_2739 = vector.broadcast %lt3A_2738 : i1 to vector<80x1xi1>
      %ne3A_2740 = vector.broadcast %ne3A_2739 : vector<80x1xi1> to vector<80x1xi1>
      %ne3A_2741 = arith.xori %lt3A_2736, %ne3A_2740 : vector<80x1xi1>
      %and3A_2742 = arith.andi %ne3A_2741, %ne3A_2733 : vector<80x1xi1>
      %add3A_2743 = vector.broadcast %select_n3A_2728 : i32 to vector<80x1xi32>
      %add3A_2744 = arith.addi %rem3A_2730, %add3A_2743 : vector<80x1xi32>
      %select_n3A_2745 = arith.select %and3A_2742, %add3A_2744, %rem3A_2730 : vector<80x1xi1>, vector<80x1xi32>
      %eq3A_2746 = arith.constant 0 : i32
      %eq3A_2747 = vector.broadcast %eq3A_2746 : i32 to vector<80x1xi32>
      %eq3A_2748 = arith.cmpi eq, %select_n3A_2745, %eq3A_2747 : vector<80x1xi32>
      %and3A_2749 = arith.andi %and3A_2712, %eq3A_2748 : vector<80x1xi1>
      %jit3A_2750 = arith.constant 2 : i32
      %div3A_2751 = vector.broadcast %jit3A_2750 : i32 to vector<80x1xi32>
      %div3A_2752 = arith.divsi %add3A_2659, %div3A_2751 : vector<80x1xi32>
      %sign3A_2753 = arith.constant 0 : i32
      %sign3A_2754 = vector.broadcast %sign3A_2753 : i32 to vector<80x1xi32>
      %sign3A_2755 = arith.cmpi sgt, %add3A_2659, %sign3A_2754 : vector<80x1xi32>
      %sign3A_2756 = arith.extui %sign3A_2755 : vector<80x1xi1> to vector<80x1xi32>
      %sign3A_2757 = arith.constant 0 : i32
      %sign3A_2758 = vector.broadcast %sign3A_2757 : i32 to vector<80x1xi32>
      %sign3A_2759 = arith.cmpi slt, %add3A_2659, %sign3A_2758 : vector<80x1xi32>
      %sign3A_2760 = arith.extui %sign3A_2759 : vector<80x1xi1> to vector<80x1xi32>
      %sign3A_2761 = arith.subi %sign3A_2756, %sign3A_2760 : vector<80x1xi32>
      %sign3A_2762 = arith.constant 0 : i32
      %sign3A_2763 = arith.cmpi sgt, %jit3A_2750, %sign3A_2762 : i32
      %sign3A_2764 = arith.extui %sign3A_2763 : i1 to i32
      %sign3A_2765 = arith.constant 0 : i32
      %sign3A_2766 = arith.cmpi slt, %jit3A_2750, %sign3A_2765 : i32
      %sign3A_2767 = arith.extui %sign3A_2766 : i1 to i32
      %sign3A_2768 = arith.subi %sign3A_2764, %sign3A_2767 : i32
      %ne3A_2769 = vector.broadcast %sign3A_2768 : i32 to vector<80x1xi32>
      %ne3A_2770 = arith.cmpi ne, %sign3A_2761, %ne3A_2769 : vector<80x1xi32>
      %rem3A_2771 = vector.broadcast %jit3A_2750 : i32 to vector<80x1xi32>
      %rem3A_2772 = arith.remsi %add3A_2659, %rem3A_2771 : vector<80x1xi32>
      %ne3A_2773 = arith.constant 0 : i32
      %ne3A_2774 = vector.broadcast %ne3A_2773 : i32 to vector<80x1xi32>
      %ne3A_2775 = arith.cmpi ne, %rem3A_2772, %ne3A_2774 : vector<80x1xi32>
      %and3A_2776 = arith.andi %ne3A_2770, %ne3A_2775 : vector<80x1xi1>
      %sub3A_2777 = arith.constant 1 : i32
      %sub3A_2778 = vector.broadcast %sub3A_2777 : i32 to vector<80x1xi32>
      %sub3A_2779 = arith.subi %div3A_2752, %sub3A_2778 : vector<80x1xi32>
      %select_n3A_2780 = arith.select %and3A_2776, %sub3A_2779, %div3A_2752 : vector<80x1xi1>, vector<80x1xi32>
      %add3A_2781 = arith.constant 16 : i32
      %add3A_2782 = vector.broadcast %add3A_2781 : i32 to vector<80x1xi32>
      %add3A_2783 = arith.addi %add3A_2782, %select_n3A_2780 : vector<80x1xi32>
      %eq3A_2784 = vector.broadcast %add3A_2783 : vector<80x1xi32> to vector<80x128xi32>
      %eq3A_2785 = arith.cmpi eq, %iota3A_26, %eq3A_2784 : vector<80x128xi32>
      %and3A_2786 = vector.broadcast %and3A_2749 : vector<80x1xi1> to vector<80x128xi1>
      %and3A_2787 = arith.andi %and3A_2786, %eq3A_2785 : vector<80x128xi1>
      %broadcast_in_dim3A_2788 = vector.shape_cast %select_n3A_2701 : vector<80x1xi32> to vector<80x1xi32>
      %broadcast_in_dim3A_2789 = vector.broadcast %broadcast_in_dim3A_2788 : vector<80x1xi32> to vector<80x128xi32>
      %select_n3A_2790 = arith.select %and3A_2787, %broadcast_in_dim3A_2789, %select_n3A_2723 : vector<80x128xi1>, vector<80x128xi32>
      %select_n3A_2791 = arith.select %and3A_2712, %broadcast_in_dim3A_2662, %select_n3A_2618 : vector<80x1xi1>, vector<80x1xf32>
      %select_n3A_2792 = arith.select %and3A_2712, %select_n3A_2701, %select_n3A_2619 : vector<80x1xi1>, vector<80x1xi32>
      %jit3A_2793 = arith.constant 8 : i32
      %eq3A_2794 = arith.constant 0 : i32
      %eq3A_2795 = arith.cmpi eq, %jit3A_2793, %eq3A_2794 : i32
      %jit3A_2796 = arith.constant 1 : i32
      %select_n3A_2797 = arith.select %eq3A_2795, %jit3A_2796, %jit3A_2793 : i32
      %rem3A_2798 = vector.broadcast %select_n3A_2797 : i32 to vector<80x1xi32>
      %rem3A_2799 = arith.remsi %broadcast_in_dim3A_2670, %rem3A_2798 : vector<80x1xi32>
      %ne3A_2800 = arith.constant 0 : i32
      %ne3A_2801 = vector.broadcast %ne3A_2800 : i32 to vector<80x1xi32>
      %ne3A_2802 = arith.cmpi ne, %rem3A_2799, %ne3A_2801 : vector<80x1xi32>
      %lt3A_2803 = arith.constant 0 : i32
      %lt3A_2804 = vector.broadcast %lt3A_2803 : i32 to vector<80x1xi32>
      %lt3A_2805 = arith.cmpi slt, %rem3A_2799, %lt3A_2804 : vector<80x1xi32>
      %lt3A_2806 = arith.constant 0 : i32
      %lt3A_2807 = arith.cmpi slt, %select_n3A_2797, %lt3A_2806 : i32
      %ne3A_2808 = vector.broadcast %lt3A_2807 : i1 to vector<80x1xi1>
      %ne3A_2809 = vector.broadcast %ne3A_2808 : vector<80x1xi1> to vector<80x1xi1>
      %ne3A_2810 = arith.xori %lt3A_2805, %ne3A_2809 : vector<80x1xi1>
      %and3A_2811 = arith.andi %ne3A_2810, %ne3A_2802 : vector<80x1xi1>
      %add3A_2812 = vector.broadcast %select_n3A_2797 : i32 to vector<80x1xi32>
      %add3A_2813 = arith.addi %rem3A_2799, %add3A_2812 : vector<80x1xi32>
      %select_n3A_2814 = arith.select %and3A_2811, %add3A_2813, %rem3A_2799 : vector<80x1xi1>, vector<80x1xi32>
      %eq3A_2815 = arith.constant 5 : i32
      %eq3A_2816 = vector.broadcast %eq3A_2815 : i32 to vector<80x1xi32>
      %eq3A_2817 = arith.cmpi eq, %select_n3A_2814, %eq3A_2816 : vector<80x1xi32>
      %and3A_2818 = arith.andi %and3A_2712, %eq3A_2817 : vector<80x1xi1>
      %jit3A_2819 = arith.constant 0 : i32
      %broadcast_in_dim3A_2820 = vector.broadcast %jit3A_2819 : i32 to vector<80x1xi32>
      %select_n3A_2821 = arith.select %and3A_2818, %broadcast_in_dim3A_2820, %select_n3A_2648 : vector<80x1xi1>, vector<80x1xi32>
      %eq3A_2822 = vector.broadcast %broadcast_in_dim3A_2670 : vector<80x1xi32> to vector<80x768xi32>
      %eq3A_2823 = arith.cmpi eq, %add3A_236, %eq3A_2822 : vector<80x768xi32>
      %jit3A_2824 = arith.constant 0x7F800000 : f32
      %broadcast_in_dim3A_2825 = vector.broadcast %jit3A_2824 : f32 to vector<80x768xf32>
      %select_n3A_2826 = arith.select %eq3A_2823, %broadcast_in_dim3A_2825, %select_n3A_2653 : vector<80x768xi1>, vector<80x768xf32>
      %jit3A_2827 = arith.constant 1 : i32
      %jit3A_2828 = arith.constant 0 : i32
      %broadcast_in_dim3A_2829 = vector.broadcast %jit3A_2827 : i32 to vector<80x1xi32>
      %broadcast_in_dim3A_2830 = vector.broadcast %jit3A_2828 : i32 to vector<80x1xi32>
      %select_n3A_2831 = arith.select %and3A_2712, %broadcast_in_dim3A_2829, %broadcast_in_dim3A_2830 : vector<80x1xi1>, vector<80x1xi32>
      %add3A_2832 = arith.addi %add3A_2659, %select_n3A_2831 : vector<80x1xi32>
      %reduce_min3A_2833 = arith.constant dense<0x7F800000> : vector<80xf32>
      %reduce_min3A_2834 = vector.multi_reduction <minimumf>, %select_n3A_2826, %reduce_min3A_2833 [1] : vector<80x768xf32> to vector<80xf32>
      %broadcast_in_dim3A_2835 = vector.shape_cast %reduce_min3A_2834 : vector<80xf32> to vector<80x1xf32>
      %eq3A_2836 = vector.broadcast %broadcast_in_dim3A_2835 : vector<80x1xf32> to vector<80x768xf32>
      %eq3A_2837 = arith.cmpf oeq, %select_n3A_2826, %eq3A_2836 : vector<80x768xf32>
      %jit3A_2838 = arith.constant 1073741824 : i32
      %broadcast_in_dim3A_2839 = vector.broadcast %jit3A_2838 : i32 to vector<80x768xi32>
      %select_n3A_2840 = arith.select %eq3A_2837, %add3A_236, %broadcast_in_dim3A_2839 : vector<80x768xi1>, vector<80x768xi32>
      %reduce_min3A_2841 = arith.constant dense<2147483647> : vector<80xi32>
      %reduce_min3A_2842 = vector.multi_reduction <minsi>, %select_n3A_2840, %reduce_min3A_2841 [1] : vector<80x768xi32> to vector<80xi32>
      %broadcast_in_dim3A_2843 = vector.shape_cast %reduce_min3A_2842 : vector<80xi32> to vector<80x1xi32>
      %jit3A_2844 = arith.constant 8 : i32
      %div3A_2845 = vector.broadcast %jit3A_2844 : i32 to vector<80x1xi32>
      %div3A_2846 = arith.divsi %broadcast_in_dim3A_2843, %div3A_2845 : vector<80x1xi32>
      %sign3A_2847 = arith.constant 0 : i32
      %sign3A_2848 = vector.broadcast %sign3A_2847 : i32 to vector<80x1xi32>
      %sign3A_2849 = arith.cmpi sgt, %broadcast_in_dim3A_2843, %sign3A_2848 : vector<80x1xi32>
      %sign3A_2850 = arith.extui %sign3A_2849 : vector<80x1xi1> to vector<80x1xi32>
      %sign3A_2851 = arith.constant 0 : i32
      %sign3A_2852 = vector.broadcast %sign3A_2851 : i32 to vector<80x1xi32>
      %sign3A_2853 = arith.cmpi slt, %broadcast_in_dim3A_2843, %sign3A_2852 : vector<80x1xi32>
      %sign3A_2854 = arith.extui %sign3A_2853 : vector<80x1xi1> to vector<80x1xi32>
      %sign3A_2855 = arith.subi %sign3A_2850, %sign3A_2854 : vector<80x1xi32>
      %sign3A_2856 = arith.constant 0 : i32
      %sign3A_2857 = arith.cmpi sgt, %jit3A_2844, %sign3A_2856 : i32
      %sign3A_2858 = arith.extui %sign3A_2857 : i1 to i32
      %sign3A_2859 = arith.constant 0 : i32
      %sign3A_2860 = arith.cmpi slt, %jit3A_2844, %sign3A_2859 : i32
      %sign3A_2861 = arith.extui %sign3A_2860 : i1 to i32
      %sign3A_2862 = arith.subi %sign3A_2858, %sign3A_2861 : i32
      %ne3A_2863 = vector.broadcast %sign3A_2862 : i32 to vector<80x1xi32>
      %ne3A_2864 = arith.cmpi ne, %sign3A_2855, %ne3A_2863 : vector<80x1xi32>
      %rem3A_2865 = vector.broadcast %jit3A_2844 : i32 to vector<80x1xi32>
      %rem3A_2866 = arith.remsi %broadcast_in_dim3A_2843, %rem3A_2865 : vector<80x1xi32>
      %ne3A_2867 = arith.constant 0 : i32
      %ne3A_2868 = vector.broadcast %ne3A_2867 : i32 to vector<80x1xi32>
      %ne3A_2869 = arith.cmpi ne, %rem3A_2866, %ne3A_2868 : vector<80x1xi32>
      %and3A_2870 = arith.andi %ne3A_2864, %ne3A_2869 : vector<80x1xi1>
      %sub3A_2871 = arith.constant 1 : i32
      %sub3A_2872 = vector.broadcast %sub3A_2871 : i32 to vector<80x1xi32>
      %sub3A_2873 = arith.subi %div3A_2846, %sub3A_2872 : vector<80x1xi32>
      %select_n3A_2874 = arith.select %and3A_2870, %sub3A_2873, %div3A_2846 : vector<80x1xi1>, vector<80x1xi32>
      %gt3A_2875 = arith.constant 0 : i32
      %gt3A_2876 = vector.broadcast %gt3A_2875 : i32 to vector<80x1xi32>
      %gt3A_2877 = arith.cmpi sgt, %select_n3A_2821, %gt3A_2876 : vector<80x1xi32>
      %lt3A_2878 = arith.constant 31 : i32
      %lt3A_2879 = vector.broadcast %lt3A_2878 : i32 to vector<80x1xi32>
      %lt3A_2880 = arith.cmpi slt, %add3A_2832, %lt3A_2879 : vector<80x1xi32>
      %and3A_2881 = arith.andi %gt3A_2877, %lt3A_2880 : vector<80x1xi1>
      %lt3A_2882 = arith.constant 0x7F800000 : f32
      %lt3A_2883 = vector.broadcast %lt3A_2882 : f32 to vector<80x1xf32>
      %lt3A_2884 = arith.cmpf olt, %broadcast_in_dim3A_2835, %lt3A_2883 : vector<80x1xf32>
      %and3A_2885 = arith.andi %and3A_2881, %lt3A_2884 : vector<80x1xi1>
      %lt3A_2886 = arith.constant 16 : i32
      %lt3A_2887 = vector.broadcast %lt3A_2886 : i32 to vector<80x1xi32>
      %lt3A_2888 = arith.cmpi slt, %add3A_2832, %lt3A_2887 : vector<80x1xi32>
      %and3A_2889 = arith.andi %and3A_2885, %lt3A_2888 : vector<80x1xi1>
      %eq3A_2890 = vector.broadcast %add3A_2832 : vector<80x1xi32> to vector<80x128xi32>
      %eq3A_2891 = arith.cmpi eq, %iota3A_26, %eq3A_2890 : vector<80x128xi32>
      %and3A_2892 = vector.broadcast %and3A_2889 : vector<80x1xi1> to vector<80x128xi1>
      %and3A_2893 = arith.andi %and3A_2892, %eq3A_2891 : vector<80x128xi1>
      %broadcast_in_dim3A_2894 = vector.shape_cast %select_n3A_2874 : vector<80x1xi32> to vector<80x1xi32>
      %broadcast_in_dim3A_2895 = vector.broadcast %broadcast_in_dim3A_2894 : vector<80x1xi32> to vector<80x128xi32>
      %select_n3A_2896 = arith.select %and3A_2893, %broadcast_in_dim3A_2895, %select_n3A_2790 : vector<80x128xi1>, vector<80x128xi32>
      %jit3A_2897 = arith.constant 2 : i32
      %eq3A_2898 = arith.constant 0 : i32
      %eq3A_2899 = arith.cmpi eq, %jit3A_2897, %eq3A_2898 : i32
      %jit3A_2900 = arith.constant 1 : i32
      %select_n3A_2901 = arith.select %eq3A_2899, %jit3A_2900, %jit3A_2897 : i32
      %rem3A_2902 = vector.broadcast %select_n3A_2901 : i32 to vector<80x1xi32>
      %rem3A_2903 = arith.remsi %add3A_2832, %rem3A_2902 : vector<80x1xi32>
      %ne3A_2904 = arith.constant 0 : i32
      %ne3A_2905 = vector.broadcast %ne3A_2904 : i32 to vector<80x1xi32>
      %ne3A_2906 = arith.cmpi ne, %rem3A_2903, %ne3A_2905 : vector<80x1xi32>
      %lt3A_2907 = arith.constant 0 : i32
      %lt3A_2908 = vector.broadcast %lt3A_2907 : i32 to vector<80x1xi32>
      %lt3A_2909 = arith.cmpi slt, %rem3A_2903, %lt3A_2908 : vector<80x1xi32>
      %lt3A_2910 = arith.constant 0 : i32
      %lt3A_2911 = arith.cmpi slt, %select_n3A_2901, %lt3A_2910 : i32
      %ne3A_2912 = vector.broadcast %lt3A_2911 : i1 to vector<80x1xi1>
      %ne3A_2913 = vector.broadcast %ne3A_2912 : vector<80x1xi1> to vector<80x1xi1>
      %ne3A_2914 = arith.xori %lt3A_2909, %ne3A_2913 : vector<80x1xi1>
      %and3A_2915 = arith.andi %ne3A_2914, %ne3A_2906 : vector<80x1xi1>
      %add3A_2916 = vector.broadcast %select_n3A_2901 : i32 to vector<80x1xi32>
      %add3A_2917 = arith.addi %rem3A_2903, %add3A_2916 : vector<80x1xi32>
      %select_n3A_2918 = arith.select %and3A_2915, %add3A_2917, %rem3A_2903 : vector<80x1xi1>, vector<80x1xi32>
      %eq3A_2919 = arith.constant 0 : i32
      %eq3A_2920 = vector.broadcast %eq3A_2919 : i32 to vector<80x1xi32>
      %eq3A_2921 = arith.cmpi eq, %select_n3A_2918, %eq3A_2920 : vector<80x1xi32>
      %and3A_2922 = arith.andi %and3A_2885, %eq3A_2921 : vector<80x1xi1>
      %jit3A_2923 = arith.constant 2 : i32
      %div3A_2924 = vector.broadcast %jit3A_2923 : i32 to vector<80x1xi32>
      %div3A_2925 = arith.divsi %add3A_2832, %div3A_2924 : vector<80x1xi32>
      %sign3A_2926 = arith.constant 0 : i32
      %sign3A_2927 = vector.broadcast %sign3A_2926 : i32 to vector<80x1xi32>
      %sign3A_2928 = arith.cmpi sgt, %add3A_2832, %sign3A_2927 : vector<80x1xi32>
      %sign3A_2929 = arith.extui %sign3A_2928 : vector<80x1xi1> to vector<80x1xi32>
      %sign3A_2930 = arith.constant 0 : i32
      %sign3A_2931 = vector.broadcast %sign3A_2930 : i32 to vector<80x1xi32>
      %sign3A_2932 = arith.cmpi slt, %add3A_2832, %sign3A_2931 : vector<80x1xi32>
      %sign3A_2933 = arith.extui %sign3A_2932 : vector<80x1xi1> to vector<80x1xi32>
      %sign3A_2934 = arith.subi %sign3A_2929, %sign3A_2933 : vector<80x1xi32>
      %sign3A_2935 = arith.constant 0 : i32
      %sign3A_2936 = arith.cmpi sgt, %jit3A_2923, %sign3A_2935 : i32
      %sign3A_2937 = arith.extui %sign3A_2936 : i1 to i32
      %sign3A_2938 = arith.constant 0 : i32
      %sign3A_2939 = arith.cmpi slt, %jit3A_2923, %sign3A_2938 : i32
      %sign3A_2940 = arith.extui %sign3A_2939 : i1 to i32
      %sign3A_2941 = arith.subi %sign3A_2937, %sign3A_2940 : i32
      %ne3A_2942 = vector.broadcast %sign3A_2941 : i32 to vector<80x1xi32>
      %ne3A_2943 = arith.cmpi ne, %sign3A_2934, %ne3A_2942 : vector<80x1xi32>
      %rem3A_2944 = vector.broadcast %jit3A_2923 : i32 to vector<80x1xi32>
      %rem3A_2945 = arith.remsi %add3A_2832, %rem3A_2944 : vector<80x1xi32>
      %ne3A_2946 = arith.constant 0 : i32
      %ne3A_2947 = vector.broadcast %ne3A_2946 : i32 to vector<80x1xi32>
      %ne3A_2948 = arith.cmpi ne, %rem3A_2945, %ne3A_2947 : vector<80x1xi32>
      %and3A_2949 = arith.andi %ne3A_2943, %ne3A_2948 : vector<80x1xi1>
      %sub3A_2950 = arith.constant 1 : i32
      %sub3A_2951 = vector.broadcast %sub3A_2950 : i32 to vector<80x1xi32>
      %sub3A_2952 = arith.subi %div3A_2925, %sub3A_2951 : vector<80x1xi32>
      %select_n3A_2953 = arith.select %and3A_2949, %sub3A_2952, %div3A_2925 : vector<80x1xi1>, vector<80x1xi32>
      %add3A_2954 = arith.constant 16 : i32
      %add3A_2955 = vector.broadcast %add3A_2954 : i32 to vector<80x1xi32>
      %add3A_2956 = arith.addi %add3A_2955, %select_n3A_2953 : vector<80x1xi32>
      %eq3A_2957 = vector.broadcast %add3A_2956 : vector<80x1xi32> to vector<80x128xi32>
      %eq3A_2958 = arith.cmpi eq, %iota3A_26, %eq3A_2957 : vector<80x128xi32>
      %and3A_2959 = vector.broadcast %and3A_2922 : vector<80x1xi1> to vector<80x128xi1>
      %and3A_2960 = arith.andi %and3A_2959, %eq3A_2958 : vector<80x128xi1>
      %broadcast_in_dim3A_2961 = vector.shape_cast %select_n3A_2874 : vector<80x1xi32> to vector<80x1xi32>
      %broadcast_in_dim3A_2962 = vector.broadcast %broadcast_in_dim3A_2961 : vector<80x1xi32> to vector<80x128xi32>
      %select_n3A_2963 = arith.select %and3A_2960, %broadcast_in_dim3A_2962, %select_n3A_2896 : vector<80x128xi1>, vector<80x128xi32>
      %select_n3A_2964 = arith.select %and3A_2885, %broadcast_in_dim3A_2835, %select_n3A_2791 : vector<80x1xi1>, vector<80x1xf32>
      %select_n3A_2965 = arith.select %and3A_2885, %select_n3A_2874, %select_n3A_2792 : vector<80x1xi1>, vector<80x1xi32>
      %jit3A_2966 = arith.constant 8 : i32
      %eq3A_2967 = arith.constant 0 : i32
      %eq3A_2968 = arith.cmpi eq, %jit3A_2966, %eq3A_2967 : i32
      %jit3A_2969 = arith.constant 1 : i32
      %select_n3A_2970 = arith.select %eq3A_2968, %jit3A_2969, %jit3A_2966 : i32
      %rem3A_2971 = vector.broadcast %select_n3A_2970 : i32 to vector<80x1xi32>
      %rem3A_2972 = arith.remsi %broadcast_in_dim3A_2843, %rem3A_2971 : vector<80x1xi32>
      %ne3A_2973 = arith.constant 0 : i32
      %ne3A_2974 = vector.broadcast %ne3A_2973 : i32 to vector<80x1xi32>
      %ne3A_2975 = arith.cmpi ne, %rem3A_2972, %ne3A_2974 : vector<80x1xi32>
      %lt3A_2976 = arith.constant 0 : i32
      %lt3A_2977 = vector.broadcast %lt3A_2976 : i32 to vector<80x1xi32>
      %lt3A_2978 = arith.cmpi slt, %rem3A_2972, %lt3A_2977 : vector<80x1xi32>
      %lt3A_2979 = arith.constant 0 : i32
      %lt3A_2980 = arith.cmpi slt, %select_n3A_2970, %lt3A_2979 : i32
      %ne3A_2981 = vector.broadcast %lt3A_2980 : i1 to vector<80x1xi1>
      %ne3A_2982 = vector.broadcast %ne3A_2981 : vector<80x1xi1> to vector<80x1xi1>
      %ne3A_2983 = arith.xori %lt3A_2978, %ne3A_2982 : vector<80x1xi1>
      %and3A_2984 = arith.andi %ne3A_2983, %ne3A_2975 : vector<80x1xi1>
      %add3A_2985 = vector.broadcast %select_n3A_2970 : i32 to vector<80x1xi32>
      %add3A_2986 = arith.addi %rem3A_2972, %add3A_2985 : vector<80x1xi32>
      %select_n3A_2987 = arith.select %and3A_2984, %add3A_2986, %rem3A_2972 : vector<80x1xi1>, vector<80x1xi32>
      %eq3A_2988 = arith.constant 5 : i32
      %eq3A_2989 = vector.broadcast %eq3A_2988 : i32 to vector<80x1xi32>
      %eq3A_2990 = arith.cmpi eq, %select_n3A_2987, %eq3A_2989 : vector<80x1xi32>
      %and3A_2991 = arith.andi %and3A_2885, %eq3A_2990 : vector<80x1xi1>
      %jit3A_2992 = arith.constant 0 : i32
      %broadcast_in_dim3A_2993 = vector.broadcast %jit3A_2992 : i32 to vector<80x1xi32>
      %select_n3A_2994 = arith.select %and3A_2991, %broadcast_in_dim3A_2993, %select_n3A_2821 : vector<80x1xi1>, vector<80x1xi32>
      %eq3A_2995 = vector.broadcast %broadcast_in_dim3A_2843 : vector<80x1xi32> to vector<80x768xi32>
      %eq3A_2996 = arith.cmpi eq, %add3A_236, %eq3A_2995 : vector<80x768xi32>
      %jit3A_2997 = arith.constant 0x7F800000 : f32
      %broadcast_in_dim3A_2998 = vector.broadcast %jit3A_2997 : f32 to vector<80x768xf32>
      %select_n3A_2999 = arith.select %eq3A_2996, %broadcast_in_dim3A_2998, %select_n3A_2826 : vector<80x768xi1>, vector<80x768xf32>
      %jit3A_3000 = arith.constant 1 : i32
      %jit3A_3001 = arith.constant 0 : i32
      %broadcast_in_dim3A_3002 = vector.broadcast %jit3A_3000 : i32 to vector<80x1xi32>
      %broadcast_in_dim3A_3003 = vector.broadcast %jit3A_3001 : i32 to vector<80x1xi32>
      %select_n3A_3004 = arith.select %and3A_2885, %broadcast_in_dim3A_3002, %broadcast_in_dim3A_3003 : vector<80x1xi1>, vector<80x1xi32>
      %add3A_3005 = arith.addi %add3A_2832, %select_n3A_3004 : vector<80x1xi32>
      %reduce_min3A_3006 = arith.constant dense<0x7F800000> : vector<80xf32>
      %reduce_min3A_3007 = vector.multi_reduction <minimumf>, %select_n3A_2999, %reduce_min3A_3006 [1] : vector<80x768xf32> to vector<80xf32>
      %broadcast_in_dim3A_3008 = vector.shape_cast %reduce_min3A_3007 : vector<80xf32> to vector<80x1xf32>
      %eq3A_3009 = vector.broadcast %broadcast_in_dim3A_3008 : vector<80x1xf32> to vector<80x768xf32>
      %eq3A_3010 = arith.cmpf oeq, %select_n3A_2999, %eq3A_3009 : vector<80x768xf32>
      %jit3A_3011 = arith.constant 1073741824 : i32
      %broadcast_in_dim3A_3012 = vector.broadcast %jit3A_3011 : i32 to vector<80x768xi32>
      %select_n3A_3013 = arith.select %eq3A_3010, %add3A_236, %broadcast_in_dim3A_3012 : vector<80x768xi1>, vector<80x768xi32>
      %reduce_min3A_3014 = arith.constant dense<2147483647> : vector<80xi32>
      %reduce_min3A_3015 = vector.multi_reduction <minsi>, %select_n3A_3013, %reduce_min3A_3014 [1] : vector<80x768xi32> to vector<80xi32>
      %broadcast_in_dim3A_3016 = vector.shape_cast %reduce_min3A_3015 : vector<80xi32> to vector<80x1xi32>
      %jit3A_3017 = arith.constant 8 : i32
      %div3A_3018 = vector.broadcast %jit3A_3017 : i32 to vector<80x1xi32>
      %div3A_3019 = arith.divsi %broadcast_in_dim3A_3016, %div3A_3018 : vector<80x1xi32>
      %sign3A_3020 = arith.constant 0 : i32
      %sign3A_3021 = vector.broadcast %sign3A_3020 : i32 to vector<80x1xi32>
      %sign3A_3022 = arith.cmpi sgt, %broadcast_in_dim3A_3016, %sign3A_3021 : vector<80x1xi32>
      %sign3A_3023 = arith.extui %sign3A_3022 : vector<80x1xi1> to vector<80x1xi32>
      %sign3A_3024 = arith.constant 0 : i32
      %sign3A_3025 = vector.broadcast %sign3A_3024 : i32 to vector<80x1xi32>
      %sign3A_3026 = arith.cmpi slt, %broadcast_in_dim3A_3016, %sign3A_3025 : vector<80x1xi32>
      %sign3A_3027 = arith.extui %sign3A_3026 : vector<80x1xi1> to vector<80x1xi32>
      %sign3A_3028 = arith.subi %sign3A_3023, %sign3A_3027 : vector<80x1xi32>
      %sign3A_3029 = arith.constant 0 : i32
      %sign3A_3030 = arith.cmpi sgt, %jit3A_3017, %sign3A_3029 : i32
      %sign3A_3031 = arith.extui %sign3A_3030 : i1 to i32
      %sign3A_3032 = arith.constant 0 : i32
      %sign3A_3033 = arith.cmpi slt, %jit3A_3017, %sign3A_3032 : i32
      %sign3A_3034 = arith.extui %sign3A_3033 : i1 to i32
      %sign3A_3035 = arith.subi %sign3A_3031, %sign3A_3034 : i32
      %ne3A_3036 = vector.broadcast %sign3A_3035 : i32 to vector<80x1xi32>
      %ne3A_3037 = arith.cmpi ne, %sign3A_3028, %ne3A_3036 : vector<80x1xi32>
      %rem3A_3038 = vector.broadcast %jit3A_3017 : i32 to vector<80x1xi32>
      %rem3A_3039 = arith.remsi %broadcast_in_dim3A_3016, %rem3A_3038 : vector<80x1xi32>
      %ne3A_3040 = arith.constant 0 : i32
      %ne3A_3041 = vector.broadcast %ne3A_3040 : i32 to vector<80x1xi32>
      %ne3A_3042 = arith.cmpi ne, %rem3A_3039, %ne3A_3041 : vector<80x1xi32>
      %and3A_3043 = arith.andi %ne3A_3037, %ne3A_3042 : vector<80x1xi1>
      %sub3A_3044 = arith.constant 1 : i32
      %sub3A_3045 = vector.broadcast %sub3A_3044 : i32 to vector<80x1xi32>
      %sub3A_3046 = arith.subi %div3A_3019, %sub3A_3045 : vector<80x1xi32>
      %select_n3A_3047 = arith.select %and3A_3043, %sub3A_3046, %div3A_3019 : vector<80x1xi1>, vector<80x1xi32>
      %gt3A_3048 = arith.constant 0 : i32
      %gt3A_3049 = vector.broadcast %gt3A_3048 : i32 to vector<80x1xi32>
      %gt3A_3050 = arith.cmpi sgt, %select_n3A_2994, %gt3A_3049 : vector<80x1xi32>
      %lt3A_3051 = arith.constant 31 : i32
      %lt3A_3052 = vector.broadcast %lt3A_3051 : i32 to vector<80x1xi32>
      %lt3A_3053 = arith.cmpi slt, %add3A_3005, %lt3A_3052 : vector<80x1xi32>
      %and3A_3054 = arith.andi %gt3A_3050, %lt3A_3053 : vector<80x1xi1>
      %lt3A_3055 = arith.constant 0x7F800000 : f32
      %lt3A_3056 = vector.broadcast %lt3A_3055 : f32 to vector<80x1xf32>
      %lt3A_3057 = arith.cmpf olt, %broadcast_in_dim3A_3008, %lt3A_3056 : vector<80x1xf32>
      %and3A_3058 = arith.andi %and3A_3054, %lt3A_3057 : vector<80x1xi1>
      %lt3A_3059 = arith.constant 16 : i32
      %lt3A_3060 = vector.broadcast %lt3A_3059 : i32 to vector<80x1xi32>
      %lt3A_3061 = arith.cmpi slt, %add3A_3005, %lt3A_3060 : vector<80x1xi32>
      %and3A_3062 = arith.andi %and3A_3058, %lt3A_3061 : vector<80x1xi1>
      %eq3A_3063 = vector.broadcast %add3A_3005 : vector<80x1xi32> to vector<80x128xi32>
      %eq3A_3064 = arith.cmpi eq, %iota3A_26, %eq3A_3063 : vector<80x128xi32>
      %and3A_3065 = vector.broadcast %and3A_3062 : vector<80x1xi1> to vector<80x128xi1>
      %and3A_3066 = arith.andi %and3A_3065, %eq3A_3064 : vector<80x128xi1>
      %broadcast_in_dim3A_3067 = vector.shape_cast %select_n3A_3047 : vector<80x1xi32> to vector<80x1xi32>
      %broadcast_in_dim3A_3068 = vector.broadcast %broadcast_in_dim3A_3067 : vector<80x1xi32> to vector<80x128xi32>
      %select_n3A_3069 = arith.select %and3A_3066, %broadcast_in_dim3A_3068, %select_n3A_2963 : vector<80x128xi1>, vector<80x128xi32>
      %jit3A_3070 = arith.constant 2 : i32
      %eq3A_3071 = arith.constant 0 : i32
      %eq3A_3072 = arith.cmpi eq, %jit3A_3070, %eq3A_3071 : i32
      %jit3A_3073 = arith.constant 1 : i32
      %select_n3A_3074 = arith.select %eq3A_3072, %jit3A_3073, %jit3A_3070 : i32
      %rem3A_3075 = vector.broadcast %select_n3A_3074 : i32 to vector<80x1xi32>
      %rem3A_3076 = arith.remsi %add3A_3005, %rem3A_3075 : vector<80x1xi32>
      %ne3A_3077 = arith.constant 0 : i32
      %ne3A_3078 = vector.broadcast %ne3A_3077 : i32 to vector<80x1xi32>
      %ne3A_3079 = arith.cmpi ne, %rem3A_3076, %ne3A_3078 : vector<80x1xi32>
      %lt3A_3080 = arith.constant 0 : i32
      %lt3A_3081 = vector.broadcast %lt3A_3080 : i32 to vector<80x1xi32>
      %lt3A_3082 = arith.cmpi slt, %rem3A_3076, %lt3A_3081 : vector<80x1xi32>
      %lt3A_3083 = arith.constant 0 : i32
      %lt3A_3084 = arith.cmpi slt, %select_n3A_3074, %lt3A_3083 : i32
      %ne3A_3085 = vector.broadcast %lt3A_3084 : i1 to vector<80x1xi1>
      %ne3A_3086 = vector.broadcast %ne3A_3085 : vector<80x1xi1> to vector<80x1xi1>
      %ne3A_3087 = arith.xori %lt3A_3082, %ne3A_3086 : vector<80x1xi1>
      %and3A_3088 = arith.andi %ne3A_3087, %ne3A_3079 : vector<80x1xi1>
      %add3A_3089 = vector.broadcast %select_n3A_3074 : i32 to vector<80x1xi32>
      %add3A_3090 = arith.addi %rem3A_3076, %add3A_3089 : vector<80x1xi32>
      %select_n3A_3091 = arith.select %and3A_3088, %add3A_3090, %rem3A_3076 : vector<80x1xi1>, vector<80x1xi32>
      %eq3A_3092 = arith.constant 0 : i32
      %eq3A_3093 = vector.broadcast %eq3A_3092 : i32 to vector<80x1xi32>
      %eq3A_3094 = arith.cmpi eq, %select_n3A_3091, %eq3A_3093 : vector<80x1xi32>
      %and3A_3095 = arith.andi %and3A_3058, %eq3A_3094 : vector<80x1xi1>
      %jit3A_3096 = arith.constant 2 : i32
      %div3A_3097 = vector.broadcast %jit3A_3096 : i32 to vector<80x1xi32>
      %div3A_3098 = arith.divsi %add3A_3005, %div3A_3097 : vector<80x1xi32>
      %sign3A_3099 = arith.constant 0 : i32
      %sign3A_3100 = vector.broadcast %sign3A_3099 : i32 to vector<80x1xi32>
      %sign3A_3101 = arith.cmpi sgt, %add3A_3005, %sign3A_3100 : vector<80x1xi32>
      %sign3A_3102 = arith.extui %sign3A_3101 : vector<80x1xi1> to vector<80x1xi32>
      %sign3A_3103 = arith.constant 0 : i32
      %sign3A_3104 = vector.broadcast %sign3A_3103 : i32 to vector<80x1xi32>
      %sign3A_3105 = arith.cmpi slt, %add3A_3005, %sign3A_3104 : vector<80x1xi32>
      %sign3A_3106 = arith.extui %sign3A_3105 : vector<80x1xi1> to vector<80x1xi32>
      %sign3A_3107 = arith.subi %sign3A_3102, %sign3A_3106 : vector<80x1xi32>
      %sign3A_3108 = arith.constant 0 : i32
      %sign3A_3109 = arith.cmpi sgt, %jit3A_3096, %sign3A_3108 : i32
      %sign3A_3110 = arith.extui %sign3A_3109 : i1 to i32
      %sign3A_3111 = arith.constant 0 : i32
      %sign3A_3112 = arith.cmpi slt, %jit3A_3096, %sign3A_3111 : i32
      %sign3A_3113 = arith.extui %sign3A_3112 : i1 to i32
      %sign3A_3114 = arith.subi %sign3A_3110, %sign3A_3113 : i32
      %ne3A_3115 = vector.broadcast %sign3A_3114 : i32 to vector<80x1xi32>
      %ne3A_3116 = arith.cmpi ne, %sign3A_3107, %ne3A_3115 : vector<80x1xi32>
      %rem3A_3117 = vector.broadcast %jit3A_3096 : i32 to vector<80x1xi32>
      %rem3A_3118 = arith.remsi %add3A_3005, %rem3A_3117 : vector<80x1xi32>
      %ne3A_3119 = arith.constant 0 : i32
      %ne3A_3120 = vector.broadcast %ne3A_3119 : i32 to vector<80x1xi32>
      %ne3A_3121 = arith.cmpi ne, %rem3A_3118, %ne3A_3120 : vector<80x1xi32>
      %and3A_3122 = arith.andi %ne3A_3116, %ne3A_3121 : vector<80x1xi1>
      %sub3A_3123 = arith.constant 1 : i32
      %sub3A_3124 = vector.broadcast %sub3A_3123 : i32 to vector<80x1xi32>
      %sub3A_3125 = arith.subi %div3A_3098, %sub3A_3124 : vector<80x1xi32>
      %select_n3A_3126 = arith.select %and3A_3122, %sub3A_3125, %div3A_3098 : vector<80x1xi1>, vector<80x1xi32>
      %add3A_3127 = arith.constant 16 : i32
      %add3A_3128 = vector.broadcast %add3A_3127 : i32 to vector<80x1xi32>
      %add3A_3129 = arith.addi %add3A_3128, %select_n3A_3126 : vector<80x1xi32>
      %eq3A_3130 = vector.broadcast %add3A_3129 : vector<80x1xi32> to vector<80x128xi32>
      %eq3A_3131 = arith.cmpi eq, %iota3A_26, %eq3A_3130 : vector<80x128xi32>
      %and3A_3132 = vector.broadcast %and3A_3095 : vector<80x1xi1> to vector<80x128xi1>
      %and3A_3133 = arith.andi %and3A_3132, %eq3A_3131 : vector<80x128xi1>
      %broadcast_in_dim3A_3134 = vector.shape_cast %select_n3A_3047 : vector<80x1xi32> to vector<80x1xi32>
      %broadcast_in_dim3A_3135 = vector.broadcast %broadcast_in_dim3A_3134 : vector<80x1xi32> to vector<80x128xi32>
      %select_n3A_3136 = arith.select %and3A_3133, %broadcast_in_dim3A_3135, %select_n3A_3069 : vector<80x128xi1>, vector<80x128xi32>
      %select_n3A_3137 = arith.select %and3A_3058, %broadcast_in_dim3A_3008, %select_n3A_2964 : vector<80x1xi1>, vector<80x1xf32>
      %select_n3A_3138 = arith.select %and3A_3058, %select_n3A_3047, %select_n3A_2965 : vector<80x1xi1>, vector<80x1xi32>
      %jit3A_3139 = arith.constant 8 : i32
      %eq3A_3140 = arith.constant 0 : i32
      %eq3A_3141 = arith.cmpi eq, %jit3A_3139, %eq3A_3140 : i32
      %jit3A_3142 = arith.constant 1 : i32
      %select_n3A_3143 = arith.select %eq3A_3141, %jit3A_3142, %jit3A_3139 : i32
      %rem3A_3144 = vector.broadcast %select_n3A_3143 : i32 to vector<80x1xi32>
      %rem3A_3145 = arith.remsi %broadcast_in_dim3A_3016, %rem3A_3144 : vector<80x1xi32>
      %ne3A_3146 = arith.constant 0 : i32
      %ne3A_3147 = vector.broadcast %ne3A_3146 : i32 to vector<80x1xi32>
      %ne3A_3148 = arith.cmpi ne, %rem3A_3145, %ne3A_3147 : vector<80x1xi32>
      %lt3A_3149 = arith.constant 0 : i32
      %lt3A_3150 = vector.broadcast %lt3A_3149 : i32 to vector<80x1xi32>
      %lt3A_3151 = arith.cmpi slt, %rem3A_3145, %lt3A_3150 : vector<80x1xi32>
      %lt3A_3152 = arith.constant 0 : i32
      %lt3A_3153 = arith.cmpi slt, %select_n3A_3143, %lt3A_3152 : i32
      %ne3A_3154 = vector.broadcast %lt3A_3153 : i1 to vector<80x1xi1>
      %ne3A_3155 = vector.broadcast %ne3A_3154 : vector<80x1xi1> to vector<80x1xi1>
      %ne3A_3156 = arith.xori %lt3A_3151, %ne3A_3155 : vector<80x1xi1>
      %and3A_3157 = arith.andi %ne3A_3156, %ne3A_3148 : vector<80x1xi1>
      %add3A_3158 = vector.broadcast %select_n3A_3143 : i32 to vector<80x1xi32>
      %add3A_3159 = arith.addi %rem3A_3145, %add3A_3158 : vector<80x1xi32>
      %select_n3A_3160 = arith.select %and3A_3157, %add3A_3159, %rem3A_3145 : vector<80x1xi1>, vector<80x1xi32>
      %eq3A_3161 = arith.constant 5 : i32
      %eq3A_3162 = vector.broadcast %eq3A_3161 : i32 to vector<80x1xi32>
      %eq3A_3163 = arith.cmpi eq, %select_n3A_3160, %eq3A_3162 : vector<80x1xi32>
      %and3A_3164 = arith.andi %and3A_3058, %eq3A_3163 : vector<80x1xi1>
      %jit3A_3165 = arith.constant 0 : i32
      %broadcast_in_dim3A_3166 = vector.broadcast %jit3A_3165 : i32 to vector<80x1xi32>
      %select_n3A_3167 = arith.select %and3A_3164, %broadcast_in_dim3A_3166, %select_n3A_2994 : vector<80x1xi1>, vector<80x1xi32>
      %eq3A_3168 = vector.broadcast %broadcast_in_dim3A_3016 : vector<80x1xi32> to vector<80x768xi32>
      %eq3A_3169 = arith.cmpi eq, %add3A_236, %eq3A_3168 : vector<80x768xi32>
      %jit3A_3170 = arith.constant 0x7F800000 : f32
      %broadcast_in_dim3A_3171 = vector.broadcast %jit3A_3170 : f32 to vector<80x768xf32>
      %select_n3A_3172 = arith.select %eq3A_3169, %broadcast_in_dim3A_3171, %select_n3A_2999 : vector<80x768xi1>, vector<80x768xf32>
      %jit3A_3173 = arith.constant 1 : i32
      %jit3A_3174 = arith.constant 0 : i32
      %broadcast_in_dim3A_3175 = vector.broadcast %jit3A_3173 : i32 to vector<80x1xi32>
      %broadcast_in_dim3A_3176 = vector.broadcast %jit3A_3174 : i32 to vector<80x1xi32>
      %select_n3A_3177 = arith.select %and3A_3058, %broadcast_in_dim3A_3175, %broadcast_in_dim3A_3176 : vector<80x1xi1>, vector<80x1xi32>
      %add3A_3178 = arith.addi %add3A_3005, %select_n3A_3177 : vector<80x1xi32>
      %reduce_min3A_3179 = arith.constant dense<0x7F800000> : vector<80xf32>
      %reduce_min3A_3180 = vector.multi_reduction <minimumf>, %select_n3A_3172, %reduce_min3A_3179 [1] : vector<80x768xf32> to vector<80xf32>
      %broadcast_in_dim3A_3181 = vector.shape_cast %reduce_min3A_3180 : vector<80xf32> to vector<80x1xf32>
      %eq3A_3182 = vector.broadcast %broadcast_in_dim3A_3181 : vector<80x1xf32> to vector<80x768xf32>
      %eq3A_3183 = arith.cmpf oeq, %select_n3A_3172, %eq3A_3182 : vector<80x768xf32>
      %jit3A_3184 = arith.constant 1073741824 : i32
      %broadcast_in_dim3A_3185 = vector.broadcast %jit3A_3184 : i32 to vector<80x768xi32>
      %select_n3A_3186 = arith.select %eq3A_3183, %add3A_236, %broadcast_in_dim3A_3185 : vector<80x768xi1>, vector<80x768xi32>
      %reduce_min3A_3187 = arith.constant dense<2147483647> : vector<80xi32>
      %reduce_min3A_3188 = vector.multi_reduction <minsi>, %select_n3A_3186, %reduce_min3A_3187 [1] : vector<80x768xi32> to vector<80xi32>
      %broadcast_in_dim3A_3189 = vector.shape_cast %reduce_min3A_3188 : vector<80xi32> to vector<80x1xi32>
      %jit3A_3190 = arith.constant 8 : i32
      %div3A_3191 = vector.broadcast %jit3A_3190 : i32 to vector<80x1xi32>
      %div3A_3192 = arith.divsi %broadcast_in_dim3A_3189, %div3A_3191 : vector<80x1xi32>
      %sign3A_3193 = arith.constant 0 : i32
      %sign3A_3194 = vector.broadcast %sign3A_3193 : i32 to vector<80x1xi32>
      %sign3A_3195 = arith.cmpi sgt, %broadcast_in_dim3A_3189, %sign3A_3194 : vector<80x1xi32>
      %sign3A_3196 = arith.extui %sign3A_3195 : vector<80x1xi1> to vector<80x1xi32>
      %sign3A_3197 = arith.constant 0 : i32
      %sign3A_3198 = vector.broadcast %sign3A_3197 : i32 to vector<80x1xi32>
      %sign3A_3199 = arith.cmpi slt, %broadcast_in_dim3A_3189, %sign3A_3198 : vector<80x1xi32>
      %sign3A_3200 = arith.extui %sign3A_3199 : vector<80x1xi1> to vector<80x1xi32>
      %sign3A_3201 = arith.subi %sign3A_3196, %sign3A_3200 : vector<80x1xi32>
      %sign3A_3202 = arith.constant 0 : i32
      %sign3A_3203 = arith.cmpi sgt, %jit3A_3190, %sign3A_3202 : i32
      %sign3A_3204 = arith.extui %sign3A_3203 : i1 to i32
      %sign3A_3205 = arith.constant 0 : i32
      %sign3A_3206 = arith.cmpi slt, %jit3A_3190, %sign3A_3205 : i32
      %sign3A_3207 = arith.extui %sign3A_3206 : i1 to i32
      %sign3A_3208 = arith.subi %sign3A_3204, %sign3A_3207 : i32
      %ne3A_3209 = vector.broadcast %sign3A_3208 : i32 to vector<80x1xi32>
      %ne3A_3210 = arith.cmpi ne, %sign3A_3201, %ne3A_3209 : vector<80x1xi32>
      %rem3A_3211 = vector.broadcast %jit3A_3190 : i32 to vector<80x1xi32>
      %rem3A_3212 = arith.remsi %broadcast_in_dim3A_3189, %rem3A_3211 : vector<80x1xi32>
      %ne3A_3213 = arith.constant 0 : i32
      %ne3A_3214 = vector.broadcast %ne3A_3213 : i32 to vector<80x1xi32>
      %ne3A_3215 = arith.cmpi ne, %rem3A_3212, %ne3A_3214 : vector<80x1xi32>
      %and3A_3216 = arith.andi %ne3A_3210, %ne3A_3215 : vector<80x1xi1>
      %sub3A_3217 = arith.constant 1 : i32
      %sub3A_3218 = vector.broadcast %sub3A_3217 : i32 to vector<80x1xi32>
      %sub3A_3219 = arith.subi %div3A_3192, %sub3A_3218 : vector<80x1xi32>
      %select_n3A_3220 = arith.select %and3A_3216, %sub3A_3219, %div3A_3192 : vector<80x1xi1>, vector<80x1xi32>
      %gt3A_3221 = arith.constant 0 : i32
      %gt3A_3222 = vector.broadcast %gt3A_3221 : i32 to vector<80x1xi32>
      %gt3A_3223 = arith.cmpi sgt, %select_n3A_3167, %gt3A_3222 : vector<80x1xi32>
      %lt3A_3224 = arith.constant 31 : i32
      %lt3A_3225 = vector.broadcast %lt3A_3224 : i32 to vector<80x1xi32>
      %lt3A_3226 = arith.cmpi slt, %add3A_3178, %lt3A_3225 : vector<80x1xi32>
      %and3A_3227 = arith.andi %gt3A_3223, %lt3A_3226 : vector<80x1xi1>
      %lt3A_3228 = arith.constant 0x7F800000 : f32
      %lt3A_3229 = vector.broadcast %lt3A_3228 : f32 to vector<80x1xf32>
      %lt3A_3230 = arith.cmpf olt, %broadcast_in_dim3A_3181, %lt3A_3229 : vector<80x1xf32>
      %and3A_3231 = arith.andi %and3A_3227, %lt3A_3230 : vector<80x1xi1>
      %lt3A_3232 = arith.constant 16 : i32
      %lt3A_3233 = vector.broadcast %lt3A_3232 : i32 to vector<80x1xi32>
      %lt3A_3234 = arith.cmpi slt, %add3A_3178, %lt3A_3233 : vector<80x1xi32>
      %and3A_3235 = arith.andi %and3A_3231, %lt3A_3234 : vector<80x1xi1>
      %eq3A_3236 = vector.broadcast %add3A_3178 : vector<80x1xi32> to vector<80x128xi32>
      %eq3A_3237 = arith.cmpi eq, %iota3A_26, %eq3A_3236 : vector<80x128xi32>
      %and3A_3238 = vector.broadcast %and3A_3235 : vector<80x1xi1> to vector<80x128xi1>
      %and3A_3239 = arith.andi %and3A_3238, %eq3A_3237 : vector<80x128xi1>
      %broadcast_in_dim3A_3240 = vector.shape_cast %select_n3A_3220 : vector<80x1xi32> to vector<80x1xi32>
      %broadcast_in_dim3A_3241 = vector.broadcast %broadcast_in_dim3A_3240 : vector<80x1xi32> to vector<80x128xi32>
      %select_n3A_3242 = arith.select %and3A_3239, %broadcast_in_dim3A_3241, %select_n3A_3136 : vector<80x128xi1>, vector<80x128xi32>
      %jit3A_3243 = arith.constant 2 : i32
      %eq3A_3244 = arith.constant 0 : i32
      %eq3A_3245 = arith.cmpi eq, %jit3A_3243, %eq3A_3244 : i32
      %jit3A_3246 = arith.constant 1 : i32
      %select_n3A_3247 = arith.select %eq3A_3245, %jit3A_3246, %jit3A_3243 : i32
      %rem3A_3248 = vector.broadcast %select_n3A_3247 : i32 to vector<80x1xi32>
      %rem3A_3249 = arith.remsi %add3A_3178, %rem3A_3248 : vector<80x1xi32>
      %ne3A_3250 = arith.constant 0 : i32
      %ne3A_3251 = vector.broadcast %ne3A_3250 : i32 to vector<80x1xi32>
      %ne3A_3252 = arith.cmpi ne, %rem3A_3249, %ne3A_3251 : vector<80x1xi32>
      %lt3A_3253 = arith.constant 0 : i32
      %lt3A_3254 = vector.broadcast %lt3A_3253 : i32 to vector<80x1xi32>
      %lt3A_3255 = arith.cmpi slt, %rem3A_3249, %lt3A_3254 : vector<80x1xi32>
      %lt3A_3256 = arith.constant 0 : i32
      %lt3A_3257 = arith.cmpi slt, %select_n3A_3247, %lt3A_3256 : i32
      %ne3A_3258 = vector.broadcast %lt3A_3257 : i1 to vector<80x1xi1>
      %ne3A_3259 = vector.broadcast %ne3A_3258 : vector<80x1xi1> to vector<80x1xi1>
      %ne3A_3260 = arith.xori %lt3A_3255, %ne3A_3259 : vector<80x1xi1>
      %and3A_3261 = arith.andi %ne3A_3260, %ne3A_3252 : vector<80x1xi1>
      %add3A_3262 = vector.broadcast %select_n3A_3247 : i32 to vector<80x1xi32>
      %add3A_3263 = arith.addi %rem3A_3249, %add3A_3262 : vector<80x1xi32>
      %select_n3A_3264 = arith.select %and3A_3261, %add3A_3263, %rem3A_3249 : vector<80x1xi1>, vector<80x1xi32>
      %eq3A_3265 = arith.constant 0 : i32
      %eq3A_3266 = vector.broadcast %eq3A_3265 : i32 to vector<80x1xi32>
      %eq3A_3267 = arith.cmpi eq, %select_n3A_3264, %eq3A_3266 : vector<80x1xi32>
      %and3A_3268 = arith.andi %and3A_3231, %eq3A_3267 : vector<80x1xi1>
      %jit3A_3269 = arith.constant 2 : i32
      %div3A_3270 = vector.broadcast %jit3A_3269 : i32 to vector<80x1xi32>
      %div3A_3271 = arith.divsi %add3A_3178, %div3A_3270 : vector<80x1xi32>
      %sign3A_3272 = arith.constant 0 : i32
      %sign3A_3273 = vector.broadcast %sign3A_3272 : i32 to vector<80x1xi32>
      %sign3A_3274 = arith.cmpi sgt, %add3A_3178, %sign3A_3273 : vector<80x1xi32>
      %sign3A_3275 = arith.extui %sign3A_3274 : vector<80x1xi1> to vector<80x1xi32>
      %sign3A_3276 = arith.constant 0 : i32
      %sign3A_3277 = vector.broadcast %sign3A_3276 : i32 to vector<80x1xi32>
      %sign3A_3278 = arith.cmpi slt, %add3A_3178, %sign3A_3277 : vector<80x1xi32>
      %sign3A_3279 = arith.extui %sign3A_3278 : vector<80x1xi1> to vector<80x1xi32>
      %sign3A_3280 = arith.subi %sign3A_3275, %sign3A_3279 : vector<80x1xi32>
      %sign3A_3281 = arith.constant 0 : i32
      %sign3A_3282 = arith.cmpi sgt, %jit3A_3269, %sign3A_3281 : i32
      %sign3A_3283 = arith.extui %sign3A_3282 : i1 to i32
      %sign3A_3284 = arith.constant 0 : i32
      %sign3A_3285 = arith.cmpi slt, %jit3A_3269, %sign3A_3284 : i32
      %sign3A_3286 = arith.extui %sign3A_3285 : i1 to i32
      %sign3A_3287 = arith.subi %sign3A_3283, %sign3A_3286 : i32
      %ne3A_3288 = vector.broadcast %sign3A_3287 : i32 to vector<80x1xi32>
      %ne3A_3289 = arith.cmpi ne, %sign3A_3280, %ne3A_3288 : vector<80x1xi32>
      %rem3A_3290 = vector.broadcast %jit3A_3269 : i32 to vector<80x1xi32>
      %rem3A_3291 = arith.remsi %add3A_3178, %rem3A_3290 : vector<80x1xi32>
      %ne3A_3292 = arith.constant 0 : i32
      %ne3A_3293 = vector.broadcast %ne3A_3292 : i32 to vector<80x1xi32>
      %ne3A_3294 = arith.cmpi ne, %rem3A_3291, %ne3A_3293 : vector<80x1xi32>
      %and3A_3295 = arith.andi %ne3A_3289, %ne3A_3294 : vector<80x1xi1>
      %sub3A_3296 = arith.constant 1 : i32
      %sub3A_3297 = vector.broadcast %sub3A_3296 : i32 to vector<80x1xi32>
      %sub3A_3298 = arith.subi %div3A_3271, %sub3A_3297 : vector<80x1xi32>
      %select_n3A_3299 = arith.select %and3A_3295, %sub3A_3298, %div3A_3271 : vector<80x1xi1>, vector<80x1xi32>
      %add3A_3300 = arith.constant 16 : i32
      %add3A_3301 = vector.broadcast %add3A_3300 : i32 to vector<80x1xi32>
      %add3A_3302 = arith.addi %add3A_3301, %select_n3A_3299 : vector<80x1xi32>
      %eq3A_3303 = vector.broadcast %add3A_3302 : vector<80x1xi32> to vector<80x128xi32>
      %eq3A_3304 = arith.cmpi eq, %iota3A_26, %eq3A_3303 : vector<80x128xi32>
      %and3A_3305 = vector.broadcast %and3A_3268 : vector<80x1xi1> to vector<80x128xi1>
      %and3A_3306 = arith.andi %and3A_3305, %eq3A_3304 : vector<80x128xi1>
      %broadcast_in_dim3A_3307 = vector.shape_cast %select_n3A_3220 : vector<80x1xi32> to vector<80x1xi32>
      %broadcast_in_dim3A_3308 = vector.broadcast %broadcast_in_dim3A_3307 : vector<80x1xi32> to vector<80x128xi32>
      %select_n3A_3309 = arith.select %and3A_3306, %broadcast_in_dim3A_3308, %select_n3A_3242 : vector<80x128xi1>, vector<80x128xi32>
      %select_n3A_3310 = arith.select %and3A_3231, %broadcast_in_dim3A_3181, %select_n3A_3137 : vector<80x1xi1>, vector<80x1xf32>
      %select_n3A_3311 = arith.select %and3A_3231, %select_n3A_3220, %select_n3A_3138 : vector<80x1xi1>, vector<80x1xi32>
      %jit3A_3312 = arith.constant 8 : i32
      %eq3A_3313 = arith.constant 0 : i32
      %eq3A_3314 = arith.cmpi eq, %jit3A_3312, %eq3A_3313 : i32
      %jit3A_3315 = arith.constant 1 : i32
      %select_n3A_3316 = arith.select %eq3A_3314, %jit3A_3315, %jit3A_3312 : i32
      %rem3A_3317 = vector.broadcast %select_n3A_3316 : i32 to vector<80x1xi32>
      %rem3A_3318 = arith.remsi %broadcast_in_dim3A_3189, %rem3A_3317 : vector<80x1xi32>
      %ne3A_3319 = arith.constant 0 : i32
      %ne3A_3320 = vector.broadcast %ne3A_3319 : i32 to vector<80x1xi32>
      %ne3A_3321 = arith.cmpi ne, %rem3A_3318, %ne3A_3320 : vector<80x1xi32>
      %lt3A_3322 = arith.constant 0 : i32
      %lt3A_3323 = vector.broadcast %lt3A_3322 : i32 to vector<80x1xi32>
      %lt3A_3324 = arith.cmpi slt, %rem3A_3318, %lt3A_3323 : vector<80x1xi32>
      %lt3A_3325 = arith.constant 0 : i32
      %lt3A_3326 = arith.cmpi slt, %select_n3A_3316, %lt3A_3325 : i32
      %ne3A_3327 = vector.broadcast %lt3A_3326 : i1 to vector<80x1xi1>
      %ne3A_3328 = vector.broadcast %ne3A_3327 : vector<80x1xi1> to vector<80x1xi1>
      %ne3A_3329 = arith.xori %lt3A_3324, %ne3A_3328 : vector<80x1xi1>
      %and3A_3330 = arith.andi %ne3A_3329, %ne3A_3321 : vector<80x1xi1>
      %add3A_3331 = vector.broadcast %select_n3A_3316 : i32 to vector<80x1xi32>
      %add3A_3332 = arith.addi %rem3A_3318, %add3A_3331 : vector<80x1xi32>
      %select_n3A_3333 = arith.select %and3A_3330, %add3A_3332, %rem3A_3318 : vector<80x1xi1>, vector<80x1xi32>
      %eq3A_3334 = arith.constant 5 : i32
      %eq3A_3335 = vector.broadcast %eq3A_3334 : i32 to vector<80x1xi32>
      %eq3A_3336 = arith.cmpi eq, %select_n3A_3333, %eq3A_3335 : vector<80x1xi32>
      %and3A_3337 = arith.andi %and3A_3231, %eq3A_3336 : vector<80x1xi1>
      %jit3A_3338 = arith.constant 0 : i32
      %broadcast_in_dim3A_3339 = vector.broadcast %jit3A_3338 : i32 to vector<80x1xi32>
      %select_n3A_3340 = arith.select %and3A_3337, %broadcast_in_dim3A_3339, %select_n3A_3167 : vector<80x1xi1>, vector<80x1xi32>
      %eq3A_3341 = vector.broadcast %broadcast_in_dim3A_3189 : vector<80x1xi32> to vector<80x768xi32>
      %eq3A_3342 = arith.cmpi eq, %add3A_236, %eq3A_3341 : vector<80x768xi32>
      %jit3A_3343 = arith.constant 0x7F800000 : f32
      %broadcast_in_dim3A_3344 = vector.broadcast %jit3A_3343 : f32 to vector<80x768xf32>
      %select_n3A_3345 = arith.select %eq3A_3342, %broadcast_in_dim3A_3344, %select_n3A_3172 : vector<80x768xi1>, vector<80x768xf32>
      %jit3A_3346 = arith.constant 1 : i32
      %jit3A_3347 = arith.constant 0 : i32
      %broadcast_in_dim3A_3348 = vector.broadcast %jit3A_3346 : i32 to vector<80x1xi32>
      %broadcast_in_dim3A_3349 = vector.broadcast %jit3A_3347 : i32 to vector<80x1xi32>
      %select_n3A_3350 = arith.select %and3A_3231, %broadcast_in_dim3A_3348, %broadcast_in_dim3A_3349 : vector<80x1xi1>, vector<80x1xi32>
      %add3A_3351 = arith.addi %add3A_3178, %select_n3A_3350 : vector<80x1xi32>
      %reduce_min3A_3352 = arith.constant dense<0x7F800000> : vector<80xf32>
      %reduce_min3A_3353 = vector.multi_reduction <minimumf>, %select_n3A_3345, %reduce_min3A_3352 [1] : vector<80x768xf32> to vector<80xf32>
      %broadcast_in_dim3A_3354 = vector.shape_cast %reduce_min3A_3353 : vector<80xf32> to vector<80x1xf32>
      %eq3A_3355 = vector.broadcast %broadcast_in_dim3A_3354 : vector<80x1xf32> to vector<80x768xf32>
      %eq3A_3356 = arith.cmpf oeq, %select_n3A_3345, %eq3A_3355 : vector<80x768xf32>
      %jit3A_3357 = arith.constant 1073741824 : i32
      %broadcast_in_dim3A_3358 = vector.broadcast %jit3A_3357 : i32 to vector<80x768xi32>
      %select_n3A_3359 = arith.select %eq3A_3356, %add3A_236, %broadcast_in_dim3A_3358 : vector<80x768xi1>, vector<80x768xi32>
      %reduce_min3A_3360 = arith.constant dense<2147483647> : vector<80xi32>
      %reduce_min3A_3361 = vector.multi_reduction <minsi>, %select_n3A_3359, %reduce_min3A_3360 [1] : vector<80x768xi32> to vector<80xi32>
      %broadcast_in_dim3A_3362 = vector.shape_cast %reduce_min3A_3361 : vector<80xi32> to vector<80x1xi32>
      %jit3A_3363 = arith.constant 8 : i32
      %div3A_3364 = vector.broadcast %jit3A_3363 : i32 to vector<80x1xi32>
      %div3A_3365 = arith.divsi %broadcast_in_dim3A_3362, %div3A_3364 : vector<80x1xi32>
      %sign3A_3366 = arith.constant 0 : i32
      %sign3A_3367 = vector.broadcast %sign3A_3366 : i32 to vector<80x1xi32>
      %sign3A_3368 = arith.cmpi sgt, %broadcast_in_dim3A_3362, %sign3A_3367 : vector<80x1xi32>
      %sign3A_3369 = arith.extui %sign3A_3368 : vector<80x1xi1> to vector<80x1xi32>
      %sign3A_3370 = arith.constant 0 : i32
      %sign3A_3371 = vector.broadcast %sign3A_3370 : i32 to vector<80x1xi32>
      %sign3A_3372 = arith.cmpi slt, %broadcast_in_dim3A_3362, %sign3A_3371 : vector<80x1xi32>
      %sign3A_3373 = arith.extui %sign3A_3372 : vector<80x1xi1> to vector<80x1xi32>
      %sign3A_3374 = arith.subi %sign3A_3369, %sign3A_3373 : vector<80x1xi32>
      %sign3A_3375 = arith.constant 0 : i32
      %sign3A_3376 = arith.cmpi sgt, %jit3A_3363, %sign3A_3375 : i32
      %sign3A_3377 = arith.extui %sign3A_3376 : i1 to i32
      %sign3A_3378 = arith.constant 0 : i32
      %sign3A_3379 = arith.cmpi slt, %jit3A_3363, %sign3A_3378 : i32
      %sign3A_3380 = arith.extui %sign3A_3379 : i1 to i32
      %sign3A_3381 = arith.subi %sign3A_3377, %sign3A_3380 : i32
      %ne3A_3382 = vector.broadcast %sign3A_3381 : i32 to vector<80x1xi32>
      %ne3A_3383 = arith.cmpi ne, %sign3A_3374, %ne3A_3382 : vector<80x1xi32>
      %rem3A_3384 = vector.broadcast %jit3A_3363 : i32 to vector<80x1xi32>
      %rem3A_3385 = arith.remsi %broadcast_in_dim3A_3362, %rem3A_3384 : vector<80x1xi32>
      %ne3A_3386 = arith.constant 0 : i32
      %ne3A_3387 = vector.broadcast %ne3A_3386 : i32 to vector<80x1xi32>
      %ne3A_3388 = arith.cmpi ne, %rem3A_3385, %ne3A_3387 : vector<80x1xi32>
      %and3A_3389 = arith.andi %ne3A_3383, %ne3A_3388 : vector<80x1xi1>
      %sub3A_3390 = arith.constant 1 : i32
      %sub3A_3391 = vector.broadcast %sub3A_3390 : i32 to vector<80x1xi32>
      %sub3A_3392 = arith.subi %div3A_3365, %sub3A_3391 : vector<80x1xi32>
      %select_n3A_3393 = arith.select %and3A_3389, %sub3A_3392, %div3A_3365 : vector<80x1xi1>, vector<80x1xi32>
      %gt3A_3394 = arith.constant 0 : i32
      %gt3A_3395 = vector.broadcast %gt3A_3394 : i32 to vector<80x1xi32>
      %gt3A_3396 = arith.cmpi sgt, %select_n3A_3340, %gt3A_3395 : vector<80x1xi32>
      %lt3A_3397 = arith.constant 31 : i32
      %lt3A_3398 = vector.broadcast %lt3A_3397 : i32 to vector<80x1xi32>
      %lt3A_3399 = arith.cmpi slt, %add3A_3351, %lt3A_3398 : vector<80x1xi32>
      %and3A_3400 = arith.andi %gt3A_3396, %lt3A_3399 : vector<80x1xi1>
      %lt3A_3401 = arith.constant 0x7F800000 : f32
      %lt3A_3402 = vector.broadcast %lt3A_3401 : f32 to vector<80x1xf32>
      %lt3A_3403 = arith.cmpf olt, %broadcast_in_dim3A_3354, %lt3A_3402 : vector<80x1xf32>
      %and3A_3404 = arith.andi %and3A_3400, %lt3A_3403 : vector<80x1xi1>
      %lt3A_3405 = arith.constant 16 : i32
      %lt3A_3406 = vector.broadcast %lt3A_3405 : i32 to vector<80x1xi32>
      %lt3A_3407 = arith.cmpi slt, %add3A_3351, %lt3A_3406 : vector<80x1xi32>
      %and3A_3408 = arith.andi %and3A_3404, %lt3A_3407 : vector<80x1xi1>
      %eq3A_3409 = vector.broadcast %add3A_3351 : vector<80x1xi32> to vector<80x128xi32>
      %eq3A_3410 = arith.cmpi eq, %iota3A_26, %eq3A_3409 : vector<80x128xi32>
      %and3A_3411 = vector.broadcast %and3A_3408 : vector<80x1xi1> to vector<80x128xi1>
      %and3A_3412 = arith.andi %and3A_3411, %eq3A_3410 : vector<80x128xi1>
      %broadcast_in_dim3A_3413 = vector.shape_cast %select_n3A_3393 : vector<80x1xi32> to vector<80x1xi32>
      %broadcast_in_dim3A_3414 = vector.broadcast %broadcast_in_dim3A_3413 : vector<80x1xi32> to vector<80x128xi32>
      %select_n3A_3415 = arith.select %and3A_3412, %broadcast_in_dim3A_3414, %select_n3A_3309 : vector<80x128xi1>, vector<80x128xi32>
      %jit3A_3416 = arith.constant 2 : i32
      %eq3A_3417 = arith.constant 0 : i32
      %eq3A_3418 = arith.cmpi eq, %jit3A_3416, %eq3A_3417 : i32
      %jit3A_3419 = arith.constant 1 : i32
      %select_n3A_3420 = arith.select %eq3A_3418, %jit3A_3419, %jit3A_3416 : i32
      %rem3A_3421 = vector.broadcast %select_n3A_3420 : i32 to vector<80x1xi32>
      %rem3A_3422 = arith.remsi %add3A_3351, %rem3A_3421 : vector<80x1xi32>
      %ne3A_3423 = arith.constant 0 : i32
      %ne3A_3424 = vector.broadcast %ne3A_3423 : i32 to vector<80x1xi32>
      %ne3A_3425 = arith.cmpi ne, %rem3A_3422, %ne3A_3424 : vector<80x1xi32>
      %lt3A_3426 = arith.constant 0 : i32
      %lt3A_3427 = vector.broadcast %lt3A_3426 : i32 to vector<80x1xi32>
      %lt3A_3428 = arith.cmpi slt, %rem3A_3422, %lt3A_3427 : vector<80x1xi32>
      %lt3A_3429 = arith.constant 0 : i32
      %lt3A_3430 = arith.cmpi slt, %select_n3A_3420, %lt3A_3429 : i32
      %ne3A_3431 = vector.broadcast %lt3A_3430 : i1 to vector<80x1xi1>
      %ne3A_3432 = vector.broadcast %ne3A_3431 : vector<80x1xi1> to vector<80x1xi1>
      %ne3A_3433 = arith.xori %lt3A_3428, %ne3A_3432 : vector<80x1xi1>
      %and3A_3434 = arith.andi %ne3A_3433, %ne3A_3425 : vector<80x1xi1>
      %add3A_3435 = vector.broadcast %select_n3A_3420 : i32 to vector<80x1xi32>
      %add3A_3436 = arith.addi %rem3A_3422, %add3A_3435 : vector<80x1xi32>
      %select_n3A_3437 = arith.select %and3A_3434, %add3A_3436, %rem3A_3422 : vector<80x1xi1>, vector<80x1xi32>
      %eq3A_3438 = arith.constant 0 : i32
      %eq3A_3439 = vector.broadcast %eq3A_3438 : i32 to vector<80x1xi32>
      %eq3A_3440 = arith.cmpi eq, %select_n3A_3437, %eq3A_3439 : vector<80x1xi32>
      %and3A_3441 = arith.andi %and3A_3404, %eq3A_3440 : vector<80x1xi1>
      %jit3A_3442 = arith.constant 2 : i32
      %div3A_3443 = vector.broadcast %jit3A_3442 : i32 to vector<80x1xi32>
      %div3A_3444 = arith.divsi %add3A_3351, %div3A_3443 : vector<80x1xi32>
      %sign3A_3445 = arith.constant 0 : i32
      %sign3A_3446 = vector.broadcast %sign3A_3445 : i32 to vector<80x1xi32>
      %sign3A_3447 = arith.cmpi sgt, %add3A_3351, %sign3A_3446 : vector<80x1xi32>
      %sign3A_3448 = arith.extui %sign3A_3447 : vector<80x1xi1> to vector<80x1xi32>
      %sign3A_3449 = arith.constant 0 : i32
      %sign3A_3450 = vector.broadcast %sign3A_3449 : i32 to vector<80x1xi32>
      %sign3A_3451 = arith.cmpi slt, %add3A_3351, %sign3A_3450 : vector<80x1xi32>
      %sign3A_3452 = arith.extui %sign3A_3451 : vector<80x1xi1> to vector<80x1xi32>
      %sign3A_3453 = arith.subi %sign3A_3448, %sign3A_3452 : vector<80x1xi32>
      %sign3A_3454 = arith.constant 0 : i32
      %sign3A_3455 = arith.cmpi sgt, %jit3A_3442, %sign3A_3454 : i32
      %sign3A_3456 = arith.extui %sign3A_3455 : i1 to i32
      %sign3A_3457 = arith.constant 0 : i32
      %sign3A_3458 = arith.cmpi slt, %jit3A_3442, %sign3A_3457 : i32
      %sign3A_3459 = arith.extui %sign3A_3458 : i1 to i32
      %sign3A_3460 = arith.subi %sign3A_3456, %sign3A_3459 : i32
      %ne3A_3461 = vector.broadcast %sign3A_3460 : i32 to vector<80x1xi32>
      %ne3A_3462 = arith.cmpi ne, %sign3A_3453, %ne3A_3461 : vector<80x1xi32>
      %rem3A_3463 = vector.broadcast %jit3A_3442 : i32 to vector<80x1xi32>
      %rem3A_3464 = arith.remsi %add3A_3351, %rem3A_3463 : vector<80x1xi32>
      %ne3A_3465 = arith.constant 0 : i32
      %ne3A_3466 = vector.broadcast %ne3A_3465 : i32 to vector<80x1xi32>
      %ne3A_3467 = arith.cmpi ne, %rem3A_3464, %ne3A_3466 : vector<80x1xi32>
      %and3A_3468 = arith.andi %ne3A_3462, %ne3A_3467 : vector<80x1xi1>
      %sub3A_3469 = arith.constant 1 : i32
      %sub3A_3470 = vector.broadcast %sub3A_3469 : i32 to vector<80x1xi32>
      %sub3A_3471 = arith.subi %div3A_3444, %sub3A_3470 : vector<80x1xi32>
      %select_n3A_3472 = arith.select %and3A_3468, %sub3A_3471, %div3A_3444 : vector<80x1xi1>, vector<80x1xi32>
      %add3A_3473 = arith.constant 16 : i32
      %add3A_3474 = vector.broadcast %add3A_3473 : i32 to vector<80x1xi32>
      %add3A_3475 = arith.addi %add3A_3474, %select_n3A_3472 : vector<80x1xi32>
      %eq3A_3476 = vector.broadcast %add3A_3475 : vector<80x1xi32> to vector<80x128xi32>
      %eq3A_3477 = arith.cmpi eq, %iota3A_26, %eq3A_3476 : vector<80x128xi32>
      %and3A_3478 = vector.broadcast %and3A_3441 : vector<80x1xi1> to vector<80x128xi1>
      %and3A_3479 = arith.andi %and3A_3478, %eq3A_3477 : vector<80x128xi1>
      %broadcast_in_dim3A_3480 = vector.shape_cast %select_n3A_3393 : vector<80x1xi32> to vector<80x1xi32>
      %broadcast_in_dim3A_3481 = vector.broadcast %broadcast_in_dim3A_3480 : vector<80x1xi32> to vector<80x128xi32>
      %select_n3A_3482 = arith.select %and3A_3479, %broadcast_in_dim3A_3481, %select_n3A_3415 : vector<80x128xi1>, vector<80x128xi32>
      %select_n3A_3483 = arith.select %and3A_3404, %broadcast_in_dim3A_3354, %select_n3A_3310 : vector<80x1xi1>, vector<80x1xf32>
      %select_n3A_3484 = arith.select %and3A_3404, %select_n3A_3393, %select_n3A_3311 : vector<80x1xi1>, vector<80x1xi32>
      %jit3A_3485 = arith.constant 8 : i32
      %eq3A_3486 = arith.constant 0 : i32
      %eq3A_3487 = arith.cmpi eq, %jit3A_3485, %eq3A_3486 : i32
      %jit3A_3488 = arith.constant 1 : i32
      %select_n3A_3489 = arith.select %eq3A_3487, %jit3A_3488, %jit3A_3485 : i32
      %rem3A_3490 = vector.broadcast %select_n3A_3489 : i32 to vector<80x1xi32>
      %rem3A_3491 = arith.remsi %broadcast_in_dim3A_3362, %rem3A_3490 : vector<80x1xi32>
      %ne3A_3492 = arith.constant 0 : i32
      %ne3A_3493 = vector.broadcast %ne3A_3492 : i32 to vector<80x1xi32>
      %ne3A_3494 = arith.cmpi ne, %rem3A_3491, %ne3A_3493 : vector<80x1xi32>
      %lt3A_3495 = arith.constant 0 : i32
      %lt3A_3496 = vector.broadcast %lt3A_3495 : i32 to vector<80x1xi32>
      %lt3A_3497 = arith.cmpi slt, %rem3A_3491, %lt3A_3496 : vector<80x1xi32>
      %lt3A_3498 = arith.constant 0 : i32
      %lt3A_3499 = arith.cmpi slt, %select_n3A_3489, %lt3A_3498 : i32
      %ne3A_3500 = vector.broadcast %lt3A_3499 : i1 to vector<80x1xi1>
      %ne3A_3501 = vector.broadcast %ne3A_3500 : vector<80x1xi1> to vector<80x1xi1>
      %ne3A_3502 = arith.xori %lt3A_3497, %ne3A_3501 : vector<80x1xi1>
      %and3A_3503 = arith.andi %ne3A_3502, %ne3A_3494 : vector<80x1xi1>
      %add3A_3504 = vector.broadcast %select_n3A_3489 : i32 to vector<80x1xi32>
      %add3A_3505 = arith.addi %rem3A_3491, %add3A_3504 : vector<80x1xi32>
      %select_n3A_3506 = arith.select %and3A_3503, %add3A_3505, %rem3A_3491 : vector<80x1xi1>, vector<80x1xi32>
      %eq3A_3507 = arith.constant 5 : i32
      %eq3A_3508 = vector.broadcast %eq3A_3507 : i32 to vector<80x1xi32>
      %eq3A_3509 = arith.cmpi eq, %select_n3A_3506, %eq3A_3508 : vector<80x1xi32>
      %and3A_3510 = arith.andi %and3A_3404, %eq3A_3509 : vector<80x1xi1>
      %jit3A_3511 = arith.constant 0 : i32
      %broadcast_in_dim3A_3512 = vector.broadcast %jit3A_3511 : i32 to vector<80x1xi32>
      %select_n3A_3513 = arith.select %and3A_3510, %broadcast_in_dim3A_3512, %select_n3A_3340 : vector<80x1xi1>, vector<80x1xi32>
      %eq3A_3514 = vector.broadcast %broadcast_in_dim3A_3362 : vector<80x1xi32> to vector<80x768xi32>
      %eq3A_3515 = arith.cmpi eq, %add3A_236, %eq3A_3514 : vector<80x768xi32>
      %jit3A_3516 = arith.constant 0x7F800000 : f32
      %broadcast_in_dim3A_3517 = vector.broadcast %jit3A_3516 : f32 to vector<80x768xf32>
      %select_n3A_3518 = arith.select %eq3A_3515, %broadcast_in_dim3A_3517, %select_n3A_3345 : vector<80x768xi1>, vector<80x768xf32>
      %jit3A_3519 = arith.constant 1 : i32
      %jit3A_3520 = arith.constant 0 : i32
      %broadcast_in_dim3A_3521 = vector.broadcast %jit3A_3519 : i32 to vector<80x1xi32>
      %broadcast_in_dim3A_3522 = vector.broadcast %jit3A_3520 : i32 to vector<80x1xi32>
      %select_n3A_3523 = arith.select %and3A_3404, %broadcast_in_dim3A_3521, %broadcast_in_dim3A_3522 : vector<80x1xi1>, vector<80x1xi32>
      %add3A_3524 = arith.addi %add3A_3351, %select_n3A_3523 : vector<80x1xi32>
      %reduce_min3A_3525 = arith.constant dense<0x7F800000> : vector<80xf32>
      %reduce_min3A_3526 = vector.multi_reduction <minimumf>, %select_n3A_3518, %reduce_min3A_3525 [1] : vector<80x768xf32> to vector<80xf32>
      %broadcast_in_dim3A_3527 = vector.shape_cast %reduce_min3A_3526 : vector<80xf32> to vector<80x1xf32>
      %eq3A_3528 = vector.broadcast %broadcast_in_dim3A_3527 : vector<80x1xf32> to vector<80x768xf32>
      %eq3A_3529 = arith.cmpf oeq, %select_n3A_3518, %eq3A_3528 : vector<80x768xf32>
      %jit3A_3530 = arith.constant 1073741824 : i32
      %broadcast_in_dim3A_3531 = vector.broadcast %jit3A_3530 : i32 to vector<80x768xi32>
      %select_n3A_3532 = arith.select %eq3A_3529, %add3A_236, %broadcast_in_dim3A_3531 : vector<80x768xi1>, vector<80x768xi32>
      %reduce_min3A_3533 = arith.constant dense<2147483647> : vector<80xi32>
      %reduce_min3A_3534 = vector.multi_reduction <minsi>, %select_n3A_3532, %reduce_min3A_3533 [1] : vector<80x768xi32> to vector<80xi32>
      %broadcast_in_dim3A_3535 = vector.shape_cast %reduce_min3A_3534 : vector<80xi32> to vector<80x1xi32>
      %jit3A_3536 = arith.constant 8 : i32
      %div3A_3537 = vector.broadcast %jit3A_3536 : i32 to vector<80x1xi32>
      %div3A_3538 = arith.divsi %broadcast_in_dim3A_3535, %div3A_3537 : vector<80x1xi32>
      %sign3A_3539 = arith.constant 0 : i32
      %sign3A_3540 = vector.broadcast %sign3A_3539 : i32 to vector<80x1xi32>
      %sign3A_3541 = arith.cmpi sgt, %broadcast_in_dim3A_3535, %sign3A_3540 : vector<80x1xi32>
      %sign3A_3542 = arith.extui %sign3A_3541 : vector<80x1xi1> to vector<80x1xi32>
      %sign3A_3543 = arith.constant 0 : i32
      %sign3A_3544 = vector.broadcast %sign3A_3543 : i32 to vector<80x1xi32>
      %sign3A_3545 = arith.cmpi slt, %broadcast_in_dim3A_3535, %sign3A_3544 : vector<80x1xi32>
      %sign3A_3546 = arith.extui %sign3A_3545 : vector<80x1xi1> to vector<80x1xi32>
      %sign3A_3547 = arith.subi %sign3A_3542, %sign3A_3546 : vector<80x1xi32>
      %sign3A_3548 = arith.constant 0 : i32
      %sign3A_3549 = arith.cmpi sgt, %jit3A_3536, %sign3A_3548 : i32
      %sign3A_3550 = arith.extui %sign3A_3549 : i1 to i32
      %sign3A_3551 = arith.constant 0 : i32
      %sign3A_3552 = arith.cmpi slt, %jit3A_3536, %sign3A_3551 : i32
      %sign3A_3553 = arith.extui %sign3A_3552 : i1 to i32
      %sign3A_3554 = arith.subi %sign3A_3550, %sign3A_3553 : i32
      %ne3A_3555 = vector.broadcast %sign3A_3554 : i32 to vector<80x1xi32>
      %ne3A_3556 = arith.cmpi ne, %sign3A_3547, %ne3A_3555 : vector<80x1xi32>
      %rem3A_3557 = vector.broadcast %jit3A_3536 : i32 to vector<80x1xi32>
      %rem3A_3558 = arith.remsi %broadcast_in_dim3A_3535, %rem3A_3557 : vector<80x1xi32>
      %ne3A_3559 = arith.constant 0 : i32
      %ne3A_3560 = vector.broadcast %ne3A_3559 : i32 to vector<80x1xi32>
      %ne3A_3561 = arith.cmpi ne, %rem3A_3558, %ne3A_3560 : vector<80x1xi32>
      %and3A_3562 = arith.andi %ne3A_3556, %ne3A_3561 : vector<80x1xi1>
      %sub3A_3563 = arith.constant 1 : i32
      %sub3A_3564 = vector.broadcast %sub3A_3563 : i32 to vector<80x1xi32>
      %sub3A_3565 = arith.subi %div3A_3538, %sub3A_3564 : vector<80x1xi32>
      %select_n3A_3566 = arith.select %and3A_3562, %sub3A_3565, %div3A_3538 : vector<80x1xi1>, vector<80x1xi32>
      %gt3A_3567 = arith.constant 0 : i32
      %gt3A_3568 = vector.broadcast %gt3A_3567 : i32 to vector<80x1xi32>
      %gt3A_3569 = arith.cmpi sgt, %select_n3A_3513, %gt3A_3568 : vector<80x1xi32>
      %lt3A_3570 = arith.constant 31 : i32
      %lt3A_3571 = vector.broadcast %lt3A_3570 : i32 to vector<80x1xi32>
      %lt3A_3572 = arith.cmpi slt, %add3A_3524, %lt3A_3571 : vector<80x1xi32>
      %and3A_3573 = arith.andi %gt3A_3569, %lt3A_3572 : vector<80x1xi1>
      %lt3A_3574 = arith.constant 0x7F800000 : f32
      %lt3A_3575 = vector.broadcast %lt3A_3574 : f32 to vector<80x1xf32>
      %lt3A_3576 = arith.cmpf olt, %broadcast_in_dim3A_3527, %lt3A_3575 : vector<80x1xf32>
      %and3A_3577 = arith.andi %and3A_3573, %lt3A_3576 : vector<80x1xi1>
      %lt3A_3578 = arith.constant 16 : i32
      %lt3A_3579 = vector.broadcast %lt3A_3578 : i32 to vector<80x1xi32>
      %lt3A_3580 = arith.cmpi slt, %add3A_3524, %lt3A_3579 : vector<80x1xi32>
      %and3A_3581 = arith.andi %and3A_3577, %lt3A_3580 : vector<80x1xi1>
      %eq3A_3582 = vector.broadcast %add3A_3524 : vector<80x1xi32> to vector<80x128xi32>
      %eq3A_3583 = arith.cmpi eq, %iota3A_26, %eq3A_3582 : vector<80x128xi32>
      %and3A_3584 = vector.broadcast %and3A_3581 : vector<80x1xi1> to vector<80x128xi1>
      %and3A_3585 = arith.andi %and3A_3584, %eq3A_3583 : vector<80x128xi1>
      %broadcast_in_dim3A_3586 = vector.shape_cast %select_n3A_3566 : vector<80x1xi32> to vector<80x1xi32>
      %broadcast_in_dim3A_3587 = vector.broadcast %broadcast_in_dim3A_3586 : vector<80x1xi32> to vector<80x128xi32>
      %select_n3A_3588 = arith.select %and3A_3585, %broadcast_in_dim3A_3587, %select_n3A_3482 : vector<80x128xi1>, vector<80x128xi32>
      %jit3A_3589 = arith.constant 2 : i32
      %eq3A_3590 = arith.constant 0 : i32
      %eq3A_3591 = arith.cmpi eq, %jit3A_3589, %eq3A_3590 : i32
      %jit3A_3592 = arith.constant 1 : i32
      %select_n3A_3593 = arith.select %eq3A_3591, %jit3A_3592, %jit3A_3589 : i32
      %rem3A_3594 = vector.broadcast %select_n3A_3593 : i32 to vector<80x1xi32>
      %rem3A_3595 = arith.remsi %add3A_3524, %rem3A_3594 : vector<80x1xi32>
      %ne3A_3596 = arith.constant 0 : i32
      %ne3A_3597 = vector.broadcast %ne3A_3596 : i32 to vector<80x1xi32>
      %ne3A_3598 = arith.cmpi ne, %rem3A_3595, %ne3A_3597 : vector<80x1xi32>
      %lt3A_3599 = arith.constant 0 : i32
      %lt3A_3600 = vector.broadcast %lt3A_3599 : i32 to vector<80x1xi32>
      %lt3A_3601 = arith.cmpi slt, %rem3A_3595, %lt3A_3600 : vector<80x1xi32>
      %lt3A_3602 = arith.constant 0 : i32
      %lt3A_3603 = arith.cmpi slt, %select_n3A_3593, %lt3A_3602 : i32
      %ne3A_3604 = vector.broadcast %lt3A_3603 : i1 to vector<80x1xi1>
      %ne3A_3605 = vector.broadcast %ne3A_3604 : vector<80x1xi1> to vector<80x1xi1>
      %ne3A_3606 = arith.xori %lt3A_3601, %ne3A_3605 : vector<80x1xi1>
      %and3A_3607 = arith.andi %ne3A_3606, %ne3A_3598 : vector<80x1xi1>
      %add3A_3608 = vector.broadcast %select_n3A_3593 : i32 to vector<80x1xi32>
      %add3A_3609 = arith.addi %rem3A_3595, %add3A_3608 : vector<80x1xi32>
      %select_n3A_3610 = arith.select %and3A_3607, %add3A_3609, %rem3A_3595 : vector<80x1xi1>, vector<80x1xi32>
      %eq3A_3611 = arith.constant 0 : i32
      %eq3A_3612 = vector.broadcast %eq3A_3611 : i32 to vector<80x1xi32>
      %eq3A_3613 = arith.cmpi eq, %select_n3A_3610, %eq3A_3612 : vector<80x1xi32>
      %and3A_3614 = arith.andi %and3A_3577, %eq3A_3613 : vector<80x1xi1>
      %jit3A_3615 = arith.constant 2 : i32
      %div3A_3616 = vector.broadcast %jit3A_3615 : i32 to vector<80x1xi32>
      %div3A_3617 = arith.divsi %add3A_3524, %div3A_3616 : vector<80x1xi32>
      %sign3A_3618 = arith.constant 0 : i32
      %sign3A_3619 = vector.broadcast %sign3A_3618 : i32 to vector<80x1xi32>
      %sign3A_3620 = arith.cmpi sgt, %add3A_3524, %sign3A_3619 : vector<80x1xi32>
      %sign3A_3621 = arith.extui %sign3A_3620 : vector<80x1xi1> to vector<80x1xi32>
      %sign3A_3622 = arith.constant 0 : i32
      %sign3A_3623 = vector.broadcast %sign3A_3622 : i32 to vector<80x1xi32>
      %sign3A_3624 = arith.cmpi slt, %add3A_3524, %sign3A_3623 : vector<80x1xi32>
      %sign3A_3625 = arith.extui %sign3A_3624 : vector<80x1xi1> to vector<80x1xi32>
      %sign3A_3626 = arith.subi %sign3A_3621, %sign3A_3625 : vector<80x1xi32>
      %sign3A_3627 = arith.constant 0 : i32
      %sign3A_3628 = arith.cmpi sgt, %jit3A_3615, %sign3A_3627 : i32
      %sign3A_3629 = arith.extui %sign3A_3628 : i1 to i32
      %sign3A_3630 = arith.constant 0 : i32
      %sign3A_3631 = arith.cmpi slt, %jit3A_3615, %sign3A_3630 : i32
      %sign3A_3632 = arith.extui %sign3A_3631 : i1 to i32
      %sign3A_3633 = arith.subi %sign3A_3629, %sign3A_3632 : i32
      %ne3A_3634 = vector.broadcast %sign3A_3633 : i32 to vector<80x1xi32>
      %ne3A_3635 = arith.cmpi ne, %sign3A_3626, %ne3A_3634 : vector<80x1xi32>
      %rem3A_3636 = vector.broadcast %jit3A_3615 : i32 to vector<80x1xi32>
      %rem3A_3637 = arith.remsi %add3A_3524, %rem3A_3636 : vector<80x1xi32>
      %ne3A_3638 = arith.constant 0 : i32
      %ne3A_3639 = vector.broadcast %ne3A_3638 : i32 to vector<80x1xi32>
      %ne3A_3640 = arith.cmpi ne, %rem3A_3637, %ne3A_3639 : vector<80x1xi32>
      %and3A_3641 = arith.andi %ne3A_3635, %ne3A_3640 : vector<80x1xi1>
      %sub3A_3642 = arith.constant 1 : i32
      %sub3A_3643 = vector.broadcast %sub3A_3642 : i32 to vector<80x1xi32>
      %sub3A_3644 = arith.subi %div3A_3617, %sub3A_3643 : vector<80x1xi32>
      %select_n3A_3645 = arith.select %and3A_3641, %sub3A_3644, %div3A_3617 : vector<80x1xi1>, vector<80x1xi32>
      %add3A_3646 = arith.constant 16 : i32
      %add3A_3647 = vector.broadcast %add3A_3646 : i32 to vector<80x1xi32>
      %add3A_3648 = arith.addi %add3A_3647, %select_n3A_3645 : vector<80x1xi32>
      %eq3A_3649 = vector.broadcast %add3A_3648 : vector<80x1xi32> to vector<80x128xi32>
      %eq3A_3650 = arith.cmpi eq, %iota3A_26, %eq3A_3649 : vector<80x128xi32>
      %and3A_3651 = vector.broadcast %and3A_3614 : vector<80x1xi1> to vector<80x128xi1>
      %and3A_3652 = arith.andi %and3A_3651, %eq3A_3650 : vector<80x128xi1>
      %broadcast_in_dim3A_3653 = vector.shape_cast %select_n3A_3566 : vector<80x1xi32> to vector<80x1xi32>
      %broadcast_in_dim3A_3654 = vector.broadcast %broadcast_in_dim3A_3653 : vector<80x1xi32> to vector<80x128xi32>
      %select_n3A_3655 = arith.select %and3A_3652, %broadcast_in_dim3A_3654, %select_n3A_3588 : vector<80x128xi1>, vector<80x128xi32>
      %select_n3A_3656 = arith.select %and3A_3577, %broadcast_in_dim3A_3527, %select_n3A_3483 : vector<80x1xi1>, vector<80x1xf32>
      %select_n3A_3657 = arith.select %and3A_3577, %select_n3A_3566, %select_n3A_3484 : vector<80x1xi1>, vector<80x1xi32>
      %jit3A_3658 = arith.constant 8 : i32
      %eq3A_3659 = arith.constant 0 : i32
      %eq3A_3660 = arith.cmpi eq, %jit3A_3658, %eq3A_3659 : i32
      %jit3A_3661 = arith.constant 1 : i32
      %select_n3A_3662 = arith.select %eq3A_3660, %jit3A_3661, %jit3A_3658 : i32
      %rem3A_3663 = vector.broadcast %select_n3A_3662 : i32 to vector<80x1xi32>
      %rem3A_3664 = arith.remsi %broadcast_in_dim3A_3535, %rem3A_3663 : vector<80x1xi32>
      %ne3A_3665 = arith.constant 0 : i32
      %ne3A_3666 = vector.broadcast %ne3A_3665 : i32 to vector<80x1xi32>
      %ne3A_3667 = arith.cmpi ne, %rem3A_3664, %ne3A_3666 : vector<80x1xi32>
      %lt3A_3668 = arith.constant 0 : i32
      %lt3A_3669 = vector.broadcast %lt3A_3668 : i32 to vector<80x1xi32>
      %lt3A_3670 = arith.cmpi slt, %rem3A_3664, %lt3A_3669 : vector<80x1xi32>
      %lt3A_3671 = arith.constant 0 : i32
      %lt3A_3672 = arith.cmpi slt, %select_n3A_3662, %lt3A_3671 : i32
      %ne3A_3673 = vector.broadcast %lt3A_3672 : i1 to vector<80x1xi1>
      %ne3A_3674 = vector.broadcast %ne3A_3673 : vector<80x1xi1> to vector<80x1xi1>
      %ne3A_3675 = arith.xori %lt3A_3670, %ne3A_3674 : vector<80x1xi1>
      %and3A_3676 = arith.andi %ne3A_3675, %ne3A_3667 : vector<80x1xi1>
      %add3A_3677 = vector.broadcast %select_n3A_3662 : i32 to vector<80x1xi32>
      %add3A_3678 = arith.addi %rem3A_3664, %add3A_3677 : vector<80x1xi32>
      %select_n3A_3679 = arith.select %and3A_3676, %add3A_3678, %rem3A_3664 : vector<80x1xi1>, vector<80x1xi32>
      %eq3A_3680 = arith.constant 5 : i32
      %eq3A_3681 = vector.broadcast %eq3A_3680 : i32 to vector<80x1xi32>
      %eq3A_3682 = arith.cmpi eq, %select_n3A_3679, %eq3A_3681 : vector<80x1xi32>
      %and3A_3683 = arith.andi %and3A_3577, %eq3A_3682 : vector<80x1xi1>
      %jit3A_3684 = arith.constant 0 : i32
      %broadcast_in_dim3A_3685 = vector.broadcast %jit3A_3684 : i32 to vector<80x1xi32>
      %select_n3A_3686 = arith.select %and3A_3683, %broadcast_in_dim3A_3685, %select_n3A_3513 : vector<80x1xi1>, vector<80x1xi32>
      %eq3A_3687 = vector.broadcast %broadcast_in_dim3A_3535 : vector<80x1xi32> to vector<80x768xi32>
      %eq3A_3688 = arith.cmpi eq, %add3A_236, %eq3A_3687 : vector<80x768xi32>
      %jit3A_3689 = arith.constant 0x7F800000 : f32
      %broadcast_in_dim3A_3690 = vector.broadcast %jit3A_3689 : f32 to vector<80x768xf32>
      %select_n3A_3691 = arith.select %eq3A_3688, %broadcast_in_dim3A_3690, %select_n3A_3518 : vector<80x768xi1>, vector<80x768xf32>
      %jit3A_3692 = arith.constant 1 : i32
      %jit3A_3693 = arith.constant 0 : i32
      %broadcast_in_dim3A_3694 = vector.broadcast %jit3A_3692 : i32 to vector<80x1xi32>
      %broadcast_in_dim3A_3695 = vector.broadcast %jit3A_3693 : i32 to vector<80x1xi32>
      %select_n3A_3696 = arith.select %and3A_3577, %broadcast_in_dim3A_3694, %broadcast_in_dim3A_3695 : vector<80x1xi1>, vector<80x1xi32>
      %add3A_3697 = arith.addi %add3A_3524, %select_n3A_3696 : vector<80x1xi32>
      %reduce_min3A_3698 = arith.constant dense<0x7F800000> : vector<80xf32>
      %reduce_min3A_3699 = vector.multi_reduction <minimumf>, %select_n3A_3691, %reduce_min3A_3698 [1] : vector<80x768xf32> to vector<80xf32>
      %broadcast_in_dim3A_3700 = vector.shape_cast %reduce_min3A_3699 : vector<80xf32> to vector<80x1xf32>
      %eq3A_3701 = vector.broadcast %broadcast_in_dim3A_3700 : vector<80x1xf32> to vector<80x768xf32>
      %eq3A_3702 = arith.cmpf oeq, %select_n3A_3691, %eq3A_3701 : vector<80x768xf32>
      %jit3A_3703 = arith.constant 1073741824 : i32
      %broadcast_in_dim3A_3704 = vector.broadcast %jit3A_3703 : i32 to vector<80x768xi32>
      %select_n3A_3705 = arith.select %eq3A_3702, %add3A_236, %broadcast_in_dim3A_3704 : vector<80x768xi1>, vector<80x768xi32>
      %reduce_min3A_3706 = arith.constant dense<2147483647> : vector<80xi32>
      %reduce_min3A_3707 = vector.multi_reduction <minsi>, %select_n3A_3705, %reduce_min3A_3706 [1] : vector<80x768xi32> to vector<80xi32>
      %broadcast_in_dim3A_3708 = vector.shape_cast %reduce_min3A_3707 : vector<80xi32> to vector<80x1xi32>
      %jit3A_3709 = arith.constant 8 : i32
      %div3A_3710 = vector.broadcast %jit3A_3709 : i32 to vector<80x1xi32>
      %div3A_3711 = arith.divsi %broadcast_in_dim3A_3708, %div3A_3710 : vector<80x1xi32>
      %sign3A_3712 = arith.constant 0 : i32
      %sign3A_3713 = vector.broadcast %sign3A_3712 : i32 to vector<80x1xi32>
      %sign3A_3714 = arith.cmpi sgt, %broadcast_in_dim3A_3708, %sign3A_3713 : vector<80x1xi32>
      %sign3A_3715 = arith.extui %sign3A_3714 : vector<80x1xi1> to vector<80x1xi32>
      %sign3A_3716 = arith.constant 0 : i32
      %sign3A_3717 = vector.broadcast %sign3A_3716 : i32 to vector<80x1xi32>
      %sign3A_3718 = arith.cmpi slt, %broadcast_in_dim3A_3708, %sign3A_3717 : vector<80x1xi32>
      %sign3A_3719 = arith.extui %sign3A_3718 : vector<80x1xi1> to vector<80x1xi32>
      %sign3A_3720 = arith.subi %sign3A_3715, %sign3A_3719 : vector<80x1xi32>
      %sign3A_3721 = arith.constant 0 : i32
      %sign3A_3722 = arith.cmpi sgt, %jit3A_3709, %sign3A_3721 : i32
      %sign3A_3723 = arith.extui %sign3A_3722 : i1 to i32
      %sign3A_3724 = arith.constant 0 : i32
      %sign3A_3725 = arith.cmpi slt, %jit3A_3709, %sign3A_3724 : i32
      %sign3A_3726 = arith.extui %sign3A_3725 : i1 to i32
      %sign3A_3727 = arith.subi %sign3A_3723, %sign3A_3726 : i32
      %ne3A_3728 = vector.broadcast %sign3A_3727 : i32 to vector<80x1xi32>
      %ne3A_3729 = arith.cmpi ne, %sign3A_3720, %ne3A_3728 : vector<80x1xi32>
      %rem3A_3730 = vector.broadcast %jit3A_3709 : i32 to vector<80x1xi32>
      %rem3A_3731 = arith.remsi %broadcast_in_dim3A_3708, %rem3A_3730 : vector<80x1xi32>
      %ne3A_3732 = arith.constant 0 : i32
      %ne3A_3733 = vector.broadcast %ne3A_3732 : i32 to vector<80x1xi32>
      %ne3A_3734 = arith.cmpi ne, %rem3A_3731, %ne3A_3733 : vector<80x1xi32>
      %and3A_3735 = arith.andi %ne3A_3729, %ne3A_3734 : vector<80x1xi1>
      %sub3A_3736 = arith.constant 1 : i32
      %sub3A_3737 = vector.broadcast %sub3A_3736 : i32 to vector<80x1xi32>
      %sub3A_3738 = arith.subi %div3A_3711, %sub3A_3737 : vector<80x1xi32>
      %select_n3A_3739 = arith.select %and3A_3735, %sub3A_3738, %div3A_3711 : vector<80x1xi1>, vector<80x1xi32>
      %gt3A_3740 = arith.constant 0 : i32
      %gt3A_3741 = vector.broadcast %gt3A_3740 : i32 to vector<80x1xi32>
      %gt3A_3742 = arith.cmpi sgt, %select_n3A_3686, %gt3A_3741 : vector<80x1xi32>
      %lt3A_3743 = arith.constant 31 : i32
      %lt3A_3744 = vector.broadcast %lt3A_3743 : i32 to vector<80x1xi32>
      %lt3A_3745 = arith.cmpi slt, %add3A_3697, %lt3A_3744 : vector<80x1xi32>
      %and3A_3746 = arith.andi %gt3A_3742, %lt3A_3745 : vector<80x1xi1>
      %lt3A_3747 = arith.constant 0x7F800000 : f32
      %lt3A_3748 = vector.broadcast %lt3A_3747 : f32 to vector<80x1xf32>
      %lt3A_3749 = arith.cmpf olt, %broadcast_in_dim3A_3700, %lt3A_3748 : vector<80x1xf32>
      %and3A_3750 = arith.andi %and3A_3746, %lt3A_3749 : vector<80x1xi1>
      %lt3A_3751 = arith.constant 16 : i32
      %lt3A_3752 = vector.broadcast %lt3A_3751 : i32 to vector<80x1xi32>
      %lt3A_3753 = arith.cmpi slt, %add3A_3697, %lt3A_3752 : vector<80x1xi32>
      %and3A_3754 = arith.andi %and3A_3750, %lt3A_3753 : vector<80x1xi1>
      %eq3A_3755 = vector.broadcast %add3A_3697 : vector<80x1xi32> to vector<80x128xi32>
      %eq3A_3756 = arith.cmpi eq, %iota3A_26, %eq3A_3755 : vector<80x128xi32>
      %and3A_3757 = vector.broadcast %and3A_3754 : vector<80x1xi1> to vector<80x128xi1>
      %and3A_3758 = arith.andi %and3A_3757, %eq3A_3756 : vector<80x128xi1>
      %broadcast_in_dim3A_3759 = vector.shape_cast %select_n3A_3739 : vector<80x1xi32> to vector<80x1xi32>
      %broadcast_in_dim3A_3760 = vector.broadcast %broadcast_in_dim3A_3759 : vector<80x1xi32> to vector<80x128xi32>
      %select_n3A_3761 = arith.select %and3A_3758, %broadcast_in_dim3A_3760, %select_n3A_3655 : vector<80x128xi1>, vector<80x128xi32>
      %jit3A_3762 = arith.constant 2 : i32
      %eq3A_3763 = arith.constant 0 : i32
      %eq3A_3764 = arith.cmpi eq, %jit3A_3762, %eq3A_3763 : i32
      %jit3A_3765 = arith.constant 1 : i32
      %select_n3A_3766 = arith.select %eq3A_3764, %jit3A_3765, %jit3A_3762 : i32
      %rem3A_3767 = vector.broadcast %select_n3A_3766 : i32 to vector<80x1xi32>
      %rem3A_3768 = arith.remsi %add3A_3697, %rem3A_3767 : vector<80x1xi32>
      %ne3A_3769 = arith.constant 0 : i32
      %ne3A_3770 = vector.broadcast %ne3A_3769 : i32 to vector<80x1xi32>
      %ne3A_3771 = arith.cmpi ne, %rem3A_3768, %ne3A_3770 : vector<80x1xi32>
      %lt3A_3772 = arith.constant 0 : i32
      %lt3A_3773 = vector.broadcast %lt3A_3772 : i32 to vector<80x1xi32>
      %lt3A_3774 = arith.cmpi slt, %rem3A_3768, %lt3A_3773 : vector<80x1xi32>
      %lt3A_3775 = arith.constant 0 : i32
      %lt3A_3776 = arith.cmpi slt, %select_n3A_3766, %lt3A_3775 : i32
      %ne3A_3777 = vector.broadcast %lt3A_3776 : i1 to vector<80x1xi1>
      %ne3A_3778 = vector.broadcast %ne3A_3777 : vector<80x1xi1> to vector<80x1xi1>
      %ne3A_3779 = arith.xori %lt3A_3774, %ne3A_3778 : vector<80x1xi1>
      %and3A_3780 = arith.andi %ne3A_3779, %ne3A_3771 : vector<80x1xi1>
      %add3A_3781 = vector.broadcast %select_n3A_3766 : i32 to vector<80x1xi32>
      %add3A_3782 = arith.addi %rem3A_3768, %add3A_3781 : vector<80x1xi32>
      %select_n3A_3783 = arith.select %and3A_3780, %add3A_3782, %rem3A_3768 : vector<80x1xi1>, vector<80x1xi32>
      %eq3A_3784 = arith.constant 0 : i32
      %eq3A_3785 = vector.broadcast %eq3A_3784 : i32 to vector<80x1xi32>
      %eq3A_3786 = arith.cmpi eq, %select_n3A_3783, %eq3A_3785 : vector<80x1xi32>
      %and3A_3787 = arith.andi %and3A_3750, %eq3A_3786 : vector<80x1xi1>
      %jit3A_3788 = arith.constant 2 : i32
      %div3A_3789 = vector.broadcast %jit3A_3788 : i32 to vector<80x1xi32>
      %div3A_3790 = arith.divsi %add3A_3697, %div3A_3789 : vector<80x1xi32>
      %sign3A_3791 = arith.constant 0 : i32
      %sign3A_3792 = vector.broadcast %sign3A_3791 : i32 to vector<80x1xi32>
      %sign3A_3793 = arith.cmpi sgt, %add3A_3697, %sign3A_3792 : vector<80x1xi32>
      %sign3A_3794 = arith.extui %sign3A_3793 : vector<80x1xi1> to vector<80x1xi32>
      %sign3A_3795 = arith.constant 0 : i32
      %sign3A_3796 = vector.broadcast %sign3A_3795 : i32 to vector<80x1xi32>
      %sign3A_3797 = arith.cmpi slt, %add3A_3697, %sign3A_3796 : vector<80x1xi32>
      %sign3A_3798 = arith.extui %sign3A_3797 : vector<80x1xi1> to vector<80x1xi32>
      %sign3A_3799 = arith.subi %sign3A_3794, %sign3A_3798 : vector<80x1xi32>
      %sign3A_3800 = arith.constant 0 : i32
      %sign3A_3801 = arith.cmpi sgt, %jit3A_3788, %sign3A_3800 : i32
      %sign3A_3802 = arith.extui %sign3A_3801 : i1 to i32
      %sign3A_3803 = arith.constant 0 : i32
      %sign3A_3804 = arith.cmpi slt, %jit3A_3788, %sign3A_3803 : i32
      %sign3A_3805 = arith.extui %sign3A_3804 : i1 to i32
      %sign3A_3806 = arith.subi %sign3A_3802, %sign3A_3805 : i32
      %ne3A_3807 = vector.broadcast %sign3A_3806 : i32 to vector<80x1xi32>
      %ne3A_3808 = arith.cmpi ne, %sign3A_3799, %ne3A_3807 : vector<80x1xi32>
      %rem3A_3809 = vector.broadcast %jit3A_3788 : i32 to vector<80x1xi32>
      %rem3A_3810 = arith.remsi %add3A_3697, %rem3A_3809 : vector<80x1xi32>
      %ne3A_3811 = arith.constant 0 : i32
      %ne3A_3812 = vector.broadcast %ne3A_3811 : i32 to vector<80x1xi32>
      %ne3A_3813 = arith.cmpi ne, %rem3A_3810, %ne3A_3812 : vector<80x1xi32>
      %and3A_3814 = arith.andi %ne3A_3808, %ne3A_3813 : vector<80x1xi1>
      %sub3A_3815 = arith.constant 1 : i32
      %sub3A_3816 = vector.broadcast %sub3A_3815 : i32 to vector<80x1xi32>
      %sub3A_3817 = arith.subi %div3A_3790, %sub3A_3816 : vector<80x1xi32>
      %select_n3A_3818 = arith.select %and3A_3814, %sub3A_3817, %div3A_3790 : vector<80x1xi1>, vector<80x1xi32>
      %add3A_3819 = arith.constant 16 : i32
      %add3A_3820 = vector.broadcast %add3A_3819 : i32 to vector<80x1xi32>
      %add3A_3821 = arith.addi %add3A_3820, %select_n3A_3818 : vector<80x1xi32>
      %eq3A_3822 = vector.broadcast %add3A_3821 : vector<80x1xi32> to vector<80x128xi32>
      %eq3A_3823 = arith.cmpi eq, %iota3A_26, %eq3A_3822 : vector<80x128xi32>
      %and3A_3824 = vector.broadcast %and3A_3787 : vector<80x1xi1> to vector<80x128xi1>
      %and3A_3825 = arith.andi %and3A_3824, %eq3A_3823 : vector<80x128xi1>
      %broadcast_in_dim3A_3826 = vector.shape_cast %select_n3A_3739 : vector<80x1xi32> to vector<80x1xi32>
      %broadcast_in_dim3A_3827 = vector.broadcast %broadcast_in_dim3A_3826 : vector<80x1xi32> to vector<80x128xi32>
      %select_n3A_3828 = arith.select %and3A_3825, %broadcast_in_dim3A_3827, %select_n3A_3761 : vector<80x128xi1>, vector<80x128xi32>
      %select_n3A_3829 = arith.select %and3A_3750, %broadcast_in_dim3A_3700, %select_n3A_3656 : vector<80x1xi1>, vector<80x1xf32>
      %select_n3A_3830 = arith.select %and3A_3750, %select_n3A_3739, %select_n3A_3657 : vector<80x1xi1>, vector<80x1xi32>
      %jit3A_3831 = arith.constant 8 : i32
      %eq3A_3832 = arith.constant 0 : i32
      %eq3A_3833 = arith.cmpi eq, %jit3A_3831, %eq3A_3832 : i32
      %jit3A_3834 = arith.constant 1 : i32
      %select_n3A_3835 = arith.select %eq3A_3833, %jit3A_3834, %jit3A_3831 : i32
      %rem3A_3836 = vector.broadcast %select_n3A_3835 : i32 to vector<80x1xi32>
      %rem3A_3837 = arith.remsi %broadcast_in_dim3A_3708, %rem3A_3836 : vector<80x1xi32>
      %ne3A_3838 = arith.constant 0 : i32
      %ne3A_3839 = vector.broadcast %ne3A_3838 : i32 to vector<80x1xi32>
      %ne3A_3840 = arith.cmpi ne, %rem3A_3837, %ne3A_3839 : vector<80x1xi32>
      %lt3A_3841 = arith.constant 0 : i32
      %lt3A_3842 = vector.broadcast %lt3A_3841 : i32 to vector<80x1xi32>
      %lt3A_3843 = arith.cmpi slt, %rem3A_3837, %lt3A_3842 : vector<80x1xi32>
      %lt3A_3844 = arith.constant 0 : i32
      %lt3A_3845 = arith.cmpi slt, %select_n3A_3835, %lt3A_3844 : i32
      %ne3A_3846 = vector.broadcast %lt3A_3845 : i1 to vector<80x1xi1>
      %ne3A_3847 = vector.broadcast %ne3A_3846 : vector<80x1xi1> to vector<80x1xi1>
      %ne3A_3848 = arith.xori %lt3A_3843, %ne3A_3847 : vector<80x1xi1>
      %and3A_3849 = arith.andi %ne3A_3848, %ne3A_3840 : vector<80x1xi1>
      %add3A_3850 = vector.broadcast %select_n3A_3835 : i32 to vector<80x1xi32>
      %add3A_3851 = arith.addi %rem3A_3837, %add3A_3850 : vector<80x1xi32>
      %select_n3A_3852 = arith.select %and3A_3849, %add3A_3851, %rem3A_3837 : vector<80x1xi1>, vector<80x1xi32>
      %eq3A_3853 = arith.constant 5 : i32
      %eq3A_3854 = vector.broadcast %eq3A_3853 : i32 to vector<80x1xi32>
      %eq3A_3855 = arith.cmpi eq, %select_n3A_3852, %eq3A_3854 : vector<80x1xi32>
      %and3A_3856 = arith.andi %and3A_3750, %eq3A_3855 : vector<80x1xi1>
      %jit3A_3857 = arith.constant 0 : i32
      %broadcast_in_dim3A_3858 = vector.broadcast %jit3A_3857 : i32 to vector<80x1xi32>
      %select_n3A_3859 = arith.select %and3A_3856, %broadcast_in_dim3A_3858, %select_n3A_3686 : vector<80x1xi1>, vector<80x1xi32>
      %eq3A_3860 = vector.broadcast %broadcast_in_dim3A_3708 : vector<80x1xi32> to vector<80x768xi32>
      %eq3A_3861 = arith.cmpi eq, %add3A_236, %eq3A_3860 : vector<80x768xi32>
      %jit3A_3862 = arith.constant 0x7F800000 : f32
      %broadcast_in_dim3A_3863 = vector.broadcast %jit3A_3862 : f32 to vector<80x768xf32>
      %select_n3A_3864 = arith.select %eq3A_3861, %broadcast_in_dim3A_3863, %select_n3A_3691 : vector<80x768xi1>, vector<80x768xf32>
      %jit3A_3865 = arith.constant 1 : i32
      %jit3A_3866 = arith.constant 0 : i32
      %broadcast_in_dim3A_3867 = vector.broadcast %jit3A_3865 : i32 to vector<80x1xi32>
      %broadcast_in_dim3A_3868 = vector.broadcast %jit3A_3866 : i32 to vector<80x1xi32>
      %select_n3A_3869 = arith.select %and3A_3750, %broadcast_in_dim3A_3867, %broadcast_in_dim3A_3868 : vector<80x1xi1>, vector<80x1xi32>
      %add3A_3870 = arith.addi %add3A_3697, %select_n3A_3869 : vector<80x1xi32>
      %reduce_min3A_3871 = arith.constant dense<0x7F800000> : vector<80xf32>
      %reduce_min3A_3872 = vector.multi_reduction <minimumf>, %select_n3A_3864, %reduce_min3A_3871 [1] : vector<80x768xf32> to vector<80xf32>
      %broadcast_in_dim3A_3873 = vector.shape_cast %reduce_min3A_3872 : vector<80xf32> to vector<80x1xf32>
      %eq3A_3874 = vector.broadcast %broadcast_in_dim3A_3873 : vector<80x1xf32> to vector<80x768xf32>
      %eq3A_3875 = arith.cmpf oeq, %select_n3A_3864, %eq3A_3874 : vector<80x768xf32>
      %jit3A_3876 = arith.constant 1073741824 : i32
      %broadcast_in_dim3A_3877 = vector.broadcast %jit3A_3876 : i32 to vector<80x768xi32>
      %select_n3A_3878 = arith.select %eq3A_3875, %add3A_236, %broadcast_in_dim3A_3877 : vector<80x768xi1>, vector<80x768xi32>
      %reduce_min3A_3879 = arith.constant dense<2147483647> : vector<80xi32>
      %reduce_min3A_3880 = vector.multi_reduction <minsi>, %select_n3A_3878, %reduce_min3A_3879 [1] : vector<80x768xi32> to vector<80xi32>
      %broadcast_in_dim3A_3881 = vector.shape_cast %reduce_min3A_3880 : vector<80xi32> to vector<80x1xi32>
      %jit3A_3882 = arith.constant 8 : i32
      %div3A_3883 = vector.broadcast %jit3A_3882 : i32 to vector<80x1xi32>
      %div3A_3884 = arith.divsi %broadcast_in_dim3A_3881, %div3A_3883 : vector<80x1xi32>
      %sign3A_3885 = arith.constant 0 : i32
      %sign3A_3886 = vector.broadcast %sign3A_3885 : i32 to vector<80x1xi32>
      %sign3A_3887 = arith.cmpi sgt, %broadcast_in_dim3A_3881, %sign3A_3886 : vector<80x1xi32>
      %sign3A_3888 = arith.extui %sign3A_3887 : vector<80x1xi1> to vector<80x1xi32>
      %sign3A_3889 = arith.constant 0 : i32
      %sign3A_3890 = vector.broadcast %sign3A_3889 : i32 to vector<80x1xi32>
      %sign3A_3891 = arith.cmpi slt, %broadcast_in_dim3A_3881, %sign3A_3890 : vector<80x1xi32>
      %sign3A_3892 = arith.extui %sign3A_3891 : vector<80x1xi1> to vector<80x1xi32>
      %sign3A_3893 = arith.subi %sign3A_3888, %sign3A_3892 : vector<80x1xi32>
      %sign3A_3894 = arith.constant 0 : i32
      %sign3A_3895 = arith.cmpi sgt, %jit3A_3882, %sign3A_3894 : i32
      %sign3A_3896 = arith.extui %sign3A_3895 : i1 to i32
      %sign3A_3897 = arith.constant 0 : i32
      %sign3A_3898 = arith.cmpi slt, %jit3A_3882, %sign3A_3897 : i32
      %sign3A_3899 = arith.extui %sign3A_3898 : i1 to i32
      %sign3A_3900 = arith.subi %sign3A_3896, %sign3A_3899 : i32
      %ne3A_3901 = vector.broadcast %sign3A_3900 : i32 to vector<80x1xi32>
      %ne3A_3902 = arith.cmpi ne, %sign3A_3893, %ne3A_3901 : vector<80x1xi32>
      %rem3A_3903 = vector.broadcast %jit3A_3882 : i32 to vector<80x1xi32>
      %rem3A_3904 = arith.remsi %broadcast_in_dim3A_3881, %rem3A_3903 : vector<80x1xi32>
      %ne3A_3905 = arith.constant 0 : i32
      %ne3A_3906 = vector.broadcast %ne3A_3905 : i32 to vector<80x1xi32>
      %ne3A_3907 = arith.cmpi ne, %rem3A_3904, %ne3A_3906 : vector<80x1xi32>
      %and3A_3908 = arith.andi %ne3A_3902, %ne3A_3907 : vector<80x1xi1>
      %sub3A_3909 = arith.constant 1 : i32
      %sub3A_3910 = vector.broadcast %sub3A_3909 : i32 to vector<80x1xi32>
      %sub3A_3911 = arith.subi %div3A_3884, %sub3A_3910 : vector<80x1xi32>
      %select_n3A_3912 = arith.select %and3A_3908, %sub3A_3911, %div3A_3884 : vector<80x1xi1>, vector<80x1xi32>
      %gt3A_3913 = arith.constant 0 : i32
      %gt3A_3914 = vector.broadcast %gt3A_3913 : i32 to vector<80x1xi32>
      %gt3A_3915 = arith.cmpi sgt, %select_n3A_3859, %gt3A_3914 : vector<80x1xi32>
      %lt3A_3916 = arith.constant 31 : i32
      %lt3A_3917 = vector.broadcast %lt3A_3916 : i32 to vector<80x1xi32>
      %lt3A_3918 = arith.cmpi slt, %add3A_3870, %lt3A_3917 : vector<80x1xi32>
      %and3A_3919 = arith.andi %gt3A_3915, %lt3A_3918 : vector<80x1xi1>
      %lt3A_3920 = arith.constant 0x7F800000 : f32
      %lt3A_3921 = vector.broadcast %lt3A_3920 : f32 to vector<80x1xf32>
      %lt3A_3922 = arith.cmpf olt, %broadcast_in_dim3A_3873, %lt3A_3921 : vector<80x1xf32>
      %and3A_3923 = arith.andi %and3A_3919, %lt3A_3922 : vector<80x1xi1>
      %lt3A_3924 = arith.constant 16 : i32
      %lt3A_3925 = vector.broadcast %lt3A_3924 : i32 to vector<80x1xi32>
      %lt3A_3926 = arith.cmpi slt, %add3A_3870, %lt3A_3925 : vector<80x1xi32>
      %and3A_3927 = arith.andi %and3A_3923, %lt3A_3926 : vector<80x1xi1>
      %eq3A_3928 = vector.broadcast %add3A_3870 : vector<80x1xi32> to vector<80x128xi32>
      %eq3A_3929 = arith.cmpi eq, %iota3A_26, %eq3A_3928 : vector<80x128xi32>
      %and3A_3930 = vector.broadcast %and3A_3927 : vector<80x1xi1> to vector<80x128xi1>
      %and3A_3931 = arith.andi %and3A_3930, %eq3A_3929 : vector<80x128xi1>
      %broadcast_in_dim3A_3932 = vector.shape_cast %select_n3A_3912 : vector<80x1xi32> to vector<80x1xi32>
      %broadcast_in_dim3A_3933 = vector.broadcast %broadcast_in_dim3A_3932 : vector<80x1xi32> to vector<80x128xi32>
      %select_n3A_3934 = arith.select %and3A_3931, %broadcast_in_dim3A_3933, %select_n3A_3828 : vector<80x128xi1>, vector<80x128xi32>
      %jit3A_3935 = arith.constant 2 : i32
      %eq3A_3936 = arith.constant 0 : i32
      %eq3A_3937 = arith.cmpi eq, %jit3A_3935, %eq3A_3936 : i32
      %jit3A_3938 = arith.constant 1 : i32
      %select_n3A_3939 = arith.select %eq3A_3937, %jit3A_3938, %jit3A_3935 : i32
      %rem3A_3940 = vector.broadcast %select_n3A_3939 : i32 to vector<80x1xi32>
      %rem3A_3941 = arith.remsi %add3A_3870, %rem3A_3940 : vector<80x1xi32>
      %ne3A_3942 = arith.constant 0 : i32
      %ne3A_3943 = vector.broadcast %ne3A_3942 : i32 to vector<80x1xi32>
      %ne3A_3944 = arith.cmpi ne, %rem3A_3941, %ne3A_3943 : vector<80x1xi32>
      %lt3A_3945 = arith.constant 0 : i32
      %lt3A_3946 = vector.broadcast %lt3A_3945 : i32 to vector<80x1xi32>
      %lt3A_3947 = arith.cmpi slt, %rem3A_3941, %lt3A_3946 : vector<80x1xi32>
      %lt3A_3948 = arith.constant 0 : i32
      %lt3A_3949 = arith.cmpi slt, %select_n3A_3939, %lt3A_3948 : i32
      %ne3A_3950 = vector.broadcast %lt3A_3949 : i1 to vector<80x1xi1>
      %ne3A_3951 = vector.broadcast %ne3A_3950 : vector<80x1xi1> to vector<80x1xi1>
      %ne3A_3952 = arith.xori %lt3A_3947, %ne3A_3951 : vector<80x1xi1>
      %and3A_3953 = arith.andi %ne3A_3952, %ne3A_3944 : vector<80x1xi1>
      %add3A_3954 = vector.broadcast %select_n3A_3939 : i32 to vector<80x1xi32>
      %add3A_3955 = arith.addi %rem3A_3941, %add3A_3954 : vector<80x1xi32>
      %select_n3A_3956 = arith.select %and3A_3953, %add3A_3955, %rem3A_3941 : vector<80x1xi1>, vector<80x1xi32>
      %eq3A_3957 = arith.constant 0 : i32
      %eq3A_3958 = vector.broadcast %eq3A_3957 : i32 to vector<80x1xi32>
      %eq3A_3959 = arith.cmpi eq, %select_n3A_3956, %eq3A_3958 : vector<80x1xi32>
      %and3A_3960 = arith.andi %and3A_3923, %eq3A_3959 : vector<80x1xi1>
      %jit3A_3961 = arith.constant 2 : i32
      %div3A_3962 = vector.broadcast %jit3A_3961 : i32 to vector<80x1xi32>
      %div3A_3963 = arith.divsi %add3A_3870, %div3A_3962 : vector<80x1xi32>
      %sign3A_3964 = arith.constant 0 : i32
      %sign3A_3965 = vector.broadcast %sign3A_3964 : i32 to vector<80x1xi32>
      %sign3A_3966 = arith.cmpi sgt, %add3A_3870, %sign3A_3965 : vector<80x1xi32>
      %sign3A_3967 = arith.extui %sign3A_3966 : vector<80x1xi1> to vector<80x1xi32>
      %sign3A_3968 = arith.constant 0 : i32
      %sign3A_3969 = vector.broadcast %sign3A_3968 : i32 to vector<80x1xi32>
      %sign3A_3970 = arith.cmpi slt, %add3A_3870, %sign3A_3969 : vector<80x1xi32>
      %sign3A_3971 = arith.extui %sign3A_3970 : vector<80x1xi1> to vector<80x1xi32>
      %sign3A_3972 = arith.subi %sign3A_3967, %sign3A_3971 : vector<80x1xi32>
      %sign3A_3973 = arith.constant 0 : i32
      %sign3A_3974 = arith.cmpi sgt, %jit3A_3961, %sign3A_3973 : i32
      %sign3A_3975 = arith.extui %sign3A_3974 : i1 to i32
      %sign3A_3976 = arith.constant 0 : i32
      %sign3A_3977 = arith.cmpi slt, %jit3A_3961, %sign3A_3976 : i32
      %sign3A_3978 = arith.extui %sign3A_3977 : i1 to i32
      %sign3A_3979 = arith.subi %sign3A_3975, %sign3A_3978 : i32
      %ne3A_3980 = vector.broadcast %sign3A_3979 : i32 to vector<80x1xi32>
      %ne3A_3981 = arith.cmpi ne, %sign3A_3972, %ne3A_3980 : vector<80x1xi32>
      %rem3A_3982 = vector.broadcast %jit3A_3961 : i32 to vector<80x1xi32>
      %rem3A_3983 = arith.remsi %add3A_3870, %rem3A_3982 : vector<80x1xi32>
      %ne3A_3984 = arith.constant 0 : i32
      %ne3A_3985 = vector.broadcast %ne3A_3984 : i32 to vector<80x1xi32>
      %ne3A_3986 = arith.cmpi ne, %rem3A_3983, %ne3A_3985 : vector<80x1xi32>
      %and3A_3987 = arith.andi %ne3A_3981, %ne3A_3986 : vector<80x1xi1>
      %sub3A_3988 = arith.constant 1 : i32
      %sub3A_3989 = vector.broadcast %sub3A_3988 : i32 to vector<80x1xi32>
      %sub3A_3990 = arith.subi %div3A_3963, %sub3A_3989 : vector<80x1xi32>
      %select_n3A_3991 = arith.select %and3A_3987, %sub3A_3990, %div3A_3963 : vector<80x1xi1>, vector<80x1xi32>
      %add3A_3992 = arith.constant 16 : i32
      %add3A_3993 = vector.broadcast %add3A_3992 : i32 to vector<80x1xi32>
      %add3A_3994 = arith.addi %add3A_3993, %select_n3A_3991 : vector<80x1xi32>
      %eq3A_3995 = vector.broadcast %add3A_3994 : vector<80x1xi32> to vector<80x128xi32>
      %eq3A_3996 = arith.cmpi eq, %iota3A_26, %eq3A_3995 : vector<80x128xi32>
      %and3A_3997 = vector.broadcast %and3A_3960 : vector<80x1xi1> to vector<80x128xi1>
      %and3A_3998 = arith.andi %and3A_3997, %eq3A_3996 : vector<80x128xi1>
      %broadcast_in_dim3A_3999 = vector.shape_cast %select_n3A_3912 : vector<80x1xi32> to vector<80x1xi32>
      %broadcast_in_dim3A_4000 = vector.broadcast %broadcast_in_dim3A_3999 : vector<80x1xi32> to vector<80x128xi32>
      %select_n3A_4001 = arith.select %and3A_3998, %broadcast_in_dim3A_4000, %select_n3A_3934 : vector<80x128xi1>, vector<80x128xi32>
      %select_n3A_4002 = arith.select %and3A_3923, %broadcast_in_dim3A_3873, %select_n3A_3829 : vector<80x1xi1>, vector<80x1xf32>
      %select_n3A_4003 = arith.select %and3A_3923, %select_n3A_3912, %select_n3A_3830 : vector<80x1xi1>, vector<80x1xi32>
      %jit3A_4004 = arith.constant 8 : i32
      %eq3A_4005 = arith.constant 0 : i32
      %eq3A_4006 = arith.cmpi eq, %jit3A_4004, %eq3A_4005 : i32
      %jit3A_4007 = arith.constant 1 : i32
      %select_n3A_4008 = arith.select %eq3A_4006, %jit3A_4007, %jit3A_4004 : i32
      %rem3A_4009 = vector.broadcast %select_n3A_4008 : i32 to vector<80x1xi32>
      %rem3A_4010 = arith.remsi %broadcast_in_dim3A_3881, %rem3A_4009 : vector<80x1xi32>
      %ne3A_4011 = arith.constant 0 : i32
      %ne3A_4012 = vector.broadcast %ne3A_4011 : i32 to vector<80x1xi32>
      %ne3A_4013 = arith.cmpi ne, %rem3A_4010, %ne3A_4012 : vector<80x1xi32>
      %lt3A_4014 = arith.constant 0 : i32
      %lt3A_4015 = vector.broadcast %lt3A_4014 : i32 to vector<80x1xi32>
      %lt3A_4016 = arith.cmpi slt, %rem3A_4010, %lt3A_4015 : vector<80x1xi32>
      %lt3A_4017 = arith.constant 0 : i32
      %lt3A_4018 = arith.cmpi slt, %select_n3A_4008, %lt3A_4017 : i32
      %ne3A_4019 = vector.broadcast %lt3A_4018 : i1 to vector<80x1xi1>
      %ne3A_4020 = vector.broadcast %ne3A_4019 : vector<80x1xi1> to vector<80x1xi1>
      %ne3A_4021 = arith.xori %lt3A_4016, %ne3A_4020 : vector<80x1xi1>
      %and3A_4022 = arith.andi %ne3A_4021, %ne3A_4013 : vector<80x1xi1>
      %add3A_4023 = vector.broadcast %select_n3A_4008 : i32 to vector<80x1xi32>
      %add3A_4024 = arith.addi %rem3A_4010, %add3A_4023 : vector<80x1xi32>
      %select_n3A_4025 = arith.select %and3A_4022, %add3A_4024, %rem3A_4010 : vector<80x1xi1>, vector<80x1xi32>
      %eq3A_4026 = arith.constant 5 : i32
      %eq3A_4027 = vector.broadcast %eq3A_4026 : i32 to vector<80x1xi32>
      %eq3A_4028 = arith.cmpi eq, %select_n3A_4025, %eq3A_4027 : vector<80x1xi32>
      %and3A_4029 = arith.andi %and3A_3923, %eq3A_4028 : vector<80x1xi1>
      %jit3A_4030 = arith.constant 0 : i32
      %broadcast_in_dim3A_4031 = vector.broadcast %jit3A_4030 : i32 to vector<80x1xi32>
      %select_n3A_4032 = arith.select %and3A_4029, %broadcast_in_dim3A_4031, %select_n3A_3859 : vector<80x1xi1>, vector<80x1xi32>
      %eq3A_4033 = vector.broadcast %broadcast_in_dim3A_3881 : vector<80x1xi32> to vector<80x768xi32>
      %eq3A_4034 = arith.cmpi eq, %add3A_236, %eq3A_4033 : vector<80x768xi32>
      %jit3A_4035 = arith.constant 0x7F800000 : f32
      %broadcast_in_dim3A_4036 = vector.broadcast %jit3A_4035 : f32 to vector<80x768xf32>
      %select_n3A_4037 = arith.select %eq3A_4034, %broadcast_in_dim3A_4036, %select_n3A_3864 : vector<80x768xi1>, vector<80x768xf32>
      %jit3A_4038 = arith.constant 1 : i32
      %jit3A_4039 = arith.constant 0 : i32
      %broadcast_in_dim3A_4040 = vector.broadcast %jit3A_4038 : i32 to vector<80x1xi32>
      %broadcast_in_dim3A_4041 = vector.broadcast %jit3A_4039 : i32 to vector<80x1xi32>
      %select_n3A_4042 = arith.select %and3A_3923, %broadcast_in_dim3A_4040, %broadcast_in_dim3A_4041 : vector<80x1xi1>, vector<80x1xi32>
      %add3A_4043 = arith.addi %add3A_3870, %select_n3A_4042 : vector<80x1xi32>
      %reduce_min3A_4044 = arith.constant dense<0x7F800000> : vector<80xf32>
      %reduce_min3A_4045 = vector.multi_reduction <minimumf>, %select_n3A_4037, %reduce_min3A_4044 [1] : vector<80x768xf32> to vector<80xf32>
      %broadcast_in_dim3A_4046 = vector.shape_cast %reduce_min3A_4045 : vector<80xf32> to vector<80x1xf32>
      %eq3A_4047 = vector.broadcast %broadcast_in_dim3A_4046 : vector<80x1xf32> to vector<80x768xf32>
      %eq3A_4048 = arith.cmpf oeq, %select_n3A_4037, %eq3A_4047 : vector<80x768xf32>
      %jit3A_4049 = arith.constant 1073741824 : i32
      %broadcast_in_dim3A_4050 = vector.broadcast %jit3A_4049 : i32 to vector<80x768xi32>
      %select_n3A_4051 = arith.select %eq3A_4048, %add3A_236, %broadcast_in_dim3A_4050 : vector<80x768xi1>, vector<80x768xi32>
      %reduce_min3A_4052 = arith.constant dense<2147483647> : vector<80xi32>
      %reduce_min3A_4053 = vector.multi_reduction <minsi>, %select_n3A_4051, %reduce_min3A_4052 [1] : vector<80x768xi32> to vector<80xi32>
      %broadcast_in_dim3A_4054 = vector.shape_cast %reduce_min3A_4053 : vector<80xi32> to vector<80x1xi32>
      %jit3A_4055 = arith.constant 8 : i32
      %div3A_4056 = vector.broadcast %jit3A_4055 : i32 to vector<80x1xi32>
      %div3A_4057 = arith.divsi %broadcast_in_dim3A_4054, %div3A_4056 : vector<80x1xi32>
      %sign3A_4058 = arith.constant 0 : i32
      %sign3A_4059 = vector.broadcast %sign3A_4058 : i32 to vector<80x1xi32>
      %sign3A_4060 = arith.cmpi sgt, %broadcast_in_dim3A_4054, %sign3A_4059 : vector<80x1xi32>
      %sign3A_4061 = arith.extui %sign3A_4060 : vector<80x1xi1> to vector<80x1xi32>
      %sign3A_4062 = arith.constant 0 : i32
      %sign3A_4063 = vector.broadcast %sign3A_4062 : i32 to vector<80x1xi32>
      %sign3A_4064 = arith.cmpi slt, %broadcast_in_dim3A_4054, %sign3A_4063 : vector<80x1xi32>
      %sign3A_4065 = arith.extui %sign3A_4064 : vector<80x1xi1> to vector<80x1xi32>
      %sign3A_4066 = arith.subi %sign3A_4061, %sign3A_4065 : vector<80x1xi32>
      %sign3A_4067 = arith.constant 0 : i32
      %sign3A_4068 = arith.cmpi sgt, %jit3A_4055, %sign3A_4067 : i32
      %sign3A_4069 = arith.extui %sign3A_4068 : i1 to i32
      %sign3A_4070 = arith.constant 0 : i32
      %sign3A_4071 = arith.cmpi slt, %jit3A_4055, %sign3A_4070 : i32
      %sign3A_4072 = arith.extui %sign3A_4071 : i1 to i32
      %sign3A_4073 = arith.subi %sign3A_4069, %sign3A_4072 : i32
      %ne3A_4074 = vector.broadcast %sign3A_4073 : i32 to vector<80x1xi32>
      %ne3A_4075 = arith.cmpi ne, %sign3A_4066, %ne3A_4074 : vector<80x1xi32>
      %rem3A_4076 = vector.broadcast %jit3A_4055 : i32 to vector<80x1xi32>
      %rem3A_4077 = arith.remsi %broadcast_in_dim3A_4054, %rem3A_4076 : vector<80x1xi32>
      %ne3A_4078 = arith.constant 0 : i32
      %ne3A_4079 = vector.broadcast %ne3A_4078 : i32 to vector<80x1xi32>
      %ne3A_4080 = arith.cmpi ne, %rem3A_4077, %ne3A_4079 : vector<80x1xi32>
      %and3A_4081 = arith.andi %ne3A_4075, %ne3A_4080 : vector<80x1xi1>
      %sub3A_4082 = arith.constant 1 : i32
      %sub3A_4083 = vector.broadcast %sub3A_4082 : i32 to vector<80x1xi32>
      %sub3A_4084 = arith.subi %div3A_4057, %sub3A_4083 : vector<80x1xi32>
      %select_n3A_4085 = arith.select %and3A_4081, %sub3A_4084, %div3A_4057 : vector<80x1xi1>, vector<80x1xi32>
      %gt3A_4086 = arith.constant 0 : i32
      %gt3A_4087 = vector.broadcast %gt3A_4086 : i32 to vector<80x1xi32>
      %gt3A_4088 = arith.cmpi sgt, %select_n3A_4032, %gt3A_4087 : vector<80x1xi32>
      %lt3A_4089 = arith.constant 31 : i32
      %lt3A_4090 = vector.broadcast %lt3A_4089 : i32 to vector<80x1xi32>
      %lt3A_4091 = arith.cmpi slt, %add3A_4043, %lt3A_4090 : vector<80x1xi32>
      %and3A_4092 = arith.andi %gt3A_4088, %lt3A_4091 : vector<80x1xi1>
      %lt3A_4093 = arith.constant 0x7F800000 : f32
      %lt3A_4094 = vector.broadcast %lt3A_4093 : f32 to vector<80x1xf32>
      %lt3A_4095 = arith.cmpf olt, %broadcast_in_dim3A_4046, %lt3A_4094 : vector<80x1xf32>
      %and3A_4096 = arith.andi %and3A_4092, %lt3A_4095 : vector<80x1xi1>
      %lt3A_4097 = arith.constant 16 : i32
      %lt3A_4098 = vector.broadcast %lt3A_4097 : i32 to vector<80x1xi32>
      %lt3A_4099 = arith.cmpi slt, %add3A_4043, %lt3A_4098 : vector<80x1xi32>
      %and3A_4100 = arith.andi %and3A_4096, %lt3A_4099 : vector<80x1xi1>
      %eq3A_4101 = vector.broadcast %add3A_4043 : vector<80x1xi32> to vector<80x128xi32>
      %eq3A_4102 = arith.cmpi eq, %iota3A_26, %eq3A_4101 : vector<80x128xi32>
      %and3A_4103 = vector.broadcast %and3A_4100 : vector<80x1xi1> to vector<80x128xi1>
      %and3A_4104 = arith.andi %and3A_4103, %eq3A_4102 : vector<80x128xi1>
      %broadcast_in_dim3A_4105 = vector.shape_cast %select_n3A_4085 : vector<80x1xi32> to vector<80x1xi32>
      %broadcast_in_dim3A_4106 = vector.broadcast %broadcast_in_dim3A_4105 : vector<80x1xi32> to vector<80x128xi32>
      %select_n3A_4107 = arith.select %and3A_4104, %broadcast_in_dim3A_4106, %select_n3A_4001 : vector<80x128xi1>, vector<80x128xi32>
      %jit3A_4108 = arith.constant 2 : i32
      %eq3A_4109 = arith.constant 0 : i32
      %eq3A_4110 = arith.cmpi eq, %jit3A_4108, %eq3A_4109 : i32
      %jit3A_4111 = arith.constant 1 : i32
      %select_n3A_4112 = arith.select %eq3A_4110, %jit3A_4111, %jit3A_4108 : i32
      %rem3A_4113 = vector.broadcast %select_n3A_4112 : i32 to vector<80x1xi32>
      %rem3A_4114 = arith.remsi %add3A_4043, %rem3A_4113 : vector<80x1xi32>
      %ne3A_4115 = arith.constant 0 : i32
      %ne3A_4116 = vector.broadcast %ne3A_4115 : i32 to vector<80x1xi32>
      %ne3A_4117 = arith.cmpi ne, %rem3A_4114, %ne3A_4116 : vector<80x1xi32>
      %lt3A_4118 = arith.constant 0 : i32
      %lt3A_4119 = vector.broadcast %lt3A_4118 : i32 to vector<80x1xi32>
      %lt3A_4120 = arith.cmpi slt, %rem3A_4114, %lt3A_4119 : vector<80x1xi32>
      %lt3A_4121 = arith.constant 0 : i32
      %lt3A_4122 = arith.cmpi slt, %select_n3A_4112, %lt3A_4121 : i32
      %ne3A_4123 = vector.broadcast %lt3A_4122 : i1 to vector<80x1xi1>
      %ne3A_4124 = vector.broadcast %ne3A_4123 : vector<80x1xi1> to vector<80x1xi1>
      %ne3A_4125 = arith.xori %lt3A_4120, %ne3A_4124 : vector<80x1xi1>
      %and3A_4126 = arith.andi %ne3A_4125, %ne3A_4117 : vector<80x1xi1>
      %add3A_4127 = vector.broadcast %select_n3A_4112 : i32 to vector<80x1xi32>
      %add3A_4128 = arith.addi %rem3A_4114, %add3A_4127 : vector<80x1xi32>
      %select_n3A_4129 = arith.select %and3A_4126, %add3A_4128, %rem3A_4114 : vector<80x1xi1>, vector<80x1xi32>
      %eq3A_4130 = arith.constant 0 : i32
      %eq3A_4131 = vector.broadcast %eq3A_4130 : i32 to vector<80x1xi32>
      %eq3A_4132 = arith.cmpi eq, %select_n3A_4129, %eq3A_4131 : vector<80x1xi32>
      %and3A_4133 = arith.andi %and3A_4096, %eq3A_4132 : vector<80x1xi1>
      %jit3A_4134 = arith.constant 2 : i32
      %div3A_4135 = vector.broadcast %jit3A_4134 : i32 to vector<80x1xi32>
      %div3A_4136 = arith.divsi %add3A_4043, %div3A_4135 : vector<80x1xi32>
      %sign3A_4137 = arith.constant 0 : i32
      %sign3A_4138 = vector.broadcast %sign3A_4137 : i32 to vector<80x1xi32>
      %sign3A_4139 = arith.cmpi sgt, %add3A_4043, %sign3A_4138 : vector<80x1xi32>
      %sign3A_4140 = arith.extui %sign3A_4139 : vector<80x1xi1> to vector<80x1xi32>
      %sign3A_4141 = arith.constant 0 : i32
      %sign3A_4142 = vector.broadcast %sign3A_4141 : i32 to vector<80x1xi32>
      %sign3A_4143 = arith.cmpi slt, %add3A_4043, %sign3A_4142 : vector<80x1xi32>
      %sign3A_4144 = arith.extui %sign3A_4143 : vector<80x1xi1> to vector<80x1xi32>
      %sign3A_4145 = arith.subi %sign3A_4140, %sign3A_4144 : vector<80x1xi32>
      %sign3A_4146 = arith.constant 0 : i32
      %sign3A_4147 = arith.cmpi sgt, %jit3A_4134, %sign3A_4146 : i32
      %sign3A_4148 = arith.extui %sign3A_4147 : i1 to i32
      %sign3A_4149 = arith.constant 0 : i32
      %sign3A_4150 = arith.cmpi slt, %jit3A_4134, %sign3A_4149 : i32
      %sign3A_4151 = arith.extui %sign3A_4150 : i1 to i32
      %sign3A_4152 = arith.subi %sign3A_4148, %sign3A_4151 : i32
      %ne3A_4153 = vector.broadcast %sign3A_4152 : i32 to vector<80x1xi32>
      %ne3A_4154 = arith.cmpi ne, %sign3A_4145, %ne3A_4153 : vector<80x1xi32>
      %rem3A_4155 = vector.broadcast %jit3A_4134 : i32 to vector<80x1xi32>
      %rem3A_4156 = arith.remsi %add3A_4043, %rem3A_4155 : vector<80x1xi32>
      %ne3A_4157 = arith.constant 0 : i32
      %ne3A_4158 = vector.broadcast %ne3A_4157 : i32 to vector<80x1xi32>
      %ne3A_4159 = arith.cmpi ne, %rem3A_4156, %ne3A_4158 : vector<80x1xi32>
      %and3A_4160 = arith.andi %ne3A_4154, %ne3A_4159 : vector<80x1xi1>
      %sub3A_4161 = arith.constant 1 : i32
      %sub3A_4162 = vector.broadcast %sub3A_4161 : i32 to vector<80x1xi32>
      %sub3A_4163 = arith.subi %div3A_4136, %sub3A_4162 : vector<80x1xi32>
      %select_n3A_4164 = arith.select %and3A_4160, %sub3A_4163, %div3A_4136 : vector<80x1xi1>, vector<80x1xi32>
      %add3A_4165 = arith.constant 16 : i32
      %add3A_4166 = vector.broadcast %add3A_4165 : i32 to vector<80x1xi32>
      %add3A_4167 = arith.addi %add3A_4166, %select_n3A_4164 : vector<80x1xi32>
      %eq3A_4168 = vector.broadcast %add3A_4167 : vector<80x1xi32> to vector<80x128xi32>
      %eq3A_4169 = arith.cmpi eq, %iota3A_26, %eq3A_4168 : vector<80x128xi32>
      %and3A_4170 = vector.broadcast %and3A_4133 : vector<80x1xi1> to vector<80x128xi1>
      %and3A_4171 = arith.andi %and3A_4170, %eq3A_4169 : vector<80x128xi1>
      %broadcast_in_dim3A_4172 = vector.shape_cast %select_n3A_4085 : vector<80x1xi32> to vector<80x1xi32>
      %broadcast_in_dim3A_4173 = vector.broadcast %broadcast_in_dim3A_4172 : vector<80x1xi32> to vector<80x128xi32>
      %select_n3A_4174 = arith.select %and3A_4171, %broadcast_in_dim3A_4173, %select_n3A_4107 : vector<80x128xi1>, vector<80x128xi32>
      %select_n3A_4175 = arith.select %and3A_4096, %broadcast_in_dim3A_4046, %select_n3A_4002 : vector<80x1xi1>, vector<80x1xf32>
      %select_n3A_4176 = arith.select %and3A_4096, %select_n3A_4085, %select_n3A_4003 : vector<80x1xi1>, vector<80x1xi32>
      %jit3A_4177 = arith.constant 8 : i32
      %eq3A_4178 = arith.constant 0 : i32
      %eq3A_4179 = arith.cmpi eq, %jit3A_4177, %eq3A_4178 : i32
      %jit3A_4180 = arith.constant 1 : i32
      %select_n3A_4181 = arith.select %eq3A_4179, %jit3A_4180, %jit3A_4177 : i32
      %rem3A_4182 = vector.broadcast %select_n3A_4181 : i32 to vector<80x1xi32>
      %rem3A_4183 = arith.remsi %broadcast_in_dim3A_4054, %rem3A_4182 : vector<80x1xi32>
      %ne3A_4184 = arith.constant 0 : i32
      %ne3A_4185 = vector.broadcast %ne3A_4184 : i32 to vector<80x1xi32>
      %ne3A_4186 = arith.cmpi ne, %rem3A_4183, %ne3A_4185 : vector<80x1xi32>
      %lt3A_4187 = arith.constant 0 : i32
      %lt3A_4188 = vector.broadcast %lt3A_4187 : i32 to vector<80x1xi32>
      %lt3A_4189 = arith.cmpi slt, %rem3A_4183, %lt3A_4188 : vector<80x1xi32>
      %lt3A_4190 = arith.constant 0 : i32
      %lt3A_4191 = arith.cmpi slt, %select_n3A_4181, %lt3A_4190 : i32
      %ne3A_4192 = vector.broadcast %lt3A_4191 : i1 to vector<80x1xi1>
      %ne3A_4193 = vector.broadcast %ne3A_4192 : vector<80x1xi1> to vector<80x1xi1>
      %ne3A_4194 = arith.xori %lt3A_4189, %ne3A_4193 : vector<80x1xi1>
      %and3A_4195 = arith.andi %ne3A_4194, %ne3A_4186 : vector<80x1xi1>
      %add3A_4196 = vector.broadcast %select_n3A_4181 : i32 to vector<80x1xi32>
      %add3A_4197 = arith.addi %rem3A_4183, %add3A_4196 : vector<80x1xi32>
      %select_n3A_4198 = arith.select %and3A_4195, %add3A_4197, %rem3A_4183 : vector<80x1xi1>, vector<80x1xi32>
      %eq3A_4199 = arith.constant 5 : i32
      %eq3A_4200 = vector.broadcast %eq3A_4199 : i32 to vector<80x1xi32>
      %eq3A_4201 = arith.cmpi eq, %select_n3A_4198, %eq3A_4200 : vector<80x1xi32>
      %and3A_4202 = arith.andi %and3A_4096, %eq3A_4201 : vector<80x1xi1>
      %jit3A_4203 = arith.constant 0 : i32
      %broadcast_in_dim3A_4204 = vector.broadcast %jit3A_4203 : i32 to vector<80x1xi32>
      %select_n3A_4205 = arith.select %and3A_4202, %broadcast_in_dim3A_4204, %select_n3A_4032 : vector<80x1xi1>, vector<80x1xi32>
      %eq3A_4206 = vector.broadcast %broadcast_in_dim3A_4054 : vector<80x1xi32> to vector<80x768xi32>
      %eq3A_4207 = arith.cmpi eq, %add3A_236, %eq3A_4206 : vector<80x768xi32>
      %jit3A_4208 = arith.constant 0x7F800000 : f32
      %broadcast_in_dim3A_4209 = vector.broadcast %jit3A_4208 : f32 to vector<80x768xf32>
      %select_n3A_4210 = arith.select %eq3A_4207, %broadcast_in_dim3A_4209, %select_n3A_4037 : vector<80x768xi1>, vector<80x768xf32>
      %jit3A_4211 = arith.constant 1 : i32
      %jit3A_4212 = arith.constant 0 : i32
      %broadcast_in_dim3A_4213 = vector.broadcast %jit3A_4211 : i32 to vector<80x1xi32>
      %broadcast_in_dim3A_4214 = vector.broadcast %jit3A_4212 : i32 to vector<80x1xi32>
      %select_n3A_4215 = arith.select %and3A_4096, %broadcast_in_dim3A_4213, %broadcast_in_dim3A_4214 : vector<80x1xi1>, vector<80x1xi32>
      %add3A_4216 = arith.addi %add3A_4043, %select_n3A_4215 : vector<80x1xi32>
      %reduce_min3A_4217 = arith.constant dense<0x7F800000> : vector<80xf32>
      %reduce_min3A_4218 = vector.multi_reduction <minimumf>, %select_n3A_4210, %reduce_min3A_4217 [1] : vector<80x768xf32> to vector<80xf32>
      %broadcast_in_dim3A_4219 = vector.shape_cast %reduce_min3A_4218 : vector<80xf32> to vector<80x1xf32>
      %eq3A_4220 = vector.broadcast %broadcast_in_dim3A_4219 : vector<80x1xf32> to vector<80x768xf32>
      %eq3A_4221 = arith.cmpf oeq, %select_n3A_4210, %eq3A_4220 : vector<80x768xf32>
      %jit3A_4222 = arith.constant 1073741824 : i32
      %broadcast_in_dim3A_4223 = vector.broadcast %jit3A_4222 : i32 to vector<80x768xi32>
      %select_n3A_4224 = arith.select %eq3A_4221, %add3A_236, %broadcast_in_dim3A_4223 : vector<80x768xi1>, vector<80x768xi32>
      %reduce_min3A_4225 = arith.constant dense<2147483647> : vector<80xi32>
      %reduce_min3A_4226 = vector.multi_reduction <minsi>, %select_n3A_4224, %reduce_min3A_4225 [1] : vector<80x768xi32> to vector<80xi32>
      %broadcast_in_dim3A_4227 = vector.shape_cast %reduce_min3A_4226 : vector<80xi32> to vector<80x1xi32>
      %jit3A_4228 = arith.constant 8 : i32
      %div3A_4229 = vector.broadcast %jit3A_4228 : i32 to vector<80x1xi32>
      %div3A_4230 = arith.divsi %broadcast_in_dim3A_4227, %div3A_4229 : vector<80x1xi32>
      %sign3A_4231 = arith.constant 0 : i32
      %sign3A_4232 = vector.broadcast %sign3A_4231 : i32 to vector<80x1xi32>
      %sign3A_4233 = arith.cmpi sgt, %broadcast_in_dim3A_4227, %sign3A_4232 : vector<80x1xi32>
      %sign3A_4234 = arith.extui %sign3A_4233 : vector<80x1xi1> to vector<80x1xi32>
      %sign3A_4235 = arith.constant 0 : i32
      %sign3A_4236 = vector.broadcast %sign3A_4235 : i32 to vector<80x1xi32>
      %sign3A_4237 = arith.cmpi slt, %broadcast_in_dim3A_4227, %sign3A_4236 : vector<80x1xi32>
      %sign3A_4238 = arith.extui %sign3A_4237 : vector<80x1xi1> to vector<80x1xi32>
      %sign3A_4239 = arith.subi %sign3A_4234, %sign3A_4238 : vector<80x1xi32>
      %sign3A_4240 = arith.constant 0 : i32
      %sign3A_4241 = arith.cmpi sgt, %jit3A_4228, %sign3A_4240 : i32
      %sign3A_4242 = arith.extui %sign3A_4241 : i1 to i32
      %sign3A_4243 = arith.constant 0 : i32
      %sign3A_4244 = arith.cmpi slt, %jit3A_4228, %sign3A_4243 : i32
      %sign3A_4245 = arith.extui %sign3A_4244 : i1 to i32
      %sign3A_4246 = arith.subi %sign3A_4242, %sign3A_4245 : i32
      %ne3A_4247 = vector.broadcast %sign3A_4246 : i32 to vector<80x1xi32>
      %ne3A_4248 = arith.cmpi ne, %sign3A_4239, %ne3A_4247 : vector<80x1xi32>
      %rem3A_4249 = vector.broadcast %jit3A_4228 : i32 to vector<80x1xi32>
      %rem3A_4250 = arith.remsi %broadcast_in_dim3A_4227, %rem3A_4249 : vector<80x1xi32>
      %ne3A_4251 = arith.constant 0 : i32
      %ne3A_4252 = vector.broadcast %ne3A_4251 : i32 to vector<80x1xi32>
      %ne3A_4253 = arith.cmpi ne, %rem3A_4250, %ne3A_4252 : vector<80x1xi32>
      %and3A_4254 = arith.andi %ne3A_4248, %ne3A_4253 : vector<80x1xi1>
      %sub3A_4255 = arith.constant 1 : i32
      %sub3A_4256 = vector.broadcast %sub3A_4255 : i32 to vector<80x1xi32>
      %sub3A_4257 = arith.subi %div3A_4230, %sub3A_4256 : vector<80x1xi32>
      %select_n3A_4258 = arith.select %and3A_4254, %sub3A_4257, %div3A_4230 : vector<80x1xi1>, vector<80x1xi32>
      %gt3A_4259 = arith.constant 0 : i32
      %gt3A_4260 = vector.broadcast %gt3A_4259 : i32 to vector<80x1xi32>
      %gt3A_4261 = arith.cmpi sgt, %select_n3A_4205, %gt3A_4260 : vector<80x1xi32>
      %lt3A_4262 = arith.constant 31 : i32
      %lt3A_4263 = vector.broadcast %lt3A_4262 : i32 to vector<80x1xi32>
      %lt3A_4264 = arith.cmpi slt, %add3A_4216, %lt3A_4263 : vector<80x1xi32>
      %and3A_4265 = arith.andi %gt3A_4261, %lt3A_4264 : vector<80x1xi1>
      %lt3A_4266 = arith.constant 0x7F800000 : f32
      %lt3A_4267 = vector.broadcast %lt3A_4266 : f32 to vector<80x1xf32>
      %lt3A_4268 = arith.cmpf olt, %broadcast_in_dim3A_4219, %lt3A_4267 : vector<80x1xf32>
      %and3A_4269 = arith.andi %and3A_4265, %lt3A_4268 : vector<80x1xi1>
      %lt3A_4270 = arith.constant 16 : i32
      %lt3A_4271 = vector.broadcast %lt3A_4270 : i32 to vector<80x1xi32>
      %lt3A_4272 = arith.cmpi slt, %add3A_4216, %lt3A_4271 : vector<80x1xi32>
      %and3A_4273 = arith.andi %and3A_4269, %lt3A_4272 : vector<80x1xi1>
      %eq3A_4274 = vector.broadcast %add3A_4216 : vector<80x1xi32> to vector<80x128xi32>
      %eq3A_4275 = arith.cmpi eq, %iota3A_26, %eq3A_4274 : vector<80x128xi32>
      %and3A_4276 = vector.broadcast %and3A_4273 : vector<80x1xi1> to vector<80x128xi1>
      %and3A_4277 = arith.andi %and3A_4276, %eq3A_4275 : vector<80x128xi1>
      %broadcast_in_dim3A_4278 = vector.shape_cast %select_n3A_4258 : vector<80x1xi32> to vector<80x1xi32>
      %broadcast_in_dim3A_4279 = vector.broadcast %broadcast_in_dim3A_4278 : vector<80x1xi32> to vector<80x128xi32>
      %select_n3A_4280 = arith.select %and3A_4277, %broadcast_in_dim3A_4279, %select_n3A_4174 : vector<80x128xi1>, vector<80x128xi32>
      %jit3A_4281 = arith.constant 2 : i32
      %eq3A_4282 = arith.constant 0 : i32
      %eq3A_4283 = arith.cmpi eq, %jit3A_4281, %eq3A_4282 : i32
      %jit3A_4284 = arith.constant 1 : i32
      %select_n3A_4285 = arith.select %eq3A_4283, %jit3A_4284, %jit3A_4281 : i32
      %rem3A_4286 = vector.broadcast %select_n3A_4285 : i32 to vector<80x1xi32>
      %rem3A_4287 = arith.remsi %add3A_4216, %rem3A_4286 : vector<80x1xi32>
      %ne3A_4288 = arith.constant 0 : i32
      %ne3A_4289 = vector.broadcast %ne3A_4288 : i32 to vector<80x1xi32>
      %ne3A_4290 = arith.cmpi ne, %rem3A_4287, %ne3A_4289 : vector<80x1xi32>
      %lt3A_4291 = arith.constant 0 : i32
      %lt3A_4292 = vector.broadcast %lt3A_4291 : i32 to vector<80x1xi32>
      %lt3A_4293 = arith.cmpi slt, %rem3A_4287, %lt3A_4292 : vector<80x1xi32>
      %lt3A_4294 = arith.constant 0 : i32
      %lt3A_4295 = arith.cmpi slt, %select_n3A_4285, %lt3A_4294 : i32
      %ne3A_4296 = vector.broadcast %lt3A_4295 : i1 to vector<80x1xi1>
      %ne3A_4297 = vector.broadcast %ne3A_4296 : vector<80x1xi1> to vector<80x1xi1>
      %ne3A_4298 = arith.xori %lt3A_4293, %ne3A_4297 : vector<80x1xi1>
      %and3A_4299 = arith.andi %ne3A_4298, %ne3A_4290 : vector<80x1xi1>
      %add3A_4300 = vector.broadcast %select_n3A_4285 : i32 to vector<80x1xi32>
      %add3A_4301 = arith.addi %rem3A_4287, %add3A_4300 : vector<80x1xi32>
      %select_n3A_4302 = arith.select %and3A_4299, %add3A_4301, %rem3A_4287 : vector<80x1xi1>, vector<80x1xi32>
      %eq3A_4303 = arith.constant 0 : i32
      %eq3A_4304 = vector.broadcast %eq3A_4303 : i32 to vector<80x1xi32>
      %eq3A_4305 = arith.cmpi eq, %select_n3A_4302, %eq3A_4304 : vector<80x1xi32>
      %and3A_4306 = arith.andi %and3A_4269, %eq3A_4305 : vector<80x1xi1>
      %jit3A_4307 = arith.constant 2 : i32
      %div3A_4308 = vector.broadcast %jit3A_4307 : i32 to vector<80x1xi32>
      %div3A_4309 = arith.divsi %add3A_4216, %div3A_4308 : vector<80x1xi32>
      %sign3A_4310 = arith.constant 0 : i32
      %sign3A_4311 = vector.broadcast %sign3A_4310 : i32 to vector<80x1xi32>
      %sign3A_4312 = arith.cmpi sgt, %add3A_4216, %sign3A_4311 : vector<80x1xi32>
      %sign3A_4313 = arith.extui %sign3A_4312 : vector<80x1xi1> to vector<80x1xi32>
      %sign3A_4314 = arith.constant 0 : i32
      %sign3A_4315 = vector.broadcast %sign3A_4314 : i32 to vector<80x1xi32>
      %sign3A_4316 = arith.cmpi slt, %add3A_4216, %sign3A_4315 : vector<80x1xi32>
      %sign3A_4317 = arith.extui %sign3A_4316 : vector<80x1xi1> to vector<80x1xi32>
      %sign3A_4318 = arith.subi %sign3A_4313, %sign3A_4317 : vector<80x1xi32>
      %sign3A_4319 = arith.constant 0 : i32
      %sign3A_4320 = arith.cmpi sgt, %jit3A_4307, %sign3A_4319 : i32
      %sign3A_4321 = arith.extui %sign3A_4320 : i1 to i32
      %sign3A_4322 = arith.constant 0 : i32
      %sign3A_4323 = arith.cmpi slt, %jit3A_4307, %sign3A_4322 : i32
      %sign3A_4324 = arith.extui %sign3A_4323 : i1 to i32
      %sign3A_4325 = arith.subi %sign3A_4321, %sign3A_4324 : i32
      %ne3A_4326 = vector.broadcast %sign3A_4325 : i32 to vector<80x1xi32>
      %ne3A_4327 = arith.cmpi ne, %sign3A_4318, %ne3A_4326 : vector<80x1xi32>
      %rem3A_4328 = vector.broadcast %jit3A_4307 : i32 to vector<80x1xi32>
      %rem3A_4329 = arith.remsi %add3A_4216, %rem3A_4328 : vector<80x1xi32>
      %ne3A_4330 = arith.constant 0 : i32
      %ne3A_4331 = vector.broadcast %ne3A_4330 : i32 to vector<80x1xi32>
      %ne3A_4332 = arith.cmpi ne, %rem3A_4329, %ne3A_4331 : vector<80x1xi32>
      %and3A_4333 = arith.andi %ne3A_4327, %ne3A_4332 : vector<80x1xi1>
      %sub3A_4334 = arith.constant 1 : i32
      %sub3A_4335 = vector.broadcast %sub3A_4334 : i32 to vector<80x1xi32>
      %sub3A_4336 = arith.subi %div3A_4309, %sub3A_4335 : vector<80x1xi32>
      %select_n3A_4337 = arith.select %and3A_4333, %sub3A_4336, %div3A_4309 : vector<80x1xi1>, vector<80x1xi32>
      %add3A_4338 = arith.constant 16 : i32
      %add3A_4339 = vector.broadcast %add3A_4338 : i32 to vector<80x1xi32>
      %add3A_4340 = arith.addi %add3A_4339, %select_n3A_4337 : vector<80x1xi32>
      %eq3A_4341 = vector.broadcast %add3A_4340 : vector<80x1xi32> to vector<80x128xi32>
      %eq3A_4342 = arith.cmpi eq, %iota3A_26, %eq3A_4341 : vector<80x128xi32>
      %and3A_4343 = vector.broadcast %and3A_4306 : vector<80x1xi1> to vector<80x128xi1>
      %and3A_4344 = arith.andi %and3A_4343, %eq3A_4342 : vector<80x128xi1>
      %broadcast_in_dim3A_4345 = vector.shape_cast %select_n3A_4258 : vector<80x1xi32> to vector<80x1xi32>
      %broadcast_in_dim3A_4346 = vector.broadcast %broadcast_in_dim3A_4345 : vector<80x1xi32> to vector<80x128xi32>
      %select_n3A_4347 = arith.select %and3A_4344, %broadcast_in_dim3A_4346, %select_n3A_4280 : vector<80x128xi1>, vector<80x128xi32>
      %select_n3A_4348 = arith.select %and3A_4269, %broadcast_in_dim3A_4219, %select_n3A_4175 : vector<80x1xi1>, vector<80x1xf32>
      %select_n3A_4349 = arith.select %and3A_4269, %select_n3A_4258, %select_n3A_4176 : vector<80x1xi1>, vector<80x1xi32>
      %jit3A_4350 = arith.constant 8 : i32
      %eq3A_4351 = arith.constant 0 : i32
      %eq3A_4352 = arith.cmpi eq, %jit3A_4350, %eq3A_4351 : i32
      %jit3A_4353 = arith.constant 1 : i32
      %select_n3A_4354 = arith.select %eq3A_4352, %jit3A_4353, %jit3A_4350 : i32
      %rem3A_4355 = vector.broadcast %select_n3A_4354 : i32 to vector<80x1xi32>
      %rem3A_4356 = arith.remsi %broadcast_in_dim3A_4227, %rem3A_4355 : vector<80x1xi32>
      %ne3A_4357 = arith.constant 0 : i32
      %ne3A_4358 = vector.broadcast %ne3A_4357 : i32 to vector<80x1xi32>
      %ne3A_4359 = arith.cmpi ne, %rem3A_4356, %ne3A_4358 : vector<80x1xi32>
      %lt3A_4360 = arith.constant 0 : i32
      %lt3A_4361 = vector.broadcast %lt3A_4360 : i32 to vector<80x1xi32>
      %lt3A_4362 = arith.cmpi slt, %rem3A_4356, %lt3A_4361 : vector<80x1xi32>
      %lt3A_4363 = arith.constant 0 : i32
      %lt3A_4364 = arith.cmpi slt, %select_n3A_4354, %lt3A_4363 : i32
      %ne3A_4365 = vector.broadcast %lt3A_4364 : i1 to vector<80x1xi1>
      %ne3A_4366 = vector.broadcast %ne3A_4365 : vector<80x1xi1> to vector<80x1xi1>
      %ne3A_4367 = arith.xori %lt3A_4362, %ne3A_4366 : vector<80x1xi1>
      %and3A_4368 = arith.andi %ne3A_4367, %ne3A_4359 : vector<80x1xi1>
      %add3A_4369 = vector.broadcast %select_n3A_4354 : i32 to vector<80x1xi32>
      %add3A_4370 = arith.addi %rem3A_4356, %add3A_4369 : vector<80x1xi32>
      %select_n3A_4371 = arith.select %and3A_4368, %add3A_4370, %rem3A_4356 : vector<80x1xi1>, vector<80x1xi32>
      %eq3A_4372 = arith.constant 5 : i32
      %eq3A_4373 = vector.broadcast %eq3A_4372 : i32 to vector<80x1xi32>
      %eq3A_4374 = arith.cmpi eq, %select_n3A_4371, %eq3A_4373 : vector<80x1xi32>
      %and3A_4375 = arith.andi %and3A_4269, %eq3A_4374 : vector<80x1xi1>
      %jit3A_4376 = arith.constant 0 : i32
      %broadcast_in_dim3A_4377 = vector.broadcast %jit3A_4376 : i32 to vector<80x1xi32>
      %select_n3A_4378 = arith.select %and3A_4375, %broadcast_in_dim3A_4377, %select_n3A_4205 : vector<80x1xi1>, vector<80x1xi32>
      %eq3A_4379 = vector.broadcast %broadcast_in_dim3A_4227 : vector<80x1xi32> to vector<80x768xi32>
      %eq3A_4380 = arith.cmpi eq, %add3A_236, %eq3A_4379 : vector<80x768xi32>
      %jit3A_4381 = arith.constant 0x7F800000 : f32
      %broadcast_in_dim3A_4382 = vector.broadcast %jit3A_4381 : f32 to vector<80x768xf32>
      %select_n3A_4383 = arith.select %eq3A_4380, %broadcast_in_dim3A_4382, %select_n3A_4210 : vector<80x768xi1>, vector<80x768xf32>
      %jit3A_4384 = arith.constant 1 : i32
      %jit3A_4385 = arith.constant 0 : i32
      %broadcast_in_dim3A_4386 = vector.broadcast %jit3A_4384 : i32 to vector<80x1xi32>
      %broadcast_in_dim3A_4387 = vector.broadcast %jit3A_4385 : i32 to vector<80x1xi32>
      %select_n3A_4388 = arith.select %and3A_4269, %broadcast_in_dim3A_4386, %broadcast_in_dim3A_4387 : vector<80x1xi1>, vector<80x1xi32>
      %add3A_4389 = arith.addi %add3A_4216, %select_n3A_4388 : vector<80x1xi32>
      %reduce_min3A_4390 = arith.constant dense<0x7F800000> : vector<80xf32>
      %reduce_min3A_4391 = vector.multi_reduction <minimumf>, %select_n3A_4383, %reduce_min3A_4390 [1] : vector<80x768xf32> to vector<80xf32>
      %broadcast_in_dim3A_4392 = vector.shape_cast %reduce_min3A_4391 : vector<80xf32> to vector<80x1xf32>
      %eq3A_4393 = vector.broadcast %broadcast_in_dim3A_4392 : vector<80x1xf32> to vector<80x768xf32>
      %eq3A_4394 = arith.cmpf oeq, %select_n3A_4383, %eq3A_4393 : vector<80x768xf32>
      %jit3A_4395 = arith.constant 1073741824 : i32
      %broadcast_in_dim3A_4396 = vector.broadcast %jit3A_4395 : i32 to vector<80x768xi32>
      %select_n3A_4397 = arith.select %eq3A_4394, %add3A_236, %broadcast_in_dim3A_4396 : vector<80x768xi1>, vector<80x768xi32>
      %reduce_min3A_4398 = arith.constant dense<2147483647> : vector<80xi32>
      %reduce_min3A_4399 = vector.multi_reduction <minsi>, %select_n3A_4397, %reduce_min3A_4398 [1] : vector<80x768xi32> to vector<80xi32>
      %broadcast_in_dim3A_4400 = vector.shape_cast %reduce_min3A_4399 : vector<80xi32> to vector<80x1xi32>
      %jit3A_4401 = arith.constant 8 : i32
      %div3A_4402 = vector.broadcast %jit3A_4401 : i32 to vector<80x1xi32>
      %div3A_4403 = arith.divsi %broadcast_in_dim3A_4400, %div3A_4402 : vector<80x1xi32>
      %sign3A_4404 = arith.constant 0 : i32
      %sign3A_4405 = vector.broadcast %sign3A_4404 : i32 to vector<80x1xi32>
      %sign3A_4406 = arith.cmpi sgt, %broadcast_in_dim3A_4400, %sign3A_4405 : vector<80x1xi32>
      %sign3A_4407 = arith.extui %sign3A_4406 : vector<80x1xi1> to vector<80x1xi32>
      %sign3A_4408 = arith.constant 0 : i32
      %sign3A_4409 = vector.broadcast %sign3A_4408 : i32 to vector<80x1xi32>
      %sign3A_4410 = arith.cmpi slt, %broadcast_in_dim3A_4400, %sign3A_4409 : vector<80x1xi32>
      %sign3A_4411 = arith.extui %sign3A_4410 : vector<80x1xi1> to vector<80x1xi32>
      %sign3A_4412 = arith.subi %sign3A_4407, %sign3A_4411 : vector<80x1xi32>
      %sign3A_4413 = arith.constant 0 : i32
      %sign3A_4414 = arith.cmpi sgt, %jit3A_4401, %sign3A_4413 : i32
      %sign3A_4415 = arith.extui %sign3A_4414 : i1 to i32
      %sign3A_4416 = arith.constant 0 : i32
      %sign3A_4417 = arith.cmpi slt, %jit3A_4401, %sign3A_4416 : i32
      %sign3A_4418 = arith.extui %sign3A_4417 : i1 to i32
      %sign3A_4419 = arith.subi %sign3A_4415, %sign3A_4418 : i32
      %ne3A_4420 = vector.broadcast %sign3A_4419 : i32 to vector<80x1xi32>
      %ne3A_4421 = arith.cmpi ne, %sign3A_4412, %ne3A_4420 : vector<80x1xi32>
      %rem3A_4422 = vector.broadcast %jit3A_4401 : i32 to vector<80x1xi32>
      %rem3A_4423 = arith.remsi %broadcast_in_dim3A_4400, %rem3A_4422 : vector<80x1xi32>
      %ne3A_4424 = arith.constant 0 : i32
      %ne3A_4425 = vector.broadcast %ne3A_4424 : i32 to vector<80x1xi32>
      %ne3A_4426 = arith.cmpi ne, %rem3A_4423, %ne3A_4425 : vector<80x1xi32>
      %and3A_4427 = arith.andi %ne3A_4421, %ne3A_4426 : vector<80x1xi1>
      %sub3A_4428 = arith.constant 1 : i32
      %sub3A_4429 = vector.broadcast %sub3A_4428 : i32 to vector<80x1xi32>
      %sub3A_4430 = arith.subi %div3A_4403, %sub3A_4429 : vector<80x1xi32>
      %select_n3A_4431 = arith.select %and3A_4427, %sub3A_4430, %div3A_4403 : vector<80x1xi1>, vector<80x1xi32>
      %gt3A_4432 = arith.constant 0 : i32
      %gt3A_4433 = vector.broadcast %gt3A_4432 : i32 to vector<80x1xi32>
      %gt3A_4434 = arith.cmpi sgt, %select_n3A_4378, %gt3A_4433 : vector<80x1xi32>
      %lt3A_4435 = arith.constant 31 : i32
      %lt3A_4436 = vector.broadcast %lt3A_4435 : i32 to vector<80x1xi32>
      %lt3A_4437 = arith.cmpi slt, %add3A_4389, %lt3A_4436 : vector<80x1xi32>
      %and3A_4438 = arith.andi %gt3A_4434, %lt3A_4437 : vector<80x1xi1>
      %lt3A_4439 = arith.constant 0x7F800000 : f32
      %lt3A_4440 = vector.broadcast %lt3A_4439 : f32 to vector<80x1xf32>
      %lt3A_4441 = arith.cmpf olt, %broadcast_in_dim3A_4392, %lt3A_4440 : vector<80x1xf32>
      %and3A_4442 = arith.andi %and3A_4438, %lt3A_4441 : vector<80x1xi1>
      %lt3A_4443 = arith.constant 16 : i32
      %lt3A_4444 = vector.broadcast %lt3A_4443 : i32 to vector<80x1xi32>
      %lt3A_4445 = arith.cmpi slt, %add3A_4389, %lt3A_4444 : vector<80x1xi32>
      %and3A_4446 = arith.andi %and3A_4442, %lt3A_4445 : vector<80x1xi1>
      %eq3A_4447 = vector.broadcast %add3A_4389 : vector<80x1xi32> to vector<80x128xi32>
      %eq3A_4448 = arith.cmpi eq, %iota3A_26, %eq3A_4447 : vector<80x128xi32>
      %and3A_4449 = vector.broadcast %and3A_4446 : vector<80x1xi1> to vector<80x128xi1>
      %and3A_4450 = arith.andi %and3A_4449, %eq3A_4448 : vector<80x128xi1>
      %broadcast_in_dim3A_4451 = vector.shape_cast %select_n3A_4431 : vector<80x1xi32> to vector<80x1xi32>
      %broadcast_in_dim3A_4452 = vector.broadcast %broadcast_in_dim3A_4451 : vector<80x1xi32> to vector<80x128xi32>
      %select_n3A_4453 = arith.select %and3A_4450, %broadcast_in_dim3A_4452, %select_n3A_4347 : vector<80x128xi1>, vector<80x128xi32>
      %jit3A_4454 = arith.constant 2 : i32
      %eq3A_4455 = arith.constant 0 : i32
      %eq3A_4456 = arith.cmpi eq, %jit3A_4454, %eq3A_4455 : i32
      %jit3A_4457 = arith.constant 1 : i32
      %select_n3A_4458 = arith.select %eq3A_4456, %jit3A_4457, %jit3A_4454 : i32
      %rem3A_4459 = vector.broadcast %select_n3A_4458 : i32 to vector<80x1xi32>
      %rem3A_4460 = arith.remsi %add3A_4389, %rem3A_4459 : vector<80x1xi32>
      %ne3A_4461 = arith.constant 0 : i32
      %ne3A_4462 = vector.broadcast %ne3A_4461 : i32 to vector<80x1xi32>
      %ne3A_4463 = arith.cmpi ne, %rem3A_4460, %ne3A_4462 : vector<80x1xi32>
      %lt3A_4464 = arith.constant 0 : i32
      %lt3A_4465 = vector.broadcast %lt3A_4464 : i32 to vector<80x1xi32>
      %lt3A_4466 = arith.cmpi slt, %rem3A_4460, %lt3A_4465 : vector<80x1xi32>
      %lt3A_4467 = arith.constant 0 : i32
      %lt3A_4468 = arith.cmpi slt, %select_n3A_4458, %lt3A_4467 : i32
      %ne3A_4469 = vector.broadcast %lt3A_4468 : i1 to vector<80x1xi1>
      %ne3A_4470 = vector.broadcast %ne3A_4469 : vector<80x1xi1> to vector<80x1xi1>
      %ne3A_4471 = arith.xori %lt3A_4466, %ne3A_4470 : vector<80x1xi1>
      %and3A_4472 = arith.andi %ne3A_4471, %ne3A_4463 : vector<80x1xi1>
      %add3A_4473 = vector.broadcast %select_n3A_4458 : i32 to vector<80x1xi32>
      %add3A_4474 = arith.addi %rem3A_4460, %add3A_4473 : vector<80x1xi32>
      %select_n3A_4475 = arith.select %and3A_4472, %add3A_4474, %rem3A_4460 : vector<80x1xi1>, vector<80x1xi32>
      %eq3A_4476 = arith.constant 0 : i32
      %eq3A_4477 = vector.broadcast %eq3A_4476 : i32 to vector<80x1xi32>
      %eq3A_4478 = arith.cmpi eq, %select_n3A_4475, %eq3A_4477 : vector<80x1xi32>
      %and3A_4479 = arith.andi %and3A_4442, %eq3A_4478 : vector<80x1xi1>
      %jit3A_4480 = arith.constant 2 : i32
      %div3A_4481 = vector.broadcast %jit3A_4480 : i32 to vector<80x1xi32>
      %div3A_4482 = arith.divsi %add3A_4389, %div3A_4481 : vector<80x1xi32>
      %sign3A_4483 = arith.constant 0 : i32
      %sign3A_4484 = vector.broadcast %sign3A_4483 : i32 to vector<80x1xi32>
      %sign3A_4485 = arith.cmpi sgt, %add3A_4389, %sign3A_4484 : vector<80x1xi32>
      %sign3A_4486 = arith.extui %sign3A_4485 : vector<80x1xi1> to vector<80x1xi32>
      %sign3A_4487 = arith.constant 0 : i32
      %sign3A_4488 = vector.broadcast %sign3A_4487 : i32 to vector<80x1xi32>
      %sign3A_4489 = arith.cmpi slt, %add3A_4389, %sign3A_4488 : vector<80x1xi32>
      %sign3A_4490 = arith.extui %sign3A_4489 : vector<80x1xi1> to vector<80x1xi32>
      %sign3A_4491 = arith.subi %sign3A_4486, %sign3A_4490 : vector<80x1xi32>
      %sign3A_4492 = arith.constant 0 : i32
      %sign3A_4493 = arith.cmpi sgt, %jit3A_4480, %sign3A_4492 : i32
      %sign3A_4494 = arith.extui %sign3A_4493 : i1 to i32
      %sign3A_4495 = arith.constant 0 : i32
      %sign3A_4496 = arith.cmpi slt, %jit3A_4480, %sign3A_4495 : i32
      %sign3A_4497 = arith.extui %sign3A_4496 : i1 to i32
      %sign3A_4498 = arith.subi %sign3A_4494, %sign3A_4497 : i32
      %ne3A_4499 = vector.broadcast %sign3A_4498 : i32 to vector<80x1xi32>
      %ne3A_4500 = arith.cmpi ne, %sign3A_4491, %ne3A_4499 : vector<80x1xi32>
      %rem3A_4501 = vector.broadcast %jit3A_4480 : i32 to vector<80x1xi32>
      %rem3A_4502 = arith.remsi %add3A_4389, %rem3A_4501 : vector<80x1xi32>
      %ne3A_4503 = arith.constant 0 : i32
      %ne3A_4504 = vector.broadcast %ne3A_4503 : i32 to vector<80x1xi32>
      %ne3A_4505 = arith.cmpi ne, %rem3A_4502, %ne3A_4504 : vector<80x1xi32>
      %and3A_4506 = arith.andi %ne3A_4500, %ne3A_4505 : vector<80x1xi1>
      %sub3A_4507 = arith.constant 1 : i32
      %sub3A_4508 = vector.broadcast %sub3A_4507 : i32 to vector<80x1xi32>
      %sub3A_4509 = arith.subi %div3A_4482, %sub3A_4508 : vector<80x1xi32>
      %select_n3A_4510 = arith.select %and3A_4506, %sub3A_4509, %div3A_4482 : vector<80x1xi1>, vector<80x1xi32>
      %add3A_4511 = arith.constant 16 : i32
      %add3A_4512 = vector.broadcast %add3A_4511 : i32 to vector<80x1xi32>
      %add3A_4513 = arith.addi %add3A_4512, %select_n3A_4510 : vector<80x1xi32>
      %eq3A_4514 = vector.broadcast %add3A_4513 : vector<80x1xi32> to vector<80x128xi32>
      %eq3A_4515 = arith.cmpi eq, %iota3A_26, %eq3A_4514 : vector<80x128xi32>
      %and3A_4516 = vector.broadcast %and3A_4479 : vector<80x1xi1> to vector<80x128xi1>
      %and3A_4517 = arith.andi %and3A_4516, %eq3A_4515 : vector<80x128xi1>
      %broadcast_in_dim3A_4518 = vector.shape_cast %select_n3A_4431 : vector<80x1xi32> to vector<80x1xi32>
      %broadcast_in_dim3A_4519 = vector.broadcast %broadcast_in_dim3A_4518 : vector<80x1xi32> to vector<80x128xi32>
      %select_n3A_4520 = arith.select %and3A_4517, %broadcast_in_dim3A_4519, %select_n3A_4453 : vector<80x128xi1>, vector<80x128xi32>
      %select_n3A_4521 = arith.select %and3A_4442, %broadcast_in_dim3A_4392, %select_n3A_4348 : vector<80x1xi1>, vector<80x1xf32>
      %select_n3A_4522 = arith.select %and3A_4442, %select_n3A_4431, %select_n3A_4349 : vector<80x1xi1>, vector<80x1xi32>
      %jit3A_4523 = arith.constant 8 : i32
      %eq3A_4524 = arith.constant 0 : i32
      %eq3A_4525 = arith.cmpi eq, %jit3A_4523, %eq3A_4524 : i32
      %jit3A_4526 = arith.constant 1 : i32
      %select_n3A_4527 = arith.select %eq3A_4525, %jit3A_4526, %jit3A_4523 : i32
      %rem3A_4528 = vector.broadcast %select_n3A_4527 : i32 to vector<80x1xi32>
      %rem3A_4529 = arith.remsi %broadcast_in_dim3A_4400, %rem3A_4528 : vector<80x1xi32>
      %ne3A_4530 = arith.constant 0 : i32
      %ne3A_4531 = vector.broadcast %ne3A_4530 : i32 to vector<80x1xi32>
      %ne3A_4532 = arith.cmpi ne, %rem3A_4529, %ne3A_4531 : vector<80x1xi32>
      %lt3A_4533 = arith.constant 0 : i32
      %lt3A_4534 = vector.broadcast %lt3A_4533 : i32 to vector<80x1xi32>
      %lt3A_4535 = arith.cmpi slt, %rem3A_4529, %lt3A_4534 : vector<80x1xi32>
      %lt3A_4536 = arith.constant 0 : i32
      %lt3A_4537 = arith.cmpi slt, %select_n3A_4527, %lt3A_4536 : i32
      %ne3A_4538 = vector.broadcast %lt3A_4537 : i1 to vector<80x1xi1>
      %ne3A_4539 = vector.broadcast %ne3A_4538 : vector<80x1xi1> to vector<80x1xi1>
      %ne3A_4540 = arith.xori %lt3A_4535, %ne3A_4539 : vector<80x1xi1>
      %and3A_4541 = arith.andi %ne3A_4540, %ne3A_4532 : vector<80x1xi1>
      %add3A_4542 = vector.broadcast %select_n3A_4527 : i32 to vector<80x1xi32>
      %add3A_4543 = arith.addi %rem3A_4529, %add3A_4542 : vector<80x1xi32>
      %select_n3A_4544 = arith.select %and3A_4541, %add3A_4543, %rem3A_4529 : vector<80x1xi1>, vector<80x1xi32>
      %eq3A_4545 = arith.constant 5 : i32
      %eq3A_4546 = vector.broadcast %eq3A_4545 : i32 to vector<80x1xi32>
      %eq3A_4547 = arith.cmpi eq, %select_n3A_4544, %eq3A_4546 : vector<80x1xi32>
      %and3A_4548 = arith.andi %and3A_4442, %eq3A_4547 : vector<80x1xi1>
      %jit3A_4549 = arith.constant 0 : i32
      %broadcast_in_dim3A_4550 = vector.broadcast %jit3A_4549 : i32 to vector<80x1xi32>
      %select_n3A_4551 = arith.select %and3A_4548, %broadcast_in_dim3A_4550, %select_n3A_4378 : vector<80x1xi1>, vector<80x1xi32>
      %eq3A_4552 = vector.broadcast %broadcast_in_dim3A_4400 : vector<80x1xi32> to vector<80x768xi32>
      %eq3A_4553 = arith.cmpi eq, %add3A_236, %eq3A_4552 : vector<80x768xi32>
      %jit3A_4554 = arith.constant 0x7F800000 : f32
      %broadcast_in_dim3A_4555 = vector.broadcast %jit3A_4554 : f32 to vector<80x768xf32>
      %select_n3A_4556 = arith.select %eq3A_4553, %broadcast_in_dim3A_4555, %select_n3A_4383 : vector<80x768xi1>, vector<80x768xf32>
      %jit3A_4557 = arith.constant 1 : i32
      %jit3A_4558 = arith.constant 0 : i32
      %broadcast_in_dim3A_4559 = vector.broadcast %jit3A_4557 : i32 to vector<80x1xi32>
      %broadcast_in_dim3A_4560 = vector.broadcast %jit3A_4558 : i32 to vector<80x1xi32>
      %select_n3A_4561 = arith.select %and3A_4442, %broadcast_in_dim3A_4559, %broadcast_in_dim3A_4560 : vector<80x1xi1>, vector<80x1xi32>
      %add3A_4562 = arith.addi %add3A_4389, %select_n3A_4561 : vector<80x1xi32>
      %reduce_min3A_4563 = arith.constant dense<0x7F800000> : vector<80xf32>
      %reduce_min3A_4564 = vector.multi_reduction <minimumf>, %select_n3A_4556, %reduce_min3A_4563 [1] : vector<80x768xf32> to vector<80xf32>
      %broadcast_in_dim3A_4565 = vector.shape_cast %reduce_min3A_4564 : vector<80xf32> to vector<80x1xf32>
      %eq3A_4566 = vector.broadcast %broadcast_in_dim3A_4565 : vector<80x1xf32> to vector<80x768xf32>
      %eq3A_4567 = arith.cmpf oeq, %select_n3A_4556, %eq3A_4566 : vector<80x768xf32>
      %jit3A_4568 = arith.constant 1073741824 : i32
      %broadcast_in_dim3A_4569 = vector.broadcast %jit3A_4568 : i32 to vector<80x768xi32>
      %select_n3A_4570 = arith.select %eq3A_4567, %add3A_236, %broadcast_in_dim3A_4569 : vector<80x768xi1>, vector<80x768xi32>
      %reduce_min3A_4571 = arith.constant dense<2147483647> : vector<80xi32>
      %reduce_min3A_4572 = vector.multi_reduction <minsi>, %select_n3A_4570, %reduce_min3A_4571 [1] : vector<80x768xi32> to vector<80xi32>
      %broadcast_in_dim3A_4573 = vector.shape_cast %reduce_min3A_4572 : vector<80xi32> to vector<80x1xi32>
      %jit3A_4574 = arith.constant 8 : i32
      %div3A_4575 = vector.broadcast %jit3A_4574 : i32 to vector<80x1xi32>
      %div3A_4576 = arith.divsi %broadcast_in_dim3A_4573, %div3A_4575 : vector<80x1xi32>
      %sign3A_4577 = arith.constant 0 : i32
      %sign3A_4578 = vector.broadcast %sign3A_4577 : i32 to vector<80x1xi32>
      %sign3A_4579 = arith.cmpi sgt, %broadcast_in_dim3A_4573, %sign3A_4578 : vector<80x1xi32>
      %sign3A_4580 = arith.extui %sign3A_4579 : vector<80x1xi1> to vector<80x1xi32>
      %sign3A_4581 = arith.constant 0 : i32
      %sign3A_4582 = vector.broadcast %sign3A_4581 : i32 to vector<80x1xi32>
      %sign3A_4583 = arith.cmpi slt, %broadcast_in_dim3A_4573, %sign3A_4582 : vector<80x1xi32>
      %sign3A_4584 = arith.extui %sign3A_4583 : vector<80x1xi1> to vector<80x1xi32>
      %sign3A_4585 = arith.subi %sign3A_4580, %sign3A_4584 : vector<80x1xi32>
      %sign3A_4586 = arith.constant 0 : i32
      %sign3A_4587 = arith.cmpi sgt, %jit3A_4574, %sign3A_4586 : i32
      %sign3A_4588 = arith.extui %sign3A_4587 : i1 to i32
      %sign3A_4589 = arith.constant 0 : i32
      %sign3A_4590 = arith.cmpi slt, %jit3A_4574, %sign3A_4589 : i32
      %sign3A_4591 = arith.extui %sign3A_4590 : i1 to i32
      %sign3A_4592 = arith.subi %sign3A_4588, %sign3A_4591 : i32
      %ne3A_4593 = vector.broadcast %sign3A_4592 : i32 to vector<80x1xi32>
      %ne3A_4594 = arith.cmpi ne, %sign3A_4585, %ne3A_4593 : vector<80x1xi32>
      %rem3A_4595 = vector.broadcast %jit3A_4574 : i32 to vector<80x1xi32>
      %rem3A_4596 = arith.remsi %broadcast_in_dim3A_4573, %rem3A_4595 : vector<80x1xi32>
      %ne3A_4597 = arith.constant 0 : i32
      %ne3A_4598 = vector.broadcast %ne3A_4597 : i32 to vector<80x1xi32>
      %ne3A_4599 = arith.cmpi ne, %rem3A_4596, %ne3A_4598 : vector<80x1xi32>
      %and3A_4600 = arith.andi %ne3A_4594, %ne3A_4599 : vector<80x1xi1>
      %sub3A_4601 = arith.constant 1 : i32
      %sub3A_4602 = vector.broadcast %sub3A_4601 : i32 to vector<80x1xi32>
      %sub3A_4603 = arith.subi %div3A_4576, %sub3A_4602 : vector<80x1xi32>
      %select_n3A_4604 = arith.select %and3A_4600, %sub3A_4603, %div3A_4576 : vector<80x1xi1>, vector<80x1xi32>
      %gt3A_4605 = arith.constant 0 : i32
      %gt3A_4606 = vector.broadcast %gt3A_4605 : i32 to vector<80x1xi32>
      %gt3A_4607 = arith.cmpi sgt, %select_n3A_4551, %gt3A_4606 : vector<80x1xi32>
      %lt3A_4608 = arith.constant 31 : i32
      %lt3A_4609 = vector.broadcast %lt3A_4608 : i32 to vector<80x1xi32>
      %lt3A_4610 = arith.cmpi slt, %add3A_4562, %lt3A_4609 : vector<80x1xi32>
      %and3A_4611 = arith.andi %gt3A_4607, %lt3A_4610 : vector<80x1xi1>
      %lt3A_4612 = arith.constant 0x7F800000 : f32
      %lt3A_4613 = vector.broadcast %lt3A_4612 : f32 to vector<80x1xf32>
      %lt3A_4614 = arith.cmpf olt, %broadcast_in_dim3A_4565, %lt3A_4613 : vector<80x1xf32>
      %and3A_4615 = arith.andi %and3A_4611, %lt3A_4614 : vector<80x1xi1>
      %lt3A_4616 = arith.constant 16 : i32
      %lt3A_4617 = vector.broadcast %lt3A_4616 : i32 to vector<80x1xi32>
      %lt3A_4618 = arith.cmpi slt, %add3A_4562, %lt3A_4617 : vector<80x1xi32>
      %and3A_4619 = arith.andi %and3A_4615, %lt3A_4618 : vector<80x1xi1>
      %eq3A_4620 = vector.broadcast %add3A_4562 : vector<80x1xi32> to vector<80x128xi32>
      %eq3A_4621 = arith.cmpi eq, %iota3A_26, %eq3A_4620 : vector<80x128xi32>
      %and3A_4622 = vector.broadcast %and3A_4619 : vector<80x1xi1> to vector<80x128xi1>
      %and3A_4623 = arith.andi %and3A_4622, %eq3A_4621 : vector<80x128xi1>
      %broadcast_in_dim3A_4624 = vector.shape_cast %select_n3A_4604 : vector<80x1xi32> to vector<80x1xi32>
      %broadcast_in_dim3A_4625 = vector.broadcast %broadcast_in_dim3A_4624 : vector<80x1xi32> to vector<80x128xi32>
      %select_n3A_4626 = arith.select %and3A_4623, %broadcast_in_dim3A_4625, %select_n3A_4520 : vector<80x128xi1>, vector<80x128xi32>
      %jit3A_4627 = arith.constant 2 : i32
      %eq3A_4628 = arith.constant 0 : i32
      %eq3A_4629 = arith.cmpi eq, %jit3A_4627, %eq3A_4628 : i32
      %jit3A_4630 = arith.constant 1 : i32
      %select_n3A_4631 = arith.select %eq3A_4629, %jit3A_4630, %jit3A_4627 : i32
      %rem3A_4632 = vector.broadcast %select_n3A_4631 : i32 to vector<80x1xi32>
      %rem3A_4633 = arith.remsi %add3A_4562, %rem3A_4632 : vector<80x1xi32>
      %ne3A_4634 = arith.constant 0 : i32
      %ne3A_4635 = vector.broadcast %ne3A_4634 : i32 to vector<80x1xi32>
      %ne3A_4636 = arith.cmpi ne, %rem3A_4633, %ne3A_4635 : vector<80x1xi32>
      %lt3A_4637 = arith.constant 0 : i32
      %lt3A_4638 = vector.broadcast %lt3A_4637 : i32 to vector<80x1xi32>
      %lt3A_4639 = arith.cmpi slt, %rem3A_4633, %lt3A_4638 : vector<80x1xi32>
      %lt3A_4640 = arith.constant 0 : i32
      %lt3A_4641 = arith.cmpi slt, %select_n3A_4631, %lt3A_4640 : i32
      %ne3A_4642 = vector.broadcast %lt3A_4641 : i1 to vector<80x1xi1>
      %ne3A_4643 = vector.broadcast %ne3A_4642 : vector<80x1xi1> to vector<80x1xi1>
      %ne3A_4644 = arith.xori %lt3A_4639, %ne3A_4643 : vector<80x1xi1>
      %and3A_4645 = arith.andi %ne3A_4644, %ne3A_4636 : vector<80x1xi1>
      %add3A_4646 = vector.broadcast %select_n3A_4631 : i32 to vector<80x1xi32>
      %add3A_4647 = arith.addi %rem3A_4633, %add3A_4646 : vector<80x1xi32>
      %select_n3A_4648 = arith.select %and3A_4645, %add3A_4647, %rem3A_4633 : vector<80x1xi1>, vector<80x1xi32>
      %eq3A_4649 = arith.constant 0 : i32
      %eq3A_4650 = vector.broadcast %eq3A_4649 : i32 to vector<80x1xi32>
      %eq3A_4651 = arith.cmpi eq, %select_n3A_4648, %eq3A_4650 : vector<80x1xi32>
      %and3A_4652 = arith.andi %and3A_4615, %eq3A_4651 : vector<80x1xi1>
      %jit3A_4653 = arith.constant 2 : i32
      %div3A_4654 = vector.broadcast %jit3A_4653 : i32 to vector<80x1xi32>
      %div3A_4655 = arith.divsi %add3A_4562, %div3A_4654 : vector<80x1xi32>
      %sign3A_4656 = arith.constant 0 : i32
      %sign3A_4657 = vector.broadcast %sign3A_4656 : i32 to vector<80x1xi32>
      %sign3A_4658 = arith.cmpi sgt, %add3A_4562, %sign3A_4657 : vector<80x1xi32>
      %sign3A_4659 = arith.extui %sign3A_4658 : vector<80x1xi1> to vector<80x1xi32>
      %sign3A_4660 = arith.constant 0 : i32
      %sign3A_4661 = vector.broadcast %sign3A_4660 : i32 to vector<80x1xi32>
      %sign3A_4662 = arith.cmpi slt, %add3A_4562, %sign3A_4661 : vector<80x1xi32>
      %sign3A_4663 = arith.extui %sign3A_4662 : vector<80x1xi1> to vector<80x1xi32>
      %sign3A_4664 = arith.subi %sign3A_4659, %sign3A_4663 : vector<80x1xi32>
      %sign3A_4665 = arith.constant 0 : i32
      %sign3A_4666 = arith.cmpi sgt, %jit3A_4653, %sign3A_4665 : i32
      %sign3A_4667 = arith.extui %sign3A_4666 : i1 to i32
      %sign3A_4668 = arith.constant 0 : i32
      %sign3A_4669 = arith.cmpi slt, %jit3A_4653, %sign3A_4668 : i32
      %sign3A_4670 = arith.extui %sign3A_4669 : i1 to i32
      %sign3A_4671 = arith.subi %sign3A_4667, %sign3A_4670 : i32
      %ne3A_4672 = vector.broadcast %sign3A_4671 : i32 to vector<80x1xi32>
      %ne3A_4673 = arith.cmpi ne, %sign3A_4664, %ne3A_4672 : vector<80x1xi32>
      %rem3A_4674 = vector.broadcast %jit3A_4653 : i32 to vector<80x1xi32>
      %rem3A_4675 = arith.remsi %add3A_4562, %rem3A_4674 : vector<80x1xi32>
      %ne3A_4676 = arith.constant 0 : i32
      %ne3A_4677 = vector.broadcast %ne3A_4676 : i32 to vector<80x1xi32>
      %ne3A_4678 = arith.cmpi ne, %rem3A_4675, %ne3A_4677 : vector<80x1xi32>
      %and3A_4679 = arith.andi %ne3A_4673, %ne3A_4678 : vector<80x1xi1>
      %sub3A_4680 = arith.constant 1 : i32
      %sub3A_4681 = vector.broadcast %sub3A_4680 : i32 to vector<80x1xi32>
      %sub3A_4682 = arith.subi %div3A_4655, %sub3A_4681 : vector<80x1xi32>
      %select_n3A_4683 = arith.select %and3A_4679, %sub3A_4682, %div3A_4655 : vector<80x1xi1>, vector<80x1xi32>
      %add3A_4684 = arith.constant 16 : i32
      %add3A_4685 = vector.broadcast %add3A_4684 : i32 to vector<80x1xi32>
      %add3A_4686 = arith.addi %add3A_4685, %select_n3A_4683 : vector<80x1xi32>
      %eq3A_4687 = vector.broadcast %add3A_4686 : vector<80x1xi32> to vector<80x128xi32>
      %eq3A_4688 = arith.cmpi eq, %iota3A_26, %eq3A_4687 : vector<80x128xi32>
      %and3A_4689 = vector.broadcast %and3A_4652 : vector<80x1xi1> to vector<80x128xi1>
      %and3A_4690 = arith.andi %and3A_4689, %eq3A_4688 : vector<80x128xi1>
      %broadcast_in_dim3A_4691 = vector.shape_cast %select_n3A_4604 : vector<80x1xi32> to vector<80x1xi32>
      %broadcast_in_dim3A_4692 = vector.broadcast %broadcast_in_dim3A_4691 : vector<80x1xi32> to vector<80x128xi32>
      %select_n3A_4693 = arith.select %and3A_4690, %broadcast_in_dim3A_4692, %select_n3A_4626 : vector<80x128xi1>, vector<80x128xi32>
      %select_n3A_4694 = arith.select %and3A_4615, %broadcast_in_dim3A_4565, %select_n3A_4521 : vector<80x1xi1>, vector<80x1xf32>
      %select_n3A_4695 = arith.select %and3A_4615, %select_n3A_4604, %select_n3A_4522 : vector<80x1xi1>, vector<80x1xi32>
      %jit3A_4696 = arith.constant 8 : i32
      %eq3A_4697 = arith.constant 0 : i32
      %eq3A_4698 = arith.cmpi eq, %jit3A_4696, %eq3A_4697 : i32
      %jit3A_4699 = arith.constant 1 : i32
      %select_n3A_4700 = arith.select %eq3A_4698, %jit3A_4699, %jit3A_4696 : i32
      %rem3A_4701 = vector.broadcast %select_n3A_4700 : i32 to vector<80x1xi32>
      %rem3A_4702 = arith.remsi %broadcast_in_dim3A_4573, %rem3A_4701 : vector<80x1xi32>
      %ne3A_4703 = arith.constant 0 : i32
      %ne3A_4704 = vector.broadcast %ne3A_4703 : i32 to vector<80x1xi32>
      %ne3A_4705 = arith.cmpi ne, %rem3A_4702, %ne3A_4704 : vector<80x1xi32>
      %lt3A_4706 = arith.constant 0 : i32
      %lt3A_4707 = vector.broadcast %lt3A_4706 : i32 to vector<80x1xi32>
      %lt3A_4708 = arith.cmpi slt, %rem3A_4702, %lt3A_4707 : vector<80x1xi32>
      %lt3A_4709 = arith.constant 0 : i32
      %lt3A_4710 = arith.cmpi slt, %select_n3A_4700, %lt3A_4709 : i32
      %ne3A_4711 = vector.broadcast %lt3A_4710 : i1 to vector<80x1xi1>
      %ne3A_4712 = vector.broadcast %ne3A_4711 : vector<80x1xi1> to vector<80x1xi1>
      %ne3A_4713 = arith.xori %lt3A_4708, %ne3A_4712 : vector<80x1xi1>
      %and3A_4714 = arith.andi %ne3A_4713, %ne3A_4705 : vector<80x1xi1>
      %add3A_4715 = vector.broadcast %select_n3A_4700 : i32 to vector<80x1xi32>
      %add3A_4716 = arith.addi %rem3A_4702, %add3A_4715 : vector<80x1xi32>
      %select_n3A_4717 = arith.select %and3A_4714, %add3A_4716, %rem3A_4702 : vector<80x1xi1>, vector<80x1xi32>
      %eq3A_4718 = arith.constant 5 : i32
      %eq3A_4719 = vector.broadcast %eq3A_4718 : i32 to vector<80x1xi32>
      %eq3A_4720 = arith.cmpi eq, %select_n3A_4717, %eq3A_4719 : vector<80x1xi32>
      %and3A_4721 = arith.andi %and3A_4615, %eq3A_4720 : vector<80x1xi1>
      %jit3A_4722 = arith.constant 0 : i32
      %broadcast_in_dim3A_4723 = vector.broadcast %jit3A_4722 : i32 to vector<80x1xi32>
      %select_n3A_4724 = arith.select %and3A_4721, %broadcast_in_dim3A_4723, %select_n3A_4551 : vector<80x1xi1>, vector<80x1xi32>
      %eq3A_4725 = vector.broadcast %broadcast_in_dim3A_4573 : vector<80x1xi32> to vector<80x768xi32>
      %eq3A_4726 = arith.cmpi eq, %add3A_236, %eq3A_4725 : vector<80x768xi32>
      %jit3A_4727 = arith.constant 0x7F800000 : f32
      %broadcast_in_dim3A_4728 = vector.broadcast %jit3A_4727 : f32 to vector<80x768xf32>
      %select_n3A_4729 = arith.select %eq3A_4726, %broadcast_in_dim3A_4728, %select_n3A_4556 : vector<80x768xi1>, vector<80x768xf32>
      %jit3A_4730 = arith.constant 1 : i32
      %jit3A_4731 = arith.constant 0 : i32
      %broadcast_in_dim3A_4732 = vector.broadcast %jit3A_4730 : i32 to vector<80x1xi32>
      %broadcast_in_dim3A_4733 = vector.broadcast %jit3A_4731 : i32 to vector<80x1xi32>
      %select_n3A_4734 = arith.select %and3A_4615, %broadcast_in_dim3A_4732, %broadcast_in_dim3A_4733 : vector<80x1xi1>, vector<80x1xi32>
      %add3A_4735 = arith.addi %add3A_4562, %select_n3A_4734 : vector<80x1xi32>
      %reduce_min3A_4736 = arith.constant dense<0x7F800000> : vector<80xf32>
      %reduce_min3A_4737 = vector.multi_reduction <minimumf>, %select_n3A_4729, %reduce_min3A_4736 [1] : vector<80x768xf32> to vector<80xf32>
      %broadcast_in_dim3A_4738 = vector.shape_cast %reduce_min3A_4737 : vector<80xf32> to vector<80x1xf32>
      %eq3A_4739 = vector.broadcast %broadcast_in_dim3A_4738 : vector<80x1xf32> to vector<80x768xf32>
      %eq3A_4740 = arith.cmpf oeq, %select_n3A_4729, %eq3A_4739 : vector<80x768xf32>
      %jit3A_4741 = arith.constant 1073741824 : i32
      %broadcast_in_dim3A_4742 = vector.broadcast %jit3A_4741 : i32 to vector<80x768xi32>
      %select_n3A_4743 = arith.select %eq3A_4740, %add3A_236, %broadcast_in_dim3A_4742 : vector<80x768xi1>, vector<80x768xi32>
      %reduce_min3A_4744 = arith.constant dense<2147483647> : vector<80xi32>
      %reduce_min3A_4745 = vector.multi_reduction <minsi>, %select_n3A_4743, %reduce_min3A_4744 [1] : vector<80x768xi32> to vector<80xi32>
      %broadcast_in_dim3A_4746 = vector.shape_cast %reduce_min3A_4745 : vector<80xi32> to vector<80x1xi32>
      %jit3A_4747 = arith.constant 8 : i32
      %div3A_4748 = vector.broadcast %jit3A_4747 : i32 to vector<80x1xi32>
      %div3A_4749 = arith.divsi %broadcast_in_dim3A_4746, %div3A_4748 : vector<80x1xi32>
      %sign3A_4750 = arith.constant 0 : i32
      %sign3A_4751 = vector.broadcast %sign3A_4750 : i32 to vector<80x1xi32>
      %sign3A_4752 = arith.cmpi sgt, %broadcast_in_dim3A_4746, %sign3A_4751 : vector<80x1xi32>
      %sign3A_4753 = arith.extui %sign3A_4752 : vector<80x1xi1> to vector<80x1xi32>
      %sign3A_4754 = arith.constant 0 : i32
      %sign3A_4755 = vector.broadcast %sign3A_4754 : i32 to vector<80x1xi32>
      %sign3A_4756 = arith.cmpi slt, %broadcast_in_dim3A_4746, %sign3A_4755 : vector<80x1xi32>
      %sign3A_4757 = arith.extui %sign3A_4756 : vector<80x1xi1> to vector<80x1xi32>
      %sign3A_4758 = arith.subi %sign3A_4753, %sign3A_4757 : vector<80x1xi32>
      %sign3A_4759 = arith.constant 0 : i32
      %sign3A_4760 = arith.cmpi sgt, %jit3A_4747, %sign3A_4759 : i32
      %sign3A_4761 = arith.extui %sign3A_4760 : i1 to i32
      %sign3A_4762 = arith.constant 0 : i32
      %sign3A_4763 = arith.cmpi slt, %jit3A_4747, %sign3A_4762 : i32
      %sign3A_4764 = arith.extui %sign3A_4763 : i1 to i32
      %sign3A_4765 = arith.subi %sign3A_4761, %sign3A_4764 : i32
      %ne3A_4766 = vector.broadcast %sign3A_4765 : i32 to vector<80x1xi32>
      %ne3A_4767 = arith.cmpi ne, %sign3A_4758, %ne3A_4766 : vector<80x1xi32>
      %rem3A_4768 = vector.broadcast %jit3A_4747 : i32 to vector<80x1xi32>
      %rem3A_4769 = arith.remsi %broadcast_in_dim3A_4746, %rem3A_4768 : vector<80x1xi32>
      %ne3A_4770 = arith.constant 0 : i32
      %ne3A_4771 = vector.broadcast %ne3A_4770 : i32 to vector<80x1xi32>
      %ne3A_4772 = arith.cmpi ne, %rem3A_4769, %ne3A_4771 : vector<80x1xi32>
      %and3A_4773 = arith.andi %ne3A_4767, %ne3A_4772 : vector<80x1xi1>
      %sub3A_4774 = arith.constant 1 : i32
      %sub3A_4775 = vector.broadcast %sub3A_4774 : i32 to vector<80x1xi32>
      %sub3A_4776 = arith.subi %div3A_4749, %sub3A_4775 : vector<80x1xi32>
      %select_n3A_4777 = arith.select %and3A_4773, %sub3A_4776, %div3A_4749 : vector<80x1xi1>, vector<80x1xi32>
      %gt3A_4778 = arith.constant 0 : i32
      %gt3A_4779 = vector.broadcast %gt3A_4778 : i32 to vector<80x1xi32>
      %gt3A_4780 = arith.cmpi sgt, %select_n3A_4724, %gt3A_4779 : vector<80x1xi32>
      %lt3A_4781 = arith.constant 31 : i32
      %lt3A_4782 = vector.broadcast %lt3A_4781 : i32 to vector<80x1xi32>
      %lt3A_4783 = arith.cmpi slt, %add3A_4735, %lt3A_4782 : vector<80x1xi32>
      %and3A_4784 = arith.andi %gt3A_4780, %lt3A_4783 : vector<80x1xi1>
      %lt3A_4785 = arith.constant 0x7F800000 : f32
      %lt3A_4786 = vector.broadcast %lt3A_4785 : f32 to vector<80x1xf32>
      %lt3A_4787 = arith.cmpf olt, %broadcast_in_dim3A_4738, %lt3A_4786 : vector<80x1xf32>
      %and3A_4788 = arith.andi %and3A_4784, %lt3A_4787 : vector<80x1xi1>
      %lt3A_4789 = arith.constant 16 : i32
      %lt3A_4790 = vector.broadcast %lt3A_4789 : i32 to vector<80x1xi32>
      %lt3A_4791 = arith.cmpi slt, %add3A_4735, %lt3A_4790 : vector<80x1xi32>
      %and3A_4792 = arith.andi %and3A_4788, %lt3A_4791 : vector<80x1xi1>
      %eq3A_4793 = vector.broadcast %add3A_4735 : vector<80x1xi32> to vector<80x128xi32>
      %eq3A_4794 = arith.cmpi eq, %iota3A_26, %eq3A_4793 : vector<80x128xi32>
      %and3A_4795 = vector.broadcast %and3A_4792 : vector<80x1xi1> to vector<80x128xi1>
      %and3A_4796 = arith.andi %and3A_4795, %eq3A_4794 : vector<80x128xi1>
      %broadcast_in_dim3A_4797 = vector.shape_cast %select_n3A_4777 : vector<80x1xi32> to vector<80x1xi32>
      %broadcast_in_dim3A_4798 = vector.broadcast %broadcast_in_dim3A_4797 : vector<80x1xi32> to vector<80x128xi32>
      %select_n3A_4799 = arith.select %and3A_4796, %broadcast_in_dim3A_4798, %select_n3A_4693 : vector<80x128xi1>, vector<80x128xi32>
      %jit3A_4800 = arith.constant 2 : i32
      %eq3A_4801 = arith.constant 0 : i32
      %eq3A_4802 = arith.cmpi eq, %jit3A_4800, %eq3A_4801 : i32
      %jit3A_4803 = arith.constant 1 : i32
      %select_n3A_4804 = arith.select %eq3A_4802, %jit3A_4803, %jit3A_4800 : i32
      %rem3A_4805 = vector.broadcast %select_n3A_4804 : i32 to vector<80x1xi32>
      %rem3A_4806 = arith.remsi %add3A_4735, %rem3A_4805 : vector<80x1xi32>
      %ne3A_4807 = arith.constant 0 : i32
      %ne3A_4808 = vector.broadcast %ne3A_4807 : i32 to vector<80x1xi32>
      %ne3A_4809 = arith.cmpi ne, %rem3A_4806, %ne3A_4808 : vector<80x1xi32>
      %lt3A_4810 = arith.constant 0 : i32
      %lt3A_4811 = vector.broadcast %lt3A_4810 : i32 to vector<80x1xi32>
      %lt3A_4812 = arith.cmpi slt, %rem3A_4806, %lt3A_4811 : vector<80x1xi32>
      %lt3A_4813 = arith.constant 0 : i32
      %lt3A_4814 = arith.cmpi slt, %select_n3A_4804, %lt3A_4813 : i32
      %ne3A_4815 = vector.broadcast %lt3A_4814 : i1 to vector<80x1xi1>
      %ne3A_4816 = vector.broadcast %ne3A_4815 : vector<80x1xi1> to vector<80x1xi1>
      %ne3A_4817 = arith.xori %lt3A_4812, %ne3A_4816 : vector<80x1xi1>
      %and3A_4818 = arith.andi %ne3A_4817, %ne3A_4809 : vector<80x1xi1>
      %add3A_4819 = vector.broadcast %select_n3A_4804 : i32 to vector<80x1xi32>
      %add3A_4820 = arith.addi %rem3A_4806, %add3A_4819 : vector<80x1xi32>
      %select_n3A_4821 = arith.select %and3A_4818, %add3A_4820, %rem3A_4806 : vector<80x1xi1>, vector<80x1xi32>
      %eq3A_4822 = arith.constant 0 : i32
      %eq3A_4823 = vector.broadcast %eq3A_4822 : i32 to vector<80x1xi32>
      %eq3A_4824 = arith.cmpi eq, %select_n3A_4821, %eq3A_4823 : vector<80x1xi32>
      %and3A_4825 = arith.andi %and3A_4788, %eq3A_4824 : vector<80x1xi1>
      %jit3A_4826 = arith.constant 2 : i32
      %div3A_4827 = vector.broadcast %jit3A_4826 : i32 to vector<80x1xi32>
      %div3A_4828 = arith.divsi %add3A_4735, %div3A_4827 : vector<80x1xi32>
      %sign3A_4829 = arith.constant 0 : i32
      %sign3A_4830 = vector.broadcast %sign3A_4829 : i32 to vector<80x1xi32>
      %sign3A_4831 = arith.cmpi sgt, %add3A_4735, %sign3A_4830 : vector<80x1xi32>
      %sign3A_4832 = arith.extui %sign3A_4831 : vector<80x1xi1> to vector<80x1xi32>
      %sign3A_4833 = arith.constant 0 : i32
      %sign3A_4834 = vector.broadcast %sign3A_4833 : i32 to vector<80x1xi32>
      %sign3A_4835 = arith.cmpi slt, %add3A_4735, %sign3A_4834 : vector<80x1xi32>
      %sign3A_4836 = arith.extui %sign3A_4835 : vector<80x1xi1> to vector<80x1xi32>
      %sign3A_4837 = arith.subi %sign3A_4832, %sign3A_4836 : vector<80x1xi32>
      %sign3A_4838 = arith.constant 0 : i32
      %sign3A_4839 = arith.cmpi sgt, %jit3A_4826, %sign3A_4838 : i32
      %sign3A_4840 = arith.extui %sign3A_4839 : i1 to i32
      %sign3A_4841 = arith.constant 0 : i32
      %sign3A_4842 = arith.cmpi slt, %jit3A_4826, %sign3A_4841 : i32
      %sign3A_4843 = arith.extui %sign3A_4842 : i1 to i32
      %sign3A_4844 = arith.subi %sign3A_4840, %sign3A_4843 : i32
      %ne3A_4845 = vector.broadcast %sign3A_4844 : i32 to vector<80x1xi32>
      %ne3A_4846 = arith.cmpi ne, %sign3A_4837, %ne3A_4845 : vector<80x1xi32>
      %rem3A_4847 = vector.broadcast %jit3A_4826 : i32 to vector<80x1xi32>
      %rem3A_4848 = arith.remsi %add3A_4735, %rem3A_4847 : vector<80x1xi32>
      %ne3A_4849 = arith.constant 0 : i32
      %ne3A_4850 = vector.broadcast %ne3A_4849 : i32 to vector<80x1xi32>
      %ne3A_4851 = arith.cmpi ne, %rem3A_4848, %ne3A_4850 : vector<80x1xi32>
      %and3A_4852 = arith.andi %ne3A_4846, %ne3A_4851 : vector<80x1xi1>
      %sub3A_4853 = arith.constant 1 : i32
      %sub3A_4854 = vector.broadcast %sub3A_4853 : i32 to vector<80x1xi32>
      %sub3A_4855 = arith.subi %div3A_4828, %sub3A_4854 : vector<80x1xi32>
      %select_n3A_4856 = arith.select %and3A_4852, %sub3A_4855, %div3A_4828 : vector<80x1xi1>, vector<80x1xi32>
      %add3A_4857 = arith.constant 16 : i32
      %add3A_4858 = vector.broadcast %add3A_4857 : i32 to vector<80x1xi32>
      %add3A_4859 = arith.addi %add3A_4858, %select_n3A_4856 : vector<80x1xi32>
      %eq3A_4860 = vector.broadcast %add3A_4859 : vector<80x1xi32> to vector<80x128xi32>
      %eq3A_4861 = arith.cmpi eq, %iota3A_26, %eq3A_4860 : vector<80x128xi32>
      %and3A_4862 = vector.broadcast %and3A_4825 : vector<80x1xi1> to vector<80x128xi1>
      %and3A_4863 = arith.andi %and3A_4862, %eq3A_4861 : vector<80x128xi1>
      %broadcast_in_dim3A_4864 = vector.shape_cast %select_n3A_4777 : vector<80x1xi32> to vector<80x1xi32>
      %broadcast_in_dim3A_4865 = vector.broadcast %broadcast_in_dim3A_4864 : vector<80x1xi32> to vector<80x128xi32>
      %select_n3A_4866 = arith.select %and3A_4863, %broadcast_in_dim3A_4865, %select_n3A_4799 : vector<80x128xi1>, vector<80x128xi32>
      %select_n3A_4867 = arith.select %and3A_4788, %broadcast_in_dim3A_4738, %select_n3A_4694 : vector<80x1xi1>, vector<80x1xf32>
      %select_n3A_4868 = arith.select %and3A_4788, %select_n3A_4777, %select_n3A_4695 : vector<80x1xi1>, vector<80x1xi32>
      %jit3A_4869 = arith.constant 8 : i32
      %eq3A_4870 = arith.constant 0 : i32
      %eq3A_4871 = arith.cmpi eq, %jit3A_4869, %eq3A_4870 : i32
      %jit3A_4872 = arith.constant 1 : i32
      %select_n3A_4873 = arith.select %eq3A_4871, %jit3A_4872, %jit3A_4869 : i32
      %rem3A_4874 = vector.broadcast %select_n3A_4873 : i32 to vector<80x1xi32>
      %rem3A_4875 = arith.remsi %broadcast_in_dim3A_4746, %rem3A_4874 : vector<80x1xi32>
      %ne3A_4876 = arith.constant 0 : i32
      %ne3A_4877 = vector.broadcast %ne3A_4876 : i32 to vector<80x1xi32>
      %ne3A_4878 = arith.cmpi ne, %rem3A_4875, %ne3A_4877 : vector<80x1xi32>
      %lt3A_4879 = arith.constant 0 : i32
      %lt3A_4880 = vector.broadcast %lt3A_4879 : i32 to vector<80x1xi32>
      %lt3A_4881 = arith.cmpi slt, %rem3A_4875, %lt3A_4880 : vector<80x1xi32>
      %lt3A_4882 = arith.constant 0 : i32
      %lt3A_4883 = arith.cmpi slt, %select_n3A_4873, %lt3A_4882 : i32
      %ne3A_4884 = vector.broadcast %lt3A_4883 : i1 to vector<80x1xi1>
      %ne3A_4885 = vector.broadcast %ne3A_4884 : vector<80x1xi1> to vector<80x1xi1>
      %ne3A_4886 = arith.xori %lt3A_4881, %ne3A_4885 : vector<80x1xi1>
      %and3A_4887 = arith.andi %ne3A_4886, %ne3A_4878 : vector<80x1xi1>
      %add3A_4888 = vector.broadcast %select_n3A_4873 : i32 to vector<80x1xi32>
      %add3A_4889 = arith.addi %rem3A_4875, %add3A_4888 : vector<80x1xi32>
      %select_n3A_4890 = arith.select %and3A_4887, %add3A_4889, %rem3A_4875 : vector<80x1xi1>, vector<80x1xi32>
      %eq3A_4891 = arith.constant 5 : i32
      %eq3A_4892 = vector.broadcast %eq3A_4891 : i32 to vector<80x1xi32>
      %eq3A_4893 = arith.cmpi eq, %select_n3A_4890, %eq3A_4892 : vector<80x1xi32>
      %and3A_4894 = arith.andi %and3A_4788, %eq3A_4893 : vector<80x1xi1>
      %jit3A_4895 = arith.constant 0 : i32
      %broadcast_in_dim3A_4896 = vector.broadcast %jit3A_4895 : i32 to vector<80x1xi32>
      %select_n3A_4897 = arith.select %and3A_4894, %broadcast_in_dim3A_4896, %select_n3A_4724 : vector<80x1xi1>, vector<80x1xi32>
      %eq3A_4898 = vector.broadcast %broadcast_in_dim3A_4746 : vector<80x1xi32> to vector<80x768xi32>
      %eq3A_4899 = arith.cmpi eq, %add3A_236, %eq3A_4898 : vector<80x768xi32>
      %jit3A_4900 = arith.constant 0x7F800000 : f32
      %broadcast_in_dim3A_4901 = vector.broadcast %jit3A_4900 : f32 to vector<80x768xf32>
      %select_n3A_4902 = arith.select %eq3A_4899, %broadcast_in_dim3A_4901, %select_n3A_4729 : vector<80x768xi1>, vector<80x768xf32>
      %jit3A_4903 = arith.constant 1 : i32
      %jit3A_4904 = arith.constant 0 : i32
      %broadcast_in_dim3A_4905 = vector.broadcast %jit3A_4903 : i32 to vector<80x1xi32>
      %broadcast_in_dim3A_4906 = vector.broadcast %jit3A_4904 : i32 to vector<80x1xi32>
      %select_n3A_4907 = arith.select %and3A_4788, %broadcast_in_dim3A_4905, %broadcast_in_dim3A_4906 : vector<80x1xi1>, vector<80x1xi32>
      %add3A_4908 = arith.addi %add3A_4735, %select_n3A_4907 : vector<80x1xi32>
      %reduce_min3A_4909 = arith.constant dense<0x7F800000> : vector<80xf32>
      %reduce_min3A_4910 = vector.multi_reduction <minimumf>, %select_n3A_4902, %reduce_min3A_4909 [1] : vector<80x768xf32> to vector<80xf32>
      %broadcast_in_dim3A_4911 = vector.shape_cast %reduce_min3A_4910 : vector<80xf32> to vector<80x1xf32>
      %eq3A_4912 = vector.broadcast %broadcast_in_dim3A_4911 : vector<80x1xf32> to vector<80x768xf32>
      %eq3A_4913 = arith.cmpf oeq, %select_n3A_4902, %eq3A_4912 : vector<80x768xf32>
      %jit3A_4914 = arith.constant 1073741824 : i32
      %broadcast_in_dim3A_4915 = vector.broadcast %jit3A_4914 : i32 to vector<80x768xi32>
      %select_n3A_4916 = arith.select %eq3A_4913, %add3A_236, %broadcast_in_dim3A_4915 : vector<80x768xi1>, vector<80x768xi32>
      %reduce_min3A_4917 = arith.constant dense<2147483647> : vector<80xi32>
      %reduce_min3A_4918 = vector.multi_reduction <minsi>, %select_n3A_4916, %reduce_min3A_4917 [1] : vector<80x768xi32> to vector<80xi32>
      %broadcast_in_dim3A_4919 = vector.shape_cast %reduce_min3A_4918 : vector<80xi32> to vector<80x1xi32>
      %jit3A_4920 = arith.constant 8 : i32
      %div3A_4921 = vector.broadcast %jit3A_4920 : i32 to vector<80x1xi32>
      %div3A_4922 = arith.divsi %broadcast_in_dim3A_4919, %div3A_4921 : vector<80x1xi32>
      %sign3A_4923 = arith.constant 0 : i32
      %sign3A_4924 = vector.broadcast %sign3A_4923 : i32 to vector<80x1xi32>
      %sign3A_4925 = arith.cmpi sgt, %broadcast_in_dim3A_4919, %sign3A_4924 : vector<80x1xi32>
      %sign3A_4926 = arith.extui %sign3A_4925 : vector<80x1xi1> to vector<80x1xi32>
      %sign3A_4927 = arith.constant 0 : i32
      %sign3A_4928 = vector.broadcast %sign3A_4927 : i32 to vector<80x1xi32>
      %sign3A_4929 = arith.cmpi slt, %broadcast_in_dim3A_4919, %sign3A_4928 : vector<80x1xi32>
      %sign3A_4930 = arith.extui %sign3A_4929 : vector<80x1xi1> to vector<80x1xi32>
      %sign3A_4931 = arith.subi %sign3A_4926, %sign3A_4930 : vector<80x1xi32>
      %sign3A_4932 = arith.constant 0 : i32
      %sign3A_4933 = arith.cmpi sgt, %jit3A_4920, %sign3A_4932 : i32
      %sign3A_4934 = arith.extui %sign3A_4933 : i1 to i32
      %sign3A_4935 = arith.constant 0 : i32
      %sign3A_4936 = arith.cmpi slt, %jit3A_4920, %sign3A_4935 : i32
      %sign3A_4937 = arith.extui %sign3A_4936 : i1 to i32
      %sign3A_4938 = arith.subi %sign3A_4934, %sign3A_4937 : i32
      %ne3A_4939 = vector.broadcast %sign3A_4938 : i32 to vector<80x1xi32>
      %ne3A_4940 = arith.cmpi ne, %sign3A_4931, %ne3A_4939 : vector<80x1xi32>
      %rem3A_4941 = vector.broadcast %jit3A_4920 : i32 to vector<80x1xi32>
      %rem3A_4942 = arith.remsi %broadcast_in_dim3A_4919, %rem3A_4941 : vector<80x1xi32>
      %ne3A_4943 = arith.constant 0 : i32
      %ne3A_4944 = vector.broadcast %ne3A_4943 : i32 to vector<80x1xi32>
      %ne3A_4945 = arith.cmpi ne, %rem3A_4942, %ne3A_4944 : vector<80x1xi32>
      %and3A_4946 = arith.andi %ne3A_4940, %ne3A_4945 : vector<80x1xi1>
      %sub3A_4947 = arith.constant 1 : i32
      %sub3A_4948 = vector.broadcast %sub3A_4947 : i32 to vector<80x1xi32>
      %sub3A_4949 = arith.subi %div3A_4922, %sub3A_4948 : vector<80x1xi32>
      %select_n3A_4950 = arith.select %and3A_4946, %sub3A_4949, %div3A_4922 : vector<80x1xi1>, vector<80x1xi32>
      %gt3A_4951 = arith.constant 0 : i32
      %gt3A_4952 = vector.broadcast %gt3A_4951 : i32 to vector<80x1xi32>
      %gt3A_4953 = arith.cmpi sgt, %select_n3A_4897, %gt3A_4952 : vector<80x1xi32>
      %lt3A_4954 = arith.constant 31 : i32
      %lt3A_4955 = vector.broadcast %lt3A_4954 : i32 to vector<80x1xi32>
      %lt3A_4956 = arith.cmpi slt, %add3A_4908, %lt3A_4955 : vector<80x1xi32>
      %and3A_4957 = arith.andi %gt3A_4953, %lt3A_4956 : vector<80x1xi1>
      %lt3A_4958 = arith.constant 0x7F800000 : f32
      %lt3A_4959 = vector.broadcast %lt3A_4958 : f32 to vector<80x1xf32>
      %lt3A_4960 = arith.cmpf olt, %broadcast_in_dim3A_4911, %lt3A_4959 : vector<80x1xf32>
      %and3A_4961 = arith.andi %and3A_4957, %lt3A_4960 : vector<80x1xi1>
      %lt3A_4962 = arith.constant 16 : i32
      %lt3A_4963 = vector.broadcast %lt3A_4962 : i32 to vector<80x1xi32>
      %lt3A_4964 = arith.cmpi slt, %add3A_4908, %lt3A_4963 : vector<80x1xi32>
      %and3A_4965 = arith.andi %and3A_4961, %lt3A_4964 : vector<80x1xi1>
      %eq3A_4966 = vector.broadcast %add3A_4908 : vector<80x1xi32> to vector<80x128xi32>
      %eq3A_4967 = arith.cmpi eq, %iota3A_26, %eq3A_4966 : vector<80x128xi32>
      %and3A_4968 = vector.broadcast %and3A_4965 : vector<80x1xi1> to vector<80x128xi1>
      %and3A_4969 = arith.andi %and3A_4968, %eq3A_4967 : vector<80x128xi1>
      %broadcast_in_dim3A_4970 = vector.shape_cast %select_n3A_4950 : vector<80x1xi32> to vector<80x1xi32>
      %broadcast_in_dim3A_4971 = vector.broadcast %broadcast_in_dim3A_4970 : vector<80x1xi32> to vector<80x128xi32>
      %select_n3A_4972 = arith.select %and3A_4969, %broadcast_in_dim3A_4971, %select_n3A_4866 : vector<80x128xi1>, vector<80x128xi32>
      %jit3A_4973 = arith.constant 2 : i32
      %eq3A_4974 = arith.constant 0 : i32
      %eq3A_4975 = arith.cmpi eq, %jit3A_4973, %eq3A_4974 : i32
      %jit3A_4976 = arith.constant 1 : i32
      %select_n3A_4977 = arith.select %eq3A_4975, %jit3A_4976, %jit3A_4973 : i32
      %rem3A_4978 = vector.broadcast %select_n3A_4977 : i32 to vector<80x1xi32>
      %rem3A_4979 = arith.remsi %add3A_4908, %rem3A_4978 : vector<80x1xi32>
      %ne3A_4980 = arith.constant 0 : i32
      %ne3A_4981 = vector.broadcast %ne3A_4980 : i32 to vector<80x1xi32>
      %ne3A_4982 = arith.cmpi ne, %rem3A_4979, %ne3A_4981 : vector<80x1xi32>
      %lt3A_4983 = arith.constant 0 : i32
      %lt3A_4984 = vector.broadcast %lt3A_4983 : i32 to vector<80x1xi32>
      %lt3A_4985 = arith.cmpi slt, %rem3A_4979, %lt3A_4984 : vector<80x1xi32>
      %lt3A_4986 = arith.constant 0 : i32
      %lt3A_4987 = arith.cmpi slt, %select_n3A_4977, %lt3A_4986 : i32
      %ne3A_4988 = vector.broadcast %lt3A_4987 : i1 to vector<80x1xi1>
      %ne3A_4989 = vector.broadcast %ne3A_4988 : vector<80x1xi1> to vector<80x1xi1>
      %ne3A_4990 = arith.xori %lt3A_4985, %ne3A_4989 : vector<80x1xi1>
      %and3A_4991 = arith.andi %ne3A_4990, %ne3A_4982 : vector<80x1xi1>
      %add3A_4992 = vector.broadcast %select_n3A_4977 : i32 to vector<80x1xi32>
      %add3A_4993 = arith.addi %rem3A_4979, %add3A_4992 : vector<80x1xi32>
      %select_n3A_4994 = arith.select %and3A_4991, %add3A_4993, %rem3A_4979 : vector<80x1xi1>, vector<80x1xi32>
      %eq3A_4995 = arith.constant 0 : i32
      %eq3A_4996 = vector.broadcast %eq3A_4995 : i32 to vector<80x1xi32>
      %eq3A_4997 = arith.cmpi eq, %select_n3A_4994, %eq3A_4996 : vector<80x1xi32>
      %and3A_4998 = arith.andi %and3A_4961, %eq3A_4997 : vector<80x1xi1>
      %jit3A_4999 = arith.constant 2 : i32
      %div3A_5000 = vector.broadcast %jit3A_4999 : i32 to vector<80x1xi32>
      %div3A_5001 = arith.divsi %add3A_4908, %div3A_5000 : vector<80x1xi32>
      %sign3A_5002 = arith.constant 0 : i32
      %sign3A_5003 = vector.broadcast %sign3A_5002 : i32 to vector<80x1xi32>
      %sign3A_5004 = arith.cmpi sgt, %add3A_4908, %sign3A_5003 : vector<80x1xi32>
      %sign3A_5005 = arith.extui %sign3A_5004 : vector<80x1xi1> to vector<80x1xi32>
      %sign3A_5006 = arith.constant 0 : i32
      %sign3A_5007 = vector.broadcast %sign3A_5006 : i32 to vector<80x1xi32>
      %sign3A_5008 = arith.cmpi slt, %add3A_4908, %sign3A_5007 : vector<80x1xi32>
      %sign3A_5009 = arith.extui %sign3A_5008 : vector<80x1xi1> to vector<80x1xi32>
      %sign3A_5010 = arith.subi %sign3A_5005, %sign3A_5009 : vector<80x1xi32>
      %sign3A_5011 = arith.constant 0 : i32
      %sign3A_5012 = arith.cmpi sgt, %jit3A_4999, %sign3A_5011 : i32
      %sign3A_5013 = arith.extui %sign3A_5012 : i1 to i32
      %sign3A_5014 = arith.constant 0 : i32
      %sign3A_5015 = arith.cmpi slt, %jit3A_4999, %sign3A_5014 : i32
      %sign3A_5016 = arith.extui %sign3A_5015 : i1 to i32
      %sign3A_5017 = arith.subi %sign3A_5013, %sign3A_5016 : i32
      %ne3A_5018 = vector.broadcast %sign3A_5017 : i32 to vector<80x1xi32>
      %ne3A_5019 = arith.cmpi ne, %sign3A_5010, %ne3A_5018 : vector<80x1xi32>
      %rem3A_5020 = vector.broadcast %jit3A_4999 : i32 to vector<80x1xi32>
      %rem3A_5021 = arith.remsi %add3A_4908, %rem3A_5020 : vector<80x1xi32>
      %ne3A_5022 = arith.constant 0 : i32
      %ne3A_5023 = vector.broadcast %ne3A_5022 : i32 to vector<80x1xi32>
      %ne3A_5024 = arith.cmpi ne, %rem3A_5021, %ne3A_5023 : vector<80x1xi32>
      %and3A_5025 = arith.andi %ne3A_5019, %ne3A_5024 : vector<80x1xi1>
      %sub3A_5026 = arith.constant 1 : i32
      %sub3A_5027 = vector.broadcast %sub3A_5026 : i32 to vector<80x1xi32>
      %sub3A_5028 = arith.subi %div3A_5001, %sub3A_5027 : vector<80x1xi32>
      %select_n3A_5029 = arith.select %and3A_5025, %sub3A_5028, %div3A_5001 : vector<80x1xi1>, vector<80x1xi32>
      %add3A_5030 = arith.constant 16 : i32
      %add3A_5031 = vector.broadcast %add3A_5030 : i32 to vector<80x1xi32>
      %add3A_5032 = arith.addi %add3A_5031, %select_n3A_5029 : vector<80x1xi32>
      %eq3A_5033 = vector.broadcast %add3A_5032 : vector<80x1xi32> to vector<80x128xi32>
      %eq3A_5034 = arith.cmpi eq, %iota3A_26, %eq3A_5033 : vector<80x128xi32>
      %and3A_5035 = vector.broadcast %and3A_4998 : vector<80x1xi1> to vector<80x128xi1>
      %and3A_5036 = arith.andi %and3A_5035, %eq3A_5034 : vector<80x128xi1>
      %broadcast_in_dim3A_5037 = vector.shape_cast %select_n3A_4950 : vector<80x1xi32> to vector<80x1xi32>
      %broadcast_in_dim3A_5038 = vector.broadcast %broadcast_in_dim3A_5037 : vector<80x1xi32> to vector<80x128xi32>
      %select_n3A_5039 = arith.select %and3A_5036, %broadcast_in_dim3A_5038, %select_n3A_4972 : vector<80x128xi1>, vector<80x128xi32>
      %select_n3A_5040 = arith.select %and3A_4961, %broadcast_in_dim3A_4911, %select_n3A_4867 : vector<80x1xi1>, vector<80x1xf32>
      %select_n3A_5041 = arith.select %and3A_4961, %select_n3A_4950, %select_n3A_4868 : vector<80x1xi1>, vector<80x1xi32>
      %jit3A_5042 = arith.constant 8 : i32
      %eq3A_5043 = arith.constant 0 : i32
      %eq3A_5044 = arith.cmpi eq, %jit3A_5042, %eq3A_5043 : i32
      %jit3A_5045 = arith.constant 1 : i32
      %select_n3A_5046 = arith.select %eq3A_5044, %jit3A_5045, %jit3A_5042 : i32
      %rem3A_5047 = vector.broadcast %select_n3A_5046 : i32 to vector<80x1xi32>
      %rem3A_5048 = arith.remsi %broadcast_in_dim3A_4919, %rem3A_5047 : vector<80x1xi32>
      %ne3A_5049 = arith.constant 0 : i32
      %ne3A_5050 = vector.broadcast %ne3A_5049 : i32 to vector<80x1xi32>
      %ne3A_5051 = arith.cmpi ne, %rem3A_5048, %ne3A_5050 : vector<80x1xi32>
      %lt3A_5052 = arith.constant 0 : i32
      %lt3A_5053 = vector.broadcast %lt3A_5052 : i32 to vector<80x1xi32>
      %lt3A_5054 = arith.cmpi slt, %rem3A_5048, %lt3A_5053 : vector<80x1xi32>
      %lt3A_5055 = arith.constant 0 : i32
      %lt3A_5056 = arith.cmpi slt, %select_n3A_5046, %lt3A_5055 : i32
      %ne3A_5057 = vector.broadcast %lt3A_5056 : i1 to vector<80x1xi1>
      %ne3A_5058 = vector.broadcast %ne3A_5057 : vector<80x1xi1> to vector<80x1xi1>
      %ne3A_5059 = arith.xori %lt3A_5054, %ne3A_5058 : vector<80x1xi1>
      %and3A_5060 = arith.andi %ne3A_5059, %ne3A_5051 : vector<80x1xi1>
      %add3A_5061 = vector.broadcast %select_n3A_5046 : i32 to vector<80x1xi32>
      %add3A_5062 = arith.addi %rem3A_5048, %add3A_5061 : vector<80x1xi32>
      %select_n3A_5063 = arith.select %and3A_5060, %add3A_5062, %rem3A_5048 : vector<80x1xi1>, vector<80x1xi32>
      %eq3A_5064 = arith.constant 5 : i32
      %eq3A_5065 = vector.broadcast %eq3A_5064 : i32 to vector<80x1xi32>
      %eq3A_5066 = arith.cmpi eq, %select_n3A_5063, %eq3A_5065 : vector<80x1xi32>
      %and3A_5067 = arith.andi %and3A_4961, %eq3A_5066 : vector<80x1xi1>
      %jit3A_5068 = arith.constant 0 : i32
      %broadcast_in_dim3A_5069 = vector.broadcast %jit3A_5068 : i32 to vector<80x1xi32>
      %select_n3A_5070 = arith.select %and3A_5067, %broadcast_in_dim3A_5069, %select_n3A_4897 : vector<80x1xi1>, vector<80x1xi32>
      %eq3A_5071 = vector.broadcast %broadcast_in_dim3A_4919 : vector<80x1xi32> to vector<80x768xi32>
      %eq3A_5072 = arith.cmpi eq, %add3A_236, %eq3A_5071 : vector<80x768xi32>
      %jit3A_5073 = arith.constant 0x7F800000 : f32
      %broadcast_in_dim3A_5074 = vector.broadcast %jit3A_5073 : f32 to vector<80x768xf32>
      %select_n3A_5075 = arith.select %eq3A_5072, %broadcast_in_dim3A_5074, %select_n3A_4902 : vector<80x768xi1>, vector<80x768xf32>
      %jit3A_5076 = arith.constant 1 : i32
      %jit3A_5077 = arith.constant 0 : i32
      %broadcast_in_dim3A_5078 = vector.broadcast %jit3A_5076 : i32 to vector<80x1xi32>
      %broadcast_in_dim3A_5079 = vector.broadcast %jit3A_5077 : i32 to vector<80x1xi32>
      %select_n3A_5080 = arith.select %and3A_4961, %broadcast_in_dim3A_5078, %broadcast_in_dim3A_5079 : vector<80x1xi1>, vector<80x1xi32>
      %add3A_5081 = arith.addi %add3A_4908, %select_n3A_5080 : vector<80x1xi32>
      %reduce_min3A_5082 = arith.constant dense<0x7F800000> : vector<80xf32>
      %reduce_min3A_5083 = vector.multi_reduction <minimumf>, %select_n3A_5075, %reduce_min3A_5082 [1] : vector<80x768xf32> to vector<80xf32>
      %broadcast_in_dim3A_5084 = vector.shape_cast %reduce_min3A_5083 : vector<80xf32> to vector<80x1xf32>
      %eq3A_5085 = vector.broadcast %broadcast_in_dim3A_5084 : vector<80x1xf32> to vector<80x768xf32>
      %eq3A_5086 = arith.cmpf oeq, %select_n3A_5075, %eq3A_5085 : vector<80x768xf32>
      %jit3A_5087 = arith.constant 1073741824 : i32
      %broadcast_in_dim3A_5088 = vector.broadcast %jit3A_5087 : i32 to vector<80x768xi32>
      %select_n3A_5089 = arith.select %eq3A_5086, %add3A_236, %broadcast_in_dim3A_5088 : vector<80x768xi1>, vector<80x768xi32>
      %reduce_min3A_5090 = arith.constant dense<2147483647> : vector<80xi32>
      %reduce_min3A_5091 = vector.multi_reduction <minsi>, %select_n3A_5089, %reduce_min3A_5090 [1] : vector<80x768xi32> to vector<80xi32>
      %broadcast_in_dim3A_5092 = vector.shape_cast %reduce_min3A_5091 : vector<80xi32> to vector<80x1xi32>
      %jit3A_5093 = arith.constant 8 : i32
      %div3A_5094 = vector.broadcast %jit3A_5093 : i32 to vector<80x1xi32>
      %div3A_5095 = arith.divsi %broadcast_in_dim3A_5092, %div3A_5094 : vector<80x1xi32>
      %sign3A_5096 = arith.constant 0 : i32
      %sign3A_5097 = vector.broadcast %sign3A_5096 : i32 to vector<80x1xi32>
      %sign3A_5098 = arith.cmpi sgt, %broadcast_in_dim3A_5092, %sign3A_5097 : vector<80x1xi32>
      %sign3A_5099 = arith.extui %sign3A_5098 : vector<80x1xi1> to vector<80x1xi32>
      %sign3A_5100 = arith.constant 0 : i32
      %sign3A_5101 = vector.broadcast %sign3A_5100 : i32 to vector<80x1xi32>
      %sign3A_5102 = arith.cmpi slt, %broadcast_in_dim3A_5092, %sign3A_5101 : vector<80x1xi32>
      %sign3A_5103 = arith.extui %sign3A_5102 : vector<80x1xi1> to vector<80x1xi32>
      %sign3A_5104 = arith.subi %sign3A_5099, %sign3A_5103 : vector<80x1xi32>
      %sign3A_5105 = arith.constant 0 : i32
      %sign3A_5106 = arith.cmpi sgt, %jit3A_5093, %sign3A_5105 : i32
      %sign3A_5107 = arith.extui %sign3A_5106 : i1 to i32
      %sign3A_5108 = arith.constant 0 : i32
      %sign3A_5109 = arith.cmpi slt, %jit3A_5093, %sign3A_5108 : i32
      %sign3A_5110 = arith.extui %sign3A_5109 : i1 to i32
      %sign3A_5111 = arith.subi %sign3A_5107, %sign3A_5110 : i32
      %ne3A_5112 = vector.broadcast %sign3A_5111 : i32 to vector<80x1xi32>
      %ne3A_5113 = arith.cmpi ne, %sign3A_5104, %ne3A_5112 : vector<80x1xi32>
      %rem3A_5114 = vector.broadcast %jit3A_5093 : i32 to vector<80x1xi32>
      %rem3A_5115 = arith.remsi %broadcast_in_dim3A_5092, %rem3A_5114 : vector<80x1xi32>
      %ne3A_5116 = arith.constant 0 : i32
      %ne3A_5117 = vector.broadcast %ne3A_5116 : i32 to vector<80x1xi32>
      %ne3A_5118 = arith.cmpi ne, %rem3A_5115, %ne3A_5117 : vector<80x1xi32>
      %and3A_5119 = arith.andi %ne3A_5113, %ne3A_5118 : vector<80x1xi1>
      %sub3A_5120 = arith.constant 1 : i32
      %sub3A_5121 = vector.broadcast %sub3A_5120 : i32 to vector<80x1xi32>
      %sub3A_5122 = arith.subi %div3A_5095, %sub3A_5121 : vector<80x1xi32>
      %select_n3A_5123 = arith.select %and3A_5119, %sub3A_5122, %div3A_5095 : vector<80x1xi1>, vector<80x1xi32>
      %gt3A_5124 = arith.constant 0 : i32
      %gt3A_5125 = vector.broadcast %gt3A_5124 : i32 to vector<80x1xi32>
      %gt3A_5126 = arith.cmpi sgt, %select_n3A_5070, %gt3A_5125 : vector<80x1xi32>
      %lt3A_5127 = arith.constant 31 : i32
      %lt3A_5128 = vector.broadcast %lt3A_5127 : i32 to vector<80x1xi32>
      %lt3A_5129 = arith.cmpi slt, %add3A_5081, %lt3A_5128 : vector<80x1xi32>
      %and3A_5130 = arith.andi %gt3A_5126, %lt3A_5129 : vector<80x1xi1>
      %lt3A_5131 = arith.constant 0x7F800000 : f32
      %lt3A_5132 = vector.broadcast %lt3A_5131 : f32 to vector<80x1xf32>
      %lt3A_5133 = arith.cmpf olt, %broadcast_in_dim3A_5084, %lt3A_5132 : vector<80x1xf32>
      %and3A_5134 = arith.andi %and3A_5130, %lt3A_5133 : vector<80x1xi1>
      %lt3A_5135 = arith.constant 16 : i32
      %lt3A_5136 = vector.broadcast %lt3A_5135 : i32 to vector<80x1xi32>
      %lt3A_5137 = arith.cmpi slt, %add3A_5081, %lt3A_5136 : vector<80x1xi32>
      %and3A_5138 = arith.andi %and3A_5134, %lt3A_5137 : vector<80x1xi1>
      %eq3A_5139 = vector.broadcast %add3A_5081 : vector<80x1xi32> to vector<80x128xi32>
      %eq3A_5140 = arith.cmpi eq, %iota3A_26, %eq3A_5139 : vector<80x128xi32>
      %and3A_5141 = vector.broadcast %and3A_5138 : vector<80x1xi1> to vector<80x128xi1>
      %and3A_5142 = arith.andi %and3A_5141, %eq3A_5140 : vector<80x128xi1>
      %broadcast_in_dim3A_5143 = vector.shape_cast %select_n3A_5123 : vector<80x1xi32> to vector<80x1xi32>
      %broadcast_in_dim3A_5144 = vector.broadcast %broadcast_in_dim3A_5143 : vector<80x1xi32> to vector<80x128xi32>
      %select_n3A_5145 = arith.select %and3A_5142, %broadcast_in_dim3A_5144, %select_n3A_5039 : vector<80x128xi1>, vector<80x128xi32>
      %jit3A_5146 = arith.constant 2 : i32
      %eq3A_5147 = arith.constant 0 : i32
      %eq3A_5148 = arith.cmpi eq, %jit3A_5146, %eq3A_5147 : i32
      %jit3A_5149 = arith.constant 1 : i32
      %select_n3A_5150 = arith.select %eq3A_5148, %jit3A_5149, %jit3A_5146 : i32
      %rem3A_5151 = vector.broadcast %select_n3A_5150 : i32 to vector<80x1xi32>
      %rem3A_5152 = arith.remsi %add3A_5081, %rem3A_5151 : vector<80x1xi32>
      %ne3A_5153 = arith.constant 0 : i32
      %ne3A_5154 = vector.broadcast %ne3A_5153 : i32 to vector<80x1xi32>
      %ne3A_5155 = arith.cmpi ne, %rem3A_5152, %ne3A_5154 : vector<80x1xi32>
      %lt3A_5156 = arith.constant 0 : i32
      %lt3A_5157 = vector.broadcast %lt3A_5156 : i32 to vector<80x1xi32>
      %lt3A_5158 = arith.cmpi slt, %rem3A_5152, %lt3A_5157 : vector<80x1xi32>
      %lt3A_5159 = arith.constant 0 : i32
      %lt3A_5160 = arith.cmpi slt, %select_n3A_5150, %lt3A_5159 : i32
      %ne3A_5161 = vector.broadcast %lt3A_5160 : i1 to vector<80x1xi1>
      %ne3A_5162 = vector.broadcast %ne3A_5161 : vector<80x1xi1> to vector<80x1xi1>
      %ne3A_5163 = arith.xori %lt3A_5158, %ne3A_5162 : vector<80x1xi1>
      %and3A_5164 = arith.andi %ne3A_5163, %ne3A_5155 : vector<80x1xi1>
      %add3A_5165 = vector.broadcast %select_n3A_5150 : i32 to vector<80x1xi32>
      %add3A_5166 = arith.addi %rem3A_5152, %add3A_5165 : vector<80x1xi32>
      %select_n3A_5167 = arith.select %and3A_5164, %add3A_5166, %rem3A_5152 : vector<80x1xi1>, vector<80x1xi32>
      %eq3A_5168 = arith.constant 0 : i32
      %eq3A_5169 = vector.broadcast %eq3A_5168 : i32 to vector<80x1xi32>
      %eq3A_5170 = arith.cmpi eq, %select_n3A_5167, %eq3A_5169 : vector<80x1xi32>
      %and3A_5171 = arith.andi %and3A_5134, %eq3A_5170 : vector<80x1xi1>
      %jit3A_5172 = arith.constant 2 : i32
      %div3A_5173 = vector.broadcast %jit3A_5172 : i32 to vector<80x1xi32>
      %div3A_5174 = arith.divsi %add3A_5081, %div3A_5173 : vector<80x1xi32>
      %sign3A_5175 = arith.constant 0 : i32
      %sign3A_5176 = vector.broadcast %sign3A_5175 : i32 to vector<80x1xi32>
      %sign3A_5177 = arith.cmpi sgt, %add3A_5081, %sign3A_5176 : vector<80x1xi32>
      %sign3A_5178 = arith.extui %sign3A_5177 : vector<80x1xi1> to vector<80x1xi32>
      %sign3A_5179 = arith.constant 0 : i32
      %sign3A_5180 = vector.broadcast %sign3A_5179 : i32 to vector<80x1xi32>
      %sign3A_5181 = arith.cmpi slt, %add3A_5081, %sign3A_5180 : vector<80x1xi32>
      %sign3A_5182 = arith.extui %sign3A_5181 : vector<80x1xi1> to vector<80x1xi32>
      %sign3A_5183 = arith.subi %sign3A_5178, %sign3A_5182 : vector<80x1xi32>
      %sign3A_5184 = arith.constant 0 : i32
      %sign3A_5185 = arith.cmpi sgt, %jit3A_5172, %sign3A_5184 : i32
      %sign3A_5186 = arith.extui %sign3A_5185 : i1 to i32
      %sign3A_5187 = arith.constant 0 : i32
      %sign3A_5188 = arith.cmpi slt, %jit3A_5172, %sign3A_5187 : i32
      %sign3A_5189 = arith.extui %sign3A_5188 : i1 to i32
      %sign3A_5190 = arith.subi %sign3A_5186, %sign3A_5189 : i32
      %ne3A_5191 = vector.broadcast %sign3A_5190 : i32 to vector<80x1xi32>
      %ne3A_5192 = arith.cmpi ne, %sign3A_5183, %ne3A_5191 : vector<80x1xi32>
      %rem3A_5193 = vector.broadcast %jit3A_5172 : i32 to vector<80x1xi32>
      %rem3A_5194 = arith.remsi %add3A_5081, %rem3A_5193 : vector<80x1xi32>
      %ne3A_5195 = arith.constant 0 : i32
      %ne3A_5196 = vector.broadcast %ne3A_5195 : i32 to vector<80x1xi32>
      %ne3A_5197 = arith.cmpi ne, %rem3A_5194, %ne3A_5196 : vector<80x1xi32>
      %and3A_5198 = arith.andi %ne3A_5192, %ne3A_5197 : vector<80x1xi1>
      %sub3A_5199 = arith.constant 1 : i32
      %sub3A_5200 = vector.broadcast %sub3A_5199 : i32 to vector<80x1xi32>
      %sub3A_5201 = arith.subi %div3A_5174, %sub3A_5200 : vector<80x1xi32>
      %select_n3A_5202 = arith.select %and3A_5198, %sub3A_5201, %div3A_5174 : vector<80x1xi1>, vector<80x1xi32>
      %add3A_5203 = arith.constant 16 : i32
      %add3A_5204 = vector.broadcast %add3A_5203 : i32 to vector<80x1xi32>
      %add3A_5205 = arith.addi %add3A_5204, %select_n3A_5202 : vector<80x1xi32>
      %eq3A_5206 = vector.broadcast %add3A_5205 : vector<80x1xi32> to vector<80x128xi32>
      %eq3A_5207 = arith.cmpi eq, %iota3A_26, %eq3A_5206 : vector<80x128xi32>
      %and3A_5208 = vector.broadcast %and3A_5171 : vector<80x1xi1> to vector<80x128xi1>
      %and3A_5209 = arith.andi %and3A_5208, %eq3A_5207 : vector<80x128xi1>
      %broadcast_in_dim3A_5210 = vector.shape_cast %select_n3A_5123 : vector<80x1xi32> to vector<80x1xi32>
      %broadcast_in_dim3A_5211 = vector.broadcast %broadcast_in_dim3A_5210 : vector<80x1xi32> to vector<80x128xi32>
      %select_n3A_5212 = arith.select %and3A_5209, %broadcast_in_dim3A_5211, %select_n3A_5145 : vector<80x128xi1>, vector<80x128xi32>
      %select_n3A_5213 = arith.select %and3A_5134, %broadcast_in_dim3A_5084, %select_n3A_5040 : vector<80x1xi1>, vector<80x1xf32>
      %select_n3A_5214 = arith.select %and3A_5134, %select_n3A_5123, %select_n3A_5041 : vector<80x1xi1>, vector<80x1xi32>
      %jit3A_5215 = arith.constant 8 : i32
      %eq3A_5216 = arith.constant 0 : i32
      %eq3A_5217 = arith.cmpi eq, %jit3A_5215, %eq3A_5216 : i32
      %jit3A_5218 = arith.constant 1 : i32
      %select_n3A_5219 = arith.select %eq3A_5217, %jit3A_5218, %jit3A_5215 : i32
      %rem3A_5220 = vector.broadcast %select_n3A_5219 : i32 to vector<80x1xi32>
      %rem3A_5221 = arith.remsi %broadcast_in_dim3A_5092, %rem3A_5220 : vector<80x1xi32>
      %ne3A_5222 = arith.constant 0 : i32
      %ne3A_5223 = vector.broadcast %ne3A_5222 : i32 to vector<80x1xi32>
      %ne3A_5224 = arith.cmpi ne, %rem3A_5221, %ne3A_5223 : vector<80x1xi32>
      %lt3A_5225 = arith.constant 0 : i32
      %lt3A_5226 = vector.broadcast %lt3A_5225 : i32 to vector<80x1xi32>
      %lt3A_5227 = arith.cmpi slt, %rem3A_5221, %lt3A_5226 : vector<80x1xi32>
      %lt3A_5228 = arith.constant 0 : i32
      %lt3A_5229 = arith.cmpi slt, %select_n3A_5219, %lt3A_5228 : i32
      %ne3A_5230 = vector.broadcast %lt3A_5229 : i1 to vector<80x1xi1>
      %ne3A_5231 = vector.broadcast %ne3A_5230 : vector<80x1xi1> to vector<80x1xi1>
      %ne3A_5232 = arith.xori %lt3A_5227, %ne3A_5231 : vector<80x1xi1>
      %and3A_5233 = arith.andi %ne3A_5232, %ne3A_5224 : vector<80x1xi1>
      %add3A_5234 = vector.broadcast %select_n3A_5219 : i32 to vector<80x1xi32>
      %add3A_5235 = arith.addi %rem3A_5221, %add3A_5234 : vector<80x1xi32>
      %select_n3A_5236 = arith.select %and3A_5233, %add3A_5235, %rem3A_5221 : vector<80x1xi1>, vector<80x1xi32>
      %eq3A_5237 = arith.constant 5 : i32
      %eq3A_5238 = vector.broadcast %eq3A_5237 : i32 to vector<80x1xi32>
      %eq3A_5239 = arith.cmpi eq, %select_n3A_5236, %eq3A_5238 : vector<80x1xi32>
      %and3A_5240 = arith.andi %and3A_5134, %eq3A_5239 : vector<80x1xi1>
      %jit3A_5241 = arith.constant 0 : i32
      %broadcast_in_dim3A_5242 = vector.broadcast %jit3A_5241 : i32 to vector<80x1xi32>
      %select_n3A_5243 = arith.select %and3A_5240, %broadcast_in_dim3A_5242, %select_n3A_5070 : vector<80x1xi1>, vector<80x1xi32>
      %eq3A_5244 = vector.broadcast %broadcast_in_dim3A_5092 : vector<80x1xi32> to vector<80x768xi32>
      %eq3A_5245 = arith.cmpi eq, %add3A_236, %eq3A_5244 : vector<80x768xi32>
      %jit3A_5246 = arith.constant 0x7F800000 : f32
      %broadcast_in_dim3A_5247 = vector.broadcast %jit3A_5246 : f32 to vector<80x768xf32>
      %select_n3A_5248 = arith.select %eq3A_5245, %broadcast_in_dim3A_5247, %select_n3A_5075 : vector<80x768xi1>, vector<80x768xf32>
      %jit3A_5249 = arith.constant 1 : i32
      %jit3A_5250 = arith.constant 0 : i32
      %broadcast_in_dim3A_5251 = vector.broadcast %jit3A_5249 : i32 to vector<80x1xi32>
      %broadcast_in_dim3A_5252 = vector.broadcast %jit3A_5250 : i32 to vector<80x1xi32>
      %select_n3A_5253 = arith.select %and3A_5134, %broadcast_in_dim3A_5251, %broadcast_in_dim3A_5252 : vector<80x1xi1>, vector<80x1xi32>
      %add3A_5254 = arith.addi %add3A_5081, %select_n3A_5253 : vector<80x1xi32>
      %reduce_min3A_5255 = arith.constant dense<0x7F800000> : vector<80xf32>
      %reduce_min3A_5256 = vector.multi_reduction <minimumf>, %select_n3A_5248, %reduce_min3A_5255 [1] : vector<80x768xf32> to vector<80xf32>
      %broadcast_in_dim3A_5257 = vector.shape_cast %reduce_min3A_5256 : vector<80xf32> to vector<80x1xf32>
      %eq3A_5258 = vector.broadcast %broadcast_in_dim3A_5257 : vector<80x1xf32> to vector<80x768xf32>
      %eq3A_5259 = arith.cmpf oeq, %select_n3A_5248, %eq3A_5258 : vector<80x768xf32>
      %jit3A_5260 = arith.constant 1073741824 : i32
      %broadcast_in_dim3A_5261 = vector.broadcast %jit3A_5260 : i32 to vector<80x768xi32>
      %select_n3A_5262 = arith.select %eq3A_5259, %add3A_236, %broadcast_in_dim3A_5261 : vector<80x768xi1>, vector<80x768xi32>
      %reduce_min3A_5263 = arith.constant dense<2147483647> : vector<80xi32>
      %reduce_min3A_5264 = vector.multi_reduction <minsi>, %select_n3A_5262, %reduce_min3A_5263 [1] : vector<80x768xi32> to vector<80xi32>
      %broadcast_in_dim3A_5265 = vector.shape_cast %reduce_min3A_5264 : vector<80xi32> to vector<80x1xi32>
      %jit3A_5266 = arith.constant 8 : i32
      %div3A_5267 = vector.broadcast %jit3A_5266 : i32 to vector<80x1xi32>
      %div3A_5268 = arith.divsi %broadcast_in_dim3A_5265, %div3A_5267 : vector<80x1xi32>
      %sign3A_5269 = arith.constant 0 : i32
      %sign3A_5270 = vector.broadcast %sign3A_5269 : i32 to vector<80x1xi32>
      %sign3A_5271 = arith.cmpi sgt, %broadcast_in_dim3A_5265, %sign3A_5270 : vector<80x1xi32>
      %sign3A_5272 = arith.extui %sign3A_5271 : vector<80x1xi1> to vector<80x1xi32>
      %sign3A_5273 = arith.constant 0 : i32
      %sign3A_5274 = vector.broadcast %sign3A_5273 : i32 to vector<80x1xi32>
      %sign3A_5275 = arith.cmpi slt, %broadcast_in_dim3A_5265, %sign3A_5274 : vector<80x1xi32>
      %sign3A_5276 = arith.extui %sign3A_5275 : vector<80x1xi1> to vector<80x1xi32>
      %sign3A_5277 = arith.subi %sign3A_5272, %sign3A_5276 : vector<80x1xi32>
      %sign3A_5278 = arith.constant 0 : i32
      %sign3A_5279 = arith.cmpi sgt, %jit3A_5266, %sign3A_5278 : i32
      %sign3A_5280 = arith.extui %sign3A_5279 : i1 to i32
      %sign3A_5281 = arith.constant 0 : i32
      %sign3A_5282 = arith.cmpi slt, %jit3A_5266, %sign3A_5281 : i32
      %sign3A_5283 = arith.extui %sign3A_5282 : i1 to i32
      %sign3A_5284 = arith.subi %sign3A_5280, %sign3A_5283 : i32
      %ne3A_5285 = vector.broadcast %sign3A_5284 : i32 to vector<80x1xi32>
      %ne3A_5286 = arith.cmpi ne, %sign3A_5277, %ne3A_5285 : vector<80x1xi32>
      %rem3A_5287 = vector.broadcast %jit3A_5266 : i32 to vector<80x1xi32>
      %rem3A_5288 = arith.remsi %broadcast_in_dim3A_5265, %rem3A_5287 : vector<80x1xi32>
      %ne3A_5289 = arith.constant 0 : i32
      %ne3A_5290 = vector.broadcast %ne3A_5289 : i32 to vector<80x1xi32>
      %ne3A_5291 = arith.cmpi ne, %rem3A_5288, %ne3A_5290 : vector<80x1xi32>
      %and3A_5292 = arith.andi %ne3A_5286, %ne3A_5291 : vector<80x1xi1>
      %sub3A_5293 = arith.constant 1 : i32
      %sub3A_5294 = vector.broadcast %sub3A_5293 : i32 to vector<80x1xi32>
      %sub3A_5295 = arith.subi %div3A_5268, %sub3A_5294 : vector<80x1xi32>
      %select_n3A_5296 = arith.select %and3A_5292, %sub3A_5295, %div3A_5268 : vector<80x1xi1>, vector<80x1xi32>
      %gt3A_5297 = arith.constant 0 : i32
      %gt3A_5298 = vector.broadcast %gt3A_5297 : i32 to vector<80x1xi32>
      %gt3A_5299 = arith.cmpi sgt, %select_n3A_5243, %gt3A_5298 : vector<80x1xi32>
      %lt3A_5300 = arith.constant 31 : i32
      %lt3A_5301 = vector.broadcast %lt3A_5300 : i32 to vector<80x1xi32>
      %lt3A_5302 = arith.cmpi slt, %add3A_5254, %lt3A_5301 : vector<80x1xi32>
      %and3A_5303 = arith.andi %gt3A_5299, %lt3A_5302 : vector<80x1xi1>
      %lt3A_5304 = arith.constant 0x7F800000 : f32
      %lt3A_5305 = vector.broadcast %lt3A_5304 : f32 to vector<80x1xf32>
      %lt3A_5306 = arith.cmpf olt, %broadcast_in_dim3A_5257, %lt3A_5305 : vector<80x1xf32>
      %and3A_5307 = arith.andi %and3A_5303, %lt3A_5306 : vector<80x1xi1>
      %lt3A_5308 = arith.constant 16 : i32
      %lt3A_5309 = vector.broadcast %lt3A_5308 : i32 to vector<80x1xi32>
      %lt3A_5310 = arith.cmpi slt, %add3A_5254, %lt3A_5309 : vector<80x1xi32>
      %and3A_5311 = arith.andi %and3A_5307, %lt3A_5310 : vector<80x1xi1>
      %eq3A_5312 = vector.broadcast %add3A_5254 : vector<80x1xi32> to vector<80x128xi32>
      %eq3A_5313 = arith.cmpi eq, %iota3A_26, %eq3A_5312 : vector<80x128xi32>
      %and3A_5314 = vector.broadcast %and3A_5311 : vector<80x1xi1> to vector<80x128xi1>
      %and3A_5315 = arith.andi %and3A_5314, %eq3A_5313 : vector<80x128xi1>
      %broadcast_in_dim3A_5316 = vector.shape_cast %select_n3A_5296 : vector<80x1xi32> to vector<80x1xi32>
      %broadcast_in_dim3A_5317 = vector.broadcast %broadcast_in_dim3A_5316 : vector<80x1xi32> to vector<80x128xi32>
      %select_n3A_5318 = arith.select %and3A_5315, %broadcast_in_dim3A_5317, %select_n3A_5212 : vector<80x128xi1>, vector<80x128xi32>
      %jit3A_5319 = arith.constant 2 : i32
      %eq3A_5320 = arith.constant 0 : i32
      %eq3A_5321 = arith.cmpi eq, %jit3A_5319, %eq3A_5320 : i32
      %jit3A_5322 = arith.constant 1 : i32
      %select_n3A_5323 = arith.select %eq3A_5321, %jit3A_5322, %jit3A_5319 : i32
      %rem3A_5324 = vector.broadcast %select_n3A_5323 : i32 to vector<80x1xi32>
      %rem3A_5325 = arith.remsi %add3A_5254, %rem3A_5324 : vector<80x1xi32>
      %ne3A_5326 = arith.constant 0 : i32
      %ne3A_5327 = vector.broadcast %ne3A_5326 : i32 to vector<80x1xi32>
      %ne3A_5328 = arith.cmpi ne, %rem3A_5325, %ne3A_5327 : vector<80x1xi32>
      %lt3A_5329 = arith.constant 0 : i32
      %lt3A_5330 = vector.broadcast %lt3A_5329 : i32 to vector<80x1xi32>
      %lt3A_5331 = arith.cmpi slt, %rem3A_5325, %lt3A_5330 : vector<80x1xi32>
      %lt3A_5332 = arith.constant 0 : i32
      %lt3A_5333 = arith.cmpi slt, %select_n3A_5323, %lt3A_5332 : i32
      %ne3A_5334 = vector.broadcast %lt3A_5333 : i1 to vector<80x1xi1>
      %ne3A_5335 = vector.broadcast %ne3A_5334 : vector<80x1xi1> to vector<80x1xi1>
      %ne3A_5336 = arith.xori %lt3A_5331, %ne3A_5335 : vector<80x1xi1>
      %and3A_5337 = arith.andi %ne3A_5336, %ne3A_5328 : vector<80x1xi1>
      %add3A_5338 = vector.broadcast %select_n3A_5323 : i32 to vector<80x1xi32>
      %add3A_5339 = arith.addi %rem3A_5325, %add3A_5338 : vector<80x1xi32>
      %select_n3A_5340 = arith.select %and3A_5337, %add3A_5339, %rem3A_5325 : vector<80x1xi1>, vector<80x1xi32>
      %eq3A_5341 = arith.constant 0 : i32
      %eq3A_5342 = vector.broadcast %eq3A_5341 : i32 to vector<80x1xi32>
      %eq3A_5343 = arith.cmpi eq, %select_n3A_5340, %eq3A_5342 : vector<80x1xi32>
      %and3A_5344 = arith.andi %and3A_5307, %eq3A_5343 : vector<80x1xi1>
      %jit3A_5345 = arith.constant 2 : i32
      %div3A_5346 = vector.broadcast %jit3A_5345 : i32 to vector<80x1xi32>
      %div3A_5347 = arith.divsi %add3A_5254, %div3A_5346 : vector<80x1xi32>
      %sign3A_5348 = arith.constant 0 : i32
      %sign3A_5349 = vector.broadcast %sign3A_5348 : i32 to vector<80x1xi32>
      %sign3A_5350 = arith.cmpi sgt, %add3A_5254, %sign3A_5349 : vector<80x1xi32>
      %sign3A_5351 = arith.extui %sign3A_5350 : vector<80x1xi1> to vector<80x1xi32>
      %sign3A_5352 = arith.constant 0 : i32
      %sign3A_5353 = vector.broadcast %sign3A_5352 : i32 to vector<80x1xi32>
      %sign3A_5354 = arith.cmpi slt, %add3A_5254, %sign3A_5353 : vector<80x1xi32>
      %sign3A_5355 = arith.extui %sign3A_5354 : vector<80x1xi1> to vector<80x1xi32>
      %sign3A_5356 = arith.subi %sign3A_5351, %sign3A_5355 : vector<80x1xi32>
      %sign3A_5357 = arith.constant 0 : i32
      %sign3A_5358 = arith.cmpi sgt, %jit3A_5345, %sign3A_5357 : i32
      %sign3A_5359 = arith.extui %sign3A_5358 : i1 to i32
      %sign3A_5360 = arith.constant 0 : i32
      %sign3A_5361 = arith.cmpi slt, %jit3A_5345, %sign3A_5360 : i32
      %sign3A_5362 = arith.extui %sign3A_5361 : i1 to i32
      %sign3A_5363 = arith.subi %sign3A_5359, %sign3A_5362 : i32
      %ne3A_5364 = vector.broadcast %sign3A_5363 : i32 to vector<80x1xi32>
      %ne3A_5365 = arith.cmpi ne, %sign3A_5356, %ne3A_5364 : vector<80x1xi32>
      %rem3A_5366 = vector.broadcast %jit3A_5345 : i32 to vector<80x1xi32>
      %rem3A_5367 = arith.remsi %add3A_5254, %rem3A_5366 : vector<80x1xi32>
      %ne3A_5368 = arith.constant 0 : i32
      %ne3A_5369 = vector.broadcast %ne3A_5368 : i32 to vector<80x1xi32>
      %ne3A_5370 = arith.cmpi ne, %rem3A_5367, %ne3A_5369 : vector<80x1xi32>
      %and3A_5371 = arith.andi %ne3A_5365, %ne3A_5370 : vector<80x1xi1>
      %sub3A_5372 = arith.constant 1 : i32
      %sub3A_5373 = vector.broadcast %sub3A_5372 : i32 to vector<80x1xi32>
      %sub3A_5374 = arith.subi %div3A_5347, %sub3A_5373 : vector<80x1xi32>
      %select_n3A_5375 = arith.select %and3A_5371, %sub3A_5374, %div3A_5347 : vector<80x1xi1>, vector<80x1xi32>
      %add3A_5376 = arith.constant 16 : i32
      %add3A_5377 = vector.broadcast %add3A_5376 : i32 to vector<80x1xi32>
      %add3A_5378 = arith.addi %add3A_5377, %select_n3A_5375 : vector<80x1xi32>
      %eq3A_5379 = vector.broadcast %add3A_5378 : vector<80x1xi32> to vector<80x128xi32>
      %eq3A_5380 = arith.cmpi eq, %iota3A_26, %eq3A_5379 : vector<80x128xi32>
      %and3A_5381 = vector.broadcast %and3A_5344 : vector<80x1xi1> to vector<80x128xi1>
      %and3A_5382 = arith.andi %and3A_5381, %eq3A_5380 : vector<80x128xi1>
      %broadcast_in_dim3A_5383 = vector.shape_cast %select_n3A_5296 : vector<80x1xi32> to vector<80x1xi32>
      %broadcast_in_dim3A_5384 = vector.broadcast %broadcast_in_dim3A_5383 : vector<80x1xi32> to vector<80x128xi32>
      %select_n3A_5385 = arith.select %and3A_5382, %broadcast_in_dim3A_5384, %select_n3A_5318 : vector<80x128xi1>, vector<80x128xi32>
      %select_n3A_5386 = arith.select %and3A_5307, %broadcast_in_dim3A_5257, %select_n3A_5213 : vector<80x1xi1>, vector<80x1xf32>
      %select_n3A_5387 = arith.select %and3A_5307, %select_n3A_5296, %select_n3A_5214 : vector<80x1xi1>, vector<80x1xi32>
      %jit3A_5388 = arith.constant 8 : i32
      %eq3A_5389 = arith.constant 0 : i32
      %eq3A_5390 = arith.cmpi eq, %jit3A_5388, %eq3A_5389 : i32
      %jit3A_5391 = arith.constant 1 : i32
      %select_n3A_5392 = arith.select %eq3A_5390, %jit3A_5391, %jit3A_5388 : i32
      %rem3A_5393 = vector.broadcast %select_n3A_5392 : i32 to vector<80x1xi32>
      %rem3A_5394 = arith.remsi %broadcast_in_dim3A_5265, %rem3A_5393 : vector<80x1xi32>
      %ne3A_5395 = arith.constant 0 : i32
      %ne3A_5396 = vector.broadcast %ne3A_5395 : i32 to vector<80x1xi32>
      %ne3A_5397 = arith.cmpi ne, %rem3A_5394, %ne3A_5396 : vector<80x1xi32>
      %lt3A_5398 = arith.constant 0 : i32
      %lt3A_5399 = vector.broadcast %lt3A_5398 : i32 to vector<80x1xi32>
      %lt3A_5400 = arith.cmpi slt, %rem3A_5394, %lt3A_5399 : vector<80x1xi32>
      %lt3A_5401 = arith.constant 0 : i32
      %lt3A_5402 = arith.cmpi slt, %select_n3A_5392, %lt3A_5401 : i32
      %ne3A_5403 = vector.broadcast %lt3A_5402 : i1 to vector<80x1xi1>
      %ne3A_5404 = vector.broadcast %ne3A_5403 : vector<80x1xi1> to vector<80x1xi1>
      %ne3A_5405 = arith.xori %lt3A_5400, %ne3A_5404 : vector<80x1xi1>
      %and3A_5406 = arith.andi %ne3A_5405, %ne3A_5397 : vector<80x1xi1>
      %add3A_5407 = vector.broadcast %select_n3A_5392 : i32 to vector<80x1xi32>
      %add3A_5408 = arith.addi %rem3A_5394, %add3A_5407 : vector<80x1xi32>
      %select_n3A_5409 = arith.select %and3A_5406, %add3A_5408, %rem3A_5394 : vector<80x1xi1>, vector<80x1xi32>
      %eq3A_5410 = arith.constant 5 : i32
      %eq3A_5411 = vector.broadcast %eq3A_5410 : i32 to vector<80x1xi32>
      %eq3A_5412 = arith.cmpi eq, %select_n3A_5409, %eq3A_5411 : vector<80x1xi32>
      %and3A_5413 = arith.andi %and3A_5307, %eq3A_5412 : vector<80x1xi1>
      %jit3A_5414 = arith.constant 0 : i32
      %broadcast_in_dim3A_5415 = vector.broadcast %jit3A_5414 : i32 to vector<80x1xi32>
      %select_n3A_5416 = arith.select %and3A_5413, %broadcast_in_dim3A_5415, %select_n3A_5243 : vector<80x1xi1>, vector<80x1xi32>
      %eq3A_5417 = vector.broadcast %broadcast_in_dim3A_5265 : vector<80x1xi32> to vector<80x768xi32>
      %eq3A_5418 = arith.cmpi eq, %add3A_236, %eq3A_5417 : vector<80x768xi32>
      %jit3A_5419 = arith.constant 0x7F800000 : f32
      %broadcast_in_dim3A_5420 = vector.broadcast %jit3A_5419 : f32 to vector<80x768xf32>
      %select_n3A_5421 = arith.select %eq3A_5418, %broadcast_in_dim3A_5420, %select_n3A_5248 : vector<80x768xi1>, vector<80x768xf32>
      %jit3A_5422 = arith.constant 1 : i32
      %jit3A_5423 = arith.constant 0 : i32
      %broadcast_in_dim3A_5424 = vector.broadcast %jit3A_5422 : i32 to vector<80x1xi32>
      %broadcast_in_dim3A_5425 = vector.broadcast %jit3A_5423 : i32 to vector<80x1xi32>
      %select_n3A_5426 = arith.select %and3A_5307, %broadcast_in_dim3A_5424, %broadcast_in_dim3A_5425 : vector<80x1xi1>, vector<80x1xi32>
      %add3A_5427 = arith.addi %add3A_5254, %select_n3A_5426 : vector<80x1xi32>
      %reduce_min3A_5428 = arith.constant dense<0x7F800000> : vector<80xf32>
      %reduce_min3A_5429 = vector.multi_reduction <minimumf>, %select_n3A_5421, %reduce_min3A_5428 [1] : vector<80x768xf32> to vector<80xf32>
      %broadcast_in_dim3A_5430 = vector.shape_cast %reduce_min3A_5429 : vector<80xf32> to vector<80x1xf32>
      %eq3A_5431 = vector.broadcast %broadcast_in_dim3A_5430 : vector<80x1xf32> to vector<80x768xf32>
      %eq3A_5432 = arith.cmpf oeq, %select_n3A_5421, %eq3A_5431 : vector<80x768xf32>
      %jit3A_5433 = arith.constant 1073741824 : i32
      %broadcast_in_dim3A_5434 = vector.broadcast %jit3A_5433 : i32 to vector<80x768xi32>
      %select_n3A_5435 = arith.select %eq3A_5432, %add3A_236, %broadcast_in_dim3A_5434 : vector<80x768xi1>, vector<80x768xi32>
      %reduce_min3A_5436 = arith.constant dense<2147483647> : vector<80xi32>
      %reduce_min3A_5437 = vector.multi_reduction <minsi>, %select_n3A_5435, %reduce_min3A_5436 [1] : vector<80x768xi32> to vector<80xi32>
      %broadcast_in_dim3A_5438 = vector.shape_cast %reduce_min3A_5437 : vector<80xi32> to vector<80x1xi32>
      %jit3A_5439 = arith.constant 8 : i32
      %div3A_5440 = vector.broadcast %jit3A_5439 : i32 to vector<80x1xi32>
      %div3A_5441 = arith.divsi %broadcast_in_dim3A_5438, %div3A_5440 : vector<80x1xi32>
      %sign3A_5442 = arith.constant 0 : i32
      %sign3A_5443 = vector.broadcast %sign3A_5442 : i32 to vector<80x1xi32>
      %sign3A_5444 = arith.cmpi sgt, %broadcast_in_dim3A_5438, %sign3A_5443 : vector<80x1xi32>
      %sign3A_5445 = arith.extui %sign3A_5444 : vector<80x1xi1> to vector<80x1xi32>
      %sign3A_5446 = arith.constant 0 : i32
      %sign3A_5447 = vector.broadcast %sign3A_5446 : i32 to vector<80x1xi32>
      %sign3A_5448 = arith.cmpi slt, %broadcast_in_dim3A_5438, %sign3A_5447 : vector<80x1xi32>
      %sign3A_5449 = arith.extui %sign3A_5448 : vector<80x1xi1> to vector<80x1xi32>
      %sign3A_5450 = arith.subi %sign3A_5445, %sign3A_5449 : vector<80x1xi32>
      %sign3A_5451 = arith.constant 0 : i32
      %sign3A_5452 = arith.cmpi sgt, %jit3A_5439, %sign3A_5451 : i32
      %sign3A_5453 = arith.extui %sign3A_5452 : i1 to i32
      %sign3A_5454 = arith.constant 0 : i32
      %sign3A_5455 = arith.cmpi slt, %jit3A_5439, %sign3A_5454 : i32
      %sign3A_5456 = arith.extui %sign3A_5455 : i1 to i32
      %sign3A_5457 = arith.subi %sign3A_5453, %sign3A_5456 : i32
      %ne3A_5458 = vector.broadcast %sign3A_5457 : i32 to vector<80x1xi32>
      %ne3A_5459 = arith.cmpi ne, %sign3A_5450, %ne3A_5458 : vector<80x1xi32>
      %rem3A_5460 = vector.broadcast %jit3A_5439 : i32 to vector<80x1xi32>
      %rem3A_5461 = arith.remsi %broadcast_in_dim3A_5438, %rem3A_5460 : vector<80x1xi32>
      %ne3A_5462 = arith.constant 0 : i32
      %ne3A_5463 = vector.broadcast %ne3A_5462 : i32 to vector<80x1xi32>
      %ne3A_5464 = arith.cmpi ne, %rem3A_5461, %ne3A_5463 : vector<80x1xi32>
      %and3A_5465 = arith.andi %ne3A_5459, %ne3A_5464 : vector<80x1xi1>
      %sub3A_5466 = arith.constant 1 : i32
      %sub3A_5467 = vector.broadcast %sub3A_5466 : i32 to vector<80x1xi32>
      %sub3A_5468 = arith.subi %div3A_5441, %sub3A_5467 : vector<80x1xi32>
      %select_n3A_5469 = arith.select %and3A_5465, %sub3A_5468, %div3A_5441 : vector<80x1xi1>, vector<80x1xi32>
      %gt3A_5470 = arith.constant 0 : i32
      %gt3A_5471 = vector.broadcast %gt3A_5470 : i32 to vector<80x1xi32>
      %gt3A_5472 = arith.cmpi sgt, %select_n3A_5416, %gt3A_5471 : vector<80x1xi32>
      %lt3A_5473 = arith.constant 31 : i32
      %lt3A_5474 = vector.broadcast %lt3A_5473 : i32 to vector<80x1xi32>
      %lt3A_5475 = arith.cmpi slt, %add3A_5427, %lt3A_5474 : vector<80x1xi32>
      %and3A_5476 = arith.andi %gt3A_5472, %lt3A_5475 : vector<80x1xi1>
      %lt3A_5477 = arith.constant 0x7F800000 : f32
      %lt3A_5478 = vector.broadcast %lt3A_5477 : f32 to vector<80x1xf32>
      %lt3A_5479 = arith.cmpf olt, %broadcast_in_dim3A_5430, %lt3A_5478 : vector<80x1xf32>
      %and3A_5480 = arith.andi %and3A_5476, %lt3A_5479 : vector<80x1xi1>
      %lt3A_5481 = arith.constant 16 : i32
      %lt3A_5482 = vector.broadcast %lt3A_5481 : i32 to vector<80x1xi32>
      %lt3A_5483 = arith.cmpi slt, %add3A_5427, %lt3A_5482 : vector<80x1xi32>
      %and3A_5484 = arith.andi %and3A_5480, %lt3A_5483 : vector<80x1xi1>
      %eq3A_5485 = vector.broadcast %add3A_5427 : vector<80x1xi32> to vector<80x128xi32>
      %eq3A_5486 = arith.cmpi eq, %iota3A_26, %eq3A_5485 : vector<80x128xi32>
      %and3A_5487 = vector.broadcast %and3A_5484 : vector<80x1xi1> to vector<80x128xi1>
      %and3A_5488 = arith.andi %and3A_5487, %eq3A_5486 : vector<80x128xi1>
      %broadcast_in_dim3A_5489 = vector.shape_cast %select_n3A_5469 : vector<80x1xi32> to vector<80x1xi32>
      %broadcast_in_dim3A_5490 = vector.broadcast %broadcast_in_dim3A_5489 : vector<80x1xi32> to vector<80x128xi32>
      %select_n3A_5491 = arith.select %and3A_5488, %broadcast_in_dim3A_5490, %select_n3A_5385 : vector<80x128xi1>, vector<80x128xi32>
      %jit3A_5492 = arith.constant 2 : i32
      %eq3A_5493 = arith.constant 0 : i32
      %eq3A_5494 = arith.cmpi eq, %jit3A_5492, %eq3A_5493 : i32
      %jit3A_5495 = arith.constant 1 : i32
      %select_n3A_5496 = arith.select %eq3A_5494, %jit3A_5495, %jit3A_5492 : i32
      %rem3A_5497 = vector.broadcast %select_n3A_5496 : i32 to vector<80x1xi32>
      %rem3A_5498 = arith.remsi %add3A_5427, %rem3A_5497 : vector<80x1xi32>
      %ne3A_5499 = arith.constant 0 : i32
      %ne3A_5500 = vector.broadcast %ne3A_5499 : i32 to vector<80x1xi32>
      %ne3A_5501 = arith.cmpi ne, %rem3A_5498, %ne3A_5500 : vector<80x1xi32>
      %lt3A_5502 = arith.constant 0 : i32
      %lt3A_5503 = vector.broadcast %lt3A_5502 : i32 to vector<80x1xi32>
      %lt3A_5504 = arith.cmpi slt, %rem3A_5498, %lt3A_5503 : vector<80x1xi32>
      %lt3A_5505 = arith.constant 0 : i32
      %lt3A_5506 = arith.cmpi slt, %select_n3A_5496, %lt3A_5505 : i32
      %ne3A_5507 = vector.broadcast %lt3A_5506 : i1 to vector<80x1xi1>
      %ne3A_5508 = vector.broadcast %ne3A_5507 : vector<80x1xi1> to vector<80x1xi1>
      %ne3A_5509 = arith.xori %lt3A_5504, %ne3A_5508 : vector<80x1xi1>
      %and3A_5510 = arith.andi %ne3A_5509, %ne3A_5501 : vector<80x1xi1>
      %add3A_5511 = vector.broadcast %select_n3A_5496 : i32 to vector<80x1xi32>
      %add3A_5512 = arith.addi %rem3A_5498, %add3A_5511 : vector<80x1xi32>
      %select_n3A_5513 = arith.select %and3A_5510, %add3A_5512, %rem3A_5498 : vector<80x1xi1>, vector<80x1xi32>
      %eq3A_5514 = arith.constant 0 : i32
      %eq3A_5515 = vector.broadcast %eq3A_5514 : i32 to vector<80x1xi32>
      %eq3A_5516 = arith.cmpi eq, %select_n3A_5513, %eq3A_5515 : vector<80x1xi32>
      %and3A_5517 = arith.andi %and3A_5480, %eq3A_5516 : vector<80x1xi1>
      %jit3A_5518 = arith.constant 2 : i32
      %div3A_5519 = vector.broadcast %jit3A_5518 : i32 to vector<80x1xi32>
      %div3A_5520 = arith.divsi %add3A_5427, %div3A_5519 : vector<80x1xi32>
      %sign3A_5521 = arith.constant 0 : i32
      %sign3A_5522 = vector.broadcast %sign3A_5521 : i32 to vector<80x1xi32>
      %sign3A_5523 = arith.cmpi sgt, %add3A_5427, %sign3A_5522 : vector<80x1xi32>
      %sign3A_5524 = arith.extui %sign3A_5523 : vector<80x1xi1> to vector<80x1xi32>
      %sign3A_5525 = arith.constant 0 : i32
      %sign3A_5526 = vector.broadcast %sign3A_5525 : i32 to vector<80x1xi32>
      %sign3A_5527 = arith.cmpi slt, %add3A_5427, %sign3A_5526 : vector<80x1xi32>
      %sign3A_5528 = arith.extui %sign3A_5527 : vector<80x1xi1> to vector<80x1xi32>
      %sign3A_5529 = arith.subi %sign3A_5524, %sign3A_5528 : vector<80x1xi32>
      %sign3A_5530 = arith.constant 0 : i32
      %sign3A_5531 = arith.cmpi sgt, %jit3A_5518, %sign3A_5530 : i32
      %sign3A_5532 = arith.extui %sign3A_5531 : i1 to i32
      %sign3A_5533 = arith.constant 0 : i32
      %sign3A_5534 = arith.cmpi slt, %jit3A_5518, %sign3A_5533 : i32
      %sign3A_5535 = arith.extui %sign3A_5534 : i1 to i32
      %sign3A_5536 = arith.subi %sign3A_5532, %sign3A_5535 : i32
      %ne3A_5537 = vector.broadcast %sign3A_5536 : i32 to vector<80x1xi32>
      %ne3A_5538 = arith.cmpi ne, %sign3A_5529, %ne3A_5537 : vector<80x1xi32>
      %rem3A_5539 = vector.broadcast %jit3A_5518 : i32 to vector<80x1xi32>
      %rem3A_5540 = arith.remsi %add3A_5427, %rem3A_5539 : vector<80x1xi32>
      %ne3A_5541 = arith.constant 0 : i32
      %ne3A_5542 = vector.broadcast %ne3A_5541 : i32 to vector<80x1xi32>
      %ne3A_5543 = arith.cmpi ne, %rem3A_5540, %ne3A_5542 : vector<80x1xi32>
      %and3A_5544 = arith.andi %ne3A_5538, %ne3A_5543 : vector<80x1xi1>
      %sub3A_5545 = arith.constant 1 : i32
      %sub3A_5546 = vector.broadcast %sub3A_5545 : i32 to vector<80x1xi32>
      %sub3A_5547 = arith.subi %div3A_5520, %sub3A_5546 : vector<80x1xi32>
      %select_n3A_5548 = arith.select %and3A_5544, %sub3A_5547, %div3A_5520 : vector<80x1xi1>, vector<80x1xi32>
      %add3A_5549 = arith.constant 16 : i32
      %add3A_5550 = vector.broadcast %add3A_5549 : i32 to vector<80x1xi32>
      %add3A_5551 = arith.addi %add3A_5550, %select_n3A_5548 : vector<80x1xi32>
      %eq3A_5552 = vector.broadcast %add3A_5551 : vector<80x1xi32> to vector<80x128xi32>
      %eq3A_5553 = arith.cmpi eq, %iota3A_26, %eq3A_5552 : vector<80x128xi32>
      %and3A_5554 = vector.broadcast %and3A_5517 : vector<80x1xi1> to vector<80x128xi1>
      %and3A_5555 = arith.andi %and3A_5554, %eq3A_5553 : vector<80x128xi1>
      %broadcast_in_dim3A_5556 = vector.shape_cast %select_n3A_5469 : vector<80x1xi32> to vector<80x1xi32>
      %broadcast_in_dim3A_5557 = vector.broadcast %broadcast_in_dim3A_5556 : vector<80x1xi32> to vector<80x128xi32>
      %select_n3A_5558 = arith.select %and3A_5555, %broadcast_in_dim3A_5557, %select_n3A_5491 : vector<80x128xi1>, vector<80x128xi32>
      %select_n3A_5559 = arith.select %and3A_5480, %broadcast_in_dim3A_5430, %select_n3A_5386 : vector<80x1xi1>, vector<80x1xf32>
      %select_n3A_5560 = arith.select %and3A_5480, %select_n3A_5469, %select_n3A_5387 : vector<80x1xi1>, vector<80x1xi32>
      %jit3A_5561 = arith.constant 8 : i32
      %eq3A_5562 = arith.constant 0 : i32
      %eq3A_5563 = arith.cmpi eq, %jit3A_5561, %eq3A_5562 : i32
      %jit3A_5564 = arith.constant 1 : i32
      %select_n3A_5565 = arith.select %eq3A_5563, %jit3A_5564, %jit3A_5561 : i32
      %rem3A_5566 = vector.broadcast %select_n3A_5565 : i32 to vector<80x1xi32>
      %rem3A_5567 = arith.remsi %broadcast_in_dim3A_5438, %rem3A_5566 : vector<80x1xi32>
      %ne3A_5568 = arith.constant 0 : i32
      %ne3A_5569 = vector.broadcast %ne3A_5568 : i32 to vector<80x1xi32>
      %ne3A_5570 = arith.cmpi ne, %rem3A_5567, %ne3A_5569 : vector<80x1xi32>
      %lt3A_5571 = arith.constant 0 : i32
      %lt3A_5572 = vector.broadcast %lt3A_5571 : i32 to vector<80x1xi32>
      %lt3A_5573 = arith.cmpi slt, %rem3A_5567, %lt3A_5572 : vector<80x1xi32>
      %lt3A_5574 = arith.constant 0 : i32
      %lt3A_5575 = arith.cmpi slt, %select_n3A_5565, %lt3A_5574 : i32
      %ne3A_5576 = vector.broadcast %lt3A_5575 : i1 to vector<80x1xi1>
      %ne3A_5577 = vector.broadcast %ne3A_5576 : vector<80x1xi1> to vector<80x1xi1>
      %ne3A_5578 = arith.xori %lt3A_5573, %ne3A_5577 : vector<80x1xi1>
      %and3A_5579 = arith.andi %ne3A_5578, %ne3A_5570 : vector<80x1xi1>
      %add3A_5580 = vector.broadcast %select_n3A_5565 : i32 to vector<80x1xi32>
      %add3A_5581 = arith.addi %rem3A_5567, %add3A_5580 : vector<80x1xi32>
      %select_n3A_5582 = arith.select %and3A_5579, %add3A_5581, %rem3A_5567 : vector<80x1xi1>, vector<80x1xi32>
      %eq3A_5583 = arith.constant 5 : i32
      %eq3A_5584 = vector.broadcast %eq3A_5583 : i32 to vector<80x1xi32>
      %eq3A_5585 = arith.cmpi eq, %select_n3A_5582, %eq3A_5584 : vector<80x1xi32>
      %and3A_5586 = arith.andi %and3A_5480, %eq3A_5585 : vector<80x1xi1>
      %jit3A_5587 = arith.constant 0 : i32
      %broadcast_in_dim3A_5588 = vector.broadcast %jit3A_5587 : i32 to vector<80x1xi32>
      %select_n3A_5589 = arith.select %and3A_5586, %broadcast_in_dim3A_5588, %select_n3A_5416 : vector<80x1xi1>, vector<80x1xi32>
      %eq3A_5590 = vector.broadcast %broadcast_in_dim3A_5438 : vector<80x1xi32> to vector<80x768xi32>
      %eq3A_5591 = arith.cmpi eq, %add3A_236, %eq3A_5590 : vector<80x768xi32>
      %jit3A_5592 = arith.constant 0x7F800000 : f32
      %broadcast_in_dim3A_5593 = vector.broadcast %jit3A_5592 : f32 to vector<80x768xf32>
      %select_n3A_5594 = arith.select %eq3A_5591, %broadcast_in_dim3A_5593, %select_n3A_5421 : vector<80x768xi1>, vector<80x768xf32>
      %jit3A_5595 = arith.constant 1 : i32
      %jit3A_5596 = arith.constant 0 : i32
      %broadcast_in_dim3A_5597 = vector.broadcast %jit3A_5595 : i32 to vector<80x1xi32>
      %broadcast_in_dim3A_5598 = vector.broadcast %jit3A_5596 : i32 to vector<80x1xi32>
      %select_n3A_5599 = arith.select %and3A_5480, %broadcast_in_dim3A_5597, %broadcast_in_dim3A_5598 : vector<80x1xi1>, vector<80x1xi32>
      %add3A_5600 = arith.addi %add3A_5427, %select_n3A_5599 : vector<80x1xi32>
      scf.yield %select_n3A_5559, %select_n3A_5560, %add3A_5600, %select_n3A_5558 : vector<80x1xf32>, vector<80x1xi32>, vector<80x1xi32>, vector<80x128xi32>
    }
    %slice3A = vector.extract_strided_slice %while3A#3 {offsets = [0, 0], sizes = [80, 32], strides = [1, 1]} : vector<80x128xi32> to vector<80x32xi32>
    %swap3A_36 = arith.constant 0 : index
    %swap3A_37 = arith.constant 0 : index
    %swap3A_38 = vector.load %arg3[%swap3A_36, %swap3A_37] : memref<80x32xi32, #tpu.memory_space<vmem>>, vector<80x32xi32>
    tpu.vector_store %arg3[%swap3A_36, %swap3A_37], %slice3A {strides = array<i32>} : memref<80x32xi32, #tpu.memory_space<vmem>>, vector<80x32xi32>,
    return
  }
  func.func @transform_0(%arg0: i32) -> (i32, i32) {
    %c0_i32 = arith.constant 0 : i32
    %c0_i32_0 = arith.constant 0 : i32
    return %arg0, %c0_i32 : i32, i32
  }
  func.func @transform_1(%arg0: i32) -> (i32, i32) {
    %c0_i32 = arith.constant 0 : i32
    %c0_i32_0 = arith.constant 0 : i32
    %c0_i32_1 = arith.constant 0 : i32
    return %c0_i32, %c0_i32_0 : i32, i32
  }
  func.func @transform_2(%arg0: i32) -> (i32, i32) {
    %c0_i32 = arith.constant 0 : i32
    %c0_i32_0 = arith.constant 0 : i32
    return %arg0, %c0_i32 : i32, i32
  }
}

module attributes {stable_mosaic.version = 14 : i64} {
  func.func @_conv_body(%arg0: i32, %arg1: memref<200x128xf32, #tpu.memory_space<vmem>>, %arg2: memref<200x16xf32, #tpu.memory_space<vmem>>, %arg3: memref<6400x128xf32, #tpu.memory_space<vmem>>, %arg4: memref<6400x16xf32, #tpu.memory_space<vmem>>, %arg5: memref<128x128xf32, #tpu.memory_space<vmem>>, %arg6: memref<1x128xf32, #tpu.memory_space<vmem>>, %arg7: memref<128x128xf32, #tpu.memory_space<vmem>>, %arg8: memref<1x128xf32, #tpu.memory_space<vmem>>, %arg9: memref<128x128xf32, #tpu.memory_space<vmem>>, %arg10: memref<1x128xf32, #tpu.memory_space<vmem>>, %arg11: memref<16x128xf32, #tpu.memory_space<vmem>>, %arg12: memref<1x128xf32, #tpu.memory_space<vmem>>, %arg13: memref<128x128xf32, #tpu.memory_space<vmem>>, %arg14: memref<1x128xf32, #tpu.memory_space<vmem>>, %arg15: memref<128x128xf32, #tpu.memory_space<vmem>>, %arg16: memref<1x128xf32, #tpu.memory_space<vmem>>, %arg17: memref<128x128xf32, #tpu.memory_space<vmem>>, %arg18: memref<1x128xf32, #tpu.memory_space<vmem>>, %arg19: memref<16x128xf32, #tpu.memory_space<vmem>>, %arg20: memref<1x128xf32, #tpu.memory_space<vmem>>, %arg21: memref<128x128xf32, #tpu.memory_space<vmem>>, %arg22: memref<16x128xf32, #tpu.memory_space<vmem>>, %arg23: memref<1x128xf32, #tpu.memory_space<vmem>>, %arg24: memref<128x128xf32, #tpu.memory_space<vmem>>, %arg25: memref<1x128xf32, #tpu.memory_space<vmem>>, %arg26: memref<128x16xf32, #tpu.memory_space<vmem>>, %arg27: memref<1x16xf32, #tpu.memory_space<vmem>>, %arg28: memref<200x16xf32, #tpu.memory_space<vmem>>) attributes {dimension_semantics = [#tpu.dimension_semantics<arbitrary>], iteration_bounds = array<i64: 50>, scalar_prefetch = 0 : i64, scratch_operands = 0 : i64, tpu.core_type = #tpu.core_type<tc>, window_params = [{transform_indices = @transform_0, window_bounds = array<i64: 200, 128>}, {transform_indices = @transform_1, window_bounds = array<i64: 200, 16>}, {transform_indices = @transform_2, window_bounds = array<i64: 6400, 128>}, {transform_indices = @transform_3, window_bounds = array<i64: 6400, 16>}, {pipeline_mode = #tpu.pipeline_mode<synchronous>, transform_indices = @transform_4, window_bounds = array<i64: 128, 128>}, {pipeline_mode = #tpu.pipeline_mode<synchronous>, transform_indices = @transform_5, window_bounds = array<i64: 1, 128>}, {pipeline_mode = #tpu.pipeline_mode<synchronous>, transform_indices = @transform_6, window_bounds = array<i64: 128, 128>}, {pipeline_mode = #tpu.pipeline_mode<synchronous>, transform_indices = @transform_7, window_bounds = array<i64: 1, 128>}, {pipeline_mode = #tpu.pipeline_mode<synchronous>, transform_indices = @transform_8, window_bounds = array<i64: 128, 128>}, {pipeline_mode = #tpu.pipeline_mode<synchronous>, transform_indices = @transform_9, window_bounds = array<i64: 1, 128>}, {pipeline_mode = #tpu.pipeline_mode<synchronous>, transform_indices = @transform_10, window_bounds = array<i64: 16, 128>}, {pipeline_mode = #tpu.pipeline_mode<synchronous>, transform_indices = @transform_11, window_bounds = array<i64: 1, 128>}, {pipeline_mode = #tpu.pipeline_mode<synchronous>, transform_indices = @transform_12, window_bounds = array<i64: 128, 128>}, {pipeline_mode = #tpu.pipeline_mode<synchronous>, transform_indices = @transform_13, window_bounds = array<i64: 1, 128>}, {pipeline_mode = #tpu.pipeline_mode<synchronous>, transform_indices = @transform_14, window_bounds = array<i64: 128, 128>}, {pipeline_mode = #tpu.pipeline_mode<synchronous>, transform_indices = @transform_15, window_bounds = array<i64: 1, 128>}, {pipeline_mode = #tpu.pipeline_mode<synchronous>, transform_indices = @transform_16, window_bounds = array<i64: 128, 128>}, {pipeline_mode = #tpu.pipeline_mode<synchronous>, transform_indices = @transform_17, window_bounds = array<i64: 1, 128>}, {pipeline_mode = #tpu.pipeline_mode<synchronous>, transform_indices = @transform_18, window_bounds = array<i64: 16, 128>}, {pipeline_mode = #tpu.pipeline_mode<synchronous>, transform_indices = @transform_19, window_bounds = array<i64: 1, 128>}, {pipeline_mode = #tpu.pipeline_mode<synchronous>, transform_indices = @transform_20, window_bounds = array<i64: 128, 128>}, {pipeline_mode = #tpu.pipeline_mode<synchronous>, transform_indices = @transform_21, window_bounds = array<i64: 16, 128>}, {pipeline_mode = #tpu.pipeline_mode<synchronous>, transform_indices = @transform_22, window_bounds = array<i64: 1, 128>}, {pipeline_mode = #tpu.pipeline_mode<synchronous>, transform_indices = @transform_23, window_bounds = array<i64: 128, 128>}, {pipeline_mode = #tpu.pipeline_mode<synchronous>, transform_indices = @transform_24, window_bounds = array<i64: 1, 128>}, {pipeline_mode = #tpu.pipeline_mode<synchronous>, transform_indices = @transform_25, window_bounds = array<i64: 128, 16>}, {pipeline_mode = #tpu.pipeline_mode<synchronous>, transform_indices = @transform_26, window_bounds = array<i64: 1, 16>}, {transform_indices = @transform_27, window_bounds = array<i64: 200, 16>}]} {
    %get3A = arith.constant 0 : index
    %get3A_0 = arith.constant 0 : index
    %get3A_1 = vector.load %arg1[%get3A, %get3A_0] : memref<200x128xf32, #tpu.memory_space<vmem>>, vector<200x128xf32>
    %get3A_2 = arith.constant 0 : index
    %get3A_3 = arith.constant 0 : index
    %get3A_4 = vector.load %arg2[%get3A_2, %get3A_3] : memref<200x16xf32, #tpu.memory_space<vmem>>, vector<200x16xf32>
    %get3A_5 = arith.constant 0 : index
    %get3A_6 = arith.constant 0 : index
    %get3A_7 = vector.load %arg3[%get3A_5, %get3A_6] : memref<6400x128xf32, #tpu.memory_space<vmem>>, vector<6400x128xf32>
    %reshape3A = vector.shape_cast %get3A_7 : vector<6400x128xf32> to vector<200x32x128xf32>
    %get3A_8 = arith.constant 0 : index
    %get3A_9 = arith.constant 0 : index
    %get3A_10 = vector.load %arg4[%get3A_8, %get3A_9] : memref<6400x16xf32, #tpu.memory_space<vmem>>, vector<6400x16xf32>
    %reshape3A_11 = vector.shape_cast %get3A_10 : vector<6400x16xf32> to vector<200x32x16xf32>
    %get3A_12 = arith.constant 0 : index
    %get3A_13 = arith.constant 0 : index
    %get3A_14 = vector.load %arg21[%get3A_12, %get3A_13] : memref<128x128xf32, #tpu.memory_space<vmem>>, vector<128x128xf32>
    %dot_general3A = arith.constant dense<0.000000e+00> : vector<200x128xf32>
    %dot_general3A_15 = tpu.matmul %get3A_1, %get3A_14, %dot_general3A {dimension_numbers = #tpu.dot_dimension_numbers<[1], [0], [0], [1], [0, 0, 1, 1], [], []>, transpose_lhs_hint = false} : vector<200x128xf32>, vector<128x128xf32>, vector<200x128xf32> -> vector<200x128xf32>
    %get3A_16 = arith.constant 0 : index
    %get3A_17 = arith.constant 0 : index
    %get3A_18 = vector.load %arg22[%get3A_16, %get3A_17] : memref<16x128xf32, #tpu.memory_space<vmem>>, vector<16x128xf32>
    %dot_general3A_19 = arith.constant dense<0.000000e+00> : vector<200x128xf32>
    %dot_general3A_20 = tpu.matmul %get3A_4, %get3A_18, %dot_general3A_19 {dimension_numbers = #tpu.dot_dimension_numbers<[1], [0], [0], [1], [0, 0, 1, 1], [], []>, transpose_lhs_hint = false} : vector<200x16xf32>, vector<16x128xf32>, vector<200x128xf32> -> vector<200x128xf32>
    %add3A = arith.addf %dot_general3A_15, %dot_general3A_20 : vector<200x128xf32>
    %get3A_21 = arith.constant 0 : index
    %get3A_22 = arith.constant 0 : index
    %get3A_23 = vector.load %arg23[%get3A_21, %get3A_22] : memref<1x128xf32, #tpu.memory_space<vmem>>, vector<1x128xf32>
    %add3A_24 = vector.broadcast %get3A_23 : vector<1x128xf32> to vector<200x128xf32>
    %add3A_25 = arith.addf %add3A, %add3A_24 : vector<200x128xf32>
    %ge3A = arith.constant 0.000000e+00 : f32
    %ge3A_26 = vector.broadcast %ge3A : f32 to vector<200x128xf32>
    %ge3A_27 = arith.cmpf oge, %add3A_25, %ge3A_26 : vector<200x128xf32>
    %mul3A = arith.constant 2.000000e-01 : f32
    %mul3A_28 = vector.broadcast %mul3A : f32 to vector<200x128xf32>
    %mul3A_29 = arith.mulf %mul3A_28, %add3A_25 : vector<200x128xf32>
    %select_n3A = arith.select %ge3A_27, %add3A_25, %mul3A_29 : vector<200x128xi1>, vector<200x128xf32>
    %slice3A = vector.extract_strided_slice %reshape3A {offsets = [0, 0, 0], sizes = [200, 16, 128], strides = [1, 1, 1]} : vector<200x32x128xf32> to vector<200x16x128xf32>
    %reshape3A_30 = vector.shape_cast %slice3A : vector<200x16x128xf32> to vector<3200x128xf32>
    %slice3A_31 = vector.extract_strided_slice %reshape3A_11 {offsets = [0, 0, 0], sizes = [200, 16, 16], strides = [1, 1, 1]} : vector<200x32x16xf32> to vector<200x16x16xf32>
    %get3A_32 = arith.constant 0 : index
    %get3A_33 = arith.constant 0 : index
    %get3A_34 = vector.load %arg5[%get3A_32, %get3A_33] : memref<128x128xf32, #tpu.memory_space<vmem>>, vector<128x128xf32>
    %dot_general3A_35 = arith.constant dense<0.000000e+00> : vector<3200x128xf32>
    %dot_general3A_36 = tpu.matmul %reshape3A_30, %get3A_34, %dot_general3A_35 {dimension_numbers = #tpu.dot_dimension_numbers<[1], [0], [0], [1], [0, 0, 1, 1], [], []>, transpose_lhs_hint = false} : vector<3200x128xf32>, vector<128x128xf32>, vector<3200x128xf32> -> vector<3200x128xf32>
    %get3A_37 = arith.constant 0 : index
    %get3A_38 = arith.constant 0 : index
    %get3A_39 = vector.load %arg6[%get3A_37, %get3A_38] : memref<1x128xf32, #tpu.memory_space<vmem>>, vector<1x128xf32>
    %add3A_40 = vector.broadcast %get3A_39 : vector<1x128xf32> to vector<3200x128xf32>
    %add3A_41 = arith.addf %dot_general3A_36, %add3A_40 : vector<3200x128xf32>
    %get3A_42 = arith.constant 0 : index
    %get3A_43 = arith.constant 0 : index
    %get3A_44 = vector.load %arg7[%get3A_42, %get3A_43] : memref<128x128xf32, #tpu.memory_space<vmem>>, vector<128x128xf32>
    %dot_general3A_45 = arith.constant dense<0.000000e+00> : vector<3200x128xf32>
    %dot_general3A_46 = tpu.matmul %reshape3A_30, %get3A_44, %dot_general3A_45 {dimension_numbers = #tpu.dot_dimension_numbers<[1], [0], [0], [1], [0, 0, 1, 1], [], []>, transpose_lhs_hint = false} : vector<3200x128xf32>, vector<128x128xf32>, vector<3200x128xf32> -> vector<3200x128xf32>
    %get3A_47 = arith.constant 0 : index
    %get3A_48 = arith.constant 0 : index
    %get3A_49 = vector.load %arg8[%get3A_47, %get3A_48] : memref<1x128xf32, #tpu.memory_space<vmem>>, vector<1x128xf32>
    %add3A_50 = vector.broadcast %get3A_49 : vector<1x128xf32> to vector<3200x128xf32>
    %add3A_51 = arith.addf %dot_general3A_46, %add3A_50 : vector<3200x128xf32>
    %get3A_52 = arith.constant 0 : index
    %get3A_53 = arith.constant 0 : index
    %get3A_54 = vector.load %arg9[%get3A_52, %get3A_53] : memref<128x128xf32, #tpu.memory_space<vmem>>, vector<128x128xf32>
    %dot_general3A_55 = arith.constant dense<0.000000e+00> : vector<200x128xf32>
    %dot_general3A_56 = tpu.matmul %get3A_1, %get3A_54, %dot_general3A_55 {dimension_numbers = #tpu.dot_dimension_numbers<[1], [0], [0], [1], [0, 0, 1, 1], [], []>, transpose_lhs_hint = false} : vector<200x128xf32>, vector<128x128xf32>, vector<200x128xf32> -> vector<200x128xf32>
    %get3A_57 = arith.constant 0 : index
    %get3A_58 = arith.constant 0 : index
    %get3A_59 = vector.load %arg10[%get3A_57, %get3A_58] : memref<1x128xf32, #tpu.memory_space<vmem>>, vector<1x128xf32>
    %add3A_60 = vector.broadcast %get3A_59 : vector<1x128xf32> to vector<200x128xf32>
    %add3A_61 = arith.addf %dot_general3A_56, %add3A_60 : vector<200x128xf32>
    %broadcast_in_dim3A = vector.shape_cast %get3A_4 : vector<200x16xf32> to vector<200x1x16xf32>
    %sub3A = vector.broadcast %broadcast_in_dim3A : vector<200x1x16xf32> to vector<200x16x16xf32>
    %sub3A_62 = arith.subf %sub3A, %slice3A_31 : vector<200x16x16xf32>
    %reshape3A_63 = vector.shape_cast %sub3A_62 : vector<200x16x16xf32> to vector<3200x16xf32>
    %get3A_64 = arith.constant 0 : index
    %get3A_65 = arith.constant 0 : index
    %get3A_66 = vector.load %arg11[%get3A_64, %get3A_65] : memref<16x128xf32, #tpu.memory_space<vmem>>, vector<16x128xf32>
    %dot_general3A_67 = arith.constant dense<0.000000e+00> : vector<3200x128xf32>
    %dot_general3A_68 = tpu.matmul %reshape3A_63, %get3A_66, %dot_general3A_67 {dimension_numbers = #tpu.dot_dimension_numbers<[1], [0], [0], [1], [0, 0, 1, 1], [], []>, transpose_lhs_hint = false} : vector<3200x16xf32>, vector<16x128xf32>, vector<3200x128xf32> -> vector<3200x128xf32>
    %get3A_69 = arith.constant 0 : index
    %get3A_70 = arith.constant 0 : index
    %get3A_71 = vector.load %arg12[%get3A_69, %get3A_70] : memref<1x128xf32, #tpu.memory_space<vmem>>, vector<1x128xf32>
    %add3A_72 = vector.broadcast %get3A_71 : vector<1x128xf32> to vector<3200x128xf32>
    %add3A_73 = arith.addf %dot_general3A_68, %add3A_72 : vector<3200x128xf32>
    %reshape3A_74 = vector.shape_cast %add3A_73 : vector<3200x128xf32> to vector<200x16x128xf32>
    %broadcast_in_dim3A_75 = vector.shape_cast %add3A_61 : vector<200x128xf32> to vector<200x1x128xf32>
    %reshape3A_76 = vector.shape_cast %add3A_51 : vector<3200x128xf32> to vector<200x16x128xf32>
    %sub3A_77 = vector.broadcast %broadcast_in_dim3A_75 : vector<200x1x128xf32> to vector<200x16x128xf32>
    %sub3A_78 = arith.subf %sub3A_77, %reshape3A_76 : vector<200x16x128xf32>
    %add3A_79 = arith.addf %sub3A_78, %reshape3A_74 : vector<200x16x128xf32>
    %reduce_max3A = arith.constant dense<0xFF800000> : vector<200x128xf32>
    %reduce_max3A_80 = vector.multi_reduction <maximumf>, %add3A_79, %reduce_max3A [1] : vector<200x16x128xf32> to vector<200x128xf32>
    %broadcast_in_dim3A_81 = vector.shape_cast %reduce_max3A_80 : vector<200x128xf32> to vector<200x1x128xf32>
    %sub3A_82 = vector.broadcast %broadcast_in_dim3A_81 : vector<200x1x128xf32> to vector<200x16x128xf32>
    %sub3A_83 = arith.subf %add3A_79, %sub3A_82 : vector<200x16x128xf32>
    %exp3A = math.exp %sub3A_83 : vector<200x16x128xf32>
    %reduce_sum3A = arith.constant dense<0.000000e+00> : vector<200x128xf32>
    %reduce_sum3A_84 = vector.multi_reduction <add>, %exp3A, %reduce_sum3A [1] : vector<200x16x128xf32> to vector<200x128xf32>
    %broadcast_in_dim3A_85 = vector.shape_cast %reduce_sum3A_84 : vector<200x128xf32> to vector<200x1x128xf32>
    %div3A = vector.broadcast %broadcast_in_dim3A_85 : vector<200x1x128xf32> to vector<200x16x128xf32>
    %div3A_86 = arith.divf %exp3A, %div3A : vector<200x16x128xf32>
    %reshape3A_87 = vector.shape_cast %add3A_41 : vector<3200x128xf32> to vector<200x16x128xf32>
    %add3A_88 = arith.addf %reshape3A_87, %reshape3A_74 : vector<200x16x128xf32>
    %mul3A_89 = arith.mulf %div3A_86, %add3A_88 : vector<200x16x128xf32>
    %reduce_sum3A_90 = arith.constant dense<0.000000e+00> : vector<200x128xf32>
    %reduce_sum3A_91 = vector.multi_reduction <add>, %mul3A_89, %reduce_sum3A_90 [1] : vector<200x16x128xf32> to vector<200x128xf32>
    %add3A_92 = arith.addf %select_n3A, %reduce_sum3A_91 : vector<200x128xf32>
    %slice3A_93 = vector.extract_strided_slice %reshape3A {offsets = [0, 16, 0], sizes = [200, 16, 128], strides = [1, 1, 1]} : vector<200x32x128xf32> to vector<200x16x128xf32>
    %reshape3A_94 = vector.shape_cast %slice3A_93 : vector<200x16x128xf32> to vector<3200x128xf32>
    %slice3A_95 = vector.extract_strided_slice %reshape3A_11 {offsets = [0, 16, 0], sizes = [200, 16, 16], strides = [1, 1, 1]} : vector<200x32x16xf32> to vector<200x16x16xf32>
    %get3A_96 = arith.constant 0 : index
    %get3A_97 = arith.constant 0 : index
    %get3A_98 = vector.load %arg13[%get3A_96, %get3A_97] : memref<128x128xf32, #tpu.memory_space<vmem>>, vector<128x128xf32>
    %dot_general3A_99 = arith.constant dense<0.000000e+00> : vector<3200x128xf32>
    %dot_general3A_100 = tpu.matmul %reshape3A_94, %get3A_98, %dot_general3A_99 {dimension_numbers = #tpu.dot_dimension_numbers<[1], [0], [0], [1], [0, 0, 1, 1], [], []>, transpose_lhs_hint = false} : vector<3200x128xf32>, vector<128x128xf32>, vector<3200x128xf32> -> vector<3200x128xf32>
    %get3A_101 = arith.constant 0 : index
    %get3A_102 = arith.constant 0 : index
    %get3A_103 = vector.load %arg14[%get3A_101, %get3A_102] : memref<1x128xf32, #tpu.memory_space<vmem>>, vector<1x128xf32>
    %add3A_104 = vector.broadcast %get3A_103 : vector<1x128xf32> to vector<3200x128xf32>
    %add3A_105 = arith.addf %dot_general3A_100, %add3A_104 : vector<3200x128xf32>
    %get3A_106 = arith.constant 0 : index
    %get3A_107 = arith.constant 0 : index
    %get3A_108 = vector.load %arg15[%get3A_106, %get3A_107] : memref<128x128xf32, #tpu.memory_space<vmem>>, vector<128x128xf32>
    %dot_general3A_109 = arith.constant dense<0.000000e+00> : vector<3200x128xf32>
    %dot_general3A_110 = tpu.matmul %reshape3A_94, %get3A_108, %dot_general3A_109 {dimension_numbers = #tpu.dot_dimension_numbers<[1], [0], [0], [1], [0, 0, 1, 1], [], []>, transpose_lhs_hint = false} : vector<3200x128xf32>, vector<128x128xf32>, vector<3200x128xf32> -> vector<3200x128xf32>
    %get3A_111 = arith.constant 0 : index
    %get3A_112 = arith.constant 0 : index
    %get3A_113 = vector.load %arg16[%get3A_111, %get3A_112] : memref<1x128xf32, #tpu.memory_space<vmem>>, vector<1x128xf32>
    %add3A_114 = vector.broadcast %get3A_113 : vector<1x128xf32> to vector<3200x128xf32>
    %add3A_115 = arith.addf %dot_general3A_110, %add3A_114 : vector<3200x128xf32>
    %get3A_116 = arith.constant 0 : index
    %get3A_117 = arith.constant 0 : index
    %get3A_118 = vector.load %arg17[%get3A_116, %get3A_117] : memref<128x128xf32, #tpu.memory_space<vmem>>, vector<128x128xf32>
    %dot_general3A_119 = arith.constant dense<0.000000e+00> : vector<200x128xf32>
    %dot_general3A_120 = tpu.matmul %get3A_1, %get3A_118, %dot_general3A_119 {dimension_numbers = #tpu.dot_dimension_numbers<[1], [0], [0], [1], [0, 0, 1, 1], [], []>, transpose_lhs_hint = false} : vector<200x128xf32>, vector<128x128xf32>, vector<200x128xf32> -> vector<200x128xf32>
    %get3A_121 = arith.constant 0 : index
    %get3A_122 = arith.constant 0 : index
    %get3A_123 = vector.load %arg18[%get3A_121, %get3A_122] : memref<1x128xf32, #tpu.memory_space<vmem>>, vector<1x128xf32>
    %add3A_124 = vector.broadcast %get3A_123 : vector<1x128xf32> to vector<200x128xf32>
    %add3A_125 = arith.addf %dot_general3A_120, %add3A_124 : vector<200x128xf32>
    %broadcast_in_dim3A_126 = vector.shape_cast %get3A_4 : vector<200x16xf32> to vector<200x1x16xf32>
    %sub3A_127 = vector.broadcast %broadcast_in_dim3A_126 : vector<200x1x16xf32> to vector<200x16x16xf32>
    %sub3A_128 = arith.subf %sub3A_127, %slice3A_95 : vector<200x16x16xf32>
    %reshape3A_129 = vector.shape_cast %sub3A_128 : vector<200x16x16xf32> to vector<3200x16xf32>
    %get3A_130 = arith.constant 0 : index
    %get3A_131 = arith.constant 0 : index
    %get3A_132 = vector.load %arg19[%get3A_130, %get3A_131] : memref<16x128xf32, #tpu.memory_space<vmem>>, vector<16x128xf32>
    %dot_general3A_133 = arith.constant dense<0.000000e+00> : vector<3200x128xf32>
    %dot_general3A_134 = tpu.matmul %reshape3A_129, %get3A_132, %dot_general3A_133 {dimension_numbers = #tpu.dot_dimension_numbers<[1], [0], [0], [1], [0, 0, 1, 1], [], []>, transpose_lhs_hint = false} : vector<3200x16xf32>, vector<16x128xf32>, vector<3200x128xf32> -> vector<3200x128xf32>
    %get3A_135 = arith.constant 0 : index
    %get3A_136 = arith.constant 0 : index
    %get3A_137 = vector.load %arg20[%get3A_135, %get3A_136] : memref<1x128xf32, #tpu.memory_space<vmem>>, vector<1x128xf32>
    %add3A_138 = vector.broadcast %get3A_137 : vector<1x128xf32> to vector<3200x128xf32>
    %add3A_139 = arith.addf %dot_general3A_134, %add3A_138 : vector<3200x128xf32>
    %reshape3A_140 = vector.shape_cast %add3A_139 : vector<3200x128xf32> to vector<200x16x128xf32>
    %broadcast_in_dim3A_141 = vector.shape_cast %add3A_125 : vector<200x128xf32> to vector<200x1x128xf32>
    %reshape3A_142 = vector.shape_cast %add3A_115 : vector<3200x128xf32> to vector<200x16x128xf32>
    %sub3A_143 = vector.broadcast %broadcast_in_dim3A_141 : vector<200x1x128xf32> to vector<200x16x128xf32>
    %sub3A_144 = arith.subf %sub3A_143, %reshape3A_142 : vector<200x16x128xf32>
    %add3A_145 = arith.addf %sub3A_144, %reshape3A_140 : vector<200x16x128xf32>
    %reduce_max3A_146 = arith.constant dense<0xFF800000> : vector<200x128xf32>
    %reduce_max3A_147 = vector.multi_reduction <maximumf>, %add3A_145, %reduce_max3A_146 [1] : vector<200x16x128xf32> to vector<200x128xf32>
    %broadcast_in_dim3A_148 = vector.shape_cast %reduce_max3A_147 : vector<200x128xf32> to vector<200x1x128xf32>
    %sub3A_149 = vector.broadcast %broadcast_in_dim3A_148 : vector<200x1x128xf32> to vector<200x16x128xf32>
    %sub3A_150 = arith.subf %add3A_145, %sub3A_149 : vector<200x16x128xf32>
    %exp3A_151 = math.exp %sub3A_150 : vector<200x16x128xf32>
    %reduce_sum3A_152 = arith.constant dense<0.000000e+00> : vector<200x128xf32>
    %reduce_sum3A_153 = vector.multi_reduction <add>, %exp3A_151, %reduce_sum3A_152 [1] : vector<200x16x128xf32> to vector<200x128xf32>
    %broadcast_in_dim3A_154 = vector.shape_cast %reduce_sum3A_153 : vector<200x128xf32> to vector<200x1x128xf32>
    %div3A_155 = vector.broadcast %broadcast_in_dim3A_154 : vector<200x1x128xf32> to vector<200x16x128xf32>
    %div3A_156 = arith.divf %exp3A_151, %div3A_155 : vector<200x16x128xf32>
    %reshape3A_157 = vector.shape_cast %add3A_105 : vector<3200x128xf32> to vector<200x16x128xf32>
    %add3A_158 = arith.addf %reshape3A_157, %reshape3A_140 : vector<200x16x128xf32>
    %mul3A_159 = arith.mulf %div3A_156, %add3A_158 : vector<200x16x128xf32>
    %reduce_sum3A_160 = arith.constant dense<0.000000e+00> : vector<200x128xf32>
    %reduce_sum3A_161 = vector.multi_reduction <add>, %mul3A_159, %reduce_sum3A_160 [1] : vector<200x16x128xf32> to vector<200x128xf32>
    %add3A_162 = arith.addf %add3A_92, %reduce_sum3A_161 : vector<200x128xf32>
    %get3A_163 = arith.constant 0 : index
    %get3A_164 = arith.constant 0 : index
    %get3A_165 = vector.load %arg24[%get3A_163, %get3A_164] : memref<128x128xf32, #tpu.memory_space<vmem>>, vector<128x128xf32>
    %dot_general3A_166 = arith.constant dense<0.000000e+00> : vector<200x128xf32>
    %dot_general3A_167 = tpu.matmul %add3A_162, %get3A_165, %dot_general3A_166 {dimension_numbers = #tpu.dot_dimension_numbers<[1], [0], [0], [1], [0, 0, 1, 1], [], []>, transpose_lhs_hint = false} : vector<200x128xf32>, vector<128x128xf32>, vector<200x128xf32> -> vector<200x128xf32>
    %get3A_168 = arith.constant 0 : index
    %get3A_169 = arith.constant 0 : index
    %get3A_170 = vector.load %arg25[%get3A_168, %get3A_169] : memref<1x128xf32, #tpu.memory_space<vmem>>, vector<1x128xf32>
    %add3A_171 = vector.broadcast %get3A_170 : vector<1x128xf32> to vector<200x128xf32>
    %add3A_172 = arith.addf %dot_general3A_167, %add3A_171 : vector<200x128xf32>
    %ge3A_173 = arith.constant 0.000000e+00 : f32
    %ge3A_174 = vector.broadcast %ge3A_173 : f32 to vector<200x128xf32>
    %ge3A_175 = arith.cmpf oge, %add3A_172, %ge3A_174 : vector<200x128xf32>
    %mul3A_176 = arith.constant 2.000000e-01 : f32
    %mul3A_177 = vector.broadcast %mul3A_176 : f32 to vector<200x128xf32>
    %mul3A_178 = arith.mulf %mul3A_177, %add3A_172 : vector<200x128xf32>
    %select_n3A_179 = arith.select %ge3A_175, %add3A_172, %mul3A_178 : vector<200x128xi1>, vector<200x128xf32>
    %get3A_180 = arith.constant 0 : index
    %get3A_181 = arith.constant 0 : index
    %get3A_182 = vector.load %arg26[%get3A_180, %get3A_181] : memref<128x16xf32, #tpu.memory_space<vmem>>, vector<128x16xf32>
    %dot_general3A_183 = arith.constant dense<0.000000e+00> : vector<200x16xf32>
    %dot_general3A_184 = tpu.matmul %select_n3A_179, %get3A_182, %dot_general3A_183 {dimension_numbers = #tpu.dot_dimension_numbers<[1], [0], [0], [1], [0, 0, 1, 1], [], []>, transpose_lhs_hint = false} : vector<200x128xf32>, vector<128x16xf32>, vector<200x16xf32> -> vector<200x16xf32>
    %get3A_185 = arith.constant 0 : index
    %get3A_186 = arith.constant 0 : index
    %get3A_187 = vector.load %arg27[%get3A_185, %get3A_186] : memref<1x16xf32, #tpu.memory_space<vmem>>, vector<1x16xf32>
    %add3A_188 = vector.broadcast %get3A_187 : vector<1x16xf32> to vector<200x16xf32>
    %add3A_189 = arith.addf %dot_general3A_184, %add3A_188 : vector<200x16xf32>
    %add3A_190 = arith.addf %add3A_189, %get3A_4 : vector<200x16xf32>
    %swap3A = arith.constant 0 : index
    %swap3A_191 = arith.constant 0 : index
    %swap3A_192 = vector.load %arg28[%swap3A, %swap3A_191] : memref<200x16xf32, #tpu.memory_space<vmem>>, vector<200x16xf32>
    tpu.vector_store %arg28[%swap3A, %swap3A_191], %add3A_190 {strides = array<i32>} : memref<200x16xf32, #tpu.memory_space<vmem>>, vector<200x16xf32>,
    return
  }
  func.func @transform_0(%arg0: i32) -> (i32, i32) {
    %c0_i32 = arith.constant 0 : i32
    %c0_i32_0 = arith.constant 0 : i32
    return %arg0, %c0_i32 : i32, i32
  }
  func.func @transform_1(%arg0: i32) -> (i32, i32) {
    %c0_i32 = arith.constant 0 : i32
    %c0_i32_0 = arith.constant 0 : i32
    return %arg0, %c0_i32 : i32, i32
  }
  func.func @transform_2(%arg0: i32) -> (i32, i32) {
    %c0_i32 = arith.constant 0 : i32
    %c0_i32_0 = arith.constant 0 : i32
    return %arg0, %c0_i32 : i32, i32
  }
  func.func @transform_3(%arg0: i32) -> (i32, i32) {
    %c0_i32 = arith.constant 0 : i32
    %c0_i32_0 = arith.constant 0 : i32
    return %arg0, %c0_i32 : i32, i32
  }
  func.func @transform_4(%arg0: i32) -> (i32, i32) {
    %c0_i32 = arith.constant 0 : i32
    %c0_i32_0 = arith.constant 0 : i32
    %c0_i32_1 = arith.constant 0 : i32
    return %c0_i32, %c0_i32_0 : i32, i32
  }
  func.func @transform_5(%arg0: i32) -> (i32, i32) {
    %c0_i32 = arith.constant 0 : i32
    %c0_i32_0 = arith.constant 0 : i32
    %c0_i32_1 = arith.constant 0 : i32
    return %c0_i32, %c0_i32_0 : i32, i32
  }
  func.func @transform_6(%arg0: i32) -> (i32, i32) {
    %c0_i32 = arith.constant 0 : i32
    %c0_i32_0 = arith.constant 0 : i32
    %c0_i32_1 = arith.constant 0 : i32
    return %c0_i32, %c0_i32_0 : i32, i32
  }
  func.func @transform_7(%arg0: i32) -> (i32, i32) {
    %c0_i32 = arith.constant 0 : i32
    %c0_i32_0 = arith.constant 0 : i32
    %c0_i32_1 = arith.constant 0 : i32
    return %c0_i32, %c0_i32_0 : i32, i32
  }
  func.func @transform_8(%arg0: i32) -> (i32, i32) {
    %c0_i32 = arith.constant 0 : i32
    %c0_i32_0 = arith.constant 0 : i32
    %c0_i32_1 = arith.constant 0 : i32
    return %c0_i32, %c0_i32_0 : i32, i32
  }
  func.func @transform_9(%arg0: i32) -> (i32, i32) {
    %c0_i32 = arith.constant 0 : i32
    %c0_i32_0 = arith.constant 0 : i32
    %c0_i32_1 = arith.constant 0 : i32
    return %c0_i32, %c0_i32_0 : i32, i32
  }
  func.func @transform_10(%arg0: i32) -> (i32, i32) {
    %c0_i32 = arith.constant 0 : i32
    %c0_i32_0 = arith.constant 0 : i32
    %c0_i32_1 = arith.constant 0 : i32
    return %c0_i32, %c0_i32_0 : i32, i32
  }
  func.func @transform_11(%arg0: i32) -> (i32, i32) {
    %c0_i32 = arith.constant 0 : i32
    %c0_i32_0 = arith.constant 0 : i32
    %c0_i32_1 = arith.constant 0 : i32
    return %c0_i32, %c0_i32_0 : i32, i32
  }
  func.func @transform_12(%arg0: i32) -> (i32, i32) {
    %c0_i32 = arith.constant 0 : i32
    %c0_i32_0 = arith.constant 0 : i32
    %c0_i32_1 = arith.constant 0 : i32
    return %c0_i32, %c0_i32_0 : i32, i32
  }
  func.func @transform_13(%arg0: i32) -> (i32, i32) {
    %c0_i32 = arith.constant 0 : i32
    %c0_i32_0 = arith.constant 0 : i32
    %c0_i32_1 = arith.constant 0 : i32
    return %c0_i32, %c0_i32_0 : i32, i32
  }
  func.func @transform_14(%arg0: i32) -> (i32, i32) {
    %c0_i32 = arith.constant 0 : i32
    %c0_i32_0 = arith.constant 0 : i32
    %c0_i32_1 = arith.constant 0 : i32
    return %c0_i32, %c0_i32_0 : i32, i32
  }
  func.func @transform_15(%arg0: i32) -> (i32, i32) {
    %c0_i32 = arith.constant 0 : i32
    %c0_i32_0 = arith.constant 0 : i32
    %c0_i32_1 = arith.constant 0 : i32
    return %c0_i32, %c0_i32_0 : i32, i32
  }
  func.func @transform_16(%arg0: i32) -> (i32, i32) {
    %c0_i32 = arith.constant 0 : i32
    %c0_i32_0 = arith.constant 0 : i32
    %c0_i32_1 = arith.constant 0 : i32
    return %c0_i32, %c0_i32_0 : i32, i32
  }
  func.func @transform_17(%arg0: i32) -> (i32, i32) {
    %c0_i32 = arith.constant 0 : i32
    %c0_i32_0 = arith.constant 0 : i32
    %c0_i32_1 = arith.constant 0 : i32
    return %c0_i32, %c0_i32_0 : i32, i32
  }
  func.func @transform_18(%arg0: i32) -> (i32, i32) {
    %c0_i32 = arith.constant 0 : i32
    %c0_i32_0 = arith.constant 0 : i32
    %c0_i32_1 = arith.constant 0 : i32
    return %c0_i32, %c0_i32_0 : i32, i32
  }
  func.func @transform_19(%arg0: i32) -> (i32, i32) {
    %c0_i32 = arith.constant 0 : i32
    %c0_i32_0 = arith.constant 0 : i32
    %c0_i32_1 = arith.constant 0 : i32
    return %c0_i32, %c0_i32_0 : i32, i32
  }
  func.func @transform_20(%arg0: i32) -> (i32, i32) {
    %c0_i32 = arith.constant 0 : i32
    %c0_i32_0 = arith.constant 0 : i32
    %c0_i32_1 = arith.constant 0 : i32
    return %c0_i32, %c0_i32_0 : i32, i32
  }
  func.func @transform_21(%arg0: i32) -> (i32, i32) {
    %c0_i32 = arith.constant 0 : i32
    %c0_i32_0 = arith.constant 0 : i32
    %c0_i32_1 = arith.constant 0 : i32
    return %c0_i32, %c0_i32_0 : i32, i32
  }
  func.func @transform_22(%arg0: i32) -> (i32, i32) {
    %c0_i32 = arith.constant 0 : i32
    %c0_i32_0 = arith.constant 0 : i32
    %c0_i32_1 = arith.constant 0 : i32
    return %c0_i32, %c0_i32_0 : i32, i32
  }
  func.func @transform_23(%arg0: i32) -> (i32, i32) {
    %c0_i32 = arith.constant 0 : i32
    %c0_i32_0 = arith.constant 0 : i32
    %c0_i32_1 = arith.constant 0 : i32
    return %c0_i32, %c0_i32_0 : i32, i32
  }
  func.func @transform_24(%arg0: i32) -> (i32, i32) {
    %c0_i32 = arith.constant 0 : i32
    %c0_i32_0 = arith.constant 0 : i32
    %c0_i32_1 = arith.constant 0 : i32
    return %c0_i32, %c0_i32_0 : i32, i32
  }
  func.func @transform_25(%arg0: i32) -> (i32, i32) {
    %c0_i32 = arith.constant 0 : i32
    %c0_i32_0 = arith.constant 0 : i32
    %c0_i32_1 = arith.constant 0 : i32
    return %c0_i32, %c0_i32_0 : i32, i32
  }
  func.func @transform_26(%arg0: i32) -> (i32, i32) {
    %c0_i32 = arith.constant 0 : i32
    %c0_i32_0 = arith.constant 0 : i32
    %c0_i32_1 = arith.constant 0 : i32
    return %c0_i32, %c0_i32_0 : i32, i32
  }
  func.func @transform_27(%arg0: i32) -> (i32, i32) {
    %c0_i32 = arith.constant 0 : i32
    %c0_i32_0 = arith.constant 0 : i32
    return %arg0, %c0_i32 : i32, i32
  }
}

</mosaic_0001>

<sc_bundles>
// kernel: kernel.5.cloned.1.call-start
scs
__scs_entry_jumppad:
0x0: {  	(pc) =	sbr.rel $0x88, $3  }
0x1: {  	(tag) =	ssettag $0x0;
	lr =	simm.s32 $0x1  }
0x2: {  	[smem:$0x3F89] =	sst lr;
	_ =	strace $0xD0000000  }
0x3: {  	_ = 	snop  }
0x4: {  	_ = 	snop  }
0x5: {  	_ = 	snop  }
0x6: {  	_ = 	snop  }
0x7: {  	_ = 	snop  }
__scs_overlays_trampoline_lowered:
0x8: {  	[smem:$0x3F98] =	sst s0  }
0x9: {  	[smem:$0x3F99] =	sst s1  }
0xa: {  	[smem:$0x3F9A] =	sst s2  }
0xb: {  	[smem:$0x3F9B] =	sst s3  }
0xc: {  	[smem:$0x3F9C] =	sst s4  }
0xd: {  	[smem:$0x3F9D] =	sst s5  }
0xe: {  	[smem:$0x3F9E] =	sst s6  }
0xf: {  	[smem:$0x3F9F] =	sst s7  }
0x10: {  	[smem:$0x3FA0] =	sst s8  }
0x11: {  	[smem:$0x3FA1] =	sst s9;
	s0 =	simm.s32 @!p0 $0x0  }
0x12: {  	s1 =	sld [smem:$0x3F87];
	s0 =	simm.s32 @p0 $0x1  }
0x13: {  	[smem:$0x3FA2] =	sst s0;
	s0 =	simm.s32 @!p1 $0x0  }
0x14: {  	s2 =	sld [smem:$0x3F86];
	s0 =	simm.s32 @p1 $0x1  }
0x15: {  	[smem:$0x3FA3] =	sst s0;
	s0 =	simm.s32 @!p2 $0x0  }
0x16: {  	s3 =	sld [smem:$0x3FDB];
	s0 =	simm.s32 @p2 $0x1  }
0x17: {  	s4 =	simm.s32 $0x1BF5;
	[smem:$0x3FA5] =	sst s0  }
0x18: {  	s0 =	sld [smem:$0x3F88];
	_ =	swait.ge [sflag:s4], $0x0  }
0x19: {  	s7 =	sld [smem:$0x3F89]  }
0x1a: {  	s8 =	sadd.s32 $0xFFFFE003, lr  }
0x1b: {  	s9 =	sadd.s32 $0xFFFFFEF7, lr;
	s5 =	simm.s32 $0xFFFFFFFF;
	p2 =	slt.u32 s8, $0xFFFFF086  }
0x1c: {  	p1 =	slt.u32 s9, $0xF7A;
	s5 =	simm.s32 @!p2 $0x0  }
0x1d: {  	s5 =	simm.s32 @p1 $0x1;
	p0 =	seq.s32 s7, s2  }
0x1e: {  	s7 =	smul.u32 @!p0 $0xF7A, s2;
	p2 =	seq.s32 @!p0 s5, $0x0  }
0x1f: {  	s9 =	smul.u32 $0xF7A, s1;
	s8 =	simm.s32 @!p0 $0x1BF5;
	p2 =	por !p2, p0  }
0x20: {  	[sflag:s8] =	ssyncset.s32 @!p0 $0xFFFFF086;
	s6 =	sadd.s32 @!p0 s3, s7;
	s7 =	simm.s32 @!p0 $0x108  }
0x21: {  	s3 =	sadd.s32 s3, s9;
	s6 =	sadd.s32 @!p0 $0x88, s6;
	s7 =	simm.s32 @p2 $0x1082  }
0x22: {  	[simem:s7], [sflag:s8] =	dma.local @!p0 [hbm:s6], $0xF7A  }
0x23: {  	s9 =	sor.u32 $0xD0000000, s2;
	s6 =	simm.s32 $0x108;
	_ =	swait.ge @!p0 [sflag:s8], $0x0  }
0x24: {  	s3 =	sadd.s32 $0x88, s3;
	s6 =	simm.s32 @!p1 $0x1082;
	[sflag:s4] =	ssyncset.s32 $0xFFFFF086  }
0x25: {  	[simem:s6], [sflag:s4] =	dma.local [hbm:s3], $0xF7A  }
0x26: {  	[smem:$0x3F89] =	sst s1;
	(tag) =	ssettag s2;
	_ =	strace s9  }
0x27: {  	s1 =	sld [smem:$0x3F99]  }
0x28: {  	s2 =	sld [smem:$0x3F9A]  }
0x29: {  	s4 =	sld [smem:$0x3F9C]  }
0x2a: {  	p0 =	seq.s32 s5, $0x0;
	s5 =	sld [smem:$0x3F9D]  }
0x2b: {  	s6 =	sld [smem:$0x3F9E]  }
0x2c: {  	s7 =	sld [smem:$0x3F9F]  }
0x2d: {  	s3 =	simm.s32 $0x108;
	s8 =	sld [smem:$0x3FA0]  }
0x2e: {  	s3 =	simm.s32 @!p0 $0x1082;
	s9 =	sld [smem:$0x3FA1]  }
0x2f: {  	lr =	sadd.s32 s0, s3;
	s0 =	sld [smem:$0x3F98]  }
0x30: {  	s3 =	sld [smem:$0x3F9B]  }
0x31: {  	[smem:$0x3FA4] =	sst s10  }
0x32: {  	s10 =	sld [smem:$0x3FA2];
	_ =	sdelay $0x3  }
0x33: {  	p0 =	seq.s32 s10, $0x1;
	s10 =	sld [smem:$0x3FA4];
	_ =	sdelay $0x3  }
0x34: {  	[smem:$0x3FA4] =	sst s10  }
0x35: {  	s10 =	sld [smem:$0x3FA3];
	_ =	sdelay $0x3  }
0x36: {  	p1 =	seq.s32 s10, $0x1;
	s10 =	sld [smem:$0x3FA4];
	_ =	sdelay $0x3  }
0x37: {  	[smem:$0x3FA4] =	sst s10  }
0x38: {  	s10 =	sld [smem:$0x3FA5]  }
0x39: {  	_ = 	snop;
	(pc) =	sbr.ind lr, $3  }
0x3a: {  	_ = 	snop  }
0x3b: {  	_ = 	snop  }
0x3c: {  	p2 =	seq.s32 s10, $0x1;
	s10 =	sld [smem:$0x3FA4]  }
0x3d: {  	_ =	shalt  }
0x3e: {  	_ =	shalt  }
0x3f: {  	_ =	shalt  }
0x40: {  	_ =	shalt  }
0x41: {  	_ =	shalt  }
0x42: {  	_ =	shalt  }
0x43: {  	_ =	shalt  }
0x44: {  	_ =	shalt  }
0x45: {  	_ =	shalt  }
0x46: {  	_ =	shalt  }
0x47: {  	_ =	shalt  }
0x48: {  	_ =	shalt  }
0x49: {  	_ =	shalt  }
0x4a: {  	_ =	shalt  }
0x4b: {  	_ =	shalt  }
0x4c: {  	_ =	shalt  }
0x4d: {  	_ =	shalt  }
0x4e: {  	_ =	shalt  }
0x4f: {  	_ =	shalt  }
0x50: {  	_ =	shalt  }
0x51: {  	_ =	shalt  }
0x52: {  	_ =	shalt  }
0x53: {  	_ =	shalt  }
0x54: {  	_ =	shalt  }
0x55: {  	_ =	shalt  }
0x56: {  	_ =	shalt  }
0x57: {  	_ =	shalt  }
0x58: {  	_ =	shalt  }
0x59: {  	_ =	shalt  }
0x5a: {  	_ =	shalt  }
0x5b: {  	_ =	shalt  }
0x5c: {  	_ =	shalt  }
0x5d: {  	_ =	shalt  }
0x5e: {  	_ =	shalt  }
0x5f: {  	_ =	shalt  }
0x60: {  	_ =	shalt  }
0x61: {  	_ =	shalt  }
0x62: {  	_ =	shalt  }
0x63: {  	_ =	shalt  }
0x64: {  	_ =	shalt  }
0x65: {  	_ =	shalt  }
0x66: {  	_ =	shalt  }
0x67: {  	_ =	shalt  }
0x68: {  	_ =	shalt  }
0x69: {  	_ =	shalt  }
0x6a: {  	_ =	shalt  }
0x6b: {  	_ =	shalt  }
0x6c: {  	_ =	shalt  }
0x6d: {  	_ =	shalt  }
0x6e: {  	_ =	shalt  }
0x6f: {  	_ =	shalt  }
0x70: {  	_ =	shalt  }
0x71: {  	_ =	shalt  }
0x72: {  	_ =	shalt  }
0x73: {  	_ =	shalt  }
0x74: {  	_ =	shalt  }
0x75: {  	_ =	shalt  }
0x76: {  	_ =	shalt  }
0x77: {  	_ =	shalt  }
0x78: {  	_ =	shalt  }
0x79: {  	_ =	shalt  }
0x7a: {  	_ =	shalt  }
0x7b: {  	_ =	shalt  }
0x7c: {  	_ =	shalt  }
0x7d: {  	_ =	shalt  }
0x7e: {  	_ =	shalt  }
0x7f: {  	_ =	shalt  }
0x80: {  	_ =	shalt  }
0x81: {  	_ =	shalt  }
0x82: {  	_ =	shalt  }
0x83: {  	_ =	shalt  }
0x84: {  	_ =	shalt  }
0x85: {  	_ =	shalt  }
0x86: {  	_ =	shalt  }
0x87: {  	_ =	shalt  }
.Lfunc_end0:
.L_simem_size_0:
called_computation_lowered:
.L_overlay_start_0:
0x88: {  	s2 =	sld [smem:$0x3FD9]  }
0x89: {  	s3 =	sld [smem:$0x3FFE];
	_ =	sdelay $0x1  }
0x8a: {  	s1 =	srdreg.scid  }
0x8b: {  	s0 =	sand.u32 $0x1, s1  }
0x8c: {  	s17 =	sshll.u32 s0, $0xA;
	s2 =	sadd.s32 s3, s2  }
0x8d: {  	s2 =	sadd.s32 s2, s17  }
0x8e: {  	[smem:$0x3FB0] =	sst s2  }
0x8f: {  	_ = 	snop  }
0x90: {  	s2 =	sld [smem:$0x3FC9];
	(tm) =	ssettm $0x1  }
0x91: {  	s18 =	sld [smem:$0x3FFB];
	_ =	sdelay $0x3  }
0x92: {  	_ =	strace s18  }
0x93: {  	s3 =	sld [smem:$0x3FFC];
	_ =	sdelay $0x3  }
0x94: {  	_ =	strace s3  }
0x95: {  	s3 =	sld [smem:$0x3FFD];
	_ =	sdelay $0x3  }
0x96: {  	_ =	strace s3  }
0x97: {  	_ =	strace $0x8FFFFFFF  }
0x98: {  	s19 =	sld [smem:$0x3FDB];
	_ =	sdelay $0x1  }
0x99: {  	s4 =	simm.s32 $_scs_section_size  }
0x9a: {  	s5 =	simm.s32 $_size__tile_overlayer_lowered;
	s6 =	simm.s32 $_tile_overlayer_lowered  }
0x9b: {  	s22 =	simm.s32 $0x1BFF;
	s21 =	sshll.u32 s6, $0x1;
	s3 =	sadd.s32 s4, s19  }
0x9c: {  	s7 =	simm.s32 $0x0;
	s20 =	sshll.u32 s5, $0x1;
	s5 =	sadd.s32 s21, s3  }
0x9d: {  	[timem:s7], [sflag:s22] =	dma.local [hbm:s5], s20  }
0x9e: {  	_ =	swait.ge [sflag:s22], s20  }
0x9f: {  	s4 =	ssub.s32 $0x0, s20;
	[sflag:s22] =	ssyncset.done $0x0  }
0xa0: {  	[sflag:s22] =	ssyncadd.s32 s4;
	_ =	sdelay $0x1  }
0xa1: {  	s23 =	simm.s32 $0x1B8B  }
0xa2: {  	_ =	swait.ge [sflag:s23], $0x1  }
0xa3: {  	[sflag:s23] =	ssyncset.done $0x0  }
0xa4: {  	s25 =	simm.s32 $0x1B8E;
	s24 =	sld [smem:$0x3FFE];
	[sflag:s23] =	ssyncadd.s32 $0xFFFFFFFF  }
0xa5: {  	s26 =	simm.s32 $execute0_lowered;
	[smem:$0x3FD2] =	sst s25  }
0xa6: {  	s5 =	sshll.u32 s26, $0x1;
	_ =	strace $0x80000046;
	[dreg:$0x1] =	wrdreg $0xFFFFFFFF  }
0xa7: {  	s28 =	simm.s32 $_size_execute0_lowered;
	s3 =	sadd.s32 s3, s5;
	[dreg:$0x0] =	wrdreg $0x0  }
0xa8: {  	s5 =	sshll.u32 s28, $0x1;
	[dreg:$0x2] =	wrdreg s3  }
0xa9: {  	[dreg:$0x3] =	wrdreg s5  }
0xaa: {  	[dreg:$0x4] =	wrdreg $0xC0  }
0xab: {  	_ =	task [dreg:s7], $0x5FFFF  }
0xac: {  	[dreg:$0x1] =	wrdreg $0xFFFFFFFF  }
0xad: {  	[dreg:$0x0] =	wrdreg $0x60  }
0xae: {  	[dreg:$0x2] =	wrdreg s2  }
0xaf: {  	[dreg:$0x3] =	wrdreg s24  }
0xb0: {  	[dreg:$0x4] =	wrdreg $0x9  }
0xb1: {  	_ =	task.clear_ibuf [dreg:s7], $0x5FFFF;
	_ =	strace $0x90000046  }
0xb2: {  	s29 =	simm.s32 $0x9;
	_ =	strace $0x80000048  }
0xb3: {  	_ =	swait.ge [sflag:s29], $0x1  }
0xb4: {  	[sflag:s29] =	ssyncadd.s32 $0xFFFFFFFF  }
0xb5: {  	_ =	strace $0x90000048  }
0xb6: {  	_ =	sfence  }
0xb7: {  	s30 =	sld [smem:$0x0];
	_ =	sdelay $0x2  }
0xb8: {  	s31 =	sshll.u32 s1, $0xD;
	s1 =	sshrl.u32 s1, $0x2  }
0xb9: {  	s3 =	sand.u32 $0x4000, s31;
	s1 =	sadd.s32 s1, s30  }
0xba: {  	s0 =	sor.u32 s3, s0;
	s1 =	sshll.u32 s1, $0x11  }
0xbb: {  	s0 =	sor.u32 s1, s0  }
0xbc: {  	s0 =	sadd.s32 $0x8F2B, s0  }
0xbd: {  	[sflag:s0] =	ssyncadd.remote.s32 $0x1  }
0xbe: {  	_ =	sfence.sel $0xFFFF  }
0xbf: {  	[dreg:$0x0] =	wrdreg $0xFFFFFFFF;
	(pc) =	sbr.abs _section_cstart, $3  }
0xc0: {  	[dreg:$0x1] =	wrdreg $0xFFFFFFFF  }
0xc1: {  	_ =	task.clear_ibuf [dreg:s7], $0x2FFFF;
	_ =	strace $0x9FFFFFFF  }
0xc2: {  	(tm) =	ssettm $0x7FFFFFFF  }
0xc3: {  	_ =	shalt  }
tec
execute0_lowered:
.L_overlay_start_1:
0x0: {  	(tag) =	ssettag $0x1  }
0x1: {  	s1 =	rddreg [dreg:$0x0]  }
0x2: {  	s5 =	rddreg [dreg:$0x1]  }
0x3: {  	s0 =	rddreg [dreg:$0x2];
	s3 =	simm.s32 $0x0;
	s2 =	stileid.u32  }
0x4: {  	s4 =	srdreg.scid;
	s18 =	simm.s32 $0x0;
	s13 =	smul.u32 $0x9C40, s2  }
0x5: {  	[smem:$0x7FF] =	sst s3;
	s9 =	sand.u32 $0x1, s4;
	s16 =	smul.u32 $0x4E20, s2  }
0x6: {  	s24 =	sshll.u32 s2, $0x1;
	s4 =	sadd.s32 $0x3E00, s5;
	s29 =	smul.u32 $0x4E200, s2  }
0x7: {  	s11 =	sadd.s32 $0x8E00, s5;
	s10 =	sadd.s32 $0xAF000, s5;
	s15 =	smul.u32 $0x4E20, s9  }
0x8: {  	s6 =	sor.u32 s9, s24;
	s25 =	ssub.s32 $0x2, s9;
	s17 =	smul.u32 $0x2710, s9  }
0x9: {  	s12 =	sadd.s32 $0x12C00, s5;
	s6 =	smul.u32 $0x2710, s6;
	s7 =	sshrl.u32 s25, $0x1  }
0xa: {  	_ =	strace $0x80000047;
	s30 =	smul.u32 $0x27100, s9;
	s14 =	ssub.s32 s25, s7  }
0xb: {  	s16 =	sadd.s32 s17, s16;
	s17 =	simm.s32 $0x10;
	s8 =	sadd.s32 $0x2700, s6  }
0xc: {  	s31 =	sshrl.u32 s16, $0x3;
	s16 =	simm.s32 $0x2;
	s26 =	sshrl.u32 s8, $0x3  }
0xd: {  	s6 =	sshll.u32 s8, $0x4;
	s28 =	sshll.u32 s8, $0x1;
	s8 =	smax.u32 s14, $0x1  }
0xe: {  	s14 =	simm.s32 $0x4080;
	s5 =	sadd.s32 s11, s26;
	s6 =	sadd.s32 s10, s6  }
0xf: {  	s7 =	sadd.s32 s12, s28;
	s12 =	sadd.s32 s13, s12;
	s10 =	sadd.s32 s29, s10  }
0x10: {  	s11 =	sadd.s32 s31, s11;
	s13 =	simm.s32 $0x80;
	s9 =	sadd.s32 s15, s12  }
0x11: {  	s10 =	sadd.s32 s30, s10;
	s12 =	simm.s32 $0x3;
	s15 =	simm.s32 $0x1  }
.LBB2_1:
0x12: {  	s19 =	sadd.s32 $0x0, s11  }
0x13: {  	[tilespmem:s3], [sflag:$0x3] =	stream.linear.gather [hbm4b:s19+s3], $0x80, $0x38;
	[tilespmem:$0x4880] =	vst v63  }
0x14: {  	_ =	swait.ge [sflag:s12], $0x80  }
0x15: {  	[sflag:s12] =	ssyncset.done $0x0  }
0x16: {  	[sflag:s12] =	ssyncadd.s32 $0xFFFFFF80  }
0x17: {  	[tilespmem:s13], [sflag:$0x1] =	stream.indirect.gather [hbm4b:s1+s13], $0x80, s3, s13, $0xb8;
	[tilespmem:$0x4880] =	vst v63  }
0x18: {  	_ = 	snop  }
0x19: {  	[tilespmem:s14], [sflag:$0x2] =	stream.indirect.gather [hbm4b:s4+s13], $0x10, s3, s13, $0xb8;
	[tilespmem:$0x4880] =	vst v63  }
0x1a: {  	_ =	swait.ge [sflag:s15], $0x4000  }
0x1b: {  	[sflag:s15] =	ssyncset.done $0x0  }
0x1c: {  	[sflag:s15] =	ssyncadd.s32 $0xFFFFC000  }
0x1d: {  	_ =	swait.ge [sflag:s16], $0x800  }
0x1e: {  	[sflag:s16] =	ssyncset.done $0x0  }
0x1f: {  	[sflag:s16] =	ssyncadd.s32 $0xFFFFF800  }
0x20: {  	[hbm4b:s10+s3] =	stream.linear.scatter [tilespmem:s13], [sflag:$0x3], $0x4000, $0x38;
	[tilespmem:$0x4880] =	vst v63  }
0x21: {  	_ =	swait.ge [sflag:s12], $0x4000  }
0x22: {  	[sflag:s12] =	ssyncset.done $0x0  }
0x23: {  	[sflag:s12] =	ssyncadd.s32 $0xFFFFC000  }
0x24: {  	[hbm4b:s9+s3] =	stream.linear.scatter [tilespmem:s14], [sflag:$0x3], $0x800, $0x38;
	[tilespmem:$0x4880] =	vst v63  }
0x25: {  	s21 =	simm.s32 $0x10;
	s22 =	simm.s32 $0x20;
	_ =	swait.ge [sflag:s12], $0x800  }
0x26: {  	s20 =	sadd.s32 $0x800, s10;
	s19 =	sadd.s32 $0x100, s9;
	[sflag:s12] =	ssyncset.done $0x0  }
.LBB2_2:
0x27: {  	s23 =	sadd.s32 s21, s11  }
0x28: {  	[sflag:s12] =	ssyncadd.s32 $0xFFFFF800;
	s21 =	smov.u32 s22;
	s24 =	sadd.s32 $0x10, s22  }
0x29: {  	[tilespmem:s3], [sflag:$0x3] =	stream.linear.gather [hbm4b:s23+s3], $0x80, $0x38;
	[tilespmem:$0x4880] =	vst v63  }
0x2a: {  	p0 =	sne.s32 s22, $0x4D0;
	_ =	swait.ge [sflag:s12], $0x80  }
0x2b: {  	[sflag:s12] =	ssyncset.done $0x0  }
0x2c: {  	[sflag:s12] =	ssyncadd.s32 $0xFFFFFF80  }
0x2d: {  	[tilespmem:s13], [sflag:$0x1] =	stream.indirect.gather [hbm4b:s1+s13], $0x80, s3, s13, $0xb8;
	[tilespmem:$0x4880] =	vst v63  }
0x2e: {  	_ = 	snop  }
0x2f: {  	[tilespmem:s14], [sflag:$0x2] =	stream.indirect.gather [hbm4b:s4+s13], $0x10, s3, s13, $0xb8;
	[tilespmem:$0x4880] =	vst v63  }
0x30: {  	_ =	swait.ge [sflag:s15], $0x4000  }
0x31: {  	[sflag:s15] =	ssyncset.done $0x0  }
0x32: {  	[sflag:s15] =	ssyncadd.s32 $0xFFFFC000  }
0x33: {  	_ =	swait.ge [sflag:s16], $0x800  }
0x34: {  	[sflag:s16] =	ssyncset.done $0x0  }
0x35: {  	[sflag:s16] =	ssyncadd.s32 $0xFFFFF800  }
0x36: {  	[hbm4b:s20+s3] =	stream.linear.scatter [tilespmem:s13], [sflag:$0x3], $0x4000, $0x38;
	[tilespmem:$0x4880] =	vst v63  }
0x37: {  	_ =	swait.ge [sflag:s12], $0x4000  }
.Ltmp0:
0x38: {  	[sflag:s12] =	ssyncset.done $0x0;
	(pc) =	sbr.rel @p0 .LBB2_2-.Ltmp0, $4  }
0x39: {  	[sflag:s12] =	ssyncadd.s32 $0xFFFFC000  }
0x3a: {  	[hbm4b:s19+s3] =	stream.linear.scatter [tilespmem:s14], [sflag:$0x3], $0x800, $0x38;
	[tilespmem:$0x4880] =	vst v63  }
0x3b: {  	s22 =	smov.u32 s24;
	_ =	swait.ge [sflag:s12], $0x800  }
0x3c: {  	s20 =	sadd.s32 $0x800, s20;
	s19 =	sadd.s32 $0x100, s19;
	[sflag:s12] =	ssyncset.done $0x0  }
0x3d: {  	s21 =	sadd.s32 s21, s11;
	[sflag:s12] =	ssyncadd.s32 $0xFFFFF800  }
0x3e: {  	[tilespmem:s3], [sflag:$0x3] =	stream.linear.gather [hbm4b:s21+s3], $0x80, $0x38;
	[tilespmem:$0x4880] =	vst v63  }
0x3f: {  	_ =	swait.ge [sflag:s12], $0x80  }
0x40: {  	[sflag:s12] =	ssyncset.done $0x0  }
0x41: {  	[sflag:s12] =	ssyncadd.s32 $0xFFFFFF80  }
0x42: {  	[tilespmem:s13], [sflag:$0x1] =	stream.indirect.gather [hbm4b:s1+s13], $0x80, s3, s13, $0xb8;
	[tilespmem:$0x4880] =	vst v63  }
0x43: {  	_ = 	snop  }
0x44: {  	[tilespmem:s14], [sflag:$0x2] =	stream.indirect.gather [hbm4b:s4+s13], $0x10, s3, s13, $0xb8;
	[tilespmem:$0x4880] =	vst v63  }
0x45: {  	_ =	swait.ge [sflag:s15], $0x4000  }
0x46: {  	[sflag:s15] =	ssyncset.done $0x0  }
0x47: {  	[sflag:s15] =	ssyncadd.s32 $0xFFFFC000  }
0x48: {  	_ =	swait.ge [sflag:s16], $0x800  }
0x49: {  	[sflag:s16] =	ssyncset.done $0x0  }
0x4a: {  	[sflag:s16] =	ssyncadd.s32 $0xFFFFF800  }
0x4b: {  	[hbm4b:s20+s3] =	stream.linear.scatter [tilespmem:s13], [sflag:$0x3], $0x4000, $0x38;
	[tilespmem:$0x4880] =	vst v63  }
0x4c: {  	_ =	swait.ge [sflag:s12], $0x4000  }
0x4d: {  	[sflag:s12] =	ssyncset.done $0x0  }
0x4e: {  	[sflag:s12] =	ssyncadd.s32 $0xFFFFC000  }
0x4f: {  	[hbm4b:s19+s3] =	stream.linear.scatter [tilespmem:s14], [sflag:$0x3], $0x800, $0x38;
	[tilespmem:$0x4880] =	vst v63  }
0x50: {  	_ =	swait.ge [sflag:s12], $0x800  }
0x51: {  	[sflag:s12] =	ssyncset.done $0x0  }
0x52: {  	[sflag:s12] =	ssyncadd.s32 $0xFFFFF800  }
0x53: {  	[tilespmem:s3], [sflag:$0x3] =	stream.linear.gather [hbm4b:s5+s3], $0x10, $0x38;
	[tilespmem:$0x4880] =	vst v63  }
0x54: {  	_ =	swait.ge [sflag:s12], $0x10  }
0x55: {  	[sflag:s12] =	ssyncset.done $0x0  }
0x56: {  	[sflag:s12] =	ssyncadd.s32 $0xFFFFFFF0  }
0x57: {  	[tilespmem:s13], [sflag:$0x1] =	stream.indirect.gather [hbm4b:s1+s17], $0x80, s3, s17, $0xb8;
	[tilespmem:$0x4880] =	vst v63  }
0x58: {  	_ = 	snop  }
0x59: {  	[tilespmem:s14], [sflag:$0x2] =	stream.indirect.gather [hbm4b:s4+s17], $0x10, s3, s17, $0xb8;
	[tilespmem:$0x4880] =	vst v63  }
0x5a: {  	_ =	swait.ge [sflag:s15], $0x800  }
0x5b: {  	[sflag:s15] =	ssyncset.done $0x0  }
0x5c: {  	[sflag:s15] =	ssyncadd.s32 $0xFFFFF800  }
0x5d: {  	_ =	swait.ge [sflag:s16], $0x100  }
0x5e: {  	[sflag:s16] =	ssyncset.done $0x0  }
0x5f: {  	[sflag:s16] =	ssyncadd.s32 $0xFFFFFF00  }
0x60: {  	[hbm4b:s6+s3] =	stream.linear.scatter [tilespmem:s13], [sflag:$0x3], $0x800, $0x38;
	[tilespmem:$0x4880] =	vst v63  }
0x61: {  	s18 =	sadd.s32 $0x1, s18;
	_ =	swait.ge [sflag:s12], $0x800  }
0x62: {  	p0 =	sne.s32 s18, s8;
	[sflag:s12] =	ssyncset.done $0x0  }
.Ltmp1:
0x63: {  	[sflag:s12] =	ssyncadd.s32 $0xFFFFF800;
	(pc) =	sbr.rel @p0 .LBB2_1-.Ltmp1, $4  }
0x64: {  	[hbm4b:s7+s3] =	stream.linear.scatter [tilespmem:s14], [sflag:$0x3], $0x100, $0x38;
	[tilespmem:$0x4880] =	vst v63  }
0x65: {  	_ =	swait.ge [sflag:s12], $0x100  }
0x66: {  	[sflag:s12] =	ssyncset.done $0x0  }
0x67: {  	[sflag:s12] =	ssyncadd.s32 $0xFFFFFF00  }
0x68: {  	_ =	sfence.sel $0x180000  }
0x69: {  	[bflag:$0x0] =	sbarrier.arrive $0xFFFF  }
0x6a: {  	p0 =	sne.s32 s2, $0x0;
	_ =	strace $0x90000047  }
0x6b: {  	s0 =	sadd.s32 @!p0 $0x100000, s0;
	[bflag:$0x2] =	sbarrier.arrive $0xFFFF  }
0x6c: {  	[sflag:s0] =	ssyncadd.tile.s32 @!p0 $0x1;
	_ =	shalt  }
.Lfunc_end2:
_tile_overlayer_lowered:
.L_overlay_start_2:
0x6d: {  	(tag) =	ssettag $0x2  }
0x6e: {  	s0 =	rddreg [dreg:$0x0];
	s2 =	stileid.u32  }
0x6f: {  	s1 =	rddreg [dreg:$0x1];
	p0 =	sne.s32 s2, $0x0  }
0x70: {  	s3 =	rddreg [dreg:$0x2];
	[bflag:$0x3] =	sbarrier.arrive $0xFFFF;
	s2 =	simm.s32 @!p0 $0x1C03  }
0x71: {  	[timem:s3], [sflag:s2] =	dma.local @!p0 [hbm:s0], s1  }
0x72: {  	s0 =	simm.s32 @!p0 $0x3  }
0x73: {  	_ =	swait.ge @!p0 [sflag:s0], s1  }
0x74: {  	s1 =	ssub.s32 @!p0 $0x0, s1;
	[sflag:s0] =	ssyncset.done @!p0 $0x0  }
0x75: {  	[sflag:s0] =	ssyncadd.s32 @!p0 s1  }
0x76: {  	[bflag:$0x3] =	sbarrier.arrive $0xFFFF  }
0x77: {  	_ =	shalt  }

</sc_bundles>
